<compile_context>
chip_gen: v7x
topology: tpu7x:2x2x1
jax: 0.10.2.dev20260603
libtpu: 0.0.44.dev20260713+nightly
codegen_flags: <defaults>
</compile_context>

<pallas_src>
import functools

import jax
import jax.numpy as jnp
from jax import lax
from jax.experimental import pallas as pl
from jax.experimental.pallas import tpu as pltpu
from jax.experimental.pallas import tpu_sc as plsc

NB = 320000
NA = 10000
NM = 512
H = 64
AF = 128
BF = 144
DEPTH = 3

CH = 128
NCHUNK = NB // CH
NWORK = 32
GSZ = 8
NGRP = -(-NCHUNK // GSZ)
GITERS = -(-NGRP // NWORK)
RB = 2560
NTILE = 16
AP = 10112
TROWS = AP // NTILE



def _pad128(x):
    return jnp.concatenate([x, jnp.zeros_like(x)], axis=1)


def _bond_in_body(fb_ref, wi_ref, bi_ref, inp_ref, m_ref):
    x = jnp.dot(fb_ref[...], wi_ref[...], preferred_element_type=jnp.float32)
    x = x + bi_ref[...]
    inp_ref[...] = x
    m_ref[...] = _pad128(jnp.maximum(x, 0.0))


def _swap_pairs(x):
    up = pltpu.roll(x, x.shape[0] - 1, 0)
    dn = pltpu.roll(x, 1, 0)
    r = lax.broadcasted_iota(jnp.int32, x.shape, 0)
    return jnp.where((r % 2) == 0, up, dn)


def _iter_body(inp_ref, g_ref, m_ref, wh_ref, bh_ref, out_ref):
    x = g_ref[:, :H] - _swap_pairs(m_ref[:, :H])
    y = jnp.dot(x, wh_ref[...], preferred_element_type=jnp.float32)
    out_ref[...] = _pad128(
        jnp.maximum(inp_ref[...] + y + bh_ref[...], 0.0))


def _comb_body(parts_ref, out_ref):
    out_ref[...] = parts_ref[0] + parts_ref[1]


def _readout_body(fa_ref, parts_ref, mids_ref, woa_ref, wom_ref, bo_ref,
                  wr_ref, br_ref, out_ref):
    a = parts_ref[0][:NA, :H] + parts_ref[1][:NA, :H]
    ah = (jnp.dot(fa_ref[...], woa_ref[...], preferred_element_type=jnp.float32)
          + jnp.dot(a, wom_ref[...], preferred_element_type=jnp.float32)
          + bo_ref[...])
    ah = jnp.maximum(ah, 0.0)
    oh = (lax.broadcasted_iota(jnp.int32, (NM, NA), 0)
          == mids_ref[...]).astype(jnp.float32)
    sums = jnp.dot(oh, ah, preferred_element_type=jnp.float32)
    counts = jnp.sum(oh, axis=1, keepdims=True)
    mol = sums / jnp.maximum(counts, 1.0)
    out_ref[...] = jnp.dot(mol, wr_ref[...],
                           preferred_element_type=jnp.float32) + br_ref[...]




@functools.cache
def _sc_mesh():
    return plsc.VectorSubcoreMesh(core_axis_name="c", subcore_axis_name="s")


def _sc_scatter_body(src_hbm, idx_hbm, zero_hbm, out_hbm, src_v, idx_v, acc):
    c_ax = lax.axis_index("c")
    s_ax = lax.axis_index("s")
    wid = c_ax * NTILE + s_ax
    pltpu.sync_copy(zero_hbm.at[pl.ds(s_ax * TROWS, TROWS)],
                    acc.at[pl.ds(s_ax * TROWS, TROWS)])
    plsc.subcore_barrier()

    def body(i, carry):
        g = wid + i * NWORK

        @pl.when(g < NGRP)
        def _():
            pltpu.sync_copy(idx_hbm.at[g], idx_v)
            for r in range(GSZ):
                c = g * GSZ + r

                @pl.when(c < NCHUNK)
                def _():
                    pltpu.sync_copy(src_hbm.at[pl.ds(c * CH, CH)], src_v)
                    pltpu.sync_copy(src_v, acc.at[idx_v.at[r]], add=True)

        return carry

    lax.fori_loop(0, GITERS, body, 0)
    plsc.subcore_barrier()
    pltpu.sync_copy(acc.at[pl.ds(s_ax * TROWS, TROWS)],
                    out_hbm.at[c_ax, pl.ds(s_ax * TROWS, TROWS)])


def _sc_gather_body(a_hbm, idx_hbm, out_hbm, g_v, idx_v, sem):
    c_ax = lax.axis_index("c")
    s_ax = lax.axis_index("s")
    wid = c_ax * NTILE + s_ax

    def body(i, carry):
        g = wid + i * NWORK

        @pl.when(g < NGRP)
        def _():
            pltpu.sync_copy(idx_hbm.at[g], idx_v)
            for r in range(GSZ):
                c = g * GSZ + r

                @pl.when(c < NCHUNK)
                def _():
                    pltpu.async_copy(a_hbm.at[idx_v.at[r]], g_v, sem).wait()
                    pltpu.sync_copy(g_v, out_hbm.at[pl.ds(c * CH, CH)])

        return carry

    lax.fori_loop(0, GITERS, body, 0)


@functools.cache
def _sc_scatter_kernel():
    return pl.kernel(
        _sc_scatter_body,
        out_type=jax.ShapeDtypeStruct((2, AP, 2 * H), jnp.float32),
        mesh=_sc_mesh(),
        scratch_types=[
            pltpu.VMEM((CH, 2 * H), jnp.float32),
            pltpu.VMEM((GSZ, CH), jnp.int32),
            pltpu.VMEM_SHARED((AP, 2 * H), jnp.float32),
        ],
    )


@functools.cache
def _sc_gather_kernel():
    return pl.kernel(
        _sc_gather_body,
        out_type=jax.ShapeDtypeStruct((NB, 2 * H), jnp.float32),
        mesh=_sc_mesh(),
        scratch_types=[
            pltpu.VMEM((CH, 2 * H), jnp.float32),
            pltpu.VMEM((GSZ, CH), jnp.int32),
            pltpu.SemaphoreType.DMA,
        ],
    )


def _sc_scatter(m, idx_dst, zero_a):
    return _sc_scatter_kernel()(m, idx_dst, zero_a)


def _sc_gather(a_comb, idx_src):
    return _sc_gather_kernel()(a_comb, idx_src)



def _bond_in(f_bonds, W_i, b_i2):
    nblk = NB // RB
    return pl.pallas_call(
        _bond_in_body,
        grid=(nblk,),
        in_specs=[
            pl.BlockSpec((RB, BF), lambda i: (i, 0)),
            pl.BlockSpec((BF, H), lambda i: (0, 0)),
            pl.BlockSpec((1, H), lambda i: (0, 0)),
        ],
        out_specs=[
            pl.BlockSpec((RB, H), lambda i: (i, 0)),
            pl.BlockSpec((RB, 2 * H), lambda i: (i, 0)),
        ],
        out_shape=[
            jax.ShapeDtypeStruct((NB, H), jnp.float32),
            jax.ShapeDtypeStruct((NB, 2 * H), jnp.float32),
        ],
    )(f_bonds, W_i, b_i2)


def _iter_update(inp, g, m, W_h, b_h2):
    nblk = NB // RB
    return pl.pallas_call(
        _iter_body,
        grid=(nblk,),
        in_specs=[
            pl.BlockSpec((RB, H), lambda i: (i, 0)),
            pl.BlockSpec((RB, 2 * H), lambda i: (i, 0)),
            pl.BlockSpec((RB, 2 * H), lambda i: (i, 0)),
            pl.BlockSpec((H, H), lambda i: (0, 0)),
            pl.BlockSpec((1, H), lambda i: (0, 0)),
        ],
        out_specs=pl.BlockSpec((RB, 2 * H), lambda i: (i, 0)),
        out_shape=jax.ShapeDtypeStruct((NB, 2 * H), jnp.float32),
    )(inp, g, m, W_h, b_h2)


def _combine(parts):
    return pl.pallas_call(
        _comb_body,
        grid=(1,),
        in_specs=[pl.BlockSpec((2, AP, 2 * H), lambda i: (0, 0, 0))],
        out_specs=pl.BlockSpec((AP, 2 * H), lambda i: (0, 0)),
        out_shape=jax.ShapeDtypeStruct((AP, 2 * H), jnp.float32),
    )(parts)


def _readout(f_atoms, parts, mids, W_oa, W_om, b_o2, W_r, b_r2):
    return pl.pallas_call(
        _readout_body,
        grid=(1,),
        in_specs=[
            pl.BlockSpec((NA, AF), lambda i: (0, 0)),
            pl.BlockSpec((2, AP, 2 * H), lambda i: (0, 0, 0)),
            pl.BlockSpec((1, NA), lambda i: (0, 0)),
            pl.BlockSpec((AF, H), lambda i: (0, 0)),
            pl.BlockSpec((H, H), lambda i: (0, 0)),
            pl.BlockSpec((1, H), lambda i: (0, 0)),
            pl.BlockSpec((H, 1), lambda i: (0, 0)),
            pl.BlockSpec((1, 1), lambda i: (0, 0)),
        ],
        out_specs=pl.BlockSpec((NM, 1), lambda i: (0, 0)),
        out_shape=jax.ShapeDtypeStruct((NM, 1), jnp.float32),
    )(f_atoms, parts, mids, W_oa, W_om, b_o2, W_r, b_r2)


def _group_idx(idx):
    pad = NGRP * GSZ * CH - NB
    return jnp.pad(idx, (0, pad)).reshape(NGRP, GSZ, CH)


def kernel(f_atoms, f_bonds, b2a, b_dst, b2revb, mol_ids,
           W_i, b_i, W_h, b_h, W_o, b_o, W_r, b_r):
    del b2revb
    idx_dst = _group_idx(b_dst)
    idx_src = _group_idx(b2a)
    zero_a = jnp.zeros((AP, 2 * H), jnp.float32)
    b_i2 = b_i.reshape(1, H)
    b_h2 = b_h.reshape(1, H)
    b_o2 = b_o.reshape(1, H)
    b_r2 = b_r.reshape(1, 1)
    mids = mol_ids.reshape(1, NA)
    W_oa = W_o[:AF]
    W_om = W_o[AF:]

    inp, m = _bond_in(f_bonds, W_i, b_i2)
    for _ in range(DEPTH - 1):
        parts = _sc_scatter(m, idx_dst, zero_a)
        a_comb = _combine(parts)
        g = _sc_gather(a_comb, idx_src)
        m = _iter_update(inp, g, m, W_h, b_h2)
    parts = _sc_scatter(m, idx_dst, zero_a)
    return _readout(f_atoms, parts, mids, W_oa, W_om, b_o2, W_r, b_r2)

# --- scband reference (transcript-rebuilt; emitter-appended) ---
"""Pipeline reference for scband-molecule-model-32744830664726 (READ-ONLY COPY).

The authoritative reference and input builder live on the scoring server;
editing this copy changes nothing except your own understanding.
"""

import jax, jax.numpy as jnp
import numpy as np

N_ATOMS = 10000
N_BONDS = 320000
ATOM_FDIM = 128
BOND_FDIM = 144
HIDDEN = 64
DEPTH = 3
N_MOLS = 512


def setup_inputs(seed: int = 0) -> dict:
    key = jax.random.key(seed)
    ks = jax.random.split(key, 12)
    f_atoms = jax.random.normal(ks[0], (N_ATOMS, ATOM_FDIM), dtype=jnp.float32)
    f_bonds = jax.random.normal(ks[1], (N_BONDS, BOND_FDIM), dtype=jnp.float32)
    # Directed bonds come in reverse pairs: bond 2k is s[k]->d[k], bond 2k+1 is d[k]->s[k].
    half = N_BONDS // 2
    s = jax.random.randint(ks[2], (half,), 0, N_ATOMS, dtype=jnp.int32)
    d = jax.random.randint(ks[3], (half,), 0, N_ATOMS, dtype=jnp.int32)
    b2a = jnp.stack([s, d], axis=1).reshape(-1)          # source atom of each directed bond
    b_dst = jnp.stack([d, s], axis=1).reshape(-1)        # destination atom of each directed bond
    b2revb = jnp.arange(N_BONDS, dtype=jnp.int32).reshape(-1, 2)[:, ::-1].reshape(-1)
    mol_ids = jnp.sort(jax.random.randint(ks[4], (N_ATOMS,), 0, N_MOLS, dtype=jnp.int32))
    # Learned parameters (chemprop MPN: W_i, W_h, W_o; plus single-task linear readout)
    W_i = jax.random.normal(ks[5], (BOND_FDIM, HIDDEN), dtype=jnp.float32) / np.sqrt(BOND_FDIM)
    b_i = jnp.zeros((HIDDEN,), dtype=jnp.float32)
    W_h = jax.random.normal(ks[6], (HIDDEN, HIDDEN), dtype=jnp.float32) / np.sqrt(HIDDEN)
    b_h = jnp.zeros((HIDDEN,), dtype=jnp.float32)
    W_o = jax.random.normal(ks[7], (ATOM_FDIM + HIDDEN, HIDDEN), dtype=jnp.float32) / np.sqrt(ATOM_FDIM + HIDDEN)
    b_o = jnp.zeros((HIDDEN,), dtype=jnp.float32)
    W_r = jax.random.normal(ks[8], (HIDDEN, 1), dtype=jnp.float32) / np.sqrt(HIDDEN)
    b_r = jnp.zeros((1,), dtype=jnp.float32)
    return {
        "f_atoms": f_atoms, "f_bonds": f_bonds,
        "b2a": b2a, "b_dst": b_dst, "b2revb": b2revb, "mol_ids": mol_ids,
        "W_i": W_i, "b_i": b_i, "W_h": W_h, "b_h": b_h,
        "W_o": W_o, "b_o": b_o, "W_r": W_r, "b_r": b_r,
    }


def reference(f_atoms, f_bonds, b2a, b_dst, b2revb, mol_ids,
              W_i, b_i, W_h, b_h, W_o, b_o, W_r, b_r):
    # chemprop D-MPNN encoder (MPNEncoder.forward), dropout_rate=0.0
    inp = f_bonds @ W_i + b_i                 # W_i(f_bonds)
    message = jax.nn.relu(inp)
    for _ in range(DEPTH - 1):
        # a_message[a] = sum of messages on bonds whose destination is a
        a_message = jax.ops.segment_sum(message, b_dst, num_segments=N_ATOMS)
        rev_message = message[b2revb]
        message = a_message[b2a] - rev_message
        message = jax.nn.relu(inp + (message @ W_h + b_h))
    a_message = jax.ops.segment_sum(message, b_dst, num_segments=N_ATOMS)
    a_input = jnp.concatenate([f_atoms, a_message], axis=1)
    atom_hiddens = jax.nn.relu(a_input @ W_o + b_o)
    # Readout: mean-pool atom hiddens per molecule (a_scope), then linear head
    sums = jax.ops.segment_sum(atom_hiddens, mol_ids, num_segments=N_MOLS)
    counts = jax.ops.segment_sum(jnp.ones((N_ATOMS,), jnp.float32), mol_ids, num_segments=N_MOLS)
    mol_vecs = sums / jnp.maximum(counts, 1.0)[:, None]
    out = mol_vecs @ W_r + b_r                # [N_MOLS, 1]
    return out

if __name__ == "__main__":
    import jax
    _d = setup_inputs()
    print(jax.jit(kernel)(*tuple(_d.values())))

</pallas_src>

<mosaic_0001>
#map = affine_map<(d0, d1) -> (0, 0)>
#map1 = affine_map<(d0, d1) -> (0, 0, 0)>
module attributes {stable_mosaic.version = 14 : i64} {
  func.func @_sc_gather_body(%arg0: i32, %arg1: i32, %arg2: memref<10112x128xf32, #tpu.memory_space<hbm>>, %arg3: memref<313x8x128xi32, #tpu.memory_space<hbm>>, %arg4: memref<320000x128xf32, #tpu.memory_space<hbm>>, %arg5: memref<128x128xf32, #tpu.memory_space<vmem>>, %arg6: memref<8x128xi32, #tpu.memory_space<vmem>>, %arg7: memref<!tpu.dma_semaphore, #tpu.memory_space<semaphore_mem>>) attributes {dimension_semantics = [#tpu.dimension_semantics<core_parallel>, #tpu.dimension_semantics<subcore_parallel>], iteration_bounds = array<i64: 2, 16>, scalar_prefetch = 0 : i64, scratch_operands = 3 : i64, tpu.core_type = #tpu.core_type<sc_vector_subcore>, window_params = [{transform_indices = #map}, {transform_indices = #map1}, {transform_indices = #map}]} {
    %mul3A = arith.constant 16 : i32
    %mul3A_0 = arith.muli %arg0, %mul3A : i32
    %add3A = arith.addi %mul3A_0, %arg1 : i32
    %scan3A = arith.constant 0 : i32
    %scan3A_1 = arith.constant 0 : i32
    %scan3A_2 = arith.constant 10 : i32
    %scan3A_3 = arith.addi %scan3A_1, %scan3A_2 : i32
    %scan3A_4 = arith.constant 1 : i32
    scf.for %scan3A_6 = %scan3A_1 to %scan3A_3 step %scan3A_4  : i32 {
      %mul3A_7 = arith.constant 32 : i32
      %mul3A_8 = arith.muli %scan3A_6, %mul3A_7 : i32
      %add3A_9 = arith.addi %add3A, %mul3A_8 : i32
      %lt3A = arith.constant 313 : i32
      %lt3A_10 = arith.cmpi slt, %add3A_9, %lt3A : i32
      %convert_element_type3A = arith.extui %lt3A_10 : i1 to i32
      %cond3A = arith.constant 0 : i32
      %cond3A_11 = arith.cmpi ne, %convert_element_type3A, %cond3A : i32
      scf.if %cond3A_11 {
        "tpu.region"() ({
          %run_scoped3A = tpu.sem_alloc : memref<!tpu.dma_semaphore, #tpu.memory_space<semaphore_mem>>
          %dma_start3A = arith.constant 0 : i32
          %dma_start3A_84 = arith.constant 0 : i32
          %dma_start3A_85 = tpu.memref_slice %arg3[%add3A_9, %dma_start3A, %dma_start3A_84] : memref<313x8x128xi32, #tpu.memory_space<hbm>> -> memref<1x8x128xi32, #tpu.memory_space<hbm>>
          %dma_start3A_86 = tpu.memref_squeeze %dma_start3A_85 : memref<1x8x128xi32, #tpu.memory_space<hbm>> -> memref<8x128xi32, #tpu.memory_space<hbm>>
          %dma_start3A_87 = arith.constant 0 : i32
          %dma_start3A_88 = arith.constant 0 : i32
          %dma_start3A_89 = tpu.memref_slice %arg3[%add3A_9, %dma_start3A_87, %dma_start3A_88] : memref<313x8x128xi32, #tpu.memory_space<hbm>> -> memref<1x8x128xi32, #tpu.memory_space<hbm>>
          %dma_start3A_90 = tpu.memref_squeeze %dma_start3A_89 : memref<1x8x128xi32, #tpu.memory_space<hbm>> -> memref<8x128xi32, #tpu.memory_space<hbm>>
          tpu.enqueue_dma source(%dma_start3A_90 : memref<8x128xi32, #tpu.memory_space<hbm>>) target(%arg6 : memref<8x128xi32, #tpu.memory_space<vmem>>) target_semaphore(%run_scoped3A : memref<!tpu.dma_semaphore, #tpu.memory_space<semaphore_mem>>)
          %dma_wait3A = arith.constant 0 : i32
          %dma_wait3A_91 = arith.constant 0 : i32
          %dma_wait3A_92 = tpu.memref_slice %arg3[%add3A_9, %dma_wait3A, %dma_wait3A_91] : memref<313x8x128xi32, #tpu.memory_space<hbm>> -> memref<1x8x128xi32, #tpu.memory_space<hbm>>
          %dma_wait3A_93 = tpu.memref_squeeze %dma_wait3A_92 : memref<1x8x128xi32, #tpu.memory_space<hbm>> -> memref<8x128xi32, #tpu.memory_space<hbm>>
          %dma_wait3A_94 = arith.constant 0 : i32
          %dma_wait3A_95 = arith.constant 0 : i32
          %dma_wait3A_96 = tpu.memref_slice %arg3[%add3A_9, %dma_wait3A_94, %dma_wait3A_95] : memref<313x8x128xi32, #tpu.memory_space<hbm>> -> memref<1x8x128xi32, #tpu.memory_space<hbm>>
          %dma_wait3A_97 = tpu.memref_squeeze %dma_wait3A_96 : memref<1x8x128xi32, #tpu.memory_space<hbm>> -> memref<8x128xi32, #tpu.memory_space<hbm>>
          tpu.wait_dma2 semaphore(%run_scoped3A : memref<!tpu.dma_semaphore, #tpu.memory_space<semaphore_mem>>) src(%dma_wait3A_97 : memref<8x128xi32, #tpu.memory_space<hbm>>) dst(%arg6 : memref<8x128xi32, #tpu.memory_space<vmem>>)
          tpu.yield
        }) : () -> ()
        %mul3A_12 = arith.constant 8 : i32
        %mul3A_13 = arith.muli %add3A_9, %mul3A_12 : i32
        %add3A_14 = arith.constant 0 : i32
        %add3A_15 = arith.addi %mul3A_13, %add3A_14 : i32
        %lt3A_16 = arith.constant 2500 : i32
        %lt3A_17 = arith.cmpi slt, %add3A_15, %lt3A_16 : i32
        %convert_element_type3A_18 = arith.extui %lt3A_17 : i1 to i32
        %cond3A_19 = arith.constant 0 : i32
        %cond3A_20 = arith.cmpi ne, %convert_element_type3A_18, %cond3A_19 : i32
        scf.if %cond3A_20 {
          %dma_start3A = arith.constant 0 : i32
          %dma_start3A_84 = arith.constant 0 : i32
          %dma_start3A_85 = tpu.memref_slice %arg6[%dma_start3A, %dma_start3A_84] : memref<8x128xi32, #tpu.memory_space<vmem>> -> memref<1x128xi32, #tpu.memory_space<vmem>>
          %dma_start3A_86 = tpu.memref_squeeze %dma_start3A_85 : memref<1x128xi32, #tpu.memory_space<vmem>> -> memref<128xi32, #tpu.memory_space<vmem>>
          %dma_start3A_87 = arith.constant 0 : i32
          %dma_start3A_88 = arith.constant 0 : i32
          %dma_start3A_89 = tpu.memref_slice %arg2[%dma_start3A_87, %dma_start3A_88] : memref<10112x128xf32, #tpu.memory_space<hbm>> -> memref<10112x128xf32, #tpu.memory_space<hbm>>
          tpu.enqueue_indirect_dma source(%dma_start3A_89 : memref<10112x128xf32, #tpu.memory_space<hbm>>) target(%arg5 : memref<128x128xf32, #tpu.memory_space<vmem>>) offsets(%dma_start3A_86 : memref<128xi32, #tpu.memory_space<vmem>>) semaphore(%arg7 : memref<!tpu.dma_semaphore, #tpu.memory_space<semaphore_mem>>)
          %dma_wait3A = arith.constant 0 : i32
          %dma_wait3A_90 = arith.constant 0 : i32
          %dma_wait3A_91 = tpu.memref_slice %arg6[%dma_wait3A, %dma_wait3A_90] : memref<8x128xi32, #tpu.memory_space<vmem>> -> memref<1x128xi32, #tpu.memory_space<vmem>>
          %dma_wait3A_92 = tpu.memref_squeeze %dma_wait3A_91 : memref<1x128xi32, #tpu.memory_space<vmem>> -> memref<128xi32, #tpu.memory_space<vmem>>
          %dma_wait3A_93 = arith.constant 0 : i32
          %dma_wait3A_94 = arith.constant 0 : i32
          %dma_wait3A_95 = tpu.memref_slice %arg2[%dma_wait3A_93, %dma_wait3A_94] : memref<10112x128xf32, #tpu.memory_space<hbm>> -> memref<10112x128xf32, #tpu.memory_space<hbm>>
          tpu.wait_indirect_dma semaphore(%arg7 : memref<!tpu.dma_semaphore, #tpu.memory_space<semaphore_mem>>) src(%dma_wait3A_95 : memref<10112x128xf32, #tpu.memory_space<hbm>>) dst(%arg5 : memref<128x128xf32, #tpu.memory_space<vmem>>)
          %mul3A_96 = arith.constant 128 : i32
          %mul3A_97 = arith.muli %add3A_15, %mul3A_96 : i32
          "tpu.region"() ({
            %run_scoped3A = tpu.sem_alloc : memref<!tpu.dma_semaphore, #tpu.memory_space<semaphore_mem>>
            %dma_start3A_98 = arith.constant 0 : i32
            %dma_start3A_99 = tpu.memref_slice %arg4[%mul3A_97, %dma_start3A_98] : memref<320000x128xf32, #tpu.memory_space<hbm>> -> memref<128x128xf32, #tpu.memory_space<hbm>>
            %dma_start3A_100 = arith.constant 0 : i32
            %dma_start3A_101 = tpu.memref_slice %arg4[%mul3A_97, %dma_start3A_100] : memref<320000x128xf32, #tpu.memory_space<hbm>> -> memref<128x128xf32, #tpu.memory_space<hbm>>
            tpu.enqueue_dma source(%arg5 : memref<128x128xf32, #tpu.memory_space<vmem>>) target(%dma_start3A_101 : memref<128x128xf32, #tpu.memory_space<hbm>>) target_semaphore(%run_scoped3A : memref<!tpu.dma_semaphore, #tpu.memory_space<semaphore_mem>>)
            %dma_wait3A_102 = arith.constant 0 : i32
            %dma_wait3A_103 = tpu.memref_slice %arg4[%mul3A_97, %dma_wait3A_102] : memref<320000x128xf32, #tpu.memory_space<hbm>> -> memref<128x128xf32, #tpu.memory_space<hbm>>
            %dma_wait3A_104 = arith.constant 0 : i32
            %dma_wait3A_105 = tpu.memref_slice %arg4[%mul3A_97, %dma_wait3A_104] : memref<320000x128xf32, #tpu.memory_space<hbm>> -> memref<128x128xf32, #tpu.memory_space<hbm>>
            tpu.wait_dma2 semaphore(%run_scoped3A : memref<!tpu.dma_semaphore, #tpu.memory_space<semaphore_mem>>) src(%arg5 : memref<128x128xf32, #tpu.memory_space<vmem>>) dst(%dma_wait3A_105 : memref<128x128xf32, #tpu.memory_space<hbm>>)
            tpu.yield
          }) : () -> ()
        } else {
        }
        %mul3A_21 = arith.constant 8 : i32
        %mul3A_22 = arith.muli %add3A_9, %mul3A_21 : i32
        %add3A_23 = arith.constant 1 : i32
        %add3A_24 = arith.addi %mul3A_22, %add3A_23 : i32
        %lt3A_25 = arith.constant 2500 : i32
        %lt3A_26 = arith.cmpi slt, %add3A_24, %lt3A_25 : i32
        %convert_element_type3A_27 = arith.extui %lt3A_26 : i1 to i32
        %cond3A_28 = arith.constant 0 : i32
        %cond3A_29 = arith.cmpi ne, %convert_element_type3A_27, %cond3A_28 : i32
        scf.if %cond3A_29 {
          %dma_start3A = arith.constant 1 : i32
          %dma_start3A_84 = arith.constant 0 : i32
          %dma_start3A_85 = tpu.memref_slice %arg6[%dma_start3A, %dma_start3A_84] : memref<8x128xi32, #tpu.memory_space<vmem>> -> memref<1x128xi32, #tpu.memory_space<vmem>>
          %dma_start3A_86 = tpu.memref_squeeze %dma_start3A_85 : memref<1x128xi32, #tpu.memory_space<vmem>> -> memref<128xi32, #tpu.memory_space<vmem>>
          %dma_start3A_87 = arith.constant 0 : i32
          %dma_start3A_88 = arith.constant 0 : i32
          %dma_start3A_89 = tpu.memref_slice %arg2[%dma_start3A_87, %dma_start3A_88] : memref<10112x128xf32, #tpu.memory_space<hbm>> -> memref<10112x128xf32, #tpu.memory_space<hbm>>
          tpu.enqueue_indirect_dma source(%dma_start3A_89 : memref<10112x128xf32, #tpu.memory_space<hbm>>) target(%arg5 : memref<128x128xf32, #tpu.memory_space<vmem>>) offsets(%dma_start3A_86 : memref<128xi32, #tpu.memory_space<vmem>>) semaphore(%arg7 : memref<!tpu.dma_semaphore, #tpu.memory_space<semaphore_mem>>)
          %dma_wait3A = arith.constant 1 : i32
          %dma_wait3A_90 = arith.constant 0 : i32
          %dma_wait3A_91 = tpu.memref_slice %arg6[%dma_wait3A, %dma_wait3A_90] : memref<8x128xi32, #tpu.memory_space<vmem>> -> memref<1x128xi32, #tpu.memory_space<vmem>>
          %dma_wait3A_92 = tpu.memref_squeeze %dma_wait3A_91 : memref<1x128xi32, #tpu.memory_space<vmem>> -> memref<128xi32, #tpu.memory_space<vmem>>
          %dma_wait3A_93 = arith.constant 0 : i32
          %dma_wait3A_94 = arith.constant 0 : i32
          %dma_wait3A_95 = tpu.memref_slice %arg2[%dma_wait3A_93, %dma_wait3A_94] : memref<10112x128xf32, #tpu.memory_space<hbm>> -> memref<10112x128xf32, #tpu.memory_space<hbm>>
          tpu.wait_indirect_dma semaphore(%arg7 : memref<!tpu.dma_semaphore, #tpu.memory_space<semaphore_mem>>) src(%dma_wait3A_95 : memref<10112x128xf32, #tpu.memory_space<hbm>>) dst(%arg5 : memref<128x128xf32, #tpu.memory_space<vmem>>)
          %mul3A_96 = arith.constant 128 : i32
          %mul3A_97 = arith.muli %add3A_24, %mul3A_96 : i32
          "tpu.region"() ({
            %run_scoped3A = tpu.sem_alloc : memref<!tpu.dma_semaphore, #tpu.memory_space<semaphore_mem>>
            %dma_start3A_98 = arith.constant 0 : i32
            %dma_start3A_99 = tpu.memref_slice %arg4[%mul3A_97, %dma_start3A_98] : memref<320000x128xf32, #tpu.memory_space<hbm>> -> memref<128x128xf32, #tpu.memory_space<hbm>>
            %dma_start3A_100 = arith.constant 0 : i32
            %dma_start3A_101 = tpu.memref_slice %arg4[%mul3A_97, %dma_start3A_100] : memref<320000x128xf32, #tpu.memory_space<hbm>> -> memref<128x128xf32, #tpu.memory_space<hbm>>
            tpu.enqueue_dma source(%arg5 : memref<128x128xf32, #tpu.memory_space<vmem>>) target(%dma_start3A_101 : memref<128x128xf32, #tpu.memory_space<hbm>>) target_semaphore(%run_scoped3A : memref<!tpu.dma_semaphore, #tpu.memory_space<semaphore_mem>>)
            %dma_wait3A_102 = arith.constant 0 : i32
            %dma_wait3A_103 = tpu.memref_slice %arg4[%mul3A_97, %dma_wait3A_102] : memref<320000x128xf32, #tpu.memory_space<hbm>> -> memref<128x128xf32, #tpu.memory_space<hbm>>
            %dma_wait3A_104 = arith.constant 0 : i32
            %dma_wait3A_105 = tpu.memref_slice %arg4[%mul3A_97, %dma_wait3A_104] : memref<320000x128xf32, #tpu.memory_space<hbm>> -> memref<128x128xf32, #tpu.memory_space<hbm>>
            tpu.wait_dma2 semaphore(%run_scoped3A : memref<!tpu.dma_semaphore, #tpu.memory_space<semaphore_mem>>) src(%arg5 : memref<128x128xf32, #tpu.memory_space<vmem>>) dst(%dma_wait3A_105 : memref<128x128xf32, #tpu.memory_space<hbm>>)
            tpu.yield
          }) : () -> ()
        } else {
        }
        %mul3A_30 = arith.constant 8 : i32
        %mul3A_31 = arith.muli %add3A_9, %mul3A_30 : i32
        %add3A_32 = arith.constant 2 : i32
        %add3A_33 = arith.addi %mul3A_31, %add3A_32 : i32
        %lt3A_34 = arith.constant 2500 : i32
        %lt3A_35 = arith.cmpi slt, %add3A_33, %lt3A_34 : i32
        %convert_element_type3A_36 = arith.extui %lt3A_35 : i1 to i32
        %cond3A_37 = arith.constant 0 : i32
        %cond3A_38 = arith.cmpi ne, %convert_element_type3A_36, %cond3A_37 : i32
        scf.if %cond3A_38 {
          %dma_start3A = arith.constant 2 : i32
          %dma_start3A_84 = arith.constant 0 : i32
          %dma_start3A_85 = tpu.memref_slice %arg6[%dma_start3A, %dma_start3A_84] : memref<8x128xi32, #tpu.memory_space<vmem>> -> memref<1x128xi32, #tpu.memory_space<vmem>>
          %dma_start3A_86 = tpu.memref_squeeze %dma_start3A_85 : memref<1x128xi32, #tpu.memory_space<vmem>> -> memref<128xi32, #tpu.memory_space<vmem>>
          %dma_start3A_87 = arith.constant 0 : i32
          %dma_start3A_88 = arith.constant 0 : i32
          %dma_start3A_89 = tpu.memref_slice %arg2[%dma_start3A_87, %dma_start3A_88] : memref<10112x128xf32, #tpu.memory_space<hbm>> -> memref<10112x128xf32, #tpu.memory_space<hbm>>
          tpu.enqueue_indirect_dma source(%dma_start3A_89 : memref<10112x128xf32, #tpu.memory_space<hbm>>) target(%arg5 : memref<128x128xf32, #tpu.memory_space<vmem>>) offsets(%dma_start3A_86 : memref<128xi32, #tpu.memory_space<vmem>>) semaphore(%arg7 : memref<!tpu.dma_semaphore, #tpu.memory_space<semaphore_mem>>)
          %dma_wait3A = arith.constant 2 : i32
          %dma_wait3A_90 = arith.constant 0 : i32
          %dma_wait3A_91 = tpu.memref_slice %arg6[%dma_wait3A, %dma_wait3A_90] : memref<8x128xi32, #tpu.memory_space<vmem>> -> memref<1x128xi32, #tpu.memory_space<vmem>>
          %dma_wait3A_92 = tpu.memref_squeeze %dma_wait3A_91 : memref<1x128xi32, #tpu.memory_space<vmem>> -> memref<128xi32, #tpu.memory_space<vmem>>
          %dma_wait3A_93 = arith.constant 0 : i32
          %dma_wait3A_94 = arith.constant 0 : i32
          %dma_wait3A_95 = tpu.memref_slice %arg2[%dma_wait3A_93, %dma_wait3A_94] : memref<10112x128xf32, #tpu.memory_space<hbm>> -> memref<10112x128xf32, #tpu.memory_space<hbm>>
          tpu.wait_indirect_dma semaphore(%arg7 : memref<!tpu.dma_semaphore, #tpu.memory_space<semaphore_mem>>) src(%dma_wait3A_95 : memref<10112x128xf32, #tpu.memory_space<hbm>>) dst(%arg5 : memref<128x128xf32, #tpu.memory_space<vmem>>)
          %mul3A_96 = arith.constant 128 : i32
          %mul3A_97 = arith.muli %add3A_33, %mul3A_96 : i32
          "tpu.region"() ({
            %run_scoped3A = tpu.sem_alloc : memref<!tpu.dma_semaphore, #tpu.memory_space<semaphore_mem>>
            %dma_start3A_98 = arith.constant 0 : i32
            %dma_start3A_99 = tpu.memref_slice %arg4[%mul3A_97, %dma_start3A_98] : memref<320000x128xf32, #tpu.memory_space<hbm>> -> memref<128x128xf32, #tpu.memory_space<hbm>>
            %dma_start3A_100 = arith.constant 0 : i32
            %dma_start3A_101 = tpu.memref_slice %arg4[%mul3A_97, %dma_start3A_100] : memref<320000x128xf32, #tpu.memory_space<hbm>> -> memref<128x128xf32, #tpu.memory_space<hbm>>
            tpu.enqueue_dma source(%arg5 : memref<128x128xf32, #tpu.memory_space<vmem>>) target(%dma_start3A_101 : memref<128x128xf32, #tpu.memory_space<hbm>>) target_semaphore(%run_scoped3A : memref<!tpu.dma_semaphore, #tpu.memory_space<semaphore_mem>>)
            %dma_wait3A_102 = arith.constant 0 : i32
            %dma_wait3A_103 = tpu.memref_slice %arg4[%mul3A_97, %dma_wait3A_102] : memref<320000x128xf32, #tpu.memory_space<hbm>> -> memref<128x128xf32, #tpu.memory_space<hbm>>
            %dma_wait3A_104 = arith.constant 0 : i32
            %dma_wait3A_105 = tpu.memref_slice %arg4[%mul3A_97, %dma_wait3A_104] : memref<320000x128xf32, #tpu.memory_space<hbm>> -> memref<128x128xf32, #tpu.memory_space<hbm>>
            tpu.wait_dma2 semaphore(%run_scoped3A : memref<!tpu.dma_semaphore, #tpu.memory_space<semaphore_mem>>) src(%arg5 : memref<128x128xf32, #tpu.memory_space<vmem>>) dst(%dma_wait3A_105 : memref<128x128xf32, #tpu.memory_space<hbm>>)
            tpu.yield
          }) : () -> ()
        } else {
        }
        %mul3A_39 = arith.constant 8 : i32
        %mul3A_40 = arith.muli %add3A_9, %mul3A_39 : i32
        %add3A_41 = arith.constant 3 : i32
        %add3A_42 = arith.addi %mul3A_40, %add3A_41 : i32
        %lt3A_43 = arith.constant 2500 : i32
        %lt3A_44 = arith.cmpi slt, %add3A_42, %lt3A_43 : i32
        %convert_element_type3A_45 = arith.extui %lt3A_44 : i1 to i32
        %cond3A_46 = arith.constant 0 : i32
        %cond3A_47 = arith.cmpi ne, %convert_element_type3A_45, %cond3A_46 : i32
        scf.if %cond3A_47 {
          %dma_start3A = arith.constant 3 : i32
          %dma_start3A_84 = arith.constant 0 : i32
          %dma_start3A_85 = tpu.memref_slice %arg6[%dma_start3A, %dma_start3A_84] : memref<8x128xi32, #tpu.memory_space<vmem>> -> memref<1x128xi32, #tpu.memory_space<vmem>>
          %dma_start3A_86 = tpu.memref_squeeze %dma_start3A_85 : memref<1x128xi32, #tpu.memory_space<vmem>> -> memref<128xi32, #tpu.memory_space<vmem>>
          %dma_start3A_87 = arith.constant 0 : i32
          %dma_start3A_88 = arith.constant 0 : i32
          %dma_start3A_89 = tpu.memref_slice %arg2[%dma_start3A_87, %dma_start3A_88] : memref<10112x128xf32, #tpu.memory_space<hbm>> -> memref<10112x128xf32, #tpu.memory_space<hbm>>
          tpu.enqueue_indirect_dma source(%dma_start3A_89 : memref<10112x128xf32, #tpu.memory_space<hbm>>) target(%arg5 : memref<128x128xf32, #tpu.memory_space<vmem>>) offsets(%dma_start3A_86 : memref<128xi32, #tpu.memory_space<vmem>>) semaphore(%arg7 : memref<!tpu.dma_semaphore, #tpu.memory_space<semaphore_mem>>)
          %dma_wait3A = arith.constant 3 : i32
          %dma_wait3A_90 = arith.constant 0 : i32
          %dma_wait3A_91 = tpu.memref_slice %arg6[%dma_wait3A, %dma_wait3A_90] : memref<8x128xi32, #tpu.memory_space<vmem>> -> memref<1x128xi32, #tpu.memory_space<vmem>>
          %dma_wait3A_92 = tpu.memref_squeeze %dma_wait3A_91 : memref<1x128xi32, #tpu.memory_space<vmem>> -> memref<128xi32, #tpu.memory_space<vmem>>
          %dma_wait3A_93 = arith.constant 0 : i32
          %dma_wait3A_94 = arith.constant 0 : i32
          %dma_wait3A_95 = tpu.memref_slice %arg2[%dma_wait3A_93, %dma_wait3A_94] : memref<10112x128xf32, #tpu.memory_space<hbm>> -> memref<10112x128xf32, #tpu.memory_space<hbm>>
          tpu.wait_indirect_dma semaphore(%arg7 : memref<!tpu.dma_semaphore, #tpu.memory_space<semaphore_mem>>) src(%dma_wait3A_95 : memref<10112x128xf32, #tpu.memory_space<hbm>>) dst(%arg5 : memref<128x128xf32, #tpu.memory_space<vmem>>)
          %mul3A_96 = arith.constant 128 : i32
          %mul3A_97 = arith.muli %add3A_42, %mul3A_96 : i32
          "tpu.region"() ({
            %run_scoped3A = tpu.sem_alloc : memref<!tpu.dma_semaphore, #tpu.memory_space<semaphore_mem>>
            %dma_start3A_98 = arith.constant 0 : i32
            %dma_start3A_99 = tpu.memref_slice %arg4[%mul3A_97, %dma_start3A_98] : memref<320000x128xf32, #tpu.memory_space<hbm>> -> memref<128x128xf32, #tpu.memory_space<hbm>>
            %dma_start3A_100 = arith.constant 0 : i32
            %dma_start3A_101 = tpu.memref_slice %arg4[%mul3A_97, %dma_start3A_100] : memref<320000x128xf32, #tpu.memory_space<hbm>> -> memref<128x128xf32, #tpu.memory_space<hbm>>
            tpu.enqueue_dma source(%arg5 : memref<128x128xf32, #tpu.memory_space<vmem>>) target(%dma_start3A_101 : memref<128x128xf32, #tpu.memory_space<hbm>>) target_semaphore(%run_scoped3A : memref<!tpu.dma_semaphore, #tpu.memory_space<semaphore_mem>>)
            %dma_wait3A_102 = arith.constant 0 : i32
            %dma_wait3A_103 = tpu.memref_slice %arg4[%mul3A_97, %dma_wait3A_102] : memref<320000x128xf32, #tpu.memory_space<hbm>> -> memref<128x128xf32, #tpu.memory_space<hbm>>
            %dma_wait3A_104 = arith.constant 0 : i32
            %dma_wait3A_105 = tpu.memref_slice %arg4[%mul3A_97, %dma_wait3A_104] : memref<320000x128xf32, #tpu.memory_space<hbm>> -> memref<128x128xf32, #tpu.memory_space<hbm>>
            tpu.wait_dma2 semaphore(%run_scoped3A : memref<!tpu.dma_semaphore, #tpu.memory_space<semaphore_mem>>) src(%arg5 : memref<128x128xf32, #tpu.memory_space<vmem>>) dst(%dma_wait3A_105 : memref<128x128xf32, #tpu.memory_space<hbm>>)
            tpu.yield
          }) : () -> ()
        } else {
        }
        %mul3A_48 = arith.constant 8 : i32
        %mul3A_49 = arith.muli %add3A_9, %mul3A_48 : i32
        %add3A_50 = arith.constant 4 : i32
        %add3A_51 = arith.addi %mul3A_49, %add3A_50 : i32
        %lt3A_52 = arith.constant 2500 : i32
        %lt3A_53 = arith.cmpi slt, %add3A_51, %lt3A_52 : i32
        %convert_element_type3A_54 = arith.extui %lt3A_53 : i1 to i32
        %cond3A_55 = arith.constant 0 : i32
        %cond3A_56 = arith.cmpi ne, %convert_element_type3A_54, %cond3A_55 : i32
        scf.if %cond3A_56 {
          %dma_start3A = arith.constant 4 : i32
          %dma_start3A_84 = arith.constant 0 : i32
          %dma_start3A_85 = tpu.memref_slice %arg6[%dma_start3A, %dma_start3A_84] : memref<8x128xi32, #tpu.memory_space<vmem>> -> memref<1x128xi32, #tpu.memory_space<vmem>>
          %dma_start3A_86 = tpu.memref_squeeze %dma_start3A_85 : memref<1x128xi32, #tpu.memory_space<vmem>> -> memref<128xi32, #tpu.memory_space<vmem>>
          %dma_start3A_87 = arith.constant 0 : i32
          %dma_start3A_88 = arith.constant 0 : i32
          %dma_start3A_89 = tpu.memref_slice %arg2[%dma_start3A_87, %dma_start3A_88] : memref<10112x128xf32, #tpu.memory_space<hbm>> -> memref<10112x128xf32, #tpu.memory_space<hbm>>
          tpu.enqueue_indirect_dma source(%dma_start3A_89 : memref<10112x128xf32, #tpu.memory_space<hbm>>) target(%arg5 : memref<128x128xf32, #tpu.memory_space<vmem>>) offsets(%dma_start3A_86 : memref<128xi32, #tpu.memory_space<vmem>>) semaphore(%arg7 : memref<!tpu.dma_semaphore, #tpu.memory_space<semaphore_mem>>)
          %dma_wait3A = arith.constant 4 : i32
          %dma_wait3A_90 = arith.constant 0 : i32
          %dma_wait3A_91 = tpu.memref_slice %arg6[%dma_wait3A, %dma_wait3A_90] : memref<8x128xi32, #tpu.memory_space<vmem>> -> memref<1x128xi32, #tpu.memory_space<vmem>>
          %dma_wait3A_92 = tpu.memref_squeeze %dma_wait3A_91 : memref<1x128xi32, #tpu.memory_space<vmem>> -> memref<128xi32, #tpu.memory_space<vmem>>
          %dma_wait3A_93 = arith.constant 0 : i32
          %dma_wait3A_94 = arith.constant 0 : i32
          %dma_wait3A_95 = tpu.memref_slice %arg2[%dma_wait3A_93, %dma_wait3A_94] : memref<10112x128xf32, #tpu.memory_space<hbm>> -> memref<10112x128xf32, #tpu.memory_space<hbm>>
          tpu.wait_indirect_dma semaphore(%arg7 : memref<!tpu.dma_semaphore, #tpu.memory_space<semaphore_mem>>) src(%dma_wait3A_95 : memref<10112x128xf32, #tpu.memory_space<hbm>>) dst(%arg5 : memref<128x128xf32, #tpu.memory_space<vmem>>)
          %mul3A_96 = arith.constant 128 : i32
          %mul3A_97 = arith.muli %add3A_51, %mul3A_96 : i32
          "tpu.region"() ({
            %run_scoped3A = tpu.sem_alloc : memref<!tpu.dma_semaphore, #tpu.memory_space<semaphore_mem>>
            %dma_start3A_98 = arith.constant 0 : i32
            %dma_start3A_99 = tpu.memref_slice %arg4[%mul3A_97, %dma_start3A_98] : memref<320000x128xf32, #tpu.memory_space<hbm>> -> memref<128x128xf32, #tpu.memory_space<hbm>>
            %dma_start3A_100 = arith.constant 0 : i32
            %dma_start3A_101 = tpu.memref_slice %arg4[%mul3A_97, %dma_start3A_100] : memref<320000x128xf32, #tpu.memory_space<hbm>> -> memref<128x128xf32, #tpu.memory_space<hbm>>
            tpu.enqueue_dma source(%arg5 : memref<128x128xf32, #tpu.memory_space<vmem>>) target(%dma_start3A_101 : memref<128x128xf32, #tpu.memory_space<hbm>>) target_semaphore(%run_scoped3A : memref<!tpu.dma_semaphore, #tpu.memory_space<semaphore_mem>>)
            %dma_wait3A_102 = arith.constant 0 : i32
            %dma_wait3A_103 = tpu.memref_slice %arg4[%mul3A_97, %dma_wait3A_102] : memref<320000x128xf32, #tpu.memory_space<hbm>> -> memref<128x128xf32, #tpu.memory_space<hbm>>
            %dma_wait3A_104 = arith.constant 0 : i32
            %dma_wait3A_105 = tpu.memref_slice %arg4[%mul3A_97, %dma_wait3A_104] : memref<320000x128xf32, #tpu.memory_space<hbm>> -> memref<128x128xf32, #tpu.memory_space<hbm>>
            tpu.wait_dma2 semaphore(%run_scoped3A : memref<!tpu.dma_semaphore, #tpu.memory_space<semaphore_mem>>) src(%arg5 : memref<128x128xf32, #tpu.memory_space<vmem>>) dst(%dma_wait3A_105 : memref<128x128xf32, #tpu.memory_space<hbm>>)
            tpu.yield
          }) : () -> ()
        } else {
        }
        %mul3A_57 = arith.constant 8 : i32
        %mul3A_58 = arith.muli %add3A_9, %mul3A_57 : i32
        %add3A_59 = arith.constant 5 : i32
        %add3A_60 = arith.addi %mul3A_58, %add3A_59 : i32
        %lt3A_61 = arith.constant 2500 : i32
        %lt3A_62 = arith.cmpi slt, %add3A_60, %lt3A_61 : i32
        %convert_element_type3A_63 = arith.extui %lt3A_62 : i1 to i32
        %cond3A_64 = arith.constant 0 : i32
        %cond3A_65 = arith.cmpi ne, %convert_element_type3A_63, %cond3A_64 : i32
        scf.if %cond3A_65 {
          %dma_start3A = arith.constant 5 : i32
          %dma_start3A_84 = arith.constant 0 : i32
          %dma_start3A_85 = tpu.memref_slice %arg6[%dma_start3A, %dma_start3A_84] : memref<8x128xi32, #tpu.memory_space<vmem>> -> memref<1x128xi32, #tpu.memory_space<vmem>>
          %dma_start3A_86 = tpu.memref_squeeze %dma_start3A_85 : memref<1x128xi32, #tpu.memory_space<vmem>> -> memref<128xi32, #tpu.memory_space<vmem>>
          %dma_start3A_87 = arith.constant 0 : i32
          %dma_start3A_88 = arith.constant 0 : i32
          %dma_start3A_89 = tpu.memref_slice %arg2[%dma_start3A_87, %dma_start3A_88] : memref<10112x128xf32, #tpu.memory_space<hbm>> -> memref<10112x128xf32, #tpu.memory_space<hbm>>
          tpu.enqueue_indirect_dma source(%dma_start3A_89 : memref<10112x128xf32, #tpu.memory_space<hbm>>) target(%arg5 : memref<128x128xf32, #tpu.memory_space<vmem>>) offsets(%dma_start3A_86 : memref<128xi32, #tpu.memory_space<vmem>>) semaphore(%arg7 : memref<!tpu.dma_semaphore, #tpu.memory_space<semaphore_mem>>)
          %dma_wait3A = arith.constant 5 : i32
          %dma_wait3A_90 = arith.constant 0 : i32
          %dma_wait3A_91 = tpu.memref_slice %arg6[%dma_wait3A, %dma_wait3A_90] : memref<8x128xi32, #tpu.memory_space<vmem>> -> memref<1x128xi32, #tpu.memory_space<vmem>>
          %dma_wait3A_92 = tpu.memref_squeeze %dma_wait3A_91 : memref<1x128xi32, #tpu.memory_space<vmem>> -> memref<128xi32, #tpu.memory_space<vmem>>
          %dma_wait3A_93 = arith.constant 0 : i32
          %dma_wait3A_94 = arith.constant 0 : i32
          %dma_wait3A_95 = tpu.memref_slice %arg2[%dma_wait3A_93, %dma_wait3A_94] : memref<10112x128xf32, #tpu.memory_space<hbm>> -> memref<10112x128xf32, #tpu.memory_space<hbm>>
          tpu.wait_indirect_dma semaphore(%arg7 : memref<!tpu.dma_semaphore, #tpu.memory_space<semaphore_mem>>) src(%dma_wait3A_95 : memref<10112x128xf32, #tpu.memory_space<hbm>>) dst(%arg5 : memref<128x128xf32, #tpu.memory_space<vmem>>)
          %mul3A_96 = arith.constant 128 : i32
          %mul3A_97 = arith.muli %add3A_60, %mul3A_96 : i32
          "tpu.region"() ({
            %run_scoped3A = tpu.sem_alloc : memref<!tpu.dma_semaphore, #tpu.memory_space<semaphore_mem>>
            %dma_start3A_98 = arith.constant 0 : i32
            %dma_start3A_99 = tpu.memref_slice %arg4[%mul3A_97, %dma_start3A_98] : memref<320000x128xf32, #tpu.memory_space<hbm>> -> memref<128x128xf32, #tpu.memory_space<hbm>>
            %dma_start3A_100 = arith.constant 0 : i32
            %dma_start3A_101 = tpu.memref_slice %arg4[%mul3A_97, %dma_start3A_100] : memref<320000x128xf32, #tpu.memory_space<hbm>> -> memref<128x128xf32, #tpu.memory_space<hbm>>
            tpu.enqueue_dma source(%arg5 : memref<128x128xf32, #tpu.memory_space<vmem>>) target(%dma_start3A_101 : memref<128x128xf32, #tpu.memory_space<hbm>>) target_semaphore(%run_scoped3A : memref<!tpu.dma_semaphore, #tpu.memory_space<semaphore_mem>>)
            %dma_wait3A_102 = arith.constant 0 : i32
            %dma_wait3A_103 = tpu.memref_slice %arg4[%mul3A_97, %dma_wait3A_102] : memref<320000x128xf32, #tpu.memory_space<hbm>> -> memref<128x128xf32, #tpu.memory_space<hbm>>
            %dma_wait3A_104 = arith.constant 0 : i32
            %dma_wait3A_105 = tpu.memref_slice %arg4[%mul3A_97, %dma_wait3A_104] : memref<320000x128xf32, #tpu.memory_space<hbm>> -> memref<128x128xf32, #tpu.memory_space<hbm>>
            tpu.wait_dma2 semaphore(%run_scoped3A : memref<!tpu.dma_semaphore, #tpu.memory_space<semaphore_mem>>) src(%arg5 : memref<128x128xf32, #tpu.memory_space<vmem>>) dst(%dma_wait3A_105 : memref<128x128xf32, #tpu.memory_space<hbm>>)
            tpu.yield
          }) : () -> ()
        } else {
        }
        %mul3A_66 = arith.constant 8 : i32
        %mul3A_67 = arith.muli %add3A_9, %mul3A_66 : i32
        %add3A_68 = arith.constant 6 : i32
        %add3A_69 = arith.addi %mul3A_67, %add3A_68 : i32
        %lt3A_70 = arith.constant 2500 : i32
        %lt3A_71 = arith.cmpi slt, %add3A_69, %lt3A_70 : i32
        %convert_element_type3A_72 = arith.extui %lt3A_71 : i1 to i32
        %cond3A_73 = arith.constant 0 : i32
        %cond3A_74 = arith.cmpi ne, %convert_element_type3A_72, %cond3A_73 : i32
        scf.if %cond3A_74 {
          %dma_start3A = arith.constant 6 : i32
          %dma_start3A_84 = arith.constant 0 : i32
          %dma_start3A_85 = tpu.memref_slice %arg6[%dma_start3A, %dma_start3A_84] : memref<8x128xi32, #tpu.memory_space<vmem>> -> memref<1x128xi32, #tpu.memory_space<vmem>>
          %dma_start3A_86 = tpu.memref_squeeze %dma_start3A_85 : memref<1x128xi32, #tpu.memory_space<vmem>> -> memref<128xi32, #tpu.memory_space<vmem>>
          %dma_start3A_87 = arith.constant 0 : i32
          %dma_start3A_88 = arith.constant 0 : i32
          %dma_start3A_89 = tpu.memref_slice %arg2[%dma_start3A_87, %dma_start3A_88] : memref<10112x128xf32, #tpu.memory_space<hbm>> -> memref<10112x128xf32, #tpu.memory_space<hbm>>
          tpu.enqueue_indirect_dma source(%dma_start3A_89 : memref<10112x128xf32, #tpu.memory_space<hbm>>) target(%arg5 : memref<128x128xf32, #tpu.memory_space<vmem>>) offsets(%dma_start3A_86 : memref<128xi32, #tpu.memory_space<vmem>>) semaphore(%arg7 : memref<!tpu.dma_semaphore, #tpu.memory_space<semaphore_mem>>)
          %dma_wait3A = arith.constant 6 : i32
          %dma_wait3A_90 = arith.constant 0 : i32
          %dma_wait3A_91 = tpu.memref_slice %arg6[%dma_wait3A, %dma_wait3A_90] : memref<8x128xi32, #tpu.memory_space<vmem>> -> memref<1x128xi32, #tpu.memory_space<vmem>>
          %dma_wait3A_92 = tpu.memref_squeeze %dma_wait3A_91 : memref<1x128xi32, #tpu.memory_space<vmem>> -> memref<128xi32, #tpu.memory_space<vmem>>
          %dma_wait3A_93 = arith.constant 0 : i32
          %dma_wait3A_94 = arith.constant 0 : i32
          %dma_wait3A_95 = tpu.memref_slice %arg2[%dma_wait3A_93, %dma_wait3A_94] : memref<10112x128xf32, #tpu.memory_space<hbm>> -> memref<10112x128xf32, #tpu.memory_space<hbm>>
          tpu.wait_indirect_dma semaphore(%arg7 : memref<!tpu.dma_semaphore, #tpu.memory_space<semaphore_mem>>) src(%dma_wait3A_95 : memref<10112x128xf32, #tpu.memory_space<hbm>>) dst(%arg5 : memref<128x128xf32, #tpu.memory_space<vmem>>)
          %mul3A_96 = arith.constant 128 : i32
          %mul3A_97 = arith.muli %add3A_69, %mul3A_96 : i32
          "tpu.region"() ({
            %run_scoped3A = tpu.sem_alloc : memref<!tpu.dma_semaphore, #tpu.memory_space<semaphore_mem>>
            %dma_start3A_98 = arith.constant 0 : i32
            %dma_start3A_99 = tpu.memref_slice %arg4[%mul3A_97, %dma_start3A_98] : memref<320000x128xf32, #tpu.memory_space<hbm>> -> memref<128x128xf32, #tpu.memory_space<hbm>>
            %dma_start3A_100 = arith.constant 0 : i32
            %dma_start3A_101 = tpu.memref_slice %arg4[%mul3A_97, %dma_start3A_100] : memref<320000x128xf32, #tpu.memory_space<hbm>> -> memref<128x128xf32, #tpu.memory_space<hbm>>
            tpu.enqueue_dma source(%arg5 : memref<128x128xf32, #tpu.memory_space<vmem>>) target(%dma_start3A_101 : memref<128x128xf32, #tpu.memory_space<hbm>>) target_semaphore(%run_scoped3A : memref<!tpu.dma_semaphore, #tpu.memory_space<semaphore_mem>>)
            %dma_wait3A_102 = arith.constant 0 : i32
            %dma_wait3A_103 = tpu.memref_slice %arg4[%mul3A_97, %dma_wait3A_102] : memref<320000x128xf32, #tpu.memory_space<hbm>> -> memref<128x128xf32, #tpu.memory_space<hbm>>
            %dma_wait3A_104 = arith.constant 0 : i32
            %dma_wait3A_105 = tpu.memref_slice %arg4[%mul3A_97, %dma_wait3A_104] : memref<320000x128xf32, #tpu.memory_space<hbm>> -> memref<128x128xf32, #tpu.memory_space<hbm>>
            tpu.wait_dma2 semaphore(%run_scoped3A : memref<!tpu.dma_semaphore, #tpu.memory_space<semaphore_mem>>) src(%arg5 : memref<128x128xf32, #tpu.memory_space<vmem>>) dst(%dma_wait3A_105 : memref<128x128xf32, #tpu.memory_space<hbm>>)
            tpu.yield
          }) : () -> ()
        } else {
        }
        %mul3A_75 = arith.constant 8 : i32
        %mul3A_76 = arith.muli %add3A_9, %mul3A_75 : i32
        %add3A_77 = arith.constant 7 : i32
        %add3A_78 = arith.addi %mul3A_76, %add3A_77 : i32
        %lt3A_79 = arith.constant 2500 : i32
        %lt3A_80 = arith.cmpi slt, %add3A_78, %lt3A_79 : i32
        %convert_element_type3A_81 = arith.extui %lt3A_80 : i1 to i32
        %cond3A_82 = arith.constant 0 : i32
        %cond3A_83 = arith.cmpi ne, %convert_element_type3A_81, %cond3A_82 : i32
        scf.if %cond3A_83 {
          %dma_start3A = arith.constant 7 : i32
          %dma_start3A_84 = arith.constant 0 : i32
          %dma_start3A_85 = tpu.memref_slice %arg6[%dma_start3A, %dma_start3A_84] : memref<8x128xi32, #tpu.memory_space<vmem>> -> memref<1x128xi32, #tpu.memory_space<vmem>>
          %dma_start3A_86 = tpu.memref_squeeze %dma_start3A_85 : memref<1x128xi32, #tpu.memory_space<vmem>> -> memref<128xi32, #tpu.memory_space<vmem>>
          %dma_start3A_87 = arith.constant 0 : i32
          %dma_start3A_88 = arith.constant 0 : i32
          %dma_start3A_89 = tpu.memref_slice %arg2[%dma_start3A_87, %dma_start3A_88] : memref<10112x128xf32, #tpu.memory_space<hbm>> -> memref<10112x128xf32, #tpu.memory_space<hbm>>
          tpu.enqueue_indirect_dma source(%dma_start3A_89 : memref<10112x128xf32, #tpu.memory_space<hbm>>) target(%arg5 : memref<128x128xf32, #tpu.memory_space<vmem>>) offsets(%dma_start3A_86 : memref<128xi32, #tpu.memory_space<vmem>>) semaphore(%arg7 : memref<!tpu.dma_semaphore, #tpu.memory_space<semaphore_mem>>)
          %dma_wait3A = arith.constant 7 : i32
          %dma_wait3A_90 = arith.constant 0 : i32
          %dma_wait3A_91 = tpu.memref_slice %arg6[%dma_wait3A, %dma_wait3A_90] : memref<8x128xi32, #tpu.memory_space<vmem>> -> memref<1x128xi32, #tpu.memory_space<vmem>>
          %dma_wait3A_92 = tpu.memref_squeeze %dma_wait3A_91 : memref<1x128xi32, #tpu.memory_space<vmem>> -> memref<128xi32, #tpu.memory_space<vmem>>
          %dma_wait3A_93 = arith.constant 0 : i32
          %dma_wait3A_94 = arith.constant 0 : i32
          %dma_wait3A_95 = tpu.memref_slice %arg2[%dma_wait3A_93, %dma_wait3A_94] : memref<10112x128xf32, #tpu.memory_space<hbm>> -> memref<10112x128xf32, #tpu.memory_space<hbm>>
          tpu.wait_indirect_dma semaphore(%arg7 : memref<!tpu.dma_semaphore, #tpu.memory_space<semaphore_mem>>) src(%dma_wait3A_95 : memref<10112x128xf32, #tpu.memory_space<hbm>>) dst(%arg5 : memref<128x128xf32, #tpu.memory_space<vmem>>)
          %mul3A_96 = arith.constant 128 : i32
          %mul3A_97 = arith.muli %add3A_78, %mul3A_96 : i32
          "tpu.region"() ({
            %run_scoped3A = tpu.sem_alloc : memref<!tpu.dma_semaphore, #tpu.memory_space<semaphore_mem>>
            %dma_start3A_98 = arith.constant 0 : i32
            %dma_start3A_99 = tpu.memref_slice %arg4[%mul3A_97, %dma_start3A_98] : memref<320000x128xf32, #tpu.memory_space<hbm>> -> memref<128x128xf32, #tpu.memory_space<hbm>>
            %dma_start3A_100 = arith.constant 0 : i32
            %dma_start3A_101 = tpu.memref_slice %arg4[%mul3A_97, %dma_start3A_100] : memref<320000x128xf32, #tpu.memory_space<hbm>> -> memref<128x128xf32, #tpu.memory_space<hbm>>
            tpu.enqueue_dma source(%arg5 : memref<128x128xf32, #tpu.memory_space<vmem>>) target(%dma_start3A_101 : memref<128x128xf32, #tpu.memory_space<hbm>>) target_semaphore(%run_scoped3A : memref<!tpu.dma_semaphore, #tpu.memory_space<semaphore_mem>>)
            %dma_wait3A_102 = arith.constant 0 : i32
            %dma_wait3A_103 = tpu.memref_slice %arg4[%mul3A_97, %dma_wait3A_102] : memref<320000x128xf32, #tpu.memory_space<hbm>> -> memref<128x128xf32, #tpu.memory_space<hbm>>
            %dma_wait3A_104 = arith.constant 0 : i32
            %dma_wait3A_105 = tpu.memref_slice %arg4[%mul3A_97, %dma_wait3A_104] : memref<320000x128xf32, #tpu.memory_space<hbm>> -> memref<128x128xf32, #tpu.memory_space<hbm>>
            tpu.wait_dma2 semaphore(%run_scoped3A : memref<!tpu.dma_semaphore, #tpu.memory_space<semaphore_mem>>) src(%arg5 : memref<128x128xf32, #tpu.memory_space<vmem>>) dst(%dma_wait3A_105 : memref<128x128xf32, #tpu.memory_space<hbm>>)
            tpu.yield
          }) : () -> ()
        } else {
        }
      } else {
      }
    }
    %scan3A_5 = arith.constant 10 : i32
    return
  }
}

#map = affine_map<(d0, d1) -> (0, 0)>
#map1 = affine_map<(d0, d1) -> (0, 0, 0)>
module attributes {stable_mosaic.version = 14 : i64} {
  func.func @_sc_gather_body(%arg0: i32, %arg1: i32, %arg2: memref<10112x128xf32, #tpu.memory_space<hbm>>, %arg3: memref<313x8x128xi32, #tpu.memory_space<hbm>>, %arg4: memref<320000x128xf32, #tpu.memory_space<hbm>>, %arg5: memref<128x128xf32, #tpu.memory_space<vmem>>, %arg6: memref<8x128xi32, #tpu.memory_space<vmem>>, %arg7: memref<!tpu.dma_semaphore, #tpu.memory_space<semaphore_mem>>) attributes {dimension_semantics = [#tpu.dimension_semantics<core_parallel>, #tpu.dimension_semantics<subcore_parallel>], iteration_bounds = array<i64: 2, 16>, scalar_prefetch = 0 : i64, scratch_operands = 3 : i64, tpu.core_type = #tpu.core_type<sc_vector_subcore>, window_params = [{transform_indices = #map}, {transform_indices = #map1}, {transform_indices = #map}]} {
    %mul3A = arith.constant 16 : i32
    %mul3A_0 = arith.muli %arg0, %mul3A : i32
    %add3A = arith.addi %mul3A_0, %arg1 : i32
    %scan3A = arith.constant 0 : i32
    %scan3A_1 = arith.constant 0 : i32
    %scan3A_2 = arith.constant 10 : i32
    %scan3A_3 = arith.addi %scan3A_1, %scan3A_2 : i32
    %scan3A_4 = arith.constant 1 : i32
    scf.for %scan3A_6 = %scan3A_1 to %scan3A_3 step %scan3A_4  : i32 {
      %mul3A_7 = arith.constant 32 : i32
      %mul3A_8 = arith.muli %scan3A_6, %mul3A_7 : i32
      %add3A_9 = arith.addi %add3A, %mul3A_8 : i32
      %lt3A = arith.constant 313 : i32
      %lt3A_10 = arith.cmpi slt, %add3A_9, %lt3A : i32
      %convert_element_type3A = arith.extui %lt3A_10 : i1 to i32
      %cond3A = arith.constant 0 : i32
      %cond3A_11 = arith.cmpi ne, %convert_element_type3A, %cond3A : i32
      scf.if %cond3A_11 {
        "tpu.region"() ({
          %run_scoped3A = tpu.sem_alloc : memref<!tpu.dma_semaphore, #tpu.memory_space<semaphore_mem>>
          %dma_start3A = arith.constant 0 : i32
          %dma_start3A_84 = arith.constant 0 : i32
          %dma_start3A_85 = tpu.memref_slice %arg3[%add3A_9, %dma_start3A, %dma_start3A_84] : memref<313x8x128xi32, #tpu.memory_space<hbm>> -> memref<1x8x128xi32, #tpu.memory_space<hbm>>
          %dma_start3A_86 = tpu.memref_squeeze %dma_start3A_85 : memref<1x8x128xi32, #tpu.memory_space<hbm>> -> memref<8x128xi32, #tpu.memory_space<hbm>>
          %dma_start3A_87 = arith.constant 0 : i32
          %dma_start3A_88 = arith.constant 0 : i32
          %dma_start3A_89 = tpu.memref_slice %arg3[%add3A_9, %dma_start3A_87, %dma_start3A_88] : memref<313x8x128xi32, #tpu.memory_space<hbm>> -> memref<1x8x128xi32, #tpu.memory_space<hbm>>
          %dma_start3A_90 = tpu.memref_squeeze %dma_start3A_89 : memref<1x8x128xi32, #tpu.memory_space<hbm>> -> memref<8x128xi32, #tpu.memory_space<hbm>>
          tpu.enqueue_dma source(%dma_start3A_90 : memref<8x128xi32, #tpu.memory_space<hbm>>) target(%arg6 : memref<8x128xi32, #tpu.memory_space<vmem>>) target_semaphore(%run_scoped3A : memref<!tpu.dma_semaphore, #tpu.memory_space<semaphore_mem>>)
          %dma_wait3A = arith.constant 0 : i32
          %dma_wait3A_91 = arith.constant 0 : i32
          %dma_wait3A_92 = tpu.memref_slice %arg3[%add3A_9, %dma_wait3A, %dma_wait3A_91] : memref<313x8x128xi32, #tpu.memory_space<hbm>> -> memref<1x8x128xi32, #tpu.memory_space<hbm>>
          %dma_wait3A_93 = tpu.memref_squeeze %dma_wait3A_92 : memref<1x8x128xi32, #tpu.memory_space<hbm>> -> memref<8x128xi32, #tpu.memory_space<hbm>>
          %dma_wait3A_94 = arith.constant 0 : i32
          %dma_wait3A_95 = arith.constant 0 : i32
          %dma_wait3A_96 = tpu.memref_slice %arg3[%add3A_9, %dma_wait3A_94, %dma_wait3A_95] : memref<313x8x128xi32, #tpu.memory_space<hbm>> -> memref<1x8x128xi32, #tpu.memory_space<hbm>>
          %dma_wait3A_97 = tpu.memref_squeeze %dma_wait3A_96 : memref<1x8x128xi32, #tpu.memory_space<hbm>> -> memref<8x128xi32, #tpu.memory_space<hbm>>
          tpu.wait_dma2 semaphore(%run_scoped3A : memref<!tpu.dma_semaphore, #tpu.memory_space<semaphore_mem>>) src(%dma_wait3A_97 : memref<8x128xi32, #tpu.memory_space<hbm>>) dst(%arg6 : memref<8x128xi32, #tpu.memory_space<vmem>>)
          tpu.yield
        }) : () -> ()
        %mul3A_12 = arith.constant 8 : i32
        %mul3A_13 = arith.muli %add3A_9, %mul3A_12 : i32
        %add3A_14 = arith.constant 0 : i32
        %add3A_15 = arith.addi %mul3A_13, %add3A_14 : i32
        %lt3A_16 = arith.constant 2500 : i32
        %lt3A_17 = arith.cmpi slt, %add3A_15, %lt3A_16 : i32
        %convert_element_type3A_18 = arith.extui %lt3A_17 : i1 to i32
        %cond3A_19 = arith.constant 0 : i32
        %cond3A_20 = arith.cmpi ne, %convert_element_type3A_18, %cond3A_19 : i32
        scf.if %cond3A_20 {
          %dma_start3A = arith.constant 0 : i32
          %dma_start3A_84 = arith.constant 0 : i32
          %dma_start3A_85 = tpu.memref_slice %arg6[%dma_start3A, %dma_start3A_84] : memref<8x128xi32, #tpu.memory_space<vmem>> -> memref<1x128xi32, #tpu.memory_space<vmem>>
          %dma_start3A_86 = tpu.memref_squeeze %dma_start3A_85 : memref<1x128xi32, #tpu.memory_space<vmem>> -> memref<128xi32, #tpu.memory_space<vmem>>
          %dma_start3A_87 = arith.constant 0 : i32
          %dma_start3A_88 = arith.constant 0 : i32
          %dma_start3A_89 = tpu.memref_slice %arg2[%dma_start3A_87, %dma_start3A_88] : memref<10112x128xf32, #tpu.memory_space<hbm>> -> memref<10112x128xf32, #tpu.memory_space<hbm>>
          tpu.enqueue_indirect_dma source(%dma_start3A_89 : memref<10112x128xf32, #tpu.memory_space<hbm>>) target(%arg5 : memref<128x128xf32, #tpu.memory_space<vmem>>) offsets(%dma_start3A_86 : memref<128xi32, #tpu.memory_space<vmem>>) semaphore(%arg7 : memref<!tpu.dma_semaphore, #tpu.memory_space<semaphore_mem>>)
          %dma_wait3A = arith.constant 0 : i32
          %dma_wait3A_90 = arith.constant 0 : i32
          %dma_wait3A_91 = tpu.memref_slice %arg6[%dma_wait3A, %dma_wait3A_90] : memref<8x128xi32, #tpu.memory_space<vmem>> -> memref<1x128xi32, #tpu.memory_space<vmem>>
          %dma_wait3A_92 = tpu.memref_squeeze %dma_wait3A_91 : memref<1x128xi32, #tpu.memory_space<vmem>> -> memref<128xi32, #tpu.memory_space<vmem>>
          %dma_wait3A_93 = arith.constant 0 : i32
          %dma_wait3A_94 = arith.constant 0 : i32
          %dma_wait3A_95 = tpu.memref_slice %arg2[%dma_wait3A_93, %dma_wait3A_94] : memref<10112x128xf32, #tpu.memory_space<hbm>> -> memref<10112x128xf32, #tpu.memory_space<hbm>>
          tpu.wait_indirect_dma semaphore(%arg7 : memref<!tpu.dma_semaphore, #tpu.memory_space<semaphore_mem>>) src(%dma_wait3A_95 : memref<10112x128xf32, #tpu.memory_space<hbm>>) dst(%arg5 : memref<128x128xf32, #tpu.memory_space<vmem>>)
          %mul3A_96 = arith.constant 128 : i32
          %mul3A_97 = arith.muli %add3A_15, %mul3A_96 : i32
          "tpu.region"() ({
            %run_scoped3A = tpu.sem_alloc : memref<!tpu.dma_semaphore, #tpu.memory_space<semaphore_mem>>
            %dma_start3A_98 = arith.constant 0 : i32
            %dma_start3A_99 = tpu.memref_slice %arg4[%mul3A_97, %dma_start3A_98] : memref<320000x128xf32, #tpu.memory_space<hbm>> -> memref<128x128xf32, #tpu.memory_space<hbm>>
            %dma_start3A_100 = arith.constant 0 : i32
            %dma_start3A_101 = tpu.memref_slice %arg4[%mul3A_97, %dma_start3A_100] : memref<320000x128xf32, #tpu.memory_space<hbm>> -> memref<128x128xf32, #tpu.memory_space<hbm>>
            tpu.enqueue_dma source(%arg5 : memref<128x128xf32, #tpu.memory_space<vmem>>) target(%dma_start3A_101 : memref<128x128xf32, #tpu.memory_space<hbm>>) target_semaphore(%run_scoped3A : memref<!tpu.dma_semaphore, #tpu.memory_space<semaphore_mem>>)
            %dma_wait3A_102 = arith.constant 0 : i32
            %dma_wait3A_103 = tpu.memref_slice %arg4[%mul3A_97, %dma_wait3A_102] : memref<320000x128xf32, #tpu.memory_space<hbm>> -> memref<128x128xf32, #tpu.memory_space<hbm>>
            %dma_wait3A_104 = arith.constant 0 : i32
            %dma_wait3A_105 = tpu.memref_slice %arg4[%mul3A_97, %dma_wait3A_104] : memref<320000x128xf32, #tpu.memory_space<hbm>> -> memref<128x128xf32, #tpu.memory_space<hbm>>
            tpu.wait_dma2 semaphore(%run_scoped3A : memref<!tpu.dma_semaphore, #tpu.memory_space<semaphore_mem>>) src(%arg5 : memref<128x128xf32, #tpu.memory_space<vmem>>) dst(%dma_wait3A_105 : memref<128x128xf32, #tpu.memory_space<hbm>>)
            tpu.yield
          }) : () -> ()
        } else {
        }
        %mul3A_21 = arith.constant 8 : i32
        %mul3A_22 = arith.muli %add3A_9, %mul3A_21 : i32
        %add3A_23 = arith.constant 1 : i32
        %add3A_24 = arith.addi %mul3A_22, %add3A_23 : i32
        %lt3A_25 = arith.constant 2500 : i32
        %lt3A_26 = arith.cmpi slt, %add3A_24, %lt3A_25 : i32
        %convert_element_type3A_27 = arith.extui %lt3A_26 : i1 to i32
        %cond3A_28 = arith.constant 0 : i32
        %cond3A_29 = arith.cmpi ne, %convert_element_type3A_27, %cond3A_28 : i32
        scf.if %cond3A_29 {
          %dma_start3A = arith.constant 1 : i32
          %dma_start3A_84 = arith.constant 0 : i32
          %dma_start3A_85 = tpu.memref_slice %arg6[%dma_start3A, %dma_start3A_84] : memref<8x128xi32, #tpu.memory_space<vmem>> -> memref<1x128xi32, #tpu.memory_space<vmem>>
          %dma_start3A_86 = tpu.memref_squeeze %dma_start3A_85 : memref<1x128xi32, #tpu.memory_space<vmem>> -> memref<128xi32, #tpu.memory_space<vmem>>
          %dma_start3A_87 = arith.constant 0 : i32
          %dma_start3A_88 = arith.constant 0 : i32
          %dma_start3A_89 = tpu.memref_slice %arg2[%dma_start3A_87, %dma_start3A_88] : memref<10112x128xf32, #tpu.memory_space<hbm>> -> memref<10112x128xf32, #tpu.memory_space<hbm>>
          tpu.enqueue_indirect_dma source(%dma_start3A_89 : memref<10112x128xf32, #tpu.memory_space<hbm>>) target(%arg5 : memref<128x128xf32, #tpu.memory_space<vmem>>) offsets(%dma_start3A_86 : memref<128xi32, #tpu.memory_space<vmem>>) semaphore(%arg7 : memref<!tpu.dma_semaphore, #tpu.memory_space<semaphore_mem>>)
          %dma_wait3A = arith.constant 1 : i32
          %dma_wait3A_90 = arith.constant 0 : i32
          %dma_wait3A_91 = tpu.memref_slice %arg6[%dma_wait3A, %dma_wait3A_90] : memref<8x128xi32, #tpu.memory_space<vmem>> -> memref<1x128xi32, #tpu.memory_space<vmem>>
          %dma_wait3A_92 = tpu.memref_squeeze %dma_wait3A_91 : memref<1x128xi32, #tpu.memory_space<vmem>> -> memref<128xi32, #tpu.memory_space<vmem>>
          %dma_wait3A_93 = arith.constant 0 : i32
          %dma_wait3A_94 = arith.constant 0 : i32
          %dma_wait3A_95 = tpu.memref_slice %arg2[%dma_wait3A_93, %dma_wait3A_94] : memref<10112x128xf32, #tpu.memory_space<hbm>> -> memref<10112x128xf32, #tpu.memory_space<hbm>>
          tpu.wait_indirect_dma semaphore(%arg7 : memref<!tpu.dma_semaphore, #tpu.memory_space<semaphore_mem>>) src(%dma_wait3A_95 : memref<10112x128xf32, #tpu.memory_space<hbm>>) dst(%arg5 : memref<128x128xf32, #tpu.memory_space<vmem>>)
          %mul3A_96 = arith.constant 128 : i32
          %mul3A_97 = arith.muli %add3A_24, %mul3A_96 : i32
          "tpu.region"() ({
            %run_scoped3A = tpu.sem_alloc : memref<!tpu.dma_semaphore, #tpu.memory_space<semaphore_mem>>
            %dma_start3A_98 = arith.constant 0 : i32
            %dma_start3A_99 = tpu.memref_slice %arg4[%mul3A_97, %dma_start3A_98] : memref<320000x128xf32, #tpu.memory_space<hbm>> -> memref<128x128xf32, #tpu.memory_space<hbm>>
            %dma_start3A_100 = arith.constant 0 : i32
            %dma_start3A_101 = tpu.memref_slice %arg4[%mul3A_97, %dma_start3A_100] : memref<320000x128xf32, #tpu.memory_space<hbm>> -> memref<128x128xf32, #tpu.memory_space<hbm>>
            tpu.enqueue_dma source(%arg5 : memref<128x128xf32, #tpu.memory_space<vmem>>) target(%dma_start3A_101 : memref<128x128xf32, #tpu.memory_space<hbm>>) target_semaphore(%run_scoped3A : memref<!tpu.dma_semaphore, #tpu.memory_space<semaphore_mem>>)
            %dma_wait3A_102 = arith.constant 0 : i32
            %dma_wait3A_103 = tpu.memref_slice %arg4[%mul3A_97, %dma_wait3A_102] : memref<320000x128xf32, #tpu.memory_space<hbm>> -> memref<128x128xf32, #tpu.memory_space<hbm>>
            %dma_wait3A_104 = arith.constant 0 : i32
            %dma_wait3A_105 = tpu.memref_slice %arg4[%mul3A_97, %dma_wait3A_104] : memref<320000x128xf32, #tpu.memory_space<hbm>> -> memref<128x128xf32, #tpu.memory_space<hbm>>
            tpu.wait_dma2 semaphore(%run_scoped3A : memref<!tpu.dma_semaphore, #tpu.memory_space<semaphore_mem>>) src(%arg5 : memref<128x128xf32, #tpu.memory_space<vmem>>) dst(%dma_wait3A_105 : memref<128x128xf32, #tpu.memory_space<hbm>>)
            tpu.yield
          }) : () -> ()
        } else {
        }
        %mul3A_30 = arith.constant 8 : i32
        %mul3A_31 = arith.muli %add3A_9, %mul3A_30 : i32
        %add3A_32 = arith.constant 2 : i32
        %add3A_33 = arith.addi %mul3A_31, %add3A_32 : i32
        %lt3A_34 = arith.constant 2500 : i32
        %lt3A_35 = arith.cmpi slt, %add3A_33, %lt3A_34 : i32
        %convert_element_type3A_36 = arith.extui %lt3A_35 : i1 to i32
        %cond3A_37 = arith.constant 0 : i32
        %cond3A_38 = arith.cmpi ne, %convert_element_type3A_36, %cond3A_37 : i32
        scf.if %cond3A_38 {
          %dma_start3A = arith.constant 2 : i32
          %dma_start3A_84 = arith.constant 0 : i32
          %dma_start3A_85 = tpu.memref_slice %arg6[%dma_start3A, %dma_start3A_84] : memref<8x128xi32, #tpu.memory_space<vmem>> -> memref<1x128xi32, #tpu.memory_space<vmem>>
          %dma_start3A_86 = tpu.memref_squeeze %dma_start3A_85 : memref<1x128xi32, #tpu.memory_space<vmem>> -> memref<128xi32, #tpu.memory_space<vmem>>
          %dma_start3A_87 = arith.constant 0 : i32
          %dma_start3A_88 = arith.constant 0 : i32
          %dma_start3A_89 = tpu.memref_slice %arg2[%dma_start3A_87, %dma_start3A_88] : memref<10112x128xf32, #tpu.memory_space<hbm>> -> memref<10112x128xf32, #tpu.memory_space<hbm>>
          tpu.enqueue_indirect_dma source(%dma_start3A_89 : memref<10112x128xf32, #tpu.memory_space<hbm>>) target(%arg5 : memref<128x128xf32, #tpu.memory_space<vmem>>) offsets(%dma_start3A_86 : memref<128xi32, #tpu.memory_space<vmem>>) semaphore(%arg7 : memref<!tpu.dma_semaphore, #tpu.memory_space<semaphore_mem>>)
          %dma_wait3A = arith.constant 2 : i32
          %dma_wait3A_90 = arith.constant 0 : i32
          %dma_wait3A_91 = tpu.memref_slice %arg6[%dma_wait3A, %dma_wait3A_90] : memref<8x128xi32, #tpu.memory_space<vmem>> -> memref<1x128xi32, #tpu.memory_space<vmem>>
          %dma_wait3A_92 = tpu.memref_squeeze %dma_wait3A_91 : memref<1x128xi32, #tpu.memory_space<vmem>> -> memref<128xi32, #tpu.memory_space<vmem>>
          %dma_wait3A_93 = arith.constant 0 : i32
          %dma_wait3A_94 = arith.constant 0 : i32
          %dma_wait3A_95 = tpu.memref_slice %arg2[%dma_wait3A_93, %dma_wait3A_94] : memref<10112x128xf32, #tpu.memory_space<hbm>> -> memref<10112x128xf32, #tpu.memory_space<hbm>>
          tpu.wait_indirect_dma semaphore(%arg7 : memref<!tpu.dma_semaphore, #tpu.memory_space<semaphore_mem>>) src(%dma_wait3A_95 : memref<10112x128xf32, #tpu.memory_space<hbm>>) dst(%arg5 : memref<128x128xf32, #tpu.memory_space<vmem>>)
          %mul3A_96 = arith.constant 128 : i32
          %mul3A_97 = arith.muli %add3A_33, %mul3A_96 : i32
          "tpu.region"() ({
            %run_scoped3A = tpu.sem_alloc : memref<!tpu.dma_semaphore, #tpu.memory_space<semaphore_mem>>
            %dma_start3A_98 = arith.constant 0 : i32
            %dma_start3A_99 = tpu.memref_slice %arg4[%mul3A_97, %dma_start3A_98] : memref<320000x128xf32, #tpu.memory_space<hbm>> -> memref<128x128xf32, #tpu.memory_space<hbm>>
            %dma_start3A_100 = arith.constant 0 : i32
            %dma_start3A_101 = tpu.memref_slice %arg4[%mul3A_97, %dma_start3A_100] : memref<320000x128xf32, #tpu.memory_space<hbm>> -> memref<128x128xf32, #tpu.memory_space<hbm>>
            tpu.enqueue_dma source(%arg5 : memref<128x128xf32, #tpu.memory_space<vmem>>) target(%dma_start3A_101 : memref<128x128xf32, #tpu.memory_space<hbm>>) target_semaphore(%run_scoped3A : memref<!tpu.dma_semaphore, #tpu.memory_space<semaphore_mem>>)
            %dma_wait3A_102 = arith.constant 0 : i32
            %dma_wait3A_103 = tpu.memref_slice %arg4[%mul3A_97, %dma_wait3A_102] : memref<320000x128xf32, #tpu.memory_space<hbm>> -> memref<128x128xf32, #tpu.memory_space<hbm>>
            %dma_wait3A_104 = arith.constant 0 : i32
            %dma_wait3A_105 = tpu.memref_slice %arg4[%mul3A_97, %dma_wait3A_104] : memref<320000x128xf32, #tpu.memory_space<hbm>> -> memref<128x128xf32, #tpu.memory_space<hbm>>
            tpu.wait_dma2 semaphore(%run_scoped3A : memref<!tpu.dma_semaphore, #tpu.memory_space<semaphore_mem>>) src(%arg5 : memref<128x128xf32, #tpu.memory_space<vmem>>) dst(%dma_wait3A_105 : memref<128x128xf32, #tpu.memory_space<hbm>>)
            tpu.yield
          }) : () -> ()
        } else {
        }
        %mul3A_39 = arith.constant 8 : i32
        %mul3A_40 = arith.muli %add3A_9, %mul3A_39 : i32
        %add3A_41 = arith.constant 3 : i32
        %add3A_42 = arith.addi %mul3A_40, %add3A_41 : i32
        %lt3A_43 = arith.constant 2500 : i32
        %lt3A_44 = arith.cmpi slt, %add3A_42, %lt3A_43 : i32
        %convert_element_type3A_45 = arith.extui %lt3A_44 : i1 to i32
        %cond3A_46 = arith.constant 0 : i32
        %cond3A_47 = arith.cmpi ne, %convert_element_type3A_45, %cond3A_46 : i32
        scf.if %cond3A_47 {
          %dma_start3A = arith.constant 3 : i32
          %dma_start3A_84 = arith.constant 0 : i32
          %dma_start3A_85 = tpu.memref_slice %arg6[%dma_start3A, %dma_start3A_84] : memref<8x128xi32, #tpu.memory_space<vmem>> -> memref<1x128xi32, #tpu.memory_space<vmem>>
          %dma_start3A_86 = tpu.memref_squeeze %dma_start3A_85 : memref<1x128xi32, #tpu.memory_space<vmem>> -> memref<128xi32, #tpu.memory_space<vmem>>
          %dma_start3A_87 = arith.constant 0 : i32
          %dma_start3A_88 = arith.constant 0 : i32
          %dma_start3A_89 = tpu.memref_slice %arg2[%dma_start3A_87, %dma_start3A_88] : memref<10112x128xf32, #tpu.memory_space<hbm>> -> memref<10112x128xf32, #tpu.memory_space<hbm>>
          tpu.enqueue_indirect_dma source(%dma_start3A_89 : memref<10112x128xf32, #tpu.memory_space<hbm>>) target(%arg5 : memref<128x128xf32, #tpu.memory_space<vmem>>) offsets(%dma_start3A_86 : memref<128xi32, #tpu.memory_space<vmem>>) semaphore(%arg7 : memref<!tpu.dma_semaphore, #tpu.memory_space<semaphore_mem>>)
          %dma_wait3A = arith.constant 3 : i32
          %dma_wait3A_90 = arith.constant 0 : i32
          %dma_wait3A_91 = tpu.memref_slice %arg6[%dma_wait3A, %dma_wait3A_90] : memref<8x128xi32, #tpu.memory_space<vmem>> -> memref<1x128xi32, #tpu.memory_space<vmem>>
          %dma_wait3A_92 = tpu.memref_squeeze %dma_wait3A_91 : memref<1x128xi32, #tpu.memory_space<vmem>> -> memref<128xi32, #tpu.memory_space<vmem>>
          %dma_wait3A_93 = arith.constant 0 : i32
          %dma_wait3A_94 = arith.constant 0 : i32
          %dma_wait3A_95 = tpu.memref_slice %arg2[%dma_wait3A_93, %dma_wait3A_94] : memref<10112x128xf32, #tpu.memory_space<hbm>> -> memref<10112x128xf32, #tpu.memory_space<hbm>>
          tpu.wait_indirect_dma semaphore(%arg7 : memref<!tpu.dma_semaphore, #tpu.memory_space<semaphore_mem>>) src(%dma_wait3A_95 : memref<10112x128xf32, #tpu.memory_space<hbm>>) dst(%arg5 : memref<128x128xf32, #tpu.memory_space<vmem>>)
          %mul3A_96 = arith.constant 128 : i32
          %mul3A_97 = arith.muli %add3A_42, %mul3A_96 : i32
          "tpu.region"() ({
            %run_scoped3A = tpu.sem_alloc : memref<!tpu.dma_semaphore, #tpu.memory_space<semaphore_mem>>
            %dma_start3A_98 = arith.constant 0 : i32
            %dma_start3A_99 = tpu.memref_slice %arg4[%mul3A_97, %dma_start3A_98] : memref<320000x128xf32, #tpu.memory_space<hbm>> -> memref<128x128xf32, #tpu.memory_space<hbm>>
            %dma_start3A_100 = arith.constant 0 : i32
            %dma_start3A_101 = tpu.memref_slice %arg4[%mul3A_97, %dma_start3A_100] : memref<320000x128xf32, #tpu.memory_space<hbm>> -> memref<128x128xf32, #tpu.memory_space<hbm>>
            tpu.enqueue_dma source(%arg5 : memref<128x128xf32, #tpu.memory_space<vmem>>) target(%dma_start3A_101 : memref<128x128xf32, #tpu.memory_space<hbm>>) target_semaphore(%run_scoped3A : memref<!tpu.dma_semaphore, #tpu.memory_space<semaphore_mem>>)
            %dma_wait3A_102 = arith.constant 0 : i32
            %dma_wait3A_103 = tpu.memref_slice %arg4[%mul3A_97, %dma_wait3A_102] : memref<320000x128xf32, #tpu.memory_space<hbm>> -> memref<128x128xf32, #tpu.memory_space<hbm>>
            %dma_wait3A_104 = arith.constant 0 : i32
            %dma_wait3A_105 = tpu.memref_slice %arg4[%mul3A_97, %dma_wait3A_104] : memref<320000x128xf32, #tpu.memory_space<hbm>> -> memref<128x128xf32, #tpu.memory_space<hbm>>
            tpu.wait_dma2 semaphore(%run_scoped3A : memref<!tpu.dma_semaphore, #tpu.memory_space<semaphore_mem>>) src(%arg5 : memref<128x128xf32, #tpu.memory_space<vmem>>) dst(%dma_wait3A_105 : memref<128x128xf32, #tpu.memory_space<hbm>>)
            tpu.yield
          }) : () -> ()
        } else {
        }
        %mul3A_48 = arith.constant 8 : i32
        %mul3A_49 = arith.muli %add3A_9, %mul3A_48 : i32
        %add3A_50 = arith.constant 4 : i32
        %add3A_51 = arith.addi %mul3A_49, %add3A_50 : i32
        %lt3A_52 = arith.constant 2500 : i32
        %lt3A_53 = arith.cmpi slt, %add3A_51, %lt3A_52 : i32
        %convert_element_type3A_54 = arith.extui %lt3A_53 : i1 to i32
        %cond3A_55 = arith.constant 0 : i32
        %cond3A_56 = arith.cmpi ne, %convert_element_type3A_54, %cond3A_55 : i32
        scf.if %cond3A_56 {
          %dma_start3A = arith.constant 4 : i32
          %dma_start3A_84 = arith.constant 0 : i32
          %dma_start3A_85 = tpu.memref_slice %arg6[%dma_start3A, %dma_start3A_84] : memref<8x128xi32, #tpu.memory_space<vmem>> -> memref<1x128xi32, #tpu.memory_space<vmem>>
          %dma_start3A_86 = tpu.memref_squeeze %dma_start3A_85 : memref<1x128xi32, #tpu.memory_space<vmem>> -> memref<128xi32, #tpu.memory_space<vmem>>
          %dma_start3A_87 = arith.constant 0 : i32
          %dma_start3A_88 = arith.constant 0 : i32
          %dma_start3A_89 = tpu.memref_slice %arg2[%dma_start3A_87, %dma_start3A_88] : memref<10112x128xf32, #tpu.memory_space<hbm>> -> memref<10112x128xf32, #tpu.memory_space<hbm>>
          tpu.enqueue_indirect_dma source(%dma_start3A_89 : memref<10112x128xf32, #tpu.memory_space<hbm>>) target(%arg5 : memref<128x128xf32, #tpu.memory_space<vmem>>) offsets(%dma_start3A_86 : memref<128xi32, #tpu.memory_space<vmem>>) semaphore(%arg7 : memref<!tpu.dma_semaphore, #tpu.memory_space<semaphore_mem>>)
          %dma_wait3A = arith.constant 4 : i32
          %dma_wait3A_90 = arith.constant 0 : i32
          %dma_wait3A_91 = tpu.memref_slice %arg6[%dma_wait3A, %dma_wait3A_90] : memref<8x128xi32, #tpu.memory_space<vmem>> -> memref<1x128xi32, #tpu.memory_space<vmem>>
          %dma_wait3A_92 = tpu.memref_squeeze %dma_wait3A_91 : memref<1x128xi32, #tpu.memory_space<vmem>> -> memref<128xi32, #tpu.memory_space<vmem>>
          %dma_wait3A_93 = arith.constant 0 : i32
          %dma_wait3A_94 = arith.constant 0 : i32
          %dma_wait3A_95 = tpu.memref_slice %arg2[%dma_wait3A_93, %dma_wait3A_94] : memref<10112x128xf32, #tpu.memory_space<hbm>> -> memref<10112x128xf32, #tpu.memory_space<hbm>>
          tpu.wait_indirect_dma semaphore(%arg7 : memref<!tpu.dma_semaphore, #tpu.memory_space<semaphore_mem>>) src(%dma_wait3A_95 : memref<10112x128xf32, #tpu.memory_space<hbm>>) dst(%arg5 : memref<128x128xf32, #tpu.memory_space<vmem>>)
          %mul3A_96 = arith.constant 128 : i32
          %mul3A_97 = arith.muli %add3A_51, %mul3A_96 : i32
          "tpu.region"() ({
            %run_scoped3A = tpu.sem_alloc : memref<!tpu.dma_semaphore, #tpu.memory_space<semaphore_mem>>
            %dma_start3A_98 = arith.constant 0 : i32
            %dma_start3A_99 = tpu.memref_slice %arg4[%mul3A_97, %dma_start3A_98] : memref<320000x128xf32, #tpu.memory_space<hbm>> -> memref<128x128xf32, #tpu.memory_space<hbm>>
            %dma_start3A_100 = arith.constant 0 : i32
            %dma_start3A_101 = tpu.memref_slice %arg4[%mul3A_97, %dma_start3A_100] : memref<320000x128xf32, #tpu.memory_space<hbm>> -> memref<128x128xf32, #tpu.memory_space<hbm>>
            tpu.enqueue_dma source(%arg5 : memref<128x128xf32, #tpu.memory_space<vmem>>) target(%dma_start3A_101 : memref<128x128xf32, #tpu.memory_space<hbm>>) target_semaphore(%run_scoped3A : memref<!tpu.dma_semaphore, #tpu.memory_space<semaphore_mem>>)
            %dma_wait3A_102 = arith.constant 0 : i32
            %dma_wait3A_103 = tpu.memref_slice %arg4[%mul3A_97, %dma_wait3A_102] : memref<320000x128xf32, #tpu.memory_space<hbm>> -> memref<128x128xf32, #tpu.memory_space<hbm>>
            %dma_wait3A_104 = arith.constant 0 : i32
            %dma_wait3A_105 = tpu.memref_slice %arg4[%mul3A_97, %dma_wait3A_104] : memref<320000x128xf32, #tpu.memory_space<hbm>> -> memref<128x128xf32, #tpu.memory_space<hbm>>
            tpu.wait_dma2 semaphore(%run_scoped3A : memref<!tpu.dma_semaphore, #tpu.memory_space<semaphore_mem>>) src(%arg5 : memref<128x128xf32, #tpu.memory_space<vmem>>) dst(%dma_wait3A_105 : memref<128x128xf32, #tpu.memory_space<hbm>>)
            tpu.yield
          }) : () -> ()
        } else {
        }
        %mul3A_57 = arith.constant 8 : i32
        %mul3A_58 = arith.muli %add3A_9, %mul3A_57 : i32
        %add3A_59 = arith.constant 5 : i32
        %add3A_60 = arith.addi %mul3A_58, %add3A_59 : i32
        %lt3A_61 = arith.constant 2500 : i32
        %lt3A_62 = arith.cmpi slt, %add3A_60, %lt3A_61 : i32
        %convert_element_type3A_63 = arith.extui %lt3A_62 : i1 to i32
        %cond3A_64 = arith.constant 0 : i32
        %cond3A_65 = arith.cmpi ne, %convert_element_type3A_63, %cond3A_64 : i32
        scf.if %cond3A_65 {
          %dma_start3A = arith.constant 5 : i32
          %dma_start3A_84 = arith.constant 0 : i32
          %dma_start3A_85 = tpu.memref_slice %arg6[%dma_start3A, %dma_start3A_84] : memref<8x128xi32, #tpu.memory_space<vmem>> -> memref<1x128xi32, #tpu.memory_space<vmem>>
          %dma_start3A_86 = tpu.memref_squeeze %dma_start3A_85 : memref<1x128xi32, #tpu.memory_space<vmem>> -> memref<128xi32, #tpu.memory_space<vmem>>
          %dma_start3A_87 = arith.constant 0 : i32
          %dma_start3A_88 = arith.constant 0 : i32
          %dma_start3A_89 = tpu.memref_slice %arg2[%dma_start3A_87, %dma_start3A_88] : memref<10112x128xf32, #tpu.memory_space<hbm>> -> memref<10112x128xf32, #tpu.memory_space<hbm>>
          tpu.enqueue_indirect_dma source(%dma_start3A_89 : memref<10112x128xf32, #tpu.memory_space<hbm>>) target(%arg5 : memref<128x128xf32, #tpu.memory_space<vmem>>) offsets(%dma_start3A_86 : memref<128xi32, #tpu.memory_space<vmem>>) semaphore(%arg7 : memref<!tpu.dma_semaphore, #tpu.memory_space<semaphore_mem>>)
          %dma_wait3A = arith.constant 5 : i32
          %dma_wait3A_90 = arith.constant 0 : i32
          %dma_wait3A_91 = tpu.memref_slice %arg6[%dma_wait3A, %dma_wait3A_90] : memref<8x128xi32, #tpu.memory_space<vmem>> -> memref<1x128xi32, #tpu.memory_space<vmem>>
          %dma_wait3A_92 = tpu.memref_squeeze %dma_wait3A_91 : memref<1x128xi32, #tpu.memory_space<vmem>> -> memref<128xi32, #tpu.memory_space<vmem>>
          %dma_wait3A_93 = arith.constant 0 : i32
          %dma_wait3A_94 = arith.constant 0 : i32
          %dma_wait3A_95 = tpu.memref_slice %arg2[%dma_wait3A_93, %dma_wait3A_94] : memref<10112x128xf32, #tpu.memory_space<hbm>> -> memref<10112x128xf32, #tpu.memory_space<hbm>>
          tpu.wait_indirect_dma semaphore(%arg7 : memref<!tpu.dma_semaphore, #tpu.memory_space<semaphore_mem>>) src(%dma_wait3A_95 : memref<10112x128xf32, #tpu.memory_space<hbm>>) dst(%arg5 : memref<128x128xf32, #tpu.memory_space<vmem>>)
          %mul3A_96 = arith.constant 128 : i32
          %mul3A_97 = arith.muli %add3A_60, %mul3A_96 : i32
          "tpu.region"() ({
            %run_scoped3A = tpu.sem_alloc : memref<!tpu.dma_semaphore, #tpu.memory_space<semaphore_mem>>
            %dma_start3A_98 = arith.constant 0 : i32
            %dma_start3A_99 = tpu.memref_slice %arg4[%mul3A_97, %dma_start3A_98] : memref<320000x128xf32, #tpu.memory_space<hbm>> -> memref<128x128xf32, #tpu.memory_space<hbm>>
            %dma_start3A_100 = arith.constant 0 : i32
            %dma_start3A_101 = tpu.memref_slice %arg4[%mul3A_97, %dma_start3A_100] : memref<320000x128xf32, #tpu.memory_space<hbm>> -> memref<128x128xf32, #tpu.memory_space<hbm>>
            tpu.enqueue_dma source(%arg5 : memref<128x128xf32, #tpu.memory_space<vmem>>) target(%dma_start3A_101 : memref<128x128xf32, #tpu.memory_space<hbm>>) target_semaphore(%run_scoped3A : memref<!tpu.dma_semaphore, #tpu.memory_space<semaphore_mem>>)
            %dma_wait3A_102 = arith.constant 0 : i32
            %dma_wait3A_103 = tpu.memref_slice %arg4[%mul3A_97, %dma_wait3A_102] : memref<320000x128xf32, #tpu.memory_space<hbm>> -> memref<128x128xf32, #tpu.memory_space<hbm>>
            %dma_wait3A_104 = arith.constant 0 : i32
            %dma_wait3A_105 = tpu.memref_slice %arg4[%mul3A_97, %dma_wait3A_104] : memref<320000x128xf32, #tpu.memory_space<hbm>> -> memref<128x128xf32, #tpu.memory_space<hbm>>
            tpu.wait_dma2 semaphore(%run_scoped3A : memref<!tpu.dma_semaphore, #tpu.memory_space<semaphore_mem>>) src(%arg5 : memref<128x128xf32, #tpu.memory_space<vmem>>) dst(%dma_wait3A_105 : memref<128x128xf32, #tpu.memory_space<hbm>>)
            tpu.yield
          }) : () -> ()
        } else {
        }
        %mul3A_66 = arith.constant 8 : i32
        %mul3A_67 = arith.muli %add3A_9, %mul3A_66 : i32
        %add3A_68 = arith.constant 6 : i32
        %add3A_69 = arith.addi %mul3A_67, %add3A_68 : i32
        %lt3A_70 = arith.constant 2500 : i32
        %lt3A_71 = arith.cmpi slt, %add3A_69, %lt3A_70 : i32
        %convert_element_type3A_72 = arith.extui %lt3A_71 : i1 to i32
        %cond3A_73 = arith.constant 0 : i32
        %cond3A_74 = arith.cmpi ne, %convert_element_type3A_72, %cond3A_73 : i32
        scf.if %cond3A_74 {
          %dma_start3A = arith.constant 6 : i32
          %dma_start3A_84 = arith.constant 0 : i32
          %dma_start3A_85 = tpu.memref_slice %arg6[%dma_start3A, %dma_start3A_84] : memref<8x128xi32, #tpu.memory_space<vmem>> -> memref<1x128xi32, #tpu.memory_space<vmem>>
          %dma_start3A_86 = tpu.memref_squeeze %dma_start3A_85 : memref<1x128xi32, #tpu.memory_space<vmem>> -> memref<128xi32, #tpu.memory_space<vmem>>
          %dma_start3A_87 = arith.constant 0 : i32
          %dma_start3A_88 = arith.constant 0 : i32
          %dma_start3A_89 = tpu.memref_slice %arg2[%dma_start3A_87, %dma_start3A_88] : memref<10112x128xf32, #tpu.memory_space<hbm>> -> memref<10112x128xf32, #tpu.memory_space<hbm>>
          tpu.enqueue_indirect_dma source(%dma_start3A_89 : memref<10112x128xf32, #tpu.memory_space<hbm>>) target(%arg5 : memref<128x128xf32, #tpu.memory_space<vmem>>) offsets(%dma_start3A_86 : memref<128xi32, #tpu.memory_space<vmem>>) semaphore(%arg7 : memref<!tpu.dma_semaphore, #tpu.memory_space<semaphore_mem>>)
          %dma_wait3A = arith.constant 6 : i32
          %dma_wait3A_90 = arith.constant 0 : i32
          %dma_wait3A_91 = tpu.memref_slice %arg6[%dma_wait3A, %dma_wait3A_90] : memref<8x128xi32, #tpu.memory_space<vmem>> -> memref<1x128xi32, #tpu.memory_space<vmem>>
          %dma_wait3A_92 = tpu.memref_squeeze %dma_wait3A_91 : memref<1x128xi32, #tpu.memory_space<vmem>> -> memref<128xi32, #tpu.memory_space<vmem>>
          %dma_wait3A_93 = arith.constant 0 : i32
          %dma_wait3A_94 = arith.constant 0 : i32
          %dma_wait3A_95 = tpu.memref_slice %arg2[%dma_wait3A_93, %dma_wait3A_94] : memref<10112x128xf32, #tpu.memory_space<hbm>> -> memref<10112x128xf32, #tpu.memory_space<hbm>>
          tpu.wait_indirect_dma semaphore(%arg7 : memref<!tpu.dma_semaphore, #tpu.memory_space<semaphore_mem>>) src(%dma_wait3A_95 : memref<10112x128xf32, #tpu.memory_space<hbm>>) dst(%arg5 : memref<128x128xf32, #tpu.memory_space<vmem>>)
          %mul3A_96 = arith.constant 128 : i32
          %mul3A_97 = arith.muli %add3A_69, %mul3A_96 : i32
          "tpu.region"() ({
            %run_scoped3A = tpu.sem_alloc : memref<!tpu.dma_semaphore, #tpu.memory_space<semaphore_mem>>
            %dma_start3A_98 = arith.constant 0 : i32
            %dma_start3A_99 = tpu.memref_slice %arg4[%mul3A_97, %dma_start3A_98] : memref<320000x128xf32, #tpu.memory_space<hbm>> -> memref<128x128xf32, #tpu.memory_space<hbm>>
            %dma_start3A_100 = arith.constant 0 : i32
            %dma_start3A_101 = tpu.memref_slice %arg4[%mul3A_97, %dma_start3A_100] : memref<320000x128xf32, #tpu.memory_space<hbm>> -> memref<128x128xf32, #tpu.memory_space<hbm>>
            tpu.enqueue_dma source(%arg5 : memref<128x128xf32, #tpu.memory_space<vmem>>) target(%dma_start3A_101 : memref<128x128xf32, #tpu.memory_space<hbm>>) target_semaphore(%run_scoped3A : memref<!tpu.dma_semaphore, #tpu.memory_space<semaphore_mem>>)
            %dma_wait3A_102 = arith.constant 0 : i32
            %dma_wait3A_103 = tpu.memref_slice %arg4[%mul3A_97, %dma_wait3A_102] : memref<320000x128xf32, #tpu.memory_space<hbm>> -> memref<128x128xf32, #tpu.memory_space<hbm>>
            %dma_wait3A_104 = arith.constant 0 : i32
            %dma_wait3A_105 = tpu.memref_slice %arg4[%mul3A_97, %dma_wait3A_104] : memref<320000x128xf32, #tpu.memory_space<hbm>> -> memref<128x128xf32, #tpu.memory_space<hbm>>
            tpu.wait_dma2 semaphore(%run_scoped3A : memref<!tpu.dma_semaphore, #tpu.memory_space<semaphore_mem>>) src(%arg5 : memref<128x128xf32, #tpu.memory_space<vmem>>) dst(%dma_wait3A_105 : memref<128x128xf32, #tpu.memory_space<hbm>>)
            tpu.yield
          }) : () -> ()
        } else {
        }
        %mul3A_75 = arith.constant 8 : i32
        %mul3A_76 = arith.muli %add3A_9, %mul3A_75 : i32
        %add3A_77 = arith.constant 7 : i32
        %add3A_78 = arith.addi %mul3A_76, %add3A_77 : i32
        %lt3A_79 = arith.constant 2500 : i32
        %lt3A_80 = arith.cmpi slt, %add3A_78, %lt3A_79 : i32
        %convert_element_type3A_81 = arith.extui %lt3A_80 : i1 to i32
        %cond3A_82 = arith.constant 0 : i32
        %cond3A_83 = arith.cmpi ne, %convert_element_type3A_81, %cond3A_82 : i32
        scf.if %cond3A_83 {
          %dma_start3A = arith.constant 7 : i32
          %dma_start3A_84 = arith.constant 0 : i32
          %dma_start3A_85 = tpu.memref_slice %arg6[%dma_start3A, %dma_start3A_84] : memref<8x128xi32, #tpu.memory_space<vmem>> -> memref<1x128xi32, #tpu.memory_space<vmem>>
          %dma_start3A_86 = tpu.memref_squeeze %dma_start3A_85 : memref<1x128xi32, #tpu.memory_space<vmem>> -> memref<128xi32, #tpu.memory_space<vmem>>
          %dma_start3A_87 = arith.constant 0 : i32
          %dma_start3A_88 = arith.constant 0 : i32
          %dma_start3A_89 = tpu.memref_slice %arg2[%dma_start3A_87, %dma_start3A_88] : memref<10112x128xf32, #tpu.memory_space<hbm>> -> memref<10112x128xf32, #tpu.memory_space<hbm>>
          tpu.enqueue_indirect_dma source(%dma_start3A_89 : memref<10112x128xf32, #tpu.memory_space<hbm>>) target(%arg5 : memref<128x128xf32, #tpu.memory_space<vmem>>) offsets(%dma_start3A_86 : memref<128xi32, #tpu.memory_space<vmem>>) semaphore(%arg7 : memref<!tpu.dma_semaphore, #tpu.memory_space<semaphore_mem>>)
          %dma_wait3A = arith.constant 7 : i32
          %dma_wait3A_90 = arith.constant 0 : i32
          %dma_wait3A_91 = tpu.memref_slice %arg6[%dma_wait3A, %dma_wait3A_90] : memref<8x128xi32, #tpu.memory_space<vmem>> -> memref<1x128xi32, #tpu.memory_space<vmem>>
          %dma_wait3A_92 = tpu.memref_squeeze %dma_wait3A_91 : memref<1x128xi32, #tpu.memory_space<vmem>> -> memref<128xi32, #tpu.memory_space<vmem>>
          %dma_wait3A_93 = arith.constant 0 : i32
          %dma_wait3A_94 = arith.constant 0 : i32
          %dma_wait3A_95 = tpu.memref_slice %arg2[%dma_wait3A_93, %dma_wait3A_94] : memref<10112x128xf32, #tpu.memory_space<hbm>> -> memref<10112x128xf32, #tpu.memory_space<hbm>>
          tpu.wait_indirect_dma semaphore(%arg7 : memref<!tpu.dma_semaphore, #tpu.memory_space<semaphore_mem>>) src(%dma_wait3A_95 : memref<10112x128xf32, #tpu.memory_space<hbm>>) dst(%arg5 : memref<128x128xf32, #tpu.memory_space<vmem>>)
          %mul3A_96 = arith.constant 128 : i32
          %mul3A_97 = arith.muli %add3A_78, %mul3A_96 : i32
          "tpu.region"() ({
            %run_scoped3A = tpu.sem_alloc : memref<!tpu.dma_semaphore, #tpu.memory_space<semaphore_mem>>
            %dma_start3A_98 = arith.constant 0 : i32
            %dma_start3A_99 = tpu.memref_slice %arg4[%mul3A_97, %dma_start3A_98] : memref<320000x128xf32, #tpu.memory_space<hbm>> -> memref<128x128xf32, #tpu.memory_space<hbm>>
            %dma_start3A_100 = arith.constant 0 : i32
            %dma_start3A_101 = tpu.memref_slice %arg4[%mul3A_97, %dma_start3A_100] : memref<320000x128xf32, #tpu.memory_space<hbm>> -> memref<128x128xf32, #tpu.memory_space<hbm>>
            tpu.enqueue_dma source(%arg5 : memref<128x128xf32, #tpu.memory_space<vmem>>) target(%dma_start3A_101 : memref<128x128xf32, #tpu.memory_space<hbm>>) target_semaphore(%run_scoped3A : memref<!tpu.dma_semaphore, #tpu.memory_space<semaphore_mem>>)
            %dma_wait3A_102 = arith.constant 0 : i32
            %dma_wait3A_103 = tpu.memref_slice %arg4[%mul3A_97, %dma_wait3A_102] : memref<320000x128xf32, #tpu.memory_space<hbm>> -> memref<128x128xf32, #tpu.memory_space<hbm>>
            %dma_wait3A_104 = arith.constant 0 : i32
            %dma_wait3A_105 = tpu.memref_slice %arg4[%mul3A_97, %dma_wait3A_104] : memref<320000x128xf32, #tpu.memory_space<hbm>> -> memref<128x128xf32, #tpu.memory_space<hbm>>
            tpu.wait_dma2 semaphore(%run_scoped3A : memref<!tpu.dma_semaphore, #tpu.memory_space<semaphore_mem>>) src(%arg5 : memref<128x128xf32, #tpu.memory_space<vmem>>) dst(%dma_wait3A_105 : memref<128x128xf32, #tpu.memory_space<hbm>>)
            tpu.yield
          }) : () -> ()
        } else {
        }
      } else {
      }
    }
    %scan3A_5 = arith.constant 10 : i32
    return
  }
}

#map = affine_map<(d0, d1) -> (0, 0)>
#map1 = affine_map<(d0, d1) -> (0, 0, 0)>
module attributes {stable_mosaic.version = 14 : i64} {
  func.func @_sc_scatter_body(%arg0: i32, %arg1: i32, %arg2: memref<320000x128xf32, #tpu.memory_space<hbm>>, %arg3: memref<313x8x128xi32, #tpu.memory_space<hbm>>, %arg4: memref<10112x128xf32, #tpu.memory_space<hbm>>, %arg5: memref<2x10112x128xf32, #tpu.memory_space<hbm>>, %arg6: memref<128x128xf32, #tpu.memory_space<vmem>>, %arg7: memref<8x128xi32, #tpu.memory_space<vmem>>, %arg8: memref<10112x128xf32, #tpu.memory_space<vmem_shared>>) attributes {dimension_semantics = [#tpu.dimension_semantics<core_parallel>, #tpu.dimension_semantics<subcore_parallel>], iteration_bounds = array<i64: 2, 16>, scalar_prefetch = 0 : i64, scratch_operands = 3 : i64, tpu.core_type = #tpu.core_type<sc_vector_subcore>, window_params = [{transform_indices = #map}, {transform_indices = #map1}, {transform_indices = #map}, {transform_indices = #map1}]} {
    %mul3A = arith.constant 16 : i32
    %mul3A_0 = arith.muli %arg0, %mul3A : i32
    %add3A = arith.addi %mul3A_0, %arg1 : i32
    %mul3A_1 = arith.constant 632 : i32
    %mul3A_2 = arith.muli %arg1, %mul3A_1 : i32
    %mul3A_3 = arith.constant 632 : i32
    %mul3A_4 = arith.muli %arg1, %mul3A_3 : i32
    "tpu.region"() ({
      %run_scoped3A = tpu.sem_alloc : memref<!tpu.dma_semaphore, #tpu.memory_space<semaphore_mem>>
      %dma_start3A = arith.constant 0 : i32
      %dma_start3A_15 = tpu.memref_slice %arg8[%mul3A_4, %dma_start3A] : memref<10112x128xf32, #tpu.memory_space<vmem_shared>> -> memref<632x128xf32, #tpu.memory_space<vmem_shared>>
      %dma_start3A_16 = arith.constant 0 : i32
      %dma_start3A_17 = tpu.memref_slice %arg4[%mul3A_2, %dma_start3A_16] : memref<10112x128xf32, #tpu.memory_space<hbm>> -> memref<632x128xf32, #tpu.memory_space<hbm>>
      tpu.enqueue_dma source(%dma_start3A_17 : memref<632x128xf32, #tpu.memory_space<hbm>>) target(%dma_start3A_15 : memref<632x128xf32, #tpu.memory_space<vmem_shared>>) target_semaphore(%run_scoped3A : memref<!tpu.dma_semaphore, #tpu.memory_space<semaphore_mem>>)
      %dma_wait3A = arith.constant 0 : i32
      %dma_wait3A_18 = tpu.memref_slice %arg8[%mul3A_4, %dma_wait3A] : memref<10112x128xf32, #tpu.memory_space<vmem_shared>> -> memref<632x128xf32, #tpu.memory_space<vmem_shared>>
      %dma_wait3A_19 = arith.constant 0 : i32
      %dma_wait3A_20 = tpu.memref_slice %arg4[%mul3A_2, %dma_wait3A_19] : memref<10112x128xf32, #tpu.memory_space<hbm>> -> memref<632x128xf32, #tpu.memory_space<hbm>>
      tpu.wait_dma2 semaphore(%run_scoped3A : memref<!tpu.dma_semaphore, #tpu.memory_space<semaphore_mem>>) src(%dma_wait3A_20 : memref<632x128xf32, #tpu.memory_space<hbm>>) dst(%dma_wait3A_18 : memref<632x128xf32, #tpu.memory_space<vmem_shared>>)
      tpu.yield
    }) : () -> ()
    %barrier3A = arith.constant 0 : index
    tpu.barrier barrier_id(%barrier3A)
    %scan3A = arith.constant 0 : i32
    %scan3A_5 = arith.constant 0 : i32
    %scan3A_6 = arith.constant 10 : i32
    %scan3A_7 = arith.addi %scan3A_5, %scan3A_6 : i32
    %scan3A_8 = arith.constant 1 : i32
    scf.for %scan3A_15 = %scan3A_5 to %scan3A_7 step %scan3A_8  : i32 {
      %mul3A_16 = arith.constant 32 : i32
      %mul3A_17 = arith.muli %scan3A_15, %mul3A_16 : i32
      %add3A_18 = arith.addi %add3A, %mul3A_17 : i32
      %lt3A = arith.constant 313 : i32
      %lt3A_19 = arith.cmpi slt, %add3A_18, %lt3A : i32
      %convert_element_type3A = arith.extui %lt3A_19 : i1 to i32
      %cond3A = arith.constant 0 : i32
      %cond3A_20 = arith.cmpi ne, %convert_element_type3A, %cond3A : i32
      scf.if %cond3A_20 {
        "tpu.region"() ({
          %run_scoped3A = tpu.sem_alloc : memref<!tpu.dma_semaphore, #tpu.memory_space<semaphore_mem>>
          %dma_start3A = arith.constant 0 : i32
          %dma_start3A_93 = arith.constant 0 : i32
          %dma_start3A_94 = tpu.memref_slice %arg3[%add3A_18, %dma_start3A, %dma_start3A_93] : memref<313x8x128xi32, #tpu.memory_space<hbm>> -> memref<1x8x128xi32, #tpu.memory_space<hbm>>
          %dma_start3A_95 = tpu.memref_squeeze %dma_start3A_94 : memref<1x8x128xi32, #tpu.memory_space<hbm>> -> memref<8x128xi32, #tpu.memory_space<hbm>>
          %dma_start3A_96 = arith.constant 0 : i32
          %dma_start3A_97 = arith.constant 0 : i32
          %dma_start3A_98 = tpu.memref_slice %arg3[%add3A_18, %dma_start3A_96, %dma_start3A_97] : memref<313x8x128xi32, #tpu.memory_space<hbm>> -> memref<1x8x128xi32, #tpu.memory_space<hbm>>
          %dma_start3A_99 = tpu.memref_squeeze %dma_start3A_98 : memref<1x8x128xi32, #tpu.memory_space<hbm>> -> memref<8x128xi32, #tpu.memory_space<hbm>>
          tpu.enqueue_dma source(%dma_start3A_99 : memref<8x128xi32, #tpu.memory_space<hbm>>) target(%arg7 : memref<8x128xi32, #tpu.memory_space<vmem>>) target_semaphore(%run_scoped3A : memref<!tpu.dma_semaphore, #tpu.memory_space<semaphore_mem>>)
          %dma_wait3A = arith.constant 0 : i32
          %dma_wait3A_100 = arith.constant 0 : i32
          %dma_wait3A_101 = tpu.memref_slice %arg3[%add3A_18, %dma_wait3A, %dma_wait3A_100] : memref<313x8x128xi32, #tpu.memory_space<hbm>> -> memref<1x8x128xi32, #tpu.memory_space<hbm>>
          %dma_wait3A_102 = tpu.memref_squeeze %dma_wait3A_101 : memref<1x8x128xi32, #tpu.memory_space<hbm>> -> memref<8x128xi32, #tpu.memory_space<hbm>>
          %dma_wait3A_103 = arith.constant 0 : i32
          %dma_wait3A_104 = arith.constant 0 : i32
          %dma_wait3A_105 = tpu.memref_slice %arg3[%add3A_18, %dma_wait3A_103, %dma_wait3A_104] : memref<313x8x128xi32, #tpu.memory_space<hbm>> -> memref<1x8x128xi32, #tpu.memory_space<hbm>>
          %dma_wait3A_106 = tpu.memref_squeeze %dma_wait3A_105 : memref<1x8x128xi32, #tpu.memory_space<hbm>> -> memref<8x128xi32, #tpu.memory_space<hbm>>
          tpu.wait_dma2 semaphore(%run_scoped3A : memref<!tpu.dma_semaphore, #tpu.memory_space<semaphore_mem>>) src(%dma_wait3A_106 : memref<8x128xi32, #tpu.memory_space<hbm>>) dst(%arg7 : memref<8x128xi32, #tpu.memory_space<vmem>>)
          tpu.yield
        }) : () -> ()
        %mul3A_21 = arith.constant 8 : i32
        %mul3A_22 = arith.muli %add3A_18, %mul3A_21 : i32
        %add3A_23 = arith.constant 0 : i32
        %add3A_24 = arith.addi %mul3A_22, %add3A_23 : i32
        %lt3A_25 = arith.constant 2500 : i32
        %lt3A_26 = arith.cmpi slt, %add3A_24, %lt3A_25 : i32
        %convert_element_type3A_27 = arith.extui %lt3A_26 : i1 to i32
        %cond3A_28 = arith.constant 0 : i32
        %cond3A_29 = arith.cmpi ne, %convert_element_type3A_27, %cond3A_28 : i32
        scf.if %cond3A_29 {
          %mul3A_93 = arith.constant 128 : i32
          %mul3A_94 = arith.muli %add3A_24, %mul3A_93 : i32
          "tpu.region"() ({
            %run_scoped3A_95 = tpu.sem_alloc : memref<!tpu.dma_semaphore, #tpu.memory_space<semaphore_mem>>
            %dma_start3A = arith.constant 0 : i32
            %dma_start3A_96 = tpu.memref_slice %arg2[%mul3A_94, %dma_start3A] : memref<320000x128xf32, #tpu.memory_space<hbm>> -> memref<128x128xf32, #tpu.memory_space<hbm>>
            %dma_start3A_97 = arith.constant 0 : i32
            %dma_start3A_98 = tpu.memref_slice %arg2[%mul3A_94, %dma_start3A_97] : memref<320000x128xf32, #tpu.memory_space<hbm>> -> memref<128x128xf32, #tpu.memory_space<hbm>>
            tpu.enqueue_dma source(%dma_start3A_98 : memref<128x128xf32, #tpu.memory_space<hbm>>) target(%arg6 : memref<128x128xf32, #tpu.memory_space<vmem>>) target_semaphore(%run_scoped3A_95 : memref<!tpu.dma_semaphore, #tpu.memory_space<semaphore_mem>>)
            %dma_wait3A = arith.constant 0 : i32
            %dma_wait3A_99 = tpu.memref_slice %arg2[%mul3A_94, %dma_wait3A] : memref<320000x128xf32, #tpu.memory_space<hbm>> -> memref<128x128xf32, #tpu.memory_space<hbm>>
            %dma_wait3A_100 = arith.constant 0 : i32
            %dma_wait3A_101 = tpu.memref_slice %arg2[%mul3A_94, %dma_wait3A_100] : memref<320000x128xf32, #tpu.memory_space<hbm>> -> memref<128x128xf32, #tpu.memory_space<hbm>>
            tpu.wait_dma2 semaphore(%run_scoped3A_95 : memref<!tpu.dma_semaphore, #tpu.memory_space<semaphore_mem>>) src(%dma_wait3A_101 : memref<128x128xf32, #tpu.memory_space<hbm>>) dst(%arg6 : memref<128x128xf32, #tpu.memory_space<vmem>>)
            tpu.yield
          }) : () -> ()
          %run_scoped3A = arith.constant 0 : i32
          "tpu.region"() ({
            %run_scoped3A_95 = tpu.sem_alloc : memref<!tpu.dma_semaphore, #tpu.memory_space<semaphore_mem>>
            %dma_start3A = arith.constant 0 : i32
            %dma_start3A_96 = tpu.memref_slice %arg7[%run_scoped3A, %dma_start3A] : memref<8x128xi32, #tpu.memory_space<vmem>> -> memref<1x128xi32, #tpu.memory_space<vmem>>
            %dma_start3A_97 = tpu.memref_squeeze %dma_start3A_96 : memref<1x128xi32, #tpu.memory_space<vmem>> -> memref<128xi32, #tpu.memory_space<vmem>>
            %dma_start3A_98 = arith.constant 0 : i32
            %dma_start3A_99 = arith.constant 0 : i32
            %dma_start3A_100 = tpu.memref_slice %arg8[%dma_start3A_98, %dma_start3A_99] : memref<10112x128xf32, #tpu.memory_space<vmem_shared>> -> memref<10112x128xf32, #tpu.memory_space<vmem_shared>>
            tpu.enqueue_indirect_dma source(%arg6 : memref<128x128xf32, #tpu.memory_space<vmem>>) target(%dma_start3A_100 : memref<10112x128xf32, #tpu.memory_space<vmem_shared>>) offsets(%dma_start3A_97 : memref<128xi32, #tpu.memory_space<vmem>>) semaphore(%run_scoped3A_95 : memref<!tpu.dma_semaphore, #tpu.memory_space<semaphore_mem>>) {add = true}
            %dma_wait3A = arith.constant 0 : i32
            %dma_wait3A_101 = tpu.memref_slice %arg7[%run_scoped3A, %dma_wait3A] : memref<8x128xi32, #tpu.memory_space<vmem>> -> memref<1x128xi32, #tpu.memory_space<vmem>>
            %dma_wait3A_102 = tpu.memref_squeeze %dma_wait3A_101 : memref<1x128xi32, #tpu.memory_space<vmem>> -> memref<128xi32, #tpu.memory_space<vmem>>
            %dma_wait3A_103 = arith.constant 0 : i32
            %dma_wait3A_104 = arith.constant 0 : i32
            %dma_wait3A_105 = tpu.memref_slice %arg8[%dma_wait3A_103, %dma_wait3A_104] : memref<10112x128xf32, #tpu.memory_space<vmem_shared>> -> memref<10112x128xf32, #tpu.memory_space<vmem_shared>>
            tpu.wait_indirect_dma semaphore(%run_scoped3A_95 : memref<!tpu.dma_semaphore, #tpu.memory_space<semaphore_mem>>) src(%arg6 : memref<128x128xf32, #tpu.memory_space<vmem>>) dst(%dma_wait3A_105 : memref<10112x128xf32, #tpu.memory_space<vmem_shared>>)
            tpu.yield
          }) : () -> ()
        } else {
        }
        %mul3A_30 = arith.constant 8 : i32
        %mul3A_31 = arith.muli %add3A_18, %mul3A_30 : i32
        %add3A_32 = arith.constant 1 : i32
        %add3A_33 = arith.addi %mul3A_31, %add3A_32 : i32
        %lt3A_34 = arith.constant 2500 : i32
        %lt3A_35 = arith.cmpi slt, %add3A_33, %lt3A_34 : i32
        %convert_element_type3A_36 = arith.extui %lt3A_35 : i1 to i32
        %cond3A_37 = arith.constant 0 : i32
        %cond3A_38 = arith.cmpi ne, %convert_element_type3A_36, %cond3A_37 : i32
        scf.if %cond3A_38 {
          %mul3A_93 = arith.constant 128 : i32
          %mul3A_94 = arith.muli %add3A_33, %mul3A_93 : i32
          "tpu.region"() ({
            %run_scoped3A_95 = tpu.sem_alloc : memref<!tpu.dma_semaphore, #tpu.memory_space<semaphore_mem>>
            %dma_start3A = arith.constant 0 : i32
            %dma_start3A_96 = tpu.memref_slice %arg2[%mul3A_94, %dma_start3A] : memref<320000x128xf32, #tpu.memory_space<hbm>> -> memref<128x128xf32, #tpu.memory_space<hbm>>
            %dma_start3A_97 = arith.constant 0 : i32
            %dma_start3A_98 = tpu.memref_slice %arg2[%mul3A_94, %dma_start3A_97] : memref<320000x128xf32, #tpu.memory_space<hbm>> -> memref<128x128xf32, #tpu.memory_space<hbm>>
            tpu.enqueue_dma source(%dma_start3A_98 : memref<128x128xf32, #tpu.memory_space<hbm>>) target(%arg6 : memref<128x128xf32, #tpu.memory_space<vmem>>) target_semaphore(%run_scoped3A_95 : memref<!tpu.dma_semaphore, #tpu.memory_space<semaphore_mem>>)
            %dma_wait3A = arith.constant 0 : i32
            %dma_wait3A_99 = tpu.memref_slice %arg2[%mul3A_94, %dma_wait3A] : memref<320000x128xf32, #tpu.memory_space<hbm>> -> memref<128x128xf32, #tpu.memory_space<hbm>>
            %dma_wait3A_100 = arith.constant 0 : i32
            %dma_wait3A_101 = tpu.memref_slice %arg2[%mul3A_94, %dma_wait3A_100] : memref<320000x128xf32, #tpu.memory_space<hbm>> -> memref<128x128xf32, #tpu.memory_space<hbm>>
            tpu.wait_dma2 semaphore(%run_scoped3A_95 : memref<!tpu.dma_semaphore, #tpu.memory_space<semaphore_mem>>) src(%dma_wait3A_101 : memref<128x128xf32, #tpu.memory_space<hbm>>) dst(%arg6 : memref<128x128xf32, #tpu.memory_space<vmem>>)
            tpu.yield
          }) : () -> ()
          %run_scoped3A = arith.constant 1 : i32
          "tpu.region"() ({
            %run_scoped3A_95 = tpu.sem_alloc : memref<!tpu.dma_semaphore, #tpu.memory_space<semaphore_mem>>
            %dma_start3A = arith.constant 0 : i32
            %dma_start3A_96 = tpu.memref_slice %arg7[%run_scoped3A, %dma_start3A] : memref<8x128xi32, #tpu.memory_space<vmem>> -> memref<1x128xi32, #tpu.memory_space<vmem>>
            %dma_start3A_97 = tpu.memref_squeeze %dma_start3A_96 : memref<1x128xi32, #tpu.memory_space<vmem>> -> memref<128xi32, #tpu.memory_space<vmem>>
            %dma_start3A_98 = arith.constant 0 : i32
            %dma_start3A_99 = arith.constant 0 : i32
            %dma_start3A_100 = tpu.memref_slice %arg8[%dma_start3A_98, %dma_start3A_99] : memref<10112x128xf32, #tpu.memory_space<vmem_shared>> -> memref<10112x128xf32, #tpu.memory_space<vmem_shared>>
            tpu.enqueue_indirect_dma source(%arg6 : memref<128x128xf32, #tpu.memory_space<vmem>>) target(%dma_start3A_100 : memref<10112x128xf32, #tpu.memory_space<vmem_shared>>) offsets(%dma_start3A_97 : memref<128xi32, #tpu.memory_space<vmem>>) semaphore(%run_scoped3A_95 : memref<!tpu.dma_semaphore, #tpu.memory_space<semaphore_mem>>) {add = true}
            %dma_wait3A = arith.constant 0 : i32
            %dma_wait3A_101 = tpu.memref_slice %arg7[%run_scoped3A, %dma_wait3A] : memref<8x128xi32, #tpu.memory_space<vmem>> -> memref<1x128xi32, #tpu.memory_space<vmem>>
            %dma_wait3A_102 = tpu.memref_squeeze %dma_wait3A_101 : memref<1x128xi32, #tpu.memory_space<vmem>> -> memref<128xi32, #tpu.memory_space<vmem>>
            %dma_wait3A_103 = arith.constant 0 : i32
            %dma_wait3A_104 = arith.constant 0 : i32
            %dma_wait3A_105 = tpu.memref_slice %arg8[%dma_wait3A_103, %dma_wait3A_104] : memref<10112x128xf32, #tpu.memory_space<vmem_shared>> -> memref<10112x128xf32, #tpu.memory_space<vmem_shared>>
            tpu.wait_indirect_dma semaphore(%run_scoped3A_95 : memref<!tpu.dma_semaphore, #tpu.memory_space<semaphore_mem>>) src(%arg6 : memref<128x128xf32, #tpu.memory_space<vmem>>) dst(%dma_wait3A_105 : memref<10112x128xf32, #tpu.memory_space<vmem_shared>>)
            tpu.yield
          }) : () -> ()
        } else {
        }
        %mul3A_39 = arith.constant 8 : i32
        %mul3A_40 = arith.muli %add3A_18, %mul3A_39 : i32
        %add3A_41 = arith.constant 2 : i32
        %add3A_42 = arith.addi %mul3A_40, %add3A_41 : i32
        %lt3A_43 = arith.constant 2500 : i32
        %lt3A_44 = arith.cmpi slt, %add3A_42, %lt3A_43 : i32
        %convert_element_type3A_45 = arith.extui %lt3A_44 : i1 to i32
        %cond3A_46 = arith.constant 0 : i32
        %cond3A_47 = arith.cmpi ne, %convert_element_type3A_45, %cond3A_46 : i32
        scf.if %cond3A_47 {
          %mul3A_93 = arith.constant 128 : i32
          %mul3A_94 = arith.muli %add3A_42, %mul3A_93 : i32
          "tpu.region"() ({
            %run_scoped3A_95 = tpu.sem_alloc : memref<!tpu.dma_semaphore, #tpu.memory_space<semaphore_mem>>
            %dma_start3A = arith.constant 0 : i32
            %dma_start3A_96 = tpu.memref_slice %arg2[%mul3A_94, %dma_start3A] : memref<320000x128xf32, #tpu.memory_space<hbm>> -> memref<128x128xf32, #tpu.memory_space<hbm>>
            %dma_start3A_97 = arith.constant 0 : i32
            %dma_start3A_98 = tpu.memref_slice %arg2[%mul3A_94, %dma_start3A_97] : memref<320000x128xf32, #tpu.memory_space<hbm>> -> memref<128x128xf32, #tpu.memory_space<hbm>>
            tpu.enqueue_dma source(%dma_start3A_98 : memref<128x128xf32, #tpu.memory_space<hbm>>) target(%arg6 : memref<128x128xf32, #tpu.memory_space<vmem>>) target_semaphore(%run_scoped3A_95 : memref<!tpu.dma_semaphore, #tpu.memory_space<semaphore_mem>>)
            %dma_wait3A = arith.constant 0 : i32
            %dma_wait3A_99 = tpu.memref_slice %arg2[%mul3A_94, %dma_wait3A] : memref<320000x128xf32, #tpu.memory_space<hbm>> -> memref<128x128xf32, #tpu.memory_space<hbm>>
            %dma_wait3A_100 = arith.constant 0 : i32
            %dma_wait3A_101 = tpu.memref_slice %arg2[%mul3A_94, %dma_wait3A_100] : memref<320000x128xf32, #tpu.memory_space<hbm>> -> memref<128x128xf32, #tpu.memory_space<hbm>>
            tpu.wait_dma2 semaphore(%run_scoped3A_95 : memref<!tpu.dma_semaphore, #tpu.memory_space<semaphore_mem>>) src(%dma_wait3A_101 : memref<128x128xf32, #tpu.memory_space<hbm>>) dst(%arg6 : memref<128x128xf32, #tpu.memory_space<vmem>>)
            tpu.yield
          }) : () -> ()
          %run_scoped3A = arith.constant 2 : i32
          "tpu.region"() ({
            %run_scoped3A_95 = tpu.sem_alloc : memref<!tpu.dma_semaphore, #tpu.memory_space<semaphore_mem>>
            %dma_start3A = arith.constant 0 : i32
            %dma_start3A_96 = tpu.memref_slice %arg7[%run_scoped3A, %dma_start3A] : memref<8x128xi32, #tpu.memory_space<vmem>> -> memref<1x128xi32, #tpu.memory_space<vmem>>
            %dma_start3A_97 = tpu.memref_squeeze %dma_start3A_96 : memref<1x128xi32, #tpu.memory_space<vmem>> -> memref<128xi32, #tpu.memory_space<vmem>>
            %dma_start3A_98 = arith.constant 0 : i32
            %dma_start3A_99 = arith.constant 0 : i32
            %dma_start3A_100 = tpu.memref_slice %arg8[%dma_start3A_98, %dma_start3A_99] : memref<10112x128xf32, #tpu.memory_space<vmem_shared>> -> memref<10112x128xf32, #tpu.memory_space<vmem_shared>>
            tpu.enqueue_indirect_dma source(%arg6 : memref<128x128xf32, #tpu.memory_space<vmem>>) target(%dma_start3A_100 : memref<10112x128xf32, #tpu.memory_space<vmem_shared>>) offsets(%dma_start3A_97 : memref<128xi32, #tpu.memory_space<vmem>>) semaphore(%run_scoped3A_95 : memref<!tpu.dma_semaphore, #tpu.memory_space<semaphore_mem>>) {add = true}
            %dma_wait3A = arith.constant 0 : i32
            %dma_wait3A_101 = tpu.memref_slice %arg7[%run_scoped3A, %dma_wait3A] : memref<8x128xi32, #tpu.memory_space<vmem>> -> memref<1x128xi32, #tpu.memory_space<vmem>>
            %dma_wait3A_102 = tpu.memref_squeeze %dma_wait3A_101 : memref<1x128xi32, #tpu.memory_space<vmem>> -> memref<128xi32, #tpu.memory_space<vmem>>
            %dma_wait3A_103 = arith.constant 0 : i32
            %dma_wait3A_104 = arith.constant 0 : i32
            %dma_wait3A_105 = tpu.memref_slice %arg8[%dma_wait3A_103, %dma_wait3A_104] : memref<10112x128xf32, #tpu.memory_space<vmem_shared>> -> memref<10112x128xf32, #tpu.memory_space<vmem_shared>>
            tpu.wait_indirect_dma semaphore(%run_scoped3A_95 : memref<!tpu.dma_semaphore, #tpu.memory_space<semaphore_mem>>) src(%arg6 : memref<128x128xf32, #tpu.memory_space<vmem>>) dst(%dma_wait3A_105 : memref<10112x128xf32, #tpu.memory_space<vmem_shared>>)
            tpu.yield
          }) : () -> ()
        } else {
        }
        %mul3A_48 = arith.constant 8 : i32
        %mul3A_49 = arith.muli %add3A_18, %mul3A_48 : i32
        %add3A_50 = arith.constant 3 : i32
        %add3A_51 = arith.addi %mul3A_49, %add3A_50 : i32
        %lt3A_52 = arith.constant 2500 : i32
        %lt3A_53 = arith.cmpi slt, %add3A_51, %lt3A_52 : i32
        %convert_element_type3A_54 = arith.extui %lt3A_53 : i1 to i32
        %cond3A_55 = arith.constant 0 : i32
        %cond3A_56 = arith.cmpi ne, %convert_element_type3A_54, %cond3A_55 : i32
        scf.if %cond3A_56 {
          %mul3A_93 = arith.constant 128 : i32
          %mul3A_94 = arith.muli %add3A_51, %mul3A_93 : i32
          "tpu.region"() ({
            %run_scoped3A_95 = tpu.sem_alloc : memref<!tpu.dma_semaphore, #tpu.memory_space<semaphore_mem>>
            %dma_start3A = arith.constant 0 : i32
            %dma_start3A_96 = tpu.memref_slice %arg2[%mul3A_94, %dma_start3A] : memref<320000x128xf32, #tpu.memory_space<hbm>> -> memref<128x128xf32, #tpu.memory_space<hbm>>
            %dma_start3A_97 = arith.constant 0 : i32
            %dma_start3A_98 = tpu.memref_slice %arg2[%mul3A_94, %dma_start3A_97] : memref<320000x128xf32, #tpu.memory_space<hbm>> -> memref<128x128xf32, #tpu.memory_space<hbm>>
            tpu.enqueue_dma source(%dma_start3A_98 : memref<128x128xf32, #tpu.memory_space<hbm>>) target(%arg6 : memref<128x128xf32, #tpu.memory_space<vmem>>) target_semaphore(%run_scoped3A_95 : memref<!tpu.dma_semaphore, #tpu.memory_space<semaphore_mem>>)
            %dma_wait3A = arith.constant 0 : i32
            %dma_wait3A_99 = tpu.memref_slice %arg2[%mul3A_94, %dma_wait3A] : memref<320000x128xf32, #tpu.memory_space<hbm>> -> memref<128x128xf32, #tpu.memory_space<hbm>>
            %dma_wait3A_100 = arith.constant 0 : i32
            %dma_wait3A_101 = tpu.memref_slice %arg2[%mul3A_94, %dma_wait3A_100] : memref<320000x128xf32, #tpu.memory_space<hbm>> -> memref<128x128xf32, #tpu.memory_space<hbm>>
            tpu.wait_dma2 semaphore(%run_scoped3A_95 : memref<!tpu.dma_semaphore, #tpu.memory_space<semaphore_mem>>) src(%dma_wait3A_101 : memref<128x128xf32, #tpu.memory_space<hbm>>) dst(%arg6 : memref<128x128xf32, #tpu.memory_space<vmem>>)
            tpu.yield
          }) : () -> ()
          %run_scoped3A = arith.constant 3 : i32
          "tpu.region"() ({
            %run_scoped3A_95 = tpu.sem_alloc : memref<!tpu.dma_semaphore, #tpu.memory_space<semaphore_mem>>
            %dma_start3A = arith.constant 0 : i32
            %dma_start3A_96 = tpu.memref_slice %arg7[%run_scoped3A, %dma_start3A] : memref<8x128xi32, #tpu.memory_space<vmem>> -> memref<1x128xi32, #tpu.memory_space<vmem>>
            %dma_start3A_97 = tpu.memref_squeeze %dma_start3A_96 : memref<1x128xi32, #tpu.memory_space<vmem>> -> memref<128xi32, #tpu.memory_space<vmem>>
            %dma_start3A_98 = arith.constant 0 : i32
            %dma_start3A_99 = arith.constant 0 : i32
            %dma_start3A_100 = tpu.memref_slice %arg8[%dma_start3A_98, %dma_start3A_99] : memref<10112x128xf32, #tpu.memory_space<vmem_shared>> -> memref<10112x128xf32, #tpu.memory_space<vmem_shared>>
            tpu.enqueue_indirect_dma source(%arg6 : memref<128x128xf32, #tpu.memory_space<vmem>>) target(%dma_start3A_100 : memref<10112x128xf32, #tpu.memory_space<vmem_shared>>) offsets(%dma_start3A_97 : memref<128xi32, #tpu.memory_space<vmem>>) semaphore(%run_scoped3A_95 : memref<!tpu.dma_semaphore, #tpu.memory_space<semaphore_mem>>) {add = true}
            %dma_wait3A = arith.constant 0 : i32
            %dma_wait3A_101 = tpu.memref_slice %arg7[%run_scoped3A, %dma_wait3A] : memref<8x128xi32, #tpu.memory_space<vmem>> -> memref<1x128xi32, #tpu.memory_space<vmem>>
            %dma_wait3A_102 = tpu.memref_squeeze %dma_wait3A_101 : memref<1x128xi32, #tpu.memory_space<vmem>> -> memref<128xi32, #tpu.memory_space<vmem>>
            %dma_wait3A_103 = arith.constant 0 : i32
            %dma_wait3A_104 = arith.constant 0 : i32
            %dma_wait3A_105 = tpu.memref_slice %arg8[%dma_wait3A_103, %dma_wait3A_104] : memref<10112x128xf32, #tpu.memory_space<vmem_shared>> -> memref<10112x128xf32, #tpu.memory_space<vmem_shared>>
            tpu.wait_indirect_dma semaphore(%run_scoped3A_95 : memref<!tpu.dma_semaphore, #tpu.memory_space<semaphore_mem>>) src(%arg6 : memref<128x128xf32, #tpu.memory_space<vmem>>) dst(%dma_wait3A_105 : memref<10112x128xf32, #tpu.memory_space<vmem_shared>>)
            tpu.yield
          }) : () -> ()
        } else {
        }
        %mul3A_57 = arith.constant 8 : i32
        %mul3A_58 = arith.muli %add3A_18, %mul3A_57 : i32
        %add3A_59 = arith.constant 4 : i32
        %add3A_60 = arith.addi %mul3A_58, %add3A_59 : i32
        %lt3A_61 = arith.constant 2500 : i32
        %lt3A_62 = arith.cmpi slt, %add3A_60, %lt3A_61 : i32
        %convert_element_type3A_63 = arith.extui %lt3A_62 : i1 to i32
        %cond3A_64 = arith.constant 0 : i32
        %cond3A_65 = arith.cmpi ne, %convert_element_type3A_63, %cond3A_64 : i32
        scf.if %cond3A_65 {
          %mul3A_93 = arith.constant 128 : i32
          %mul3A_94 = arith.muli %add3A_60, %mul3A_93 : i32
          "tpu.region"() ({
            %run_scoped3A_95 = tpu.sem_alloc : memref<!tpu.dma_semaphore, #tpu.memory_space<semaphore_mem>>
            %dma_start3A = arith.constant 0 : i32
            %dma_start3A_96 = tpu.memref_slice %arg2[%mul3A_94, %dma_start3A] : memref<320000x128xf32, #tpu.memory_space<hbm>> -> memref<128x128xf32, #tpu.memory_space<hbm>>
            %dma_start3A_97 = arith.constant 0 : i32
            %dma_start3A_98 = tpu.memref_slice %arg2[%mul3A_94, %dma_start3A_97] : memref<320000x128xf32, #tpu.memory_space<hbm>> -> memref<128x128xf32, #tpu.memory_space<hbm>>
            tpu.enqueue_dma source(%dma_start3A_98 : memref<128x128xf32, #tpu.memory_space<hbm>>) target(%arg6 : memref<128x128xf32, #tpu.memory_space<vmem>>) target_semaphore(%run_scoped3A_95 : memref<!tpu.dma_semaphore, #tpu.memory_space<semaphore_mem>>)
            %dma_wait3A = arith.constant 0 : i32
            %dma_wait3A_99 = tpu.memref_slice %arg2[%mul3A_94, %dma_wait3A] : memref<320000x128xf32, #tpu.memory_space<hbm>> -> memref<128x128xf32, #tpu.memory_space<hbm>>
            %dma_wait3A_100 = arith.constant 0 : i32
            %dma_wait3A_101 = tpu.memref_slice %arg2[%mul3A_94, %dma_wait3A_100] : memref<320000x128xf32, #tpu.memory_space<hbm>> -> memref<128x128xf32, #tpu.memory_space<hbm>>
            tpu.wait_dma2 semaphore(%run_scoped3A_95 : memref<!tpu.dma_semaphore, #tpu.memory_space<semaphore_mem>>) src(%dma_wait3A_101 : memref<128x128xf32, #tpu.memory_space<hbm>>) dst(%arg6 : memref<128x128xf32, #tpu.memory_space<vmem>>)
            tpu.yield
          }) : () -> ()
          %run_scoped3A = arith.constant 4 : i32
          "tpu.region"() ({
            %run_scoped3A_95 = tpu.sem_alloc : memref<!tpu.dma_semaphore, #tpu.memory_space<semaphore_mem>>
            %dma_start3A = arith.constant 0 : i32
            %dma_start3A_96 = tpu.memref_slice %arg7[%run_scoped3A, %dma_start3A] : memref<8x128xi32, #tpu.memory_space<vmem>> -> memref<1x128xi32, #tpu.memory_space<vmem>>
            %dma_start3A_97 = tpu.memref_squeeze %dma_start3A_96 : memref<1x128xi32, #tpu.memory_space<vmem>> -> memref<128xi32, #tpu.memory_space<vmem>>
            %dma_start3A_98 = arith.constant 0 : i32
            %dma_start3A_99 = arith.constant 0 : i32
            %dma_start3A_100 = tpu.memref_slice %arg8[%dma_start3A_98, %dma_start3A_99] : memref<10112x128xf32, #tpu.memory_space<vmem_shared>> -> memref<10112x128xf32, #tpu.memory_space<vmem_shared>>
            tpu.enqueue_indirect_dma source(%arg6 : memref<128x128xf32, #tpu.memory_space<vmem>>) target(%dma_start3A_100 : memref<10112x128xf32, #tpu.memory_space<vmem_shared>>) offsets(%dma_start3A_97 : memref<128xi32, #tpu.memory_space<vmem>>) semaphore(%run_scoped3A_95 : memref<!tpu.dma_semaphore, #tpu.memory_space<semaphore_mem>>) {add = true}
            %dma_wait3A = arith.constant 0 : i32
            %dma_wait3A_101 = tpu.memref_slice %arg7[%run_scoped3A, %dma_wait3A] : memref<8x128xi32, #tpu.memory_space<vmem>> -> memref<1x128xi32, #tpu.memory_space<vmem>>
            %dma_wait3A_102 = tpu.memref_squeeze %dma_wait3A_101 : memref<1x128xi32, #tpu.memory_space<vmem>> -> memref<128xi32, #tpu.memory_space<vmem>>
            %dma_wait3A_103 = arith.constant 0 : i32
            %dma_wait3A_104 = arith.constant 0 : i32
            %dma_wait3A_105 = tpu.memref_slice %arg8[%dma_wait3A_103, %dma_wait3A_104] : memref<10112x128xf32, #tpu.memory_space<vmem_shared>> -> memref<10112x128xf32, #tpu.memory_space<vmem_shared>>
            tpu.wait_indirect_dma semaphore(%run_scoped3A_95 : memref<!tpu.dma_semaphore, #tpu.memory_space<semaphore_mem>>) src(%arg6 : memref<128x128xf32, #tpu.memory_space<vmem>>) dst(%dma_wait3A_105 : memref<10112x128xf32, #tpu.memory_space<vmem_shared>>)
            tpu.yield
          }) : () -> ()
        } else {
        }
        %mul3A_66 = arith.constant 8 : i32
        %mul3A_67 = arith.muli %add3A_18, %mul3A_66 : i32
        %add3A_68 = arith.constant 5 : i32
        %add3A_69 = arith.addi %mul3A_67, %add3A_68 : i32
        %lt3A_70 = arith.constant 2500 : i32
        %lt3A_71 = arith.cmpi slt, %add3A_69, %lt3A_70 : i32
        %convert_element_type3A_72 = arith.extui %lt3A_71 : i1 to i32
        %cond3A_73 = arith.constant 0 : i32
        %cond3A_74 = arith.cmpi ne, %convert_element_type3A_72, %cond3A_73 : i32
        scf.if %cond3A_74 {
          %mul3A_93 = arith.constant 128 : i32
          %mul3A_94 = arith.muli %add3A_69, %mul3A_93 : i32
          "tpu.region"() ({
            %run_scoped3A_95 = tpu.sem_alloc : memref<!tpu.dma_semaphore, #tpu.memory_space<semaphore_mem>>
            %dma_start3A = arith.constant 0 : i32
            %dma_start3A_96 = tpu.memref_slice %arg2[%mul3A_94, %dma_start3A] : memref<320000x128xf32, #tpu.memory_space<hbm>> -> memref<128x128xf32, #tpu.memory_space<hbm>>
            %dma_start3A_97 = arith.constant 0 : i32
            %dma_start3A_98 = tpu.memref_slice %arg2[%mul3A_94, %dma_start3A_97] : memref<320000x128xf32, #tpu.memory_space<hbm>> -> memref<128x128xf32, #tpu.memory_space<hbm>>
            tpu.enqueue_dma source(%dma_start3A_98 : memref<128x128xf32, #tpu.memory_space<hbm>>) target(%arg6 : memref<128x128xf32, #tpu.memory_space<vmem>>) target_semaphore(%run_scoped3A_95 : memref<!tpu.dma_semaphore, #tpu.memory_space<semaphore_mem>>)
            %dma_wait3A = arith.constant 0 : i32
            %dma_wait3A_99 = tpu.memref_slice %arg2[%mul3A_94, %dma_wait3A] : memref<320000x128xf32, #tpu.memory_space<hbm>> -> memref<128x128xf32, #tpu.memory_space<hbm>>
            %dma_wait3A_100 = arith.constant 0 : i32
            %dma_wait3A_101 = tpu.memref_slice %arg2[%mul3A_94, %dma_wait3A_100] : memref<320000x128xf32, #tpu.memory_space<hbm>> -> memref<128x128xf32, #tpu.memory_space<hbm>>
            tpu.wait_dma2 semaphore(%run_scoped3A_95 : memref<!tpu.dma_semaphore, #tpu.memory_space<semaphore_mem>>) src(%dma_wait3A_101 : memref<128x128xf32, #tpu.memory_space<hbm>>) dst(%arg6 : memref<128x128xf32, #tpu.memory_space<vmem>>)
            tpu.yield
          }) : () -> ()
          %run_scoped3A = arith.constant 5 : i32
          "tpu.region"() ({
            %run_scoped3A_95 = tpu.sem_alloc : memref<!tpu.dma_semaphore, #tpu.memory_space<semaphore_mem>>
            %dma_start3A = arith.constant 0 : i32
            %dma_start3A_96 = tpu.memref_slice %arg7[%run_scoped3A, %dma_start3A] : memref<8x128xi32, #tpu.memory_space<vmem>> -> memref<1x128xi32, #tpu.memory_space<vmem>>
            %dma_start3A_97 = tpu.memref_squeeze %dma_start3A_96 : memref<1x128xi32, #tpu.memory_space<vmem>> -> memref<128xi32, #tpu.memory_space<vmem>>
            %dma_start3A_98 = arith.constant 0 : i32
            %dma_start3A_99 = arith.constant 0 : i32
            %dma_start3A_100 = tpu.memref_slice %arg8[%dma_start3A_98, %dma_start3A_99] : memref<10112x128xf32, #tpu.memory_space<vmem_shared>> -> memref<10112x128xf32, #tpu.memory_space<vmem_shared>>
            tpu.enqueue_indirect_dma source(%arg6 : memref<128x128xf32, #tpu.memory_space<vmem>>) target(%dma_start3A_100 : memref<10112x128xf32, #tpu.memory_space<vmem_shared>>) offsets(%dma_start3A_97 : memref<128xi32, #tpu.memory_space<vmem>>) semaphore(%run_scoped3A_95 : memref<!tpu.dma_semaphore, #tpu.memory_space<semaphore_mem>>) {add = true}
            %dma_wait3A = arith.constant 0 : i32
            %dma_wait3A_101 = tpu.memref_slice %arg7[%run_scoped3A, %dma_wait3A] : memref<8x128xi32, #tpu.memory_space<vmem>> -> memref<1x128xi32, #tpu.memory_space<vmem>>
            %dma_wait3A_102 = tpu.memref_squeeze %dma_wait3A_101 : memref<1x128xi32, #tpu.memory_space<vmem>> -> memref<128xi32, #tpu.memory_space<vmem>>
            %dma_wait3A_103 = arith.constant 0 : i32
            %dma_wait3A_104 = arith.constant 0 : i32
            %dma_wait3A_105 = tpu.memref_slice %arg8[%dma_wait3A_103, %dma_wait3A_104] : memref<10112x128xf32, #tpu.memory_space<vmem_shared>> -> memref<10112x128xf32, #tpu.memory_space<vmem_shared>>
            tpu.wait_indirect_dma semaphore(%run_scoped3A_95 : memref<!tpu.dma_semaphore, #tpu.memory_space<semaphore_mem>>) src(%arg6 : memref<128x128xf32, #tpu.memory_space<vmem>>) dst(%dma_wait3A_105 : memref<10112x128xf32, #tpu.memory_space<vmem_shared>>)
            tpu.yield
          }) : () -> ()
        } else {
        }
        %mul3A_75 = arith.constant 8 : i32
        %mul3A_76 = arith.muli %add3A_18, %mul3A_75 : i32
        %add3A_77 = arith.constant 6 : i32
        %add3A_78 = arith.addi %mul3A_76, %add3A_77 : i32
        %lt3A_79 = arith.constant 2500 : i32
        %lt3A_80 = arith.cmpi slt, %add3A_78, %lt3A_79 : i32
        %convert_element_type3A_81 = arith.extui %lt3A_80 : i1 to i32
        %cond3A_82 = arith.constant 0 : i32
        %cond3A_83 = arith.cmpi ne, %convert_element_type3A_81, %cond3A_82 : i32
        scf.if %cond3A_83 {
          %mul3A_93 = arith.constant 128 : i32
          %mul3A_94 = arith.muli %add3A_78, %mul3A_93 : i32
          "tpu.region"() ({
            %run_scoped3A_95 = tpu.sem_alloc : memref<!tpu.dma_semaphore, #tpu.memory_space<semaphore_mem>>
            %dma_start3A = arith.constant 0 : i32
            %dma_start3A_96 = tpu.memref_slice %arg2[%mul3A_94, %dma_start3A] : memref<320000x128xf32, #tpu.memory_space<hbm>> -> memref<128x128xf32, #tpu.memory_space<hbm>>
            %dma_start3A_97 = arith.constant 0 : i32
            %dma_start3A_98 = tpu.memref_slice %arg2[%mul3A_94, %dma_start3A_97] : memref<320000x128xf32, #tpu.memory_space<hbm>> -> memref<128x128xf32, #tpu.memory_space<hbm>>
            tpu.enqueue_dma source(%dma_start3A_98 : memref<128x128xf32, #tpu.memory_space<hbm>>) target(%arg6 : memref<128x128xf32, #tpu.memory_space<vmem>>) target_semaphore(%run_scoped3A_95 : memref<!tpu.dma_semaphore, #tpu.memory_space<semaphore_mem>>)
            %dma_wait3A = arith.constant 0 : i32
            %dma_wait3A_99 = tpu.memref_slice %arg2[%mul3A_94, %dma_wait3A] : memref<320000x128xf32, #tpu.memory_space<hbm>> -> memref<128x128xf32, #tpu.memory_space<hbm>>
            %dma_wait3A_100 = arith.constant 0 : i32
            %dma_wait3A_101 = tpu.memref_slice %arg2[%mul3A_94, %dma_wait3A_100] : memref<320000x128xf32, #tpu.memory_space<hbm>> -> memref<128x128xf32, #tpu.memory_space<hbm>>
            tpu.wait_dma2 semaphore(%run_scoped3A_95 : memref<!tpu.dma_semaphore, #tpu.memory_space<semaphore_mem>>) src(%dma_wait3A_101 : memref<128x128xf32, #tpu.memory_space<hbm>>) dst(%arg6 : memref<128x128xf32, #tpu.memory_space<vmem>>)
            tpu.yield
          }) : () -> ()
          %run_scoped3A = arith.constant 6 : i32
          "tpu.region"() ({
            %run_scoped3A_95 = tpu.sem_alloc : memref<!tpu.dma_semaphore, #tpu.memory_space<semaphore_mem>>
            %dma_start3A = arith.constant 0 : i32
            %dma_start3A_96 = tpu.memref_slice %arg7[%run_scoped3A, %dma_start3A] : memref<8x128xi32, #tpu.memory_space<vmem>> -> memref<1x128xi32, #tpu.memory_space<vmem>>
            %dma_start3A_97 = tpu.memref_squeeze %dma_start3A_96 : memref<1x128xi32, #tpu.memory_space<vmem>> -> memref<128xi32, #tpu.memory_space<vmem>>
            %dma_start3A_98 = arith.constant 0 : i32
            %dma_start3A_99 = arith.constant 0 : i32
            %dma_start3A_100 = tpu.memref_slice %arg8[%dma_start3A_98, %dma_start3A_99] : memref<10112x128xf32, #tpu.memory_space<vmem_shared>> -> memref<10112x128xf32, #tpu.memory_space<vmem_shared>>
            tpu.enqueue_indirect_dma source(%arg6 : memref<128x128xf32, #tpu.memory_space<vmem>>) target(%dma_start3A_100 : memref<10112x128xf32, #tpu.memory_space<vmem_shared>>) offsets(%dma_start3A_97 : memref<128xi32, #tpu.memory_space<vmem>>) semaphore(%run_scoped3A_95 : memref<!tpu.dma_semaphore, #tpu.memory_space<semaphore_mem>>) {add = true}
            %dma_wait3A = arith.constant 0 : i32
            %dma_wait3A_101 = tpu.memref_slice %arg7[%run_scoped3A, %dma_wait3A] : memref<8x128xi32, #tpu.memory_space<vmem>> -> memref<1x128xi32, #tpu.memory_space<vmem>>
            %dma_wait3A_102 = tpu.memref_squeeze %dma_wait3A_101 : memref<1x128xi32, #tpu.memory_space<vmem>> -> memref<128xi32, #tpu.memory_space<vmem>>
            %dma_wait3A_103 = arith.constant 0 : i32
            %dma_wait3A_104 = arith.constant 0 : i32
            %dma_wait3A_105 = tpu.memref_slice %arg8[%dma_wait3A_103, %dma_wait3A_104] : memref<10112x128xf32, #tpu.memory_space<vmem_shared>> -> memref<10112x128xf32, #tpu.memory_space<vmem_shared>>
            tpu.wait_indirect_dma semaphore(%run_scoped3A_95 : memref<!tpu.dma_semaphore, #tpu.memory_space<semaphore_mem>>) src(%arg6 : memref<128x128xf32, #tpu.memory_space<vmem>>) dst(%dma_wait3A_105 : memref<10112x128xf32, #tpu.memory_space<vmem_shared>>)
            tpu.yield
          }) : () -> ()
        } else {
        }
        %mul3A_84 = arith.constant 8 : i32
        %mul3A_85 = arith.muli %add3A_18, %mul3A_84 : i32
        %add3A_86 = arith.constant 7 : i32
        %add3A_87 = arith.addi %mul3A_85, %add3A_86 : i32
        %lt3A_88 = arith.constant 2500 : i32
        %lt3A_89 = arith.cmpi slt, %add3A_87, %lt3A_88 : i32
        %convert_element_type3A_90 = arith.extui %lt3A_89 : i1 to i32
        %cond3A_91 = arith.constant 0 : i32
        %cond3A_92 = arith.cmpi ne, %convert_element_type3A_90, %cond3A_91 : i32
        scf.if %cond3A_92 {
          %mul3A_93 = arith.constant 128 : i32
          %mul3A_94 = arith.muli %add3A_87, %mul3A_93 : i32
          "tpu.region"() ({
            %run_scoped3A_95 = tpu.sem_alloc : memref<!tpu.dma_semaphore, #tpu.memory_space<semaphore_mem>>
            %dma_start3A = arith.constant 0 : i32
            %dma_start3A_96 = tpu.memref_slice %arg2[%mul3A_94, %dma_start3A] : memref<320000x128xf32, #tpu.memory_space<hbm>> -> memref<128x128xf32, #tpu.memory_space<hbm>>
            %dma_start3A_97 = arith.constant 0 : i32
            %dma_start3A_98 = tpu.memref_slice %arg2[%mul3A_94, %dma_start3A_97] : memref<320000x128xf32, #tpu.memory_space<hbm>> -> memref<128x128xf32, #tpu.memory_space<hbm>>
            tpu.enqueue_dma source(%dma_start3A_98 : memref<128x128xf32, #tpu.memory_space<hbm>>) target(%arg6 : memref<128x128xf32, #tpu.memory_space<vmem>>) target_semaphore(%run_scoped3A_95 : memref<!tpu.dma_semaphore, #tpu.memory_space<semaphore_mem>>)
            %dma_wait3A = arith.constant 0 : i32
            %dma_wait3A_99 = tpu.memref_slice %arg2[%mul3A_94, %dma_wait3A] : memref<320000x128xf32, #tpu.memory_space<hbm>> -> memref<128x128xf32, #tpu.memory_space<hbm>>
            %dma_wait3A_100 = arith.constant 0 : i32
            %dma_wait3A_101 = tpu.memref_slice %arg2[%mul3A_94, %dma_wait3A_100] : memref<320000x128xf32, #tpu.memory_space<hbm>> -> memref<128x128xf32, #tpu.memory_space<hbm>>
            tpu.wait_dma2 semaphore(%run_scoped3A_95 : memref<!tpu.dma_semaphore, #tpu.memory_space<semaphore_mem>>) src(%dma_wait3A_101 : memref<128x128xf32, #tpu.memory_space<hbm>>) dst(%arg6 : memref<128x128xf32, #tpu.memory_space<vmem>>)
            tpu.yield
          }) : () -> ()
          %run_scoped3A = arith.constant 7 : i32
          "tpu.region"() ({
            %run_scoped3A_95 = tpu.sem_alloc : memref<!tpu.dma_semaphore, #tpu.memory_space<semaphore_mem>>
            %dma_start3A = arith.constant 0 : i32
            %dma_start3A_96 = tpu.memref_slice %arg7[%run_scoped3A, %dma_start3A] : memref<8x128xi32, #tpu.memory_space<vmem>> -> memref<1x128xi32, #tpu.memory_space<vmem>>
            %dma_start3A_97 = tpu.memref_squeeze %dma_start3A_96 : memref<1x128xi32, #tpu.memory_space<vmem>> -> memref<128xi32, #tpu.memory_space<vmem>>
            %dma_start3A_98 = arith.constant 0 : i32
            %dma_start3A_99 = arith.constant 0 : i32
            %dma_start3A_100 = tpu.memref_slice %arg8[%dma_start3A_98, %dma_start3A_99] : memref<10112x128xf32, #tpu.memory_space<vmem_shared>> -> memref<10112x128xf32, #tpu.memory_space<vmem_shared>>
            tpu.enqueue_indirect_dma source(%arg6 : memref<128x128xf32, #tpu.memory_space<vmem>>) target(%dma_start3A_100 : memref<10112x128xf32, #tpu.memory_space<vmem_shared>>) offsets(%dma_start3A_97 : memref<128xi32, #tpu.memory_space<vmem>>) semaphore(%run_scoped3A_95 : memref<!tpu.dma_semaphore, #tpu.memory_space<semaphore_mem>>) {add = true}
            %dma_wait3A = arith.constant 0 : i32
            %dma_wait3A_101 = tpu.memref_slice %arg7[%run_scoped3A, %dma_wait3A] : memref<8x128xi32, #tpu.memory_space<vmem>> -> memref<1x128xi32, #tpu.memory_space<vmem>>
            %dma_wait3A_102 = tpu.memref_squeeze %dma_wait3A_101 : memref<1x128xi32, #tpu.memory_space<vmem>> -> memref<128xi32, #tpu.memory_space<vmem>>
            %dma_wait3A_103 = arith.constant 0 : i32
            %dma_wait3A_104 = arith.constant 0 : i32
            %dma_wait3A_105 = tpu.memref_slice %arg8[%dma_wait3A_103, %dma_wait3A_104] : memref<10112x128xf32, #tpu.memory_space<vmem_shared>> -> memref<10112x128xf32, #tpu.memory_space<vmem_shared>>
            tpu.wait_indirect_dma semaphore(%run_scoped3A_95 : memref<!tpu.dma_semaphore, #tpu.memory_space<semaphore_mem>>) src(%arg6 : memref<128x128xf32, #tpu.memory_space<vmem>>) dst(%dma_wait3A_105 : memref<10112x128xf32, #tpu.memory_space<vmem_shared>>)
            tpu.yield
          }) : () -> ()
        } else {
        }
      } else {
      }
    }
    %scan3A_9 = arith.constant 10 : i32
    %barrier3A_10 = arith.constant 0 : index
    tpu.barrier barrier_id(%barrier3A_10)
    %mul3A_11 = arith.constant 632 : i32
    %mul3A_12 = arith.muli %arg1, %mul3A_11 : i32
    %mul3A_13 = arith.constant 632 : i32
    %mul3A_14 = arith.muli %arg1, %mul3A_13 : i32
    "tpu.region"() ({
      %run_scoped3A = tpu.sem_alloc : memref<!tpu.dma_semaphore, #tpu.memory_space<semaphore_mem>>
      %dma_start3A = arith.constant 0 : i32
      %dma_start3A_15 = tpu.memref_slice %arg5[%arg0, %mul3A_14, %dma_start3A] : memref<2x10112x128xf32, #tpu.memory_space<hbm>> -> memref<1x632x128xf32, #tpu.memory_space<hbm>>
      %dma_start3A_16 = tpu.memref_squeeze %dma_start3A_15 : memref<1x632x128xf32, #tpu.memory_space<hbm>> -> memref<632x128xf32, #tpu.memory_space<hbm>>
      %dma_start3A_17 = arith.constant 0 : i32
      %dma_start3A_18 = tpu.memref_slice %arg8[%mul3A_12, %dma_start3A_17] : memref<10112x128xf32, #tpu.memory_space<vmem_shared>> -> memref<632x128xf32, #tpu.memory_space<vmem_shared>>
      tpu.enqueue_dma source(%dma_start3A_18 : memref<632x128xf32, #tpu.memory_space<vmem_shared>>) target(%dma_start3A_16 : memref<632x128xf32, #tpu.memory_space<hbm>>) target_semaphore(%run_scoped3A : memref<!tpu.dma_semaphore, #tpu.memory_space<semaphore_mem>>)
      %dma_wait3A = arith.constant 0 : i32
      %dma_wait3A_19 = tpu.memref_slice %arg5[%arg0, %mul3A_14, %dma_wait3A] : memref<2x10112x128xf32, #tpu.memory_space<hbm>> -> memref<1x632x128xf32, #tpu.memory_space<hbm>>
      %dma_wait3A_20 = tpu.memref_squeeze %dma_wait3A_19 : memref<1x632x128xf32, #tpu.memory_space<hbm>> -> memref<632x128xf32, #tpu.memory_space<hbm>>
      %dma_wait3A_21 = arith.constant 0 : i32
      %dma_wait3A_22 = tpu.memref_slice %arg8[%mul3A_12, %dma_wait3A_21] : memref<10112x128xf32, #tpu.memory_space<vmem_shared>> -> memref<632x128xf32, #tpu.memory_space<vmem_shared>>
      tpu.wait_dma2 semaphore(%run_scoped3A : memref<!tpu.dma_semaphore, #tpu.memory_space<semaphore_mem>>) src(%dma_wait3A_22 : memref<632x128xf32, #tpu.memory_space<vmem_shared>>) dst(%dma_wait3A_20 : memref<632x128xf32, #tpu.memory_space<hbm>>)
      tpu.yield
    }) : () -> ()
    return
  }
}

#map = affine_map<(d0, d1) -> (0, 0)>
#map1 = affine_map<(d0, d1) -> (0, 0, 0)>
module attributes {stable_mosaic.version = 14 : i64} {
  func.func @_sc_scatter_body(%arg0: i32, %arg1: i32, %arg2: memref<320000x128xf32, #tpu.memory_space<hbm>>, %arg3: memref<313x8x128xi32, #tpu.memory_space<hbm>>, %arg4: memref<10112x128xf32, #tpu.memory_space<hbm>>, %arg5: memref<2x10112x128xf32, #tpu.memory_space<hbm>>, %arg6: memref<128x128xf32, #tpu.memory_space<vmem>>, %arg7: memref<8x128xi32, #tpu.memory_space<vmem>>, %arg8: memref<10112x128xf32, #tpu.memory_space<vmem_shared>>) attributes {dimension_semantics = [#tpu.dimension_semantics<core_parallel>, #tpu.dimension_semantics<subcore_parallel>], iteration_bounds = array<i64: 2, 16>, scalar_prefetch = 0 : i64, scratch_operands = 3 : i64, tpu.core_type = #tpu.core_type<sc_vector_subcore>, window_params = [{transform_indices = #map}, {transform_indices = #map1}, {transform_indices = #map}, {transform_indices = #map1}]} {
    %mul3A = arith.constant 16 : i32
    %mul3A_0 = arith.muli %arg0, %mul3A : i32
    %add3A = arith.addi %mul3A_0, %arg1 : i32
    %mul3A_1 = arith.constant 632 : i32
    %mul3A_2 = arith.muli %arg1, %mul3A_1 : i32
    %mul3A_3 = arith.constant 632 : i32
    %mul3A_4 = arith.muli %arg1, %mul3A_3 : i32
    "tpu.region"() ({
      %run_scoped3A = tpu.sem_alloc : memref<!tpu.dma_semaphore, #tpu.memory_space<semaphore_mem>>
      %dma_start3A = arith.constant 0 : i32
      %dma_start3A_15 = tpu.memref_slice %arg8[%mul3A_4, %dma_start3A] : memref<10112x128xf32, #tpu.memory_space<vmem_shared>> -> memref<632x128xf32, #tpu.memory_space<vmem_shared>>
      %dma_start3A_16 = arith.constant 0 : i32
      %dma_start3A_17 = tpu.memref_slice %arg4[%mul3A_2, %dma_start3A_16] : memref<10112x128xf32, #tpu.memory_space<hbm>> -> memref<632x128xf32, #tpu.memory_space<hbm>>
      tpu.enqueue_dma source(%dma_start3A_17 : memref<632x128xf32, #tpu.memory_space<hbm>>) target(%dma_start3A_15 : memref<632x128xf32, #tpu.memory_space<vmem_shared>>) target_semaphore(%run_scoped3A : memref<!tpu.dma_semaphore, #tpu.memory_space<semaphore_mem>>)
      %dma_wait3A = arith.constant 0 : i32
      %dma_wait3A_18 = tpu.memref_slice %arg8[%mul3A_4, %dma_wait3A] : memref<10112x128xf32, #tpu.memory_space<vmem_shared>> -> memref<632x128xf32, #tpu.memory_space<vmem_shared>>
      %dma_wait3A_19 = arith.constant 0 : i32
      %dma_wait3A_20 = tpu.memref_slice %arg4[%mul3A_2, %dma_wait3A_19] : memref<10112x128xf32, #tpu.memory_space<hbm>> -> memref<632x128xf32, #tpu.memory_space<hbm>>
      tpu.wait_dma2 semaphore(%run_scoped3A : memref<!tpu.dma_semaphore, #tpu.memory_space<semaphore_mem>>) src(%dma_wait3A_20 : memref<632x128xf32, #tpu.memory_space<hbm>>) dst(%dma_wait3A_18 : memref<632x128xf32, #tpu.memory_space<vmem_shared>>)
      tpu.yield
    }) : () -> ()
    %barrier3A = arith.constant 0 : index
    tpu.barrier barrier_id(%barrier3A)
    %scan3A = arith.constant 0 : i32
    %scan3A_5 = arith.constant 0 : i32
    %scan3A_6 = arith.constant 10 : i32
    %scan3A_7 = arith.addi %scan3A_5, %scan3A_6 : i32
    %scan3A_8 = arith.constant 1 : i32
    scf.for %scan3A_15 = %scan3A_5 to %scan3A_7 step %scan3A_8  : i32 {
      %mul3A_16 = arith.constant 32 : i32
      %mul3A_17 = arith.muli %scan3A_15, %mul3A_16 : i32
      %add3A_18 = arith.addi %add3A, %mul3A_17 : i32
      %lt3A = arith.constant 313 : i32
      %lt3A_19 = arith.cmpi slt, %add3A_18, %lt3A : i32
      %convert_element_type3A = arith.extui %lt3A_19 : i1 to i32
      %cond3A = arith.constant 0 : i32
      %cond3A_20 = arith.cmpi ne, %convert_element_type3A, %cond3A : i32
      scf.if %cond3A_20 {
        "tpu.region"() ({
          %run_scoped3A = tpu.sem_alloc : memref<!tpu.dma_semaphore, #tpu.memory_space<semaphore_mem>>
          %dma_start3A = arith.constant 0 : i32
          %dma_start3A_93 = arith.constant 0 : i32
          %dma_start3A_94 = tpu.memref_slice %arg3[%add3A_18, %dma_start3A, %dma_start3A_93] : memref<313x8x128xi32, #tpu.memory_space<hbm>> -> memref<1x8x128xi32, #tpu.memory_space<hbm>>
          %dma_start3A_95 = tpu.memref_squeeze %dma_start3A_94 : memref<1x8x128xi32, #tpu.memory_space<hbm>> -> memref<8x128xi32, #tpu.memory_space<hbm>>
          %dma_start3A_96 = arith.constant 0 : i32
          %dma_start3A_97 = arith.constant 0 : i32
          %dma_start3A_98 = tpu.memref_slice %arg3[%add3A_18, %dma_start3A_96, %dma_start3A_97] : memref<313x8x128xi32, #tpu.memory_space<hbm>> -> memref<1x8x128xi32, #tpu.memory_space<hbm>>
          %dma_start3A_99 = tpu.memref_squeeze %dma_start3A_98 : memref<1x8x128xi32, #tpu.memory_space<hbm>> -> memref<8x128xi32, #tpu.memory_space<hbm>>
          tpu.enqueue_dma source(%dma_start3A_99 : memref<8x128xi32, #tpu.memory_space<hbm>>) target(%arg7 : memref<8x128xi32, #tpu.memory_space<vmem>>) target_semaphore(%run_scoped3A : memref<!tpu.dma_semaphore, #tpu.memory_space<semaphore_mem>>)
          %dma_wait3A = arith.constant 0 : i32
          %dma_wait3A_100 = arith.constant 0 : i32
          %dma_wait3A_101 = tpu.memref_slice %arg3[%add3A_18, %dma_wait3A, %dma_wait3A_100] : memref<313x8x128xi32, #tpu.memory_space<hbm>> -> memref<1x8x128xi32, #tpu.memory_space<hbm>>
          %dma_wait3A_102 = tpu.memref_squeeze %dma_wait3A_101 : memref<1x8x128xi32, #tpu.memory_space<hbm>> -> memref<8x128xi32, #tpu.memory_space<hbm>>
          %dma_wait3A_103 = arith.constant 0 : i32
          %dma_wait3A_104 = arith.constant 0 : i32
          %dma_wait3A_105 = tpu.memref_slice %arg3[%add3A_18, %dma_wait3A_103, %dma_wait3A_104] : memref<313x8x128xi32, #tpu.memory_space<hbm>> -> memref<1x8x128xi32, #tpu.memory_space<hbm>>
          %dma_wait3A_106 = tpu.memref_squeeze %dma_wait3A_105 : memref<1x8x128xi32, #tpu.memory_space<hbm>> -> memref<8x128xi32, #tpu.memory_space<hbm>>
          tpu.wait_dma2 semaphore(%run_scoped3A : memref<!tpu.dma_semaphore, #tpu.memory_space<semaphore_mem>>) src(%dma_wait3A_106 : memref<8x128xi32, #tpu.memory_space<hbm>>) dst(%arg7 : memref<8x128xi32, #tpu.memory_space<vmem>>)
          tpu.yield
        }) : () -> ()
        %mul3A_21 = arith.constant 8 : i32
        %mul3A_22 = arith.muli %add3A_18, %mul3A_21 : i32
        %add3A_23 = arith.constant 0 : i32
        %add3A_24 = arith.addi %mul3A_22, %add3A_23 : i32
        %lt3A_25 = arith.constant 2500 : i32
        %lt3A_26 = arith.cmpi slt, %add3A_24, %lt3A_25 : i32
        %convert_element_type3A_27 = arith.extui %lt3A_26 : i1 to i32
        %cond3A_28 = arith.constant 0 : i32
        %cond3A_29 = arith.cmpi ne, %convert_element_type3A_27, %cond3A_28 : i32
        scf.if %cond3A_29 {
          %mul3A_93 = arith.constant 128 : i32
          %mul3A_94 = arith.muli %add3A_24, %mul3A_93 : i32
          "tpu.region"() ({
            %run_scoped3A_95 = tpu.sem_alloc : memref<!tpu.dma_semaphore, #tpu.memory_space<semaphore_mem>>
            %dma_start3A = arith.constant 0 : i32
            %dma_start3A_96 = tpu.memref_slice %arg2[%mul3A_94, %dma_start3A] : memref<320000x128xf32, #tpu.memory_space<hbm>> -> memref<128x128xf32, #tpu.memory_space<hbm>>
            %dma_start3A_97 = arith.constant 0 : i32
            %dma_start3A_98 = tpu.memref_slice %arg2[%mul3A_94, %dma_start3A_97] : memref<320000x128xf32, #tpu.memory_space<hbm>> -> memref<128x128xf32, #tpu.memory_space<hbm>>
            tpu.enqueue_dma source(%dma_start3A_98 : memref<128x128xf32, #tpu.memory_space<hbm>>) target(%arg6 : memref<128x128xf32, #tpu.memory_space<vmem>>) target_semaphore(%run_scoped3A_95 : memref<!tpu.dma_semaphore, #tpu.memory_space<semaphore_mem>>)
            %dma_wait3A = arith.constant 0 : i32
            %dma_wait3A_99 = tpu.memref_slice %arg2[%mul3A_94, %dma_wait3A] : memref<320000x128xf32, #tpu.memory_space<hbm>> -> memref<128x128xf32, #tpu.memory_space<hbm>>
            %dma_wait3A_100 = arith.constant 0 : i32
            %dma_wait3A_101 = tpu.memref_slice %arg2[%mul3A_94, %dma_wait3A_100] : memref<320000x128xf32, #tpu.memory_space<hbm>> -> memref<128x128xf32, #tpu.memory_space<hbm>>
            tpu.wait_dma2 semaphore(%run_scoped3A_95 : memref<!tpu.dma_semaphore, #tpu.memory_space<semaphore_mem>>) src(%dma_wait3A_101 : memref<128x128xf32, #tpu.memory_space<hbm>>) dst(%arg6 : memref<128x128xf32, #tpu.memory_space<vmem>>)
            tpu.yield
          }) : () -> ()
          %run_scoped3A = arith.constant 0 : i32
          "tpu.region"() ({
            %run_scoped3A_95 = tpu.sem_alloc : memref<!tpu.dma_semaphore, #tpu.memory_space<semaphore_mem>>
            %dma_start3A = arith.constant 0 : i32
            %dma_start3A_96 = tpu.memref_slice %arg7[%run_scoped3A, %dma_start3A] : memref<8x128xi32, #tpu.memory_space<vmem>> -> memref<1x128xi32, #tpu.memory_space<vmem>>
            %dma_start3A_97 = tpu.memref_squeeze %dma_start3A_96 : memref<1x128xi32, #tpu.memory_space<vmem>> -> memref<128xi32, #tpu.memory_space<vmem>>
            %dma_start3A_98 = arith.constant 0 : i32
            %dma_start3A_99 = arith.constant 0 : i32
            %dma_start3A_100 = tpu.memref_slice %arg8[%dma_start3A_98, %dma_start3A_99] : memref<10112x128xf32, #tpu.memory_space<vmem_shared>> -> memref<10112x128xf32, #tpu.memory_space<vmem_shared>>
            tpu.enqueue_indirect_dma source(%arg6 : memref<128x128xf32, #tpu.memory_space<vmem>>) target(%dma_start3A_100 : memref<10112x128xf32, #tpu.memory_space<vmem_shared>>) offsets(%dma_start3A_97 : memref<128xi32, #tpu.memory_space<vmem>>) semaphore(%run_scoped3A_95 : memref<!tpu.dma_semaphore, #tpu.memory_space<semaphore_mem>>) {add = true}
            %dma_wait3A = arith.constant 0 : i32
            %dma_wait3A_101 = tpu.memref_slice %arg7[%run_scoped3A, %dma_wait3A] : memref<8x128xi32, #tpu.memory_space<vmem>> -> memref<1x128xi32, #tpu.memory_space<vmem>>
            %dma_wait3A_102 = tpu.memref_squeeze %dma_wait3A_101 : memref<1x128xi32, #tpu.memory_space<vmem>> -> memref<128xi32, #tpu.memory_space<vmem>>
            %dma_wait3A_103 = arith.constant 0 : i32
            %dma_wait3A_104 = arith.constant 0 : i32
            %dma_wait3A_105 = tpu.memref_slice %arg8[%dma_wait3A_103, %dma_wait3A_104] : memref<10112x128xf32, #tpu.memory_space<vmem_shared>> -> memref<10112x128xf32, #tpu.memory_space<vmem_shared>>
            tpu.wait_indirect_dma semaphore(%run_scoped3A_95 : memref<!tpu.dma_semaphore, #tpu.memory_space<semaphore_mem>>) src(%arg6 : memref<128x128xf32, #tpu.memory_space<vmem>>) dst(%dma_wait3A_105 : memref<10112x128xf32, #tpu.memory_space<vmem_shared>>)
            tpu.yield
          }) : () -> ()
        } else {
        }
        %mul3A_30 = arith.constant 8 : i32
        %mul3A_31 = arith.muli %add3A_18, %mul3A_30 : i32
        %add3A_32 = arith.constant 1 : i32
        %add3A_33 = arith.addi %mul3A_31, %add3A_32 : i32
        %lt3A_34 = arith.constant 2500 : i32
        %lt3A_35 = arith.cmpi slt, %add3A_33, %lt3A_34 : i32
        %convert_element_type3A_36 = arith.extui %lt3A_35 : i1 to i32
        %cond3A_37 = arith.constant 0 : i32
        %cond3A_38 = arith.cmpi ne, %convert_element_type3A_36, %cond3A_37 : i32
        scf.if %cond3A_38 {
          %mul3A_93 = arith.constant 128 : i32
          %mul3A_94 = arith.muli %add3A_33, %mul3A_93 : i32
          "tpu.region"() ({
            %run_scoped3A_95 = tpu.sem_alloc : memref<!tpu.dma_semaphore, #tpu.memory_space<semaphore_mem>>
            %dma_start3A = arith.constant 0 : i32
            %dma_start3A_96 = tpu.memref_slice %arg2[%mul3A_94, %dma_start3A] : memref<320000x128xf32, #tpu.memory_space<hbm>> -> memref<128x128xf32, #tpu.memory_space<hbm>>
            %dma_start3A_97 = arith.constant 0 : i32
            %dma_start3A_98 = tpu.memref_slice %arg2[%mul3A_94, %dma_start3A_97] : memref<320000x128xf32, #tpu.memory_space<hbm>> -> memref<128x128xf32, #tpu.memory_space<hbm>>
            tpu.enqueue_dma source(%dma_start3A_98 : memref<128x128xf32, #tpu.memory_space<hbm>>) target(%arg6 : memref<128x128xf32, #tpu.memory_space<vmem>>) target_semaphore(%run_scoped3A_95 : memref<!tpu.dma_semaphore, #tpu.memory_space<semaphore_mem>>)
            %dma_wait3A = arith.constant 0 : i32
            %dma_wait3A_99 = tpu.memref_slice %arg2[%mul3A_94, %dma_wait3A] : memref<320000x128xf32, #tpu.memory_space<hbm>> -> memref<128x128xf32, #tpu.memory_space<hbm>>
            %dma_wait3A_100 = arith.constant 0 : i32
            %dma_wait3A_101 = tpu.memref_slice %arg2[%mul3A_94, %dma_wait3A_100] : memref<320000x128xf32, #tpu.memory_space<hbm>> -> memref<128x128xf32, #tpu.memory_space<hbm>>
            tpu.wait_dma2 semaphore(%run_scoped3A_95 : memref<!tpu.dma_semaphore, #tpu.memory_space<semaphore_mem>>) src(%dma_wait3A_101 : memref<128x128xf32, #tpu.memory_space<hbm>>) dst(%arg6 : memref<128x128xf32, #tpu.memory_space<vmem>>)
            tpu.yield
          }) : () -> ()
          %run_scoped3A = arith.constant 1 : i32
          "tpu.region"() ({
            %run_scoped3A_95 = tpu.sem_alloc : memref<!tpu.dma_semaphore, #tpu.memory_space<semaphore_mem>>
            %dma_start3A = arith.constant 0 : i32
            %dma_start3A_96 = tpu.memref_slice %arg7[%run_scoped3A, %dma_start3A] : memref<8x128xi32, #tpu.memory_space<vmem>> -> memref<1x128xi32, #tpu.memory_space<vmem>>
            %dma_start3A_97 = tpu.memref_squeeze %dma_start3A_96 : memref<1x128xi32, #tpu.memory_space<vmem>> -> memref<128xi32, #tpu.memory_space<vmem>>
            %dma_start3A_98 = arith.constant 0 : i32
            %dma_start3A_99 = arith.constant 0 : i32
            %dma_start3A_100 = tpu.memref_slice %arg8[%dma_start3A_98, %dma_start3A_99] : memref<10112x128xf32, #tpu.memory_space<vmem_shared>> -> memref<10112x128xf32, #tpu.memory_space<vmem_shared>>
            tpu.enqueue_indirect_dma source(%arg6 : memref<128x128xf32, #tpu.memory_space<vmem>>) target(%dma_start3A_100 : memref<10112x128xf32, #tpu.memory_space<vmem_shared>>) offsets(%dma_start3A_97 : memref<128xi32, #tpu.memory_space<vmem>>) semaphore(%run_scoped3A_95 : memref<!tpu.dma_semaphore, #tpu.memory_space<semaphore_mem>>) {add = true}
            %dma_wait3A = arith.constant 0 : i32
            %dma_wait3A_101 = tpu.memref_slice %arg7[%run_scoped3A, %dma_wait3A] : memref<8x128xi32, #tpu.memory_space<vmem>> -> memref<1x128xi32, #tpu.memory_space<vmem>>
            %dma_wait3A_102 = tpu.memref_squeeze %dma_wait3A_101 : memref<1x128xi32, #tpu.memory_space<vmem>> -> memref<128xi32, #tpu.memory_space<vmem>>
            %dma_wait3A_103 = arith.constant 0 : i32
            %dma_wait3A_104 = arith.constant 0 : i32
            %dma_wait3A_105 = tpu.memref_slice %arg8[%dma_wait3A_103, %dma_wait3A_104] : memref<10112x128xf32, #tpu.memory_space<vmem_shared>> -> memref<10112x128xf32, #tpu.memory_space<vmem_shared>>
            tpu.wait_indirect_dma semaphore(%run_scoped3A_95 : memref<!tpu.dma_semaphore, #tpu.memory_space<semaphore_mem>>) src(%arg6 : memref<128x128xf32, #tpu.memory_space<vmem>>) dst(%dma_wait3A_105 : memref<10112x128xf32, #tpu.memory_space<vmem_shared>>)
            tpu.yield
          }) : () -> ()
        } else {
        }
        %mul3A_39 = arith.constant 8 : i32
        %mul3A_40 = arith.muli %add3A_18, %mul3A_39 : i32
        %add3A_41 = arith.constant 2 : i32
        %add3A_42 = arith.addi %mul3A_40, %add3A_41 : i32
        %lt3A_43 = arith.constant 2500 : i32
        %lt3A_44 = arith.cmpi slt, %add3A_42, %lt3A_43 : i32
        %convert_element_type3A_45 = arith.extui %lt3A_44 : i1 to i32
        %cond3A_46 = arith.constant 0 : i32
        %cond3A_47 = arith.cmpi ne, %convert_element_type3A_45, %cond3A_46 : i32
        scf.if %cond3A_47 {
          %mul3A_93 = arith.constant 128 : i32
          %mul3A_94 = arith.muli %add3A_42, %mul3A_93 : i32
          "tpu.region"() ({
            %run_scoped3A_95 = tpu.sem_alloc : memref<!tpu.dma_semaphore, #tpu.memory_space<semaphore_mem>>
            %dma_start3A = arith.constant 0 : i32
            %dma_start3A_96 = tpu.memref_slice %arg2[%mul3A_94, %dma_start3A] : memref<320000x128xf32, #tpu.memory_space<hbm>> -> memref<128x128xf32, #tpu.memory_space<hbm>>
            %dma_start3A_97 = arith.constant 0 : i32
            %dma_start3A_98 = tpu.memref_slice %arg2[%mul3A_94, %dma_start3A_97] : memref<320000x128xf32, #tpu.memory_space<hbm>> -> memref<128x128xf32, #tpu.memory_space<hbm>>
            tpu.enqueue_dma source(%dma_start3A_98 : memref<128x128xf32, #tpu.memory_space<hbm>>) target(%arg6 : memref<128x128xf32, #tpu.memory_space<vmem>>) target_semaphore(%run_scoped3A_95 : memref<!tpu.dma_semaphore, #tpu.memory_space<semaphore_mem>>)
            %dma_wait3A = arith.constant 0 : i32
            %dma_wait3A_99 = tpu.memref_slice %arg2[%mul3A_94, %dma_wait3A] : memref<320000x128xf32, #tpu.memory_space<hbm>> -> memref<128x128xf32, #tpu.memory_space<hbm>>
            %dma_wait3A_100 = arith.constant 0 : i32
            %dma_wait3A_101 = tpu.memref_slice %arg2[%mul3A_94, %dma_wait3A_100] : memref<320000x128xf32, #tpu.memory_space<hbm>> -> memref<128x128xf32, #tpu.memory_space<hbm>>
            tpu.wait_dma2 semaphore(%run_scoped3A_95 : memref<!tpu.dma_semaphore, #tpu.memory_space<semaphore_mem>>) src(%dma_wait3A_101 : memref<128x128xf32, #tpu.memory_space<hbm>>) dst(%arg6 : memref<128x128xf32, #tpu.memory_space<vmem>>)
            tpu.yield
          }) : () -> ()
          %run_scoped3A = arith.constant 2 : i32
          "tpu.region"() ({
            %run_scoped3A_95 = tpu.sem_alloc : memref<!tpu.dma_semaphore, #tpu.memory_space<semaphore_mem>>
            %dma_start3A = arith.constant 0 : i32
            %dma_start3A_96 = tpu.memref_slice %arg7[%run_scoped3A, %dma_start3A] : memref<8x128xi32, #tpu.memory_space<vmem>> -> memref<1x128xi32, #tpu.memory_space<vmem>>
            %dma_start3A_97 = tpu.memref_squeeze %dma_start3A_96 : memref<1x128xi32, #tpu.memory_space<vmem>> -> memref<128xi32, #tpu.memory_space<vmem>>
            %dma_start3A_98 = arith.constant 0 : i32
            %dma_start3A_99 = arith.constant 0 : i32
            %dma_start3A_100 = tpu.memref_slice %arg8[%dma_start3A_98, %dma_start3A_99] : memref<10112x128xf32, #tpu.memory_space<vmem_shared>> -> memref<10112x128xf32, #tpu.memory_space<vmem_shared>>
            tpu.enqueue_indirect_dma source(%arg6 : memref<128x128xf32, #tpu.memory_space<vmem>>) target(%dma_start3A_100 : memref<10112x128xf32, #tpu.memory_space<vmem_shared>>) offsets(%dma_start3A_97 : memref<128xi32, #tpu.memory_space<vmem>>) semaphore(%run_scoped3A_95 : memref<!tpu.dma_semaphore, #tpu.memory_space<semaphore_mem>>) {add = true}
            %dma_wait3A = arith.constant 0 : i32
            %dma_wait3A_101 = tpu.memref_slice %arg7[%run_scoped3A, %dma_wait3A] : memref<8x128xi32, #tpu.memory_space<vmem>> -> memref<1x128xi32, #tpu.memory_space<vmem>>
            %dma_wait3A_102 = tpu.memref_squeeze %dma_wait3A_101 : memref<1x128xi32, #tpu.memory_space<vmem>> -> memref<128xi32, #tpu.memory_space<vmem>>
            %dma_wait3A_103 = arith.constant 0 : i32
            %dma_wait3A_104 = arith.constant 0 : i32
            %dma_wait3A_105 = tpu.memref_slice %arg8[%dma_wait3A_103, %dma_wait3A_104] : memref<10112x128xf32, #tpu.memory_space<vmem_shared>> -> memref<10112x128xf32, #tpu.memory_space<vmem_shared>>
            tpu.wait_indirect_dma semaphore(%run_scoped3A_95 : memref<!tpu.dma_semaphore, #tpu.memory_space<semaphore_mem>>) src(%arg6 : memref<128x128xf32, #tpu.memory_space<vmem>>) dst(%dma_wait3A_105 : memref<10112x128xf32, #tpu.memory_space<vmem_shared>>)
            tpu.yield
          }) : () -> ()
        } else {
        }
        %mul3A_48 = arith.constant 8 : i32
        %mul3A_49 = arith.muli %add3A_18, %mul3A_48 : i32
        %add3A_50 = arith.constant 3 : i32
        %add3A_51 = arith.addi %mul3A_49, %add3A_50 : i32
        %lt3A_52 = arith.constant 2500 : i32
        %lt3A_53 = arith.cmpi slt, %add3A_51, %lt3A_52 : i32
        %convert_element_type3A_54 = arith.extui %lt3A_53 : i1 to i32
        %cond3A_55 = arith.constant 0 : i32
        %cond3A_56 = arith.cmpi ne, %convert_element_type3A_54, %cond3A_55 : i32
        scf.if %cond3A_56 {
          %mul3A_93 = arith.constant 128 : i32
          %mul3A_94 = arith.muli %add3A_51, %mul3A_93 : i32
          "tpu.region"() ({
            %run_scoped3A_95 = tpu.sem_alloc : memref<!tpu.dma_semaphore, #tpu.memory_space<semaphore_mem>>
            %dma_start3A = arith.constant 0 : i32
            %dma_start3A_96 = tpu.memref_slice %arg2[%mul3A_94, %dma_start3A] : memref<320000x128xf32, #tpu.memory_space<hbm>> -> memref<128x128xf32, #tpu.memory_space<hbm>>
            %dma_start3A_97 = arith.constant 0 : i32
            %dma_start3A_98 = tpu.memref_slice %arg2[%mul3A_94, %dma_start3A_97] : memref<320000x128xf32, #tpu.memory_space<hbm>> -> memref<128x128xf32, #tpu.memory_space<hbm>>
            tpu.enqueue_dma source(%dma_start3A_98 : memref<128x128xf32, #tpu.memory_space<hbm>>) target(%arg6 : memref<128x128xf32, #tpu.memory_space<vmem>>) target_semaphore(%run_scoped3A_95 : memref<!tpu.dma_semaphore, #tpu.memory_space<semaphore_mem>>)
            %dma_wait3A = arith.constant 0 : i32
            %dma_wait3A_99 = tpu.memref_slice %arg2[%mul3A_94, %dma_wait3A] : memref<320000x128xf32, #tpu.memory_space<hbm>> -> memref<128x128xf32, #tpu.memory_space<hbm>>
            %dma_wait3A_100 = arith.constant 0 : i32
            %dma_wait3A_101 = tpu.memref_slice %arg2[%mul3A_94, %dma_wait3A_100] : memref<320000x128xf32, #tpu.memory_space<hbm>> -> memref<128x128xf32, #tpu.memory_space<hbm>>
            tpu.wait_dma2 semaphore(%run_scoped3A_95 : memref<!tpu.dma_semaphore, #tpu.memory_space<semaphore_mem>>) src(%dma_wait3A_101 : memref<128x128xf32, #tpu.memory_space<hbm>>) dst(%arg6 : memref<128x128xf32, #tpu.memory_space<vmem>>)
            tpu.yield
          }) : () -> ()
          %run_scoped3A = arith.constant 3 : i32
          "tpu.region"() ({
            %run_scoped3A_95 = tpu.sem_alloc : memref<!tpu.dma_semaphore, #tpu.memory_space<semaphore_mem>>
            %dma_start3A = arith.constant 0 : i32
            %dma_start3A_96 = tpu.memref_slice %arg7[%run_scoped3A, %dma_start3A] : memref<8x128xi32, #tpu.memory_space<vmem>> -> memref<1x128xi32, #tpu.memory_space<vmem>>
            %dma_start3A_97 = tpu.memref_squeeze %dma_start3A_96 : memref<1x128xi32, #tpu.memory_space<vmem>> -> memref<128xi32, #tpu.memory_space<vmem>>
            %dma_start3A_98 = arith.constant 0 : i32
            %dma_start3A_99 = arith.constant 0 : i32
            %dma_start3A_100 = tpu.memref_slice %arg8[%dma_start3A_98, %dma_start3A_99] : memref<10112x128xf32, #tpu.memory_space<vmem_shared>> -> memref<10112x128xf32, #tpu.memory_space<vmem_shared>>
            tpu.enqueue_indirect_dma source(%arg6 : memref<128x128xf32, #tpu.memory_space<vmem>>) target(%dma_start3A_100 : memref<10112x128xf32, #tpu.memory_space<vmem_shared>>) offsets(%dma_start3A_97 : memref<128xi32, #tpu.memory_space<vmem>>) semaphore(%run_scoped3A_95 : memref<!tpu.dma_semaphore, #tpu.memory_space<semaphore_mem>>) {add = true}
            %dma_wait3A = arith.constant 0 : i32
            %dma_wait3A_101 = tpu.memref_slice %arg7[%run_scoped3A, %dma_wait3A] : memref<8x128xi32, #tpu.memory_space<vmem>> -> memref<1x128xi32, #tpu.memory_space<vmem>>
            %dma_wait3A_102 = tpu.memref_squeeze %dma_wait3A_101 : memref<1x128xi32, #tpu.memory_space<vmem>> -> memref<128xi32, #tpu.memory_space<vmem>>
            %dma_wait3A_103 = arith.constant 0 : i32
            %dma_wait3A_104 = arith.constant 0 : i32
            %dma_wait3A_105 = tpu.memref_slice %arg8[%dma_wait3A_103, %dma_wait3A_104] : memref<10112x128xf32, #tpu.memory_space<vmem_shared>> -> memref<10112x128xf32, #tpu.memory_space<vmem_shared>>
            tpu.wait_indirect_dma semaphore(%run_scoped3A_95 : memref<!tpu.dma_semaphore, #tpu.memory_space<semaphore_mem>>) src(%arg6 : memref<128x128xf32, #tpu.memory_space<vmem>>) dst(%dma_wait3A_105 : memref<10112x128xf32, #tpu.memory_space<vmem_shared>>)
            tpu.yield
          }) : () -> ()
        } else {
        }
        %mul3A_57 = arith.constant 8 : i32
        %mul3A_58 = arith.muli %add3A_18, %mul3A_57 : i32
        %add3A_59 = arith.constant 4 : i32
        %add3A_60 = arith.addi %mul3A_58, %add3A_59 : i32
        %lt3A_61 = arith.constant 2500 : i32
        %lt3A_62 = arith.cmpi slt, %add3A_60, %lt3A_61 : i32
        %convert_element_type3A_63 = arith.extui %lt3A_62 : i1 to i32
        %cond3A_64 = arith.constant 0 : i32
        %cond3A_65 = arith.cmpi ne, %convert_element_type3A_63, %cond3A_64 : i32
        scf.if %cond3A_65 {
          %mul3A_93 = arith.constant 128 : i32
          %mul3A_94 = arith.muli %add3A_60, %mul3A_93 : i32
          "tpu.region"() ({
            %run_scoped3A_95 = tpu.sem_alloc : memref<!tpu.dma_semaphore, #tpu.memory_space<semaphore_mem>>
            %dma_start3A = arith.constant 0 : i32
            %dma_start3A_96 = tpu.memref_slice %arg2[%mul3A_94, %dma_start3A] : memref<320000x128xf32, #tpu.memory_space<hbm>> -> memref<128x128xf32, #tpu.memory_space<hbm>>
            %dma_start3A_97 = arith.constant 0 : i32
            %dma_start3A_98 = tpu.memref_slice %arg2[%mul3A_94, %dma_start3A_97] : memref<320000x128xf32, #tpu.memory_space<hbm>> -> memref<128x128xf32, #tpu.memory_space<hbm>>
            tpu.enqueue_dma source(%dma_start3A_98 : memref<128x128xf32, #tpu.memory_space<hbm>>) target(%arg6 : memref<128x128xf32, #tpu.memory_space<vmem>>) target_semaphore(%run_scoped3A_95 : memref<!tpu.dma_semaphore, #tpu.memory_space<semaphore_mem>>)
            %dma_wait3A = arith.constant 0 : i32
            %dma_wait3A_99 = tpu.memref_slice %arg2[%mul3A_94, %dma_wait3A] : memref<320000x128xf32, #tpu.memory_space<hbm>> -> memref<128x128xf32, #tpu.memory_space<hbm>>
            %dma_wait3A_100 = arith.constant 0 : i32
            %dma_wait3A_101 = tpu.memref_slice %arg2[%mul3A_94, %dma_wait3A_100] : memref<320000x128xf32, #tpu.memory_space<hbm>> -> memref<128x128xf32, #tpu.memory_space<hbm>>
            tpu.wait_dma2 semaphore(%run_scoped3A_95 : memref<!tpu.dma_semaphore, #tpu.memory_space<semaphore_mem>>) src(%dma_wait3A_101 : memref<128x128xf32, #tpu.memory_space<hbm>>) dst(%arg6 : memref<128x128xf32, #tpu.memory_space<vmem>>)
            tpu.yield
          }) : () -> ()
          %run_scoped3A = arith.constant 4 : i32
          "tpu.region"() ({
            %run_scoped3A_95 = tpu.sem_alloc : memref<!tpu.dma_semaphore, #tpu.memory_space<semaphore_mem>>
            %dma_start3A = arith.constant 0 : i32
            %dma_start3A_96 = tpu.memref_slice %arg7[%run_scoped3A, %dma_start3A] : memref<8x128xi32, #tpu.memory_space<vmem>> -> memref<1x128xi32, #tpu.memory_space<vmem>>
            %dma_start3A_97 = tpu.memref_squeeze %dma_start3A_96 : memref<1x128xi32, #tpu.memory_space<vmem>> -> memref<128xi32, #tpu.memory_space<vmem>>
            %dma_start3A_98 = arith.constant 0 : i32
            %dma_start3A_99 = arith.constant 0 : i32
            %dma_start3A_100 = tpu.memref_slice %arg8[%dma_start3A_98, %dma_start3A_99] : memref<10112x128xf32, #tpu.memory_space<vmem_shared>> -> memref<10112x128xf32, #tpu.memory_space<vmem_shared>>
            tpu.enqueue_indirect_dma source(%arg6 : memref<128x128xf32, #tpu.memory_space<vmem>>) target(%dma_start3A_100 : memref<10112x128xf32, #tpu.memory_space<vmem_shared>>) offsets(%dma_start3A_97 : memref<128xi32, #tpu.memory_space<vmem>>) semaphore(%run_scoped3A_95 : memref<!tpu.dma_semaphore, #tpu.memory_space<semaphore_mem>>) {add = true}
            %dma_wait3A = arith.constant 0 : i32
            %dma_wait3A_101 = tpu.memref_slice %arg7[%run_scoped3A, %dma_wait3A] : memref<8x128xi32, #tpu.memory_space<vmem>> -> memref<1x128xi32, #tpu.memory_space<vmem>>
            %dma_wait3A_102 = tpu.memref_squeeze %dma_wait3A_101 : memref<1x128xi32, #tpu.memory_space<vmem>> -> memref<128xi32, #tpu.memory_space<vmem>>
            %dma_wait3A_103 = arith.constant 0 : i32
            %dma_wait3A_104 = arith.constant 0 : i32
            %dma_wait3A_105 = tpu.memref_slice %arg8[%dma_wait3A_103, %dma_wait3A_104] : memref<10112x128xf32, #tpu.memory_space<vmem_shared>> -> memref<10112x128xf32, #tpu.memory_space<vmem_shared>>
            tpu.wait_indirect_dma semaphore(%run_scoped3A_95 : memref<!tpu.dma_semaphore, #tpu.memory_space<semaphore_mem>>) src(%arg6 : memref<128x128xf32, #tpu.memory_space<vmem>>) dst(%dma_wait3A_105 : memref<10112x128xf32, #tpu.memory_space<vmem_shared>>)
            tpu.yield
          }) : () -> ()
        } else {
        }
        %mul3A_66 = arith.constant 8 : i32
        %mul3A_67 = arith.muli %add3A_18, %mul3A_66 : i32
        %add3A_68 = arith.constant 5 : i32
        %add3A_69 = arith.addi %mul3A_67, %add3A_68 : i32
        %lt3A_70 = arith.constant 2500 : i32
        %lt3A_71 = arith.cmpi slt, %add3A_69, %lt3A_70 : i32
        %convert_element_type3A_72 = arith.extui %lt3A_71 : i1 to i32
        %cond3A_73 = arith.constant 0 : i32
        %cond3A_74 = arith.cmpi ne, %convert_element_type3A_72, %cond3A_73 : i32
        scf.if %cond3A_74 {
          %mul3A_93 = arith.constant 128 : i32
          %mul3A_94 = arith.muli %add3A_69, %mul3A_93 : i32
          "tpu.region"() ({
            %run_scoped3A_95 = tpu.sem_alloc : memref<!tpu.dma_semaphore, #tpu.memory_space<semaphore_mem>>
            %dma_start3A = arith.constant 0 : i32
            %dma_start3A_96 = tpu.memref_slice %arg2[%mul3A_94, %dma_start3A] : memref<320000x128xf32, #tpu.memory_space<hbm>> -> memref<128x128xf32, #tpu.memory_space<hbm>>
            %dma_start3A_97 = arith.constant 0 : i32
            %dma_start3A_98 = tpu.memref_slice %arg2[%mul3A_94, %dma_start3A_97] : memref<320000x128xf32, #tpu.memory_space<hbm>> -> memref<128x128xf32, #tpu.memory_space<hbm>>
            tpu.enqueue_dma source(%dma_start3A_98 : memref<128x128xf32, #tpu.memory_space<hbm>>) target(%arg6 : memref<128x128xf32, #tpu.memory_space<vmem>>) target_semaphore(%run_scoped3A_95 : memref<!tpu.dma_semaphore, #tpu.memory_space<semaphore_mem>>)
            %dma_wait3A = arith.constant 0 : i32
            %dma_wait3A_99 = tpu.memref_slice %arg2[%mul3A_94, %dma_wait3A] : memref<320000x128xf32, #tpu.memory_space<hbm>> -> memref<128x128xf32, #tpu.memory_space<hbm>>
            %dma_wait3A_100 = arith.constant 0 : i32
            %dma_wait3A_101 = tpu.memref_slice %arg2[%mul3A_94, %dma_wait3A_100] : memref<320000x128xf32, #tpu.memory_space<hbm>> -> memref<128x128xf32, #tpu.memory_space<hbm>>
            tpu.wait_dma2 semaphore(%run_scoped3A_95 : memref<!tpu.dma_semaphore, #tpu.memory_space<semaphore_mem>>) src(%dma_wait3A_101 : memref<128x128xf32, #tpu.memory_space<hbm>>) dst(%arg6 : memref<128x128xf32, #tpu.memory_space<vmem>>)
            tpu.yield
          }) : () -> ()
          %run_scoped3A = arith.constant 5 : i32
          "tpu.region"() ({
            %run_scoped3A_95 = tpu.sem_alloc : memref<!tpu.dma_semaphore, #tpu.memory_space<semaphore_mem>>
            %dma_start3A = arith.constant 0 : i32
            %dma_start3A_96 = tpu.memref_slice %arg7[%run_scoped3A, %dma_start3A] : memref<8x128xi32, #tpu.memory_space<vmem>> -> memref<1x128xi32, #tpu.memory_space<vmem>>
            %dma_start3A_97 = tpu.memref_squeeze %dma_start3A_96 : memref<1x128xi32, #tpu.memory_space<vmem>> -> memref<128xi32, #tpu.memory_space<vmem>>
            %dma_start3A_98 = arith.constant 0 : i32
            %dma_start3A_99 = arith.constant 0 : i32
            %dma_start3A_100 = tpu.memref_slice %arg8[%dma_start3A_98, %dma_start3A_99] : memref<10112x128xf32, #tpu.memory_space<vmem_shared>> -> memref<10112x128xf32, #tpu.memory_space<vmem_shared>>
            tpu.enqueue_indirect_dma source(%arg6 : memref<128x128xf32, #tpu.memory_space<vmem>>) target(%dma_start3A_100 : memref<10112x128xf32, #tpu.memory_space<vmem_shared>>) offsets(%dma_start3A_97 : memref<128xi32, #tpu.memory_space<vmem>>) semaphore(%run_scoped3A_95 : memref<!tpu.dma_semaphore, #tpu.memory_space<semaphore_mem>>) {add = true}
            %dma_wait3A = arith.constant 0 : i32
            %dma_wait3A_101 = tpu.memref_slice %arg7[%run_scoped3A, %dma_wait3A] : memref<8x128xi32, #tpu.memory_space<vmem>> -> memref<1x128xi32, #tpu.memory_space<vmem>>
            %dma_wait3A_102 = tpu.memref_squeeze %dma_wait3A_101 : memref<1x128xi32, #tpu.memory_space<vmem>> -> memref<128xi32, #tpu.memory_space<vmem>>
            %dma_wait3A_103 = arith.constant 0 : i32
            %dma_wait3A_104 = arith.constant 0 : i32
            %dma_wait3A_105 = tpu.memref_slice %arg8[%dma_wait3A_103, %dma_wait3A_104] : memref<10112x128xf32, #tpu.memory_space<vmem_shared>> -> memref<10112x128xf32, #tpu.memory_space<vmem_shared>>
            tpu.wait_indirect_dma semaphore(%run_scoped3A_95 : memref<!tpu.dma_semaphore, #tpu.memory_space<semaphore_mem>>) src(%arg6 : memref<128x128xf32, #tpu.memory_space<vmem>>) dst(%dma_wait3A_105 : memref<10112x128xf32, #tpu.memory_space<vmem_shared>>)
            tpu.yield
          }) : () -> ()
        } else {
        }
        %mul3A_75 = arith.constant 8 : i32
        %mul3A_76 = arith.muli %add3A_18, %mul3A_75 : i32
        %add3A_77 = arith.constant 6 : i32
        %add3A_78 = arith.addi %mul3A_76, %add3A_77 : i32
        %lt3A_79 = arith.constant 2500 : i32
        %lt3A_80 = arith.cmpi slt, %add3A_78, %lt3A_79 : i32
        %convert_element_type3A_81 = arith.extui %lt3A_80 : i1 to i32
        %cond3A_82 = arith.constant 0 : i32
        %cond3A_83 = arith.cmpi ne, %convert_element_type3A_81, %cond3A_82 : i32
        scf.if %cond3A_83 {
          %mul3A_93 = arith.constant 128 : i32
          %mul3A_94 = arith.muli %add3A_78, %mul3A_93 : i32
          "tpu.region"() ({
            %run_scoped3A_95 = tpu.sem_alloc : memref<!tpu.dma_semaphore, #tpu.memory_space<semaphore_mem>>
            %dma_start3A = arith.constant 0 : i32
            %dma_start3A_96 = tpu.memref_slice %arg2[%mul3A_94, %dma_start3A] : memref<320000x128xf32, #tpu.memory_space<hbm>> -> memref<128x128xf32, #tpu.memory_space<hbm>>
            %dma_start3A_97 = arith.constant 0 : i32
            %dma_start3A_98 = tpu.memref_slice %arg2[%mul3A_94, %dma_start3A_97] : memref<320000x128xf32, #tpu.memory_space<hbm>> -> memref<128x128xf32, #tpu.memory_space<hbm>>
            tpu.enqueue_dma source(%dma_start3A_98 : memref<128x128xf32, #tpu.memory_space<hbm>>) target(%arg6 : memref<128x128xf32, #tpu.memory_space<vmem>>) target_semaphore(%run_scoped3A_95 : memref<!tpu.dma_semaphore, #tpu.memory_space<semaphore_mem>>)
            %dma_wait3A = arith.constant 0 : i32
            %dma_wait3A_99 = tpu.memref_slice %arg2[%mul3A_94, %dma_wait3A] : memref<320000x128xf32, #tpu.memory_space<hbm>> -> memref<128x128xf32, #tpu.memory_space<hbm>>
            %dma_wait3A_100 = arith.constant 0 : i32
            %dma_wait3A_101 = tpu.memref_slice %arg2[%mul3A_94, %dma_wait3A_100] : memref<320000x128xf32, #tpu.memory_space<hbm>> -> memref<128x128xf32, #tpu.memory_space<hbm>>
            tpu.wait_dma2 semaphore(%run_scoped3A_95 : memref<!tpu.dma_semaphore, #tpu.memory_space<semaphore_mem>>) src(%dma_wait3A_101 : memref<128x128xf32, #tpu.memory_space<hbm>>) dst(%arg6 : memref<128x128xf32, #tpu.memory_space<vmem>>)
            tpu.yield
          }) : () -> ()
          %run_scoped3A = arith.constant 6 : i32
          "tpu.region"() ({
            %run_scoped3A_95 = tpu.sem_alloc : memref<!tpu.dma_semaphore, #tpu.memory_space<semaphore_mem>>
            %dma_start3A = arith.constant 0 : i32
            %dma_start3A_96 = tpu.memref_slice %arg7[%run_scoped3A, %dma_start3A] : memref<8x128xi32, #tpu.memory_space<vmem>> -> memref<1x128xi32, #tpu.memory_space<vmem>>
            %dma_start3A_97 = tpu.memref_squeeze %dma_start3A_96 : memref<1x128xi32, #tpu.memory_space<vmem>> -> memref<128xi32, #tpu.memory_space<vmem>>
            %dma_start3A_98 = arith.constant 0 : i32
            %dma_start3A_99 = arith.constant 0 : i32
            %dma_start3A_100 = tpu.memref_slice %arg8[%dma_start3A_98, %dma_start3A_99] : memref<10112x128xf32, #tpu.memory_space<vmem_shared>> -> memref<10112x128xf32, #tpu.memory_space<vmem_shared>>
            tpu.enqueue_indirect_dma source(%arg6 : memref<128x128xf32, #tpu.memory_space<vmem>>) target(%dma_start3A_100 : memref<10112x128xf32, #tpu.memory_space<vmem_shared>>) offsets(%dma_start3A_97 : memref<128xi32, #tpu.memory_space<vmem>>) semaphore(%run_scoped3A_95 : memref<!tpu.dma_semaphore, #tpu.memory_space<semaphore_mem>>) {add = true}
            %dma_wait3A = arith.constant 0 : i32
            %dma_wait3A_101 = tpu.memref_slice %arg7[%run_scoped3A, %dma_wait3A] : memref<8x128xi32, #tpu.memory_space<vmem>> -> memref<1x128xi32, #tpu.memory_space<vmem>>
            %dma_wait3A_102 = tpu.memref_squeeze %dma_wait3A_101 : memref<1x128xi32, #tpu.memory_space<vmem>> -> memref<128xi32, #tpu.memory_space<vmem>>
            %dma_wait3A_103 = arith.constant 0 : i32
            %dma_wait3A_104 = arith.constant 0 : i32
            %dma_wait3A_105 = tpu.memref_slice %arg8[%dma_wait3A_103, %dma_wait3A_104] : memref<10112x128xf32, #tpu.memory_space<vmem_shared>> -> memref<10112x128xf32, #tpu.memory_space<vmem_shared>>
            tpu.wait_indirect_dma semaphore(%run_scoped3A_95 : memref<!tpu.dma_semaphore, #tpu.memory_space<semaphore_mem>>) src(%arg6 : memref<128x128xf32, #tpu.memory_space<vmem>>) dst(%dma_wait3A_105 : memref<10112x128xf32, #tpu.memory_space<vmem_shared>>)
            tpu.yield
          }) : () -> ()
        } else {
        }
        %mul3A_84 = arith.constant 8 : i32
        %mul3A_85 = arith.muli %add3A_18, %mul3A_84 : i32
        %add3A_86 = arith.constant 7 : i32
        %add3A_87 = arith.addi %mul3A_85, %add3A_86 : i32
        %lt3A_88 = arith.constant 2500 : i32
        %lt3A_89 = arith.cmpi slt, %add3A_87, %lt3A_88 : i32
        %convert_element_type3A_90 = arith.extui %lt3A_89 : i1 to i32
        %cond3A_91 = arith.constant 0 : i32
        %cond3A_92 = arith.cmpi ne, %convert_element_type3A_90, %cond3A_91 : i32
        scf.if %cond3A_92 {
          %mul3A_93 = arith.constant 128 : i32
          %mul3A_94 = arith.muli %add3A_87, %mul3A_93 : i32
          "tpu.region"() ({
            %run_scoped3A_95 = tpu.sem_alloc : memref<!tpu.dma_semaphore, #tpu.memory_space<semaphore_mem>>
            %dma_start3A = arith.constant 0 : i32
            %dma_start3A_96 = tpu.memref_slice %arg2[%mul3A_94, %dma_start3A] : memref<320000x128xf32, #tpu.memory_space<hbm>> -> memref<128x128xf32, #tpu.memory_space<hbm>>
            %dma_start3A_97 = arith.constant 0 : i32
            %dma_start3A_98 = tpu.memref_slice %arg2[%mul3A_94, %dma_start3A_97] : memref<320000x128xf32, #tpu.memory_space<hbm>> -> memref<128x128xf32, #tpu.memory_space<hbm>>
            tpu.enqueue_dma source(%dma_start3A_98 : memref<128x128xf32, #tpu.memory_space<hbm>>) target(%arg6 : memref<128x128xf32, #tpu.memory_space<vmem>>) target_semaphore(%run_scoped3A_95 : memref<!tpu.dma_semaphore, #tpu.memory_space<semaphore_mem>>)
            %dma_wait3A = arith.constant 0 : i32
            %dma_wait3A_99 = tpu.memref_slice %arg2[%mul3A_94, %dma_wait3A] : memref<320000x128xf32, #tpu.memory_space<hbm>> -> memref<128x128xf32, #tpu.memory_space<hbm>>
            %dma_wait3A_100 = arith.constant 0 : i32
            %dma_wait3A_101 = tpu.memref_slice %arg2[%mul3A_94, %dma_wait3A_100] : memref<320000x128xf32, #tpu.memory_space<hbm>> -> memref<128x128xf32, #tpu.memory_space<hbm>>
            tpu.wait_dma2 semaphore(%run_scoped3A_95 : memref<!tpu.dma_semaphore, #tpu.memory_space<semaphore_mem>>) src(%dma_wait3A_101 : memref<128x128xf32, #tpu.memory_space<hbm>>) dst(%arg6 : memref<128x128xf32, #tpu.memory_space<vmem>>)
            tpu.yield
          }) : () -> ()
          %run_scoped3A = arith.constant 7 : i32
          "tpu.region"() ({
            %run_scoped3A_95 = tpu.sem_alloc : memref<!tpu.dma_semaphore, #tpu.memory_space<semaphore_mem>>
            %dma_start3A = arith.constant 0 : i32
            %dma_start3A_96 = tpu.memref_slice %arg7[%run_scoped3A, %dma_start3A] : memref<8x128xi32, #tpu.memory_space<vmem>> -> memref<1x128xi32, #tpu.memory_space<vmem>>
            %dma_start3A_97 = tpu.memref_squeeze %dma_start3A_96 : memref<1x128xi32, #tpu.memory_space<vmem>> -> memref<128xi32, #tpu.memory_space<vmem>>
            %dma_start3A_98 = arith.constant 0 : i32
            %dma_start3A_99 = arith.constant 0 : i32
            %dma_start3A_100 = tpu.memref_slice %arg8[%dma_start3A_98, %dma_start3A_99] : memref<10112x128xf32, #tpu.memory_space<vmem_shared>> -> memref<10112x128xf32, #tpu.memory_space<vmem_shared>>
            tpu.enqueue_indirect_dma source(%arg6 : memref<128x128xf32, #tpu.memory_space<vmem>>) target(%dma_start3A_100 : memref<10112x128xf32, #tpu.memory_space<vmem_shared>>) offsets(%dma_start3A_97 : memref<128xi32, #tpu.memory_space<vmem>>) semaphore(%run_scoped3A_95 : memref<!tpu.dma_semaphore, #tpu.memory_space<semaphore_mem>>) {add = true}
            %dma_wait3A = arith.constant 0 : i32
            %dma_wait3A_101 = tpu.memref_slice %arg7[%run_scoped3A, %dma_wait3A] : memref<8x128xi32, #tpu.memory_space<vmem>> -> memref<1x128xi32, #tpu.memory_space<vmem>>
            %dma_wait3A_102 = tpu.memref_squeeze %dma_wait3A_101 : memref<1x128xi32, #tpu.memory_space<vmem>> -> memref<128xi32, #tpu.memory_space<vmem>>
            %dma_wait3A_103 = arith.constant 0 : i32
            %dma_wait3A_104 = arith.constant 0 : i32
            %dma_wait3A_105 = tpu.memref_slice %arg8[%dma_wait3A_103, %dma_wait3A_104] : memref<10112x128xf32, #tpu.memory_space<vmem_shared>> -> memref<10112x128xf32, #tpu.memory_space<vmem_shared>>
            tpu.wait_indirect_dma semaphore(%run_scoped3A_95 : memref<!tpu.dma_semaphore, #tpu.memory_space<semaphore_mem>>) src(%arg6 : memref<128x128xf32, #tpu.memory_space<vmem>>) dst(%dma_wait3A_105 : memref<10112x128xf32, #tpu.memory_space<vmem_shared>>)
            tpu.yield
          }) : () -> ()
        } else {
        }
      } else {
      }
    }
    %scan3A_9 = arith.constant 10 : i32
    %barrier3A_10 = arith.constant 0 : index
    tpu.barrier barrier_id(%barrier3A_10)
    %mul3A_11 = arith.constant 632 : i32
    %mul3A_12 = arith.muli %arg1, %mul3A_11 : i32
    %mul3A_13 = arith.constant 632 : i32
    %mul3A_14 = arith.muli %arg1, %mul3A_13 : i32
    "tpu.region"() ({
      %run_scoped3A = tpu.sem_alloc : memref<!tpu.dma_semaphore, #tpu.memory_space<semaphore_mem>>
      %dma_start3A = arith.constant 0 : i32
      %dma_start3A_15 = tpu.memref_slice %arg5[%arg0, %mul3A_14, %dma_start3A] : memref<2x10112x128xf32, #tpu.memory_space<hbm>> -> memref<1x632x128xf32, #tpu.memory_space<hbm>>
      %dma_start3A_16 = tpu.memref_squeeze %dma_start3A_15 : memref<1x632x128xf32, #tpu.memory_space<hbm>> -> memref<632x128xf32, #tpu.memory_space<hbm>>
      %dma_start3A_17 = arith.constant 0 : i32
      %dma_start3A_18 = tpu.memref_slice %arg8[%mul3A_12, %dma_start3A_17] : memref<10112x128xf32, #tpu.memory_space<vmem_shared>> -> memref<632x128xf32, #tpu.memory_space<vmem_shared>>
      tpu.enqueue_dma source(%dma_start3A_18 : memref<632x128xf32, #tpu.memory_space<vmem_shared>>) target(%dma_start3A_16 : memref<632x128xf32, #tpu.memory_space<hbm>>) target_semaphore(%run_scoped3A : memref<!tpu.dma_semaphore, #tpu.memory_space<semaphore_mem>>)
      %dma_wait3A = arith.constant 0 : i32
      %dma_wait3A_19 = tpu.memref_slice %arg5[%arg0, %mul3A_14, %dma_wait3A] : memref<2x10112x128xf32, #tpu.memory_space<hbm>> -> memref<1x632x128xf32, #tpu.memory_space<hbm>>
      %dma_wait3A_20 = tpu.memref_squeeze %dma_wait3A_19 : memref<1x632x128xf32, #tpu.memory_space<hbm>> -> memref<632x128xf32, #tpu.memory_space<hbm>>
      %dma_wait3A_21 = arith.constant 0 : i32
      %dma_wait3A_22 = tpu.memref_slice %arg8[%mul3A_12, %dma_wait3A_21] : memref<10112x128xf32, #tpu.memory_space<vmem_shared>> -> memref<632x128xf32, #tpu.memory_space<vmem_shared>>
      tpu.wait_dma2 semaphore(%run_scoped3A : memref<!tpu.dma_semaphore, #tpu.memory_space<semaphore_mem>>) src(%dma_wait3A_22 : memref<632x128xf32, #tpu.memory_space<vmem_shared>>) dst(%dma_wait3A_20 : memref<632x128xf32, #tpu.memory_space<hbm>>)
      tpu.yield
    }) : () -> ()
    return
  }
}

#map = affine_map<(d0, d1) -> (0, 0)>
#map1 = affine_map<(d0, d1) -> (0, 0, 0)>
module attributes {stable_mosaic.version = 14 : i64} {
  func.func @_sc_scatter_body(%arg0: i32, %arg1: i32, %arg2: memref<320000x128xf32, #tpu.memory_space<hbm>>, %arg3: memref<313x8x128xi32, #tpu.memory_space<hbm>>, %arg4: memref<10112x128xf32, #tpu.memory_space<hbm>>, %arg5: memref<2x10112x128xf32, #tpu.memory_space<hbm>>, %arg6: memref<128x128xf32, #tpu.memory_space<vmem>>, %arg7: memref<8x128xi32, #tpu.memory_space<vmem>>, %arg8: memref<10112x128xf32, #tpu.memory_space<vmem_shared>>) attributes {dimension_semantics = [#tpu.dimension_semantics<core_parallel>, #tpu.dimension_semantics<subcore_parallel>], iteration_bounds = array<i64: 2, 16>, scalar_prefetch = 0 : i64, scratch_operands = 3 : i64, tpu.core_type = #tpu.core_type<sc_vector_subcore>, window_params = [{transform_indices = #map}, {transform_indices = #map1}, {transform_indices = #map}, {transform_indices = #map1}]} {
    %mul3A = arith.constant 16 : i32
    %mul3A_0 = arith.muli %arg0, %mul3A : i32
    %add3A = arith.addi %mul3A_0, %arg1 : i32
    %mul3A_1 = arith.constant 632 : i32
    %mul3A_2 = arith.muli %arg1, %mul3A_1 : i32
    %mul3A_3 = arith.constant 632 : i32
    %mul3A_4 = arith.muli %arg1, %mul3A_3 : i32
    "tpu.region"() ({
      %run_scoped3A = tpu.sem_alloc : memref<!tpu.dma_semaphore, #tpu.memory_space<semaphore_mem>>
      %dma_start3A = arith.constant 0 : i32
      %dma_start3A_15 = tpu.memref_slice %arg8[%mul3A_4, %dma_start3A] : memref<10112x128xf32, #tpu.memory_space<vmem_shared>> -> memref<632x128xf32, #tpu.memory_space<vmem_shared>>
      %dma_start3A_16 = arith.constant 0 : i32
      %dma_start3A_17 = tpu.memref_slice %arg4[%mul3A_2, %dma_start3A_16] : memref<10112x128xf32, #tpu.memory_space<hbm>> -> memref<632x128xf32, #tpu.memory_space<hbm>>
      tpu.enqueue_dma source(%dma_start3A_17 : memref<632x128xf32, #tpu.memory_space<hbm>>) target(%dma_start3A_15 : memref<632x128xf32, #tpu.memory_space<vmem_shared>>) target_semaphore(%run_scoped3A : memref<!tpu.dma_semaphore, #tpu.memory_space<semaphore_mem>>)
      %dma_wait3A = arith.constant 0 : i32
      %dma_wait3A_18 = tpu.memref_slice %arg8[%mul3A_4, %dma_wait3A] : memref<10112x128xf32, #tpu.memory_space<vmem_shared>> -> memref<632x128xf32, #tpu.memory_space<vmem_shared>>
      %dma_wait3A_19 = arith.constant 0 : i32
      %dma_wait3A_20 = tpu.memref_slice %arg4[%mul3A_2, %dma_wait3A_19] : memref<10112x128xf32, #tpu.memory_space<hbm>> -> memref<632x128xf32, #tpu.memory_space<hbm>>
      tpu.wait_dma2 semaphore(%run_scoped3A : memref<!tpu.dma_semaphore, #tpu.memory_space<semaphore_mem>>) src(%dma_wait3A_20 : memref<632x128xf32, #tpu.memory_space<hbm>>) dst(%dma_wait3A_18 : memref<632x128xf32, #tpu.memory_space<vmem_shared>>)
      tpu.yield
    }) : () -> ()
    %barrier3A = arith.constant 0 : index
    tpu.barrier barrier_id(%barrier3A)
    %scan3A = arith.constant 0 : i32
    %scan3A_5 = arith.constant 0 : i32
    %scan3A_6 = arith.constant 10 : i32
    %scan3A_7 = arith.addi %scan3A_5, %scan3A_6 : i32
    %scan3A_8 = arith.constant 1 : i32
    scf.for %scan3A_15 = %scan3A_5 to %scan3A_7 step %scan3A_8  : i32 {
      %mul3A_16 = arith.constant 32 : i32
      %mul3A_17 = arith.muli %scan3A_15, %mul3A_16 : i32
      %add3A_18 = arith.addi %add3A, %mul3A_17 : i32
      %lt3A = arith.constant 313 : i32
      %lt3A_19 = arith.cmpi slt, %add3A_18, %lt3A : i32
      %convert_element_type3A = arith.extui %lt3A_19 : i1 to i32
      %cond3A = arith.constant 0 : i32
      %cond3A_20 = arith.cmpi ne, %convert_element_type3A, %cond3A : i32
      scf.if %cond3A_20 {
        "tpu.region"() ({
          %run_scoped3A = tpu.sem_alloc : memref<!tpu.dma_semaphore, #tpu.memory_space<semaphore_mem>>
          %dma_start3A = arith.constant 0 : i32
          %dma_start3A_93 = arith.constant 0 : i32
          %dma_start3A_94 = tpu.memref_slice %arg3[%add3A_18, %dma_start3A, %dma_start3A_93] : memref<313x8x128xi32, #tpu.memory_space<hbm>> -> memref<1x8x128xi32, #tpu.memory_space<hbm>>
          %dma_start3A_95 = tpu.memref_squeeze %dma_start3A_94 : memref<1x8x128xi32, #tpu.memory_space<hbm>> -> memref<8x128xi32, #tpu.memory_space<hbm>>
          %dma_start3A_96 = arith.constant 0 : i32
          %dma_start3A_97 = arith.constant 0 : i32
          %dma_start3A_98 = tpu.memref_slice %arg3[%add3A_18, %dma_start3A_96, %dma_start3A_97] : memref<313x8x128xi32, #tpu.memory_space<hbm>> -> memref<1x8x128xi32, #tpu.memory_space<hbm>>
          %dma_start3A_99 = tpu.memref_squeeze %dma_start3A_98 : memref<1x8x128xi32, #tpu.memory_space<hbm>> -> memref<8x128xi32, #tpu.memory_space<hbm>>
          tpu.enqueue_dma source(%dma_start3A_99 : memref<8x128xi32, #tpu.memory_space<hbm>>) target(%arg7 : memref<8x128xi32, #tpu.memory_space<vmem>>) target_semaphore(%run_scoped3A : memref<!tpu.dma_semaphore, #tpu.memory_space<semaphore_mem>>)
          %dma_wait3A = arith.constant 0 : i32
          %dma_wait3A_100 = arith.constant 0 : i32
          %dma_wait3A_101 = tpu.memref_slice %arg3[%add3A_18, %dma_wait3A, %dma_wait3A_100] : memref<313x8x128xi32, #tpu.memory_space<hbm>> -> memref<1x8x128xi32, #tpu.memory_space<hbm>>
          %dma_wait3A_102 = tpu.memref_squeeze %dma_wait3A_101 : memref<1x8x128xi32, #tpu.memory_space<hbm>> -> memref<8x128xi32, #tpu.memory_space<hbm>>
          %dma_wait3A_103 = arith.constant 0 : i32
          %dma_wait3A_104 = arith.constant 0 : i32
          %dma_wait3A_105 = tpu.memref_slice %arg3[%add3A_18, %dma_wait3A_103, %dma_wait3A_104] : memref<313x8x128xi32, #tpu.memory_space<hbm>> -> memref<1x8x128xi32, #tpu.memory_space<hbm>>
          %dma_wait3A_106 = tpu.memref_squeeze %dma_wait3A_105 : memref<1x8x128xi32, #tpu.memory_space<hbm>> -> memref<8x128xi32, #tpu.memory_space<hbm>>
          tpu.wait_dma2 semaphore(%run_scoped3A : memref<!tpu.dma_semaphore, #tpu.memory_space<semaphore_mem>>) src(%dma_wait3A_106 : memref<8x128xi32, #tpu.memory_space<hbm>>) dst(%arg7 : memref<8x128xi32, #tpu.memory_space<vmem>>)
          tpu.yield
        }) : () -> ()
        %mul3A_21 = arith.constant 8 : i32
        %mul3A_22 = arith.muli %add3A_18, %mul3A_21 : i32
        %add3A_23 = arith.constant 0 : i32
        %add3A_24 = arith.addi %mul3A_22, %add3A_23 : i32
        %lt3A_25 = arith.constant 2500 : i32
        %lt3A_26 = arith.cmpi slt, %add3A_24, %lt3A_25 : i32
        %convert_element_type3A_27 = arith.extui %lt3A_26 : i1 to i32
        %cond3A_28 = arith.constant 0 : i32
        %cond3A_29 = arith.cmpi ne, %convert_element_type3A_27, %cond3A_28 : i32
        scf.if %cond3A_29 {
          %mul3A_93 = arith.constant 128 : i32
          %mul3A_94 = arith.muli %add3A_24, %mul3A_93 : i32
          "tpu.region"() ({
            %run_scoped3A_95 = tpu.sem_alloc : memref<!tpu.dma_semaphore, #tpu.memory_space<semaphore_mem>>
            %dma_start3A = arith.constant 0 : i32
            %dma_start3A_96 = tpu.memref_slice %arg2[%mul3A_94, %dma_start3A] : memref<320000x128xf32, #tpu.memory_space<hbm>> -> memref<128x128xf32, #tpu.memory_space<hbm>>
            %dma_start3A_97 = arith.constant 0 : i32
            %dma_start3A_98 = tpu.memref_slice %arg2[%mul3A_94, %dma_start3A_97] : memref<320000x128xf32, #tpu.memory_space<hbm>> -> memref<128x128xf32, #tpu.memory_space<hbm>>
            tpu.enqueue_dma source(%dma_start3A_98 : memref<128x128xf32, #tpu.memory_space<hbm>>) target(%arg6 : memref<128x128xf32, #tpu.memory_space<vmem>>) target_semaphore(%run_scoped3A_95 : memref<!tpu.dma_semaphore, #tpu.memory_space<semaphore_mem>>)
            %dma_wait3A = arith.constant 0 : i32
            %dma_wait3A_99 = tpu.memref_slice %arg2[%mul3A_94, %dma_wait3A] : memref<320000x128xf32, #tpu.memory_space<hbm>> -> memref<128x128xf32, #tpu.memory_space<hbm>>
            %dma_wait3A_100 = arith.constant 0 : i32
            %dma_wait3A_101 = tpu.memref_slice %arg2[%mul3A_94, %dma_wait3A_100] : memref<320000x128xf32, #tpu.memory_space<hbm>> -> memref<128x128xf32, #tpu.memory_space<hbm>>
            tpu.wait_dma2 semaphore(%run_scoped3A_95 : memref<!tpu.dma_semaphore, #tpu.memory_space<semaphore_mem>>) src(%dma_wait3A_101 : memref<128x128xf32, #tpu.memory_space<hbm>>) dst(%arg6 : memref<128x128xf32, #tpu.memory_space<vmem>>)
            tpu.yield
          }) : () -> ()
          %run_scoped3A = arith.constant 0 : i32
          "tpu.region"() ({
            %run_scoped3A_95 = tpu.sem_alloc : memref<!tpu.dma_semaphore, #tpu.memory_space<semaphore_mem>>
            %dma_start3A = arith.constant 0 : i32
            %dma_start3A_96 = tpu.memref_slice %arg7[%run_scoped3A, %dma_start3A] : memref<8x128xi32, #tpu.memory_space<vmem>> -> memref<1x128xi32, #tpu.memory_space<vmem>>
            %dma_start3A_97 = tpu.memref_squeeze %dma_start3A_96 : memref<1x128xi32, #tpu.memory_space<vmem>> -> memref<128xi32, #tpu.memory_space<vmem>>
            %dma_start3A_98 = arith.constant 0 : i32
            %dma_start3A_99 = arith.constant 0 : i32
            %dma_start3A_100 = tpu.memref_slice %arg8[%dma_start3A_98, %dma_start3A_99] : memref<10112x128xf32, #tpu.memory_space<vmem_shared>> -> memref<10112x128xf32, #tpu.memory_space<vmem_shared>>
            tpu.enqueue_indirect_dma source(%arg6 : memref<128x128xf32, #tpu.memory_space<vmem>>) target(%dma_start3A_100 : memref<10112x128xf32, #tpu.memory_space<vmem_shared>>) offsets(%dma_start3A_97 : memref<128xi32, #tpu.memory_space<vmem>>) semaphore(%run_scoped3A_95 : memref<!tpu.dma_semaphore, #tpu.memory_space<semaphore_mem>>) {add = true}
            %dma_wait3A = arith.constant 0 : i32
            %dma_wait3A_101 = tpu.memref_slice %arg7[%run_scoped3A, %dma_wait3A] : memref<8x128xi32, #tpu.memory_space<vmem>> -> memref<1x128xi32, #tpu.memory_space<vmem>>
            %dma_wait3A_102 = tpu.memref_squeeze %dma_wait3A_101 : memref<1x128xi32, #tpu.memory_space<vmem>> -> memref<128xi32, #tpu.memory_space<vmem>>
            %dma_wait3A_103 = arith.constant 0 : i32
            %dma_wait3A_104 = arith.constant 0 : i32
            %dma_wait3A_105 = tpu.memref_slice %arg8[%dma_wait3A_103, %dma_wait3A_104] : memref<10112x128xf32, #tpu.memory_space<vmem_shared>> -> memref<10112x128xf32, #tpu.memory_space<vmem_shared>>
            tpu.wait_indirect_dma semaphore(%run_scoped3A_95 : memref<!tpu.dma_semaphore, #tpu.memory_space<semaphore_mem>>) src(%arg6 : memref<128x128xf32, #tpu.memory_space<vmem>>) dst(%dma_wait3A_105 : memref<10112x128xf32, #tpu.memory_space<vmem_shared>>)
            tpu.yield
          }) : () -> ()
        } else {
        }
        %mul3A_30 = arith.constant 8 : i32
        %mul3A_31 = arith.muli %add3A_18, %mul3A_30 : i32
        %add3A_32 = arith.constant 1 : i32
        %add3A_33 = arith.addi %mul3A_31, %add3A_32 : i32
        %lt3A_34 = arith.constant 2500 : i32
        %lt3A_35 = arith.cmpi slt, %add3A_33, %lt3A_34 : i32
        %convert_element_type3A_36 = arith.extui %lt3A_35 : i1 to i32
        %cond3A_37 = arith.constant 0 : i32
        %cond3A_38 = arith.cmpi ne, %convert_element_type3A_36, %cond3A_37 : i32
        scf.if %cond3A_38 {
          %mul3A_93 = arith.constant 128 : i32
          %mul3A_94 = arith.muli %add3A_33, %mul3A_93 : i32
          "tpu.region"() ({
            %run_scoped3A_95 = tpu.sem_alloc : memref<!tpu.dma_semaphore, #tpu.memory_space<semaphore_mem>>
            %dma_start3A = arith.constant 0 : i32
            %dma_start3A_96 = tpu.memref_slice %arg2[%mul3A_94, %dma_start3A] : memref<320000x128xf32, #tpu.memory_space<hbm>> -> memref<128x128xf32, #tpu.memory_space<hbm>>
            %dma_start3A_97 = arith.constant 0 : i32
            %dma_start3A_98 = tpu.memref_slice %arg2[%mul3A_94, %dma_start3A_97] : memref<320000x128xf32, #tpu.memory_space<hbm>> -> memref<128x128xf32, #tpu.memory_space<hbm>>
            tpu.enqueue_dma source(%dma_start3A_98 : memref<128x128xf32, #tpu.memory_space<hbm>>) target(%arg6 : memref<128x128xf32, #tpu.memory_space<vmem>>) target_semaphore(%run_scoped3A_95 : memref<!tpu.dma_semaphore, #tpu.memory_space<semaphore_mem>>)
            %dma_wait3A = arith.constant 0 : i32
            %dma_wait3A_99 = tpu.memref_slice %arg2[%mul3A_94, %dma_wait3A] : memref<320000x128xf32, #tpu.memory_space<hbm>> -> memref<128x128xf32, #tpu.memory_space<hbm>>
            %dma_wait3A_100 = arith.constant 0 : i32
            %dma_wait3A_101 = tpu.memref_slice %arg2[%mul3A_94, %dma_wait3A_100] : memref<320000x128xf32, #tpu.memory_space<hbm>> -> memref<128x128xf32, #tpu.memory_space<hbm>>
            tpu.wait_dma2 semaphore(%run_scoped3A_95 : memref<!tpu.dma_semaphore, #tpu.memory_space<semaphore_mem>>) src(%dma_wait3A_101 : memref<128x128xf32, #tpu.memory_space<hbm>>) dst(%arg6 : memref<128x128xf32, #tpu.memory_space<vmem>>)
            tpu.yield
          }) : () -> ()
          %run_scoped3A = arith.constant 1 : i32
          "tpu.region"() ({
            %run_scoped3A_95 = tpu.sem_alloc : memref<!tpu.dma_semaphore, #tpu.memory_space<semaphore_mem>>
            %dma_start3A = arith.constant 0 : i32
            %dma_start3A_96 = tpu.memref_slice %arg7[%run_scoped3A, %dma_start3A] : memref<8x128xi32, #tpu.memory_space<vmem>> -> memref<1x128xi32, #tpu.memory_space<vmem>>
            %dma_start3A_97 = tpu.memref_squeeze %dma_start3A_96 : memref<1x128xi32, #tpu.memory_space<vmem>> -> memref<128xi32, #tpu.memory_space<vmem>>
            %dma_start3A_98 = arith.constant 0 : i32
            %dma_start3A_99 = arith.constant 0 : i32
            %dma_start3A_100 = tpu.memref_slice %arg8[%dma_start3A_98, %dma_start3A_99] : memref<10112x128xf32, #tpu.memory_space<vmem_shared>> -> memref<10112x128xf32, #tpu.memory_space<vmem_shared>>
            tpu.enqueue_indirect_dma source(%arg6 : memref<128x128xf32, #tpu.memory_space<vmem>>) target(%dma_start3A_100 : memref<10112x128xf32, #tpu.memory_space<vmem_shared>>) offsets(%dma_start3A_97 : memref<128xi32, #tpu.memory_space<vmem>>) semaphore(%run_scoped3A_95 : memref<!tpu.dma_semaphore, #tpu.memory_space<semaphore_mem>>) {add = true}
            %dma_wait3A = arith.constant 0 : i32
            %dma_wait3A_101 = tpu.memref_slice %arg7[%run_scoped3A, %dma_wait3A] : memref<8x128xi32, #tpu.memory_space<vmem>> -> memref<1x128xi32, #tpu.memory_space<vmem>>
            %dma_wait3A_102 = tpu.memref_squeeze %dma_wait3A_101 : memref<1x128xi32, #tpu.memory_space<vmem>> -> memref<128xi32, #tpu.memory_space<vmem>>
            %dma_wait3A_103 = arith.constant 0 : i32
            %dma_wait3A_104 = arith.constant 0 : i32
            %dma_wait3A_105 = tpu.memref_slice %arg8[%dma_wait3A_103, %dma_wait3A_104] : memref<10112x128xf32, #tpu.memory_space<vmem_shared>> -> memref<10112x128xf32, #tpu.memory_space<vmem_shared>>
            tpu.wait_indirect_dma semaphore(%run_scoped3A_95 : memref<!tpu.dma_semaphore, #tpu.memory_space<semaphore_mem>>) src(%arg6 : memref<128x128xf32, #tpu.memory_space<vmem>>) dst(%dma_wait3A_105 : memref<10112x128xf32, #tpu.memory_space<vmem_shared>>)
            tpu.yield
          }) : () -> ()
        } else {
        }
        %mul3A_39 = arith.constant 8 : i32
        %mul3A_40 = arith.muli %add3A_18, %mul3A_39 : i32
        %add3A_41 = arith.constant 2 : i32
        %add3A_42 = arith.addi %mul3A_40, %add3A_41 : i32
        %lt3A_43 = arith.constant 2500 : i32
        %lt3A_44 = arith.cmpi slt, %add3A_42, %lt3A_43 : i32
        %convert_element_type3A_45 = arith.extui %lt3A_44 : i1 to i32
        %cond3A_46 = arith.constant 0 : i32
        %cond3A_47 = arith.cmpi ne, %convert_element_type3A_45, %cond3A_46 : i32
        scf.if %cond3A_47 {
          %mul3A_93 = arith.constant 128 : i32
          %mul3A_94 = arith.muli %add3A_42, %mul3A_93 : i32
          "tpu.region"() ({
            %run_scoped3A_95 = tpu.sem_alloc : memref<!tpu.dma_semaphore, #tpu.memory_space<semaphore_mem>>
            %dma_start3A = arith.constant 0 : i32
            %dma_start3A_96 = tpu.memref_slice %arg2[%mul3A_94, %dma_start3A] : memref<320000x128xf32, #tpu.memory_space<hbm>> -> memref<128x128xf32, #tpu.memory_space<hbm>>
            %dma_start3A_97 = arith.constant 0 : i32
            %dma_start3A_98 = tpu.memref_slice %arg2[%mul3A_94, %dma_start3A_97] : memref<320000x128xf32, #tpu.memory_space<hbm>> -> memref<128x128xf32, #tpu.memory_space<hbm>>
            tpu.enqueue_dma source(%dma_start3A_98 : memref<128x128xf32, #tpu.memory_space<hbm>>) target(%arg6 : memref<128x128xf32, #tpu.memory_space<vmem>>) target_semaphore(%run_scoped3A_95 : memref<!tpu.dma_semaphore, #tpu.memory_space<semaphore_mem>>)
            %dma_wait3A = arith.constant 0 : i32
            %dma_wait3A_99 = tpu.memref_slice %arg2[%mul3A_94, %dma_wait3A] : memref<320000x128xf32, #tpu.memory_space<hbm>> -> memref<128x128xf32, #tpu.memory_space<hbm>>
            %dma_wait3A_100 = arith.constant 0 : i32
            %dma_wait3A_101 = tpu.memref_slice %arg2[%mul3A_94, %dma_wait3A_100] : memref<320000x128xf32, #tpu.memory_space<hbm>> -> memref<128x128xf32, #tpu.memory_space<hbm>>
            tpu.wait_dma2 semaphore(%run_scoped3A_95 : memref<!tpu.dma_semaphore, #tpu.memory_space<semaphore_mem>>) src(%dma_wait3A_101 : memref<128x128xf32, #tpu.memory_space<hbm>>) dst(%arg6 : memref<128x128xf32, #tpu.memory_space<vmem>>)
            tpu.yield
          }) : () -> ()
          %run_scoped3A = arith.constant 2 : i32
          "tpu.region"() ({
            %run_scoped3A_95 = tpu.sem_alloc : memref<!tpu.dma_semaphore, #tpu.memory_space<semaphore_mem>>
            %dma_start3A = arith.constant 0 : i32
            %dma_start3A_96 = tpu.memref_slice %arg7[%run_scoped3A, %dma_start3A] : memref<8x128xi32, #tpu.memory_space<vmem>> -> memref<1x128xi32, #tpu.memory_space<vmem>>
            %dma_start3A_97 = tpu.memref_squeeze %dma_start3A_96 : memref<1x128xi32, #tpu.memory_space<vmem>> -> memref<128xi32, #tpu.memory_space<vmem>>
            %dma_start3A_98 = arith.constant 0 : i32
            %dma_start3A_99 = arith.constant 0 : i32
            %dma_start3A_100 = tpu.memref_slice %arg8[%dma_start3A_98, %dma_start3A_99] : memref<10112x128xf32, #tpu.memory_space<vmem_shared>> -> memref<10112x128xf32, #tpu.memory_space<vmem_shared>>
            tpu.enqueue_indirect_dma source(%arg6 : memref<128x128xf32, #tpu.memory_space<vmem>>) target(%dma_start3A_100 : memref<10112x128xf32, #tpu.memory_space<vmem_shared>>) offsets(%dma_start3A_97 : memref<128xi32, #tpu.memory_space<vmem>>) semaphore(%run_scoped3A_95 : memref<!tpu.dma_semaphore, #tpu.memory_space<semaphore_mem>>) {add = true}
            %dma_wait3A = arith.constant 0 : i32
            %dma_wait3A_101 = tpu.memref_slice %arg7[%run_scoped3A, %dma_wait3A] : memref<8x128xi32, #tpu.memory_space<vmem>> -> memref<1x128xi32, #tpu.memory_space<vmem>>
            %dma_wait3A_102 = tpu.memref_squeeze %dma_wait3A_101 : memref<1x128xi32, #tpu.memory_space<vmem>> -> memref<128xi32, #tpu.memory_space<vmem>>
            %dma_wait3A_103 = arith.constant 0 : i32
            %dma_wait3A_104 = arith.constant 0 : i32
            %dma_wait3A_105 = tpu.memref_slice %arg8[%dma_wait3A_103, %dma_wait3A_104] : memref<10112x128xf32, #tpu.memory_space<vmem_shared>> -> memref<10112x128xf32, #tpu.memory_space<vmem_shared>>
            tpu.wait_indirect_dma semaphore(%run_scoped3A_95 : memref<!tpu.dma_semaphore, #tpu.memory_space<semaphore_mem>>) src(%arg6 : memref<128x128xf32, #tpu.memory_space<vmem>>) dst(%dma_wait3A_105 : memref<10112x128xf32, #tpu.memory_space<vmem_shared>>)
            tpu.yield
          }) : () -> ()
        } else {
        }
        %mul3A_48 = arith.constant 8 : i32
        %mul3A_49 = arith.muli %add3A_18, %mul3A_48 : i32
        %add3A_50 = arith.constant 3 : i32
        %add3A_51 = arith.addi %mul3A_49, %add3A_50 : i32
        %lt3A_52 = arith.constant 2500 : i32
        %lt3A_53 = arith.cmpi slt, %add3A_51, %lt3A_52 : i32
        %convert_element_type3A_54 = arith.extui %lt3A_53 : i1 to i32
        %cond3A_55 = arith.constant 0 : i32
        %cond3A_56 = arith.cmpi ne, %convert_element_type3A_54, %cond3A_55 : i32
        scf.if %cond3A_56 {
          %mul3A_93 = arith.constant 128 : i32
          %mul3A_94 = arith.muli %add3A_51, %mul3A_93 : i32
          "tpu.region"() ({
            %run_scoped3A_95 = tpu.sem_alloc : memref<!tpu.dma_semaphore, #tpu.memory_space<semaphore_mem>>
            %dma_start3A = arith.constant 0 : i32
            %dma_start3A_96 = tpu.memref_slice %arg2[%mul3A_94, %dma_start3A] : memref<320000x128xf32, #tpu.memory_space<hbm>> -> memref<128x128xf32, #tpu.memory_space<hbm>>
            %dma_start3A_97 = arith.constant 0 : i32
            %dma_start3A_98 = tpu.memref_slice %arg2[%mul3A_94, %dma_start3A_97] : memref<320000x128xf32, #tpu.memory_space<hbm>> -> memref<128x128xf32, #tpu.memory_space<hbm>>
            tpu.enqueue_dma source(%dma_start3A_98 : memref<128x128xf32, #tpu.memory_space<hbm>>) target(%arg6 : memref<128x128xf32, #tpu.memory_space<vmem>>) target_semaphore(%run_scoped3A_95 : memref<!tpu.dma_semaphore, #tpu.memory_space<semaphore_mem>>)
            %dma_wait3A = arith.constant 0 : i32
            %dma_wait3A_99 = tpu.memref_slice %arg2[%mul3A_94, %dma_wait3A] : memref<320000x128xf32, #tpu.memory_space<hbm>> -> memref<128x128xf32, #tpu.memory_space<hbm>>
            %dma_wait3A_100 = arith.constant 0 : i32
            %dma_wait3A_101 = tpu.memref_slice %arg2[%mul3A_94, %dma_wait3A_100] : memref<320000x128xf32, #tpu.memory_space<hbm>> -> memref<128x128xf32, #tpu.memory_space<hbm>>
            tpu.wait_dma2 semaphore(%run_scoped3A_95 : memref<!tpu.dma_semaphore, #tpu.memory_space<semaphore_mem>>) src(%dma_wait3A_101 : memref<128x128xf32, #tpu.memory_space<hbm>>) dst(%arg6 : memref<128x128xf32, #tpu.memory_space<vmem>>)
            tpu.yield
          }) : () -> ()
          %run_scoped3A = arith.constant 3 : i32
          "tpu.region"() ({
            %run_scoped3A_95 = tpu.sem_alloc : memref<!tpu.dma_semaphore, #tpu.memory_space<semaphore_mem>>
            %dma_start3A = arith.constant 0 : i32
            %dma_start3A_96 = tpu.memref_slice %arg7[%run_scoped3A, %dma_start3A] : memref<8x128xi32, #tpu.memory_space<vmem>> -> memref<1x128xi32, #tpu.memory_space<vmem>>
            %dma_start3A_97 = tpu.memref_squeeze %dma_start3A_96 : memref<1x128xi32, #tpu.memory_space<vmem>> -> memref<128xi32, #tpu.memory_space<vmem>>
            %dma_start3A_98 = arith.constant 0 : i32
            %dma_start3A_99 = arith.constant 0 : i32
            %dma_start3A_100 = tpu.memref_slice %arg8[%dma_start3A_98, %dma_start3A_99] : memref<10112x128xf32, #tpu.memory_space<vmem_shared>> -> memref<10112x128xf32, #tpu.memory_space<vmem_shared>>
            tpu.enqueue_indirect_dma source(%arg6 : memref<128x128xf32, #tpu.memory_space<vmem>>) target(%dma_start3A_100 : memref<10112x128xf32, #tpu.memory_space<vmem_shared>>) offsets(%dma_start3A_97 : memref<128xi32, #tpu.memory_space<vmem>>) semaphore(%run_scoped3A_95 : memref<!tpu.dma_semaphore, #tpu.memory_space<semaphore_mem>>) {add = true}
            %dma_wait3A = arith.constant 0 : i32
            %dma_wait3A_101 = tpu.memref_slice %arg7[%run_scoped3A, %dma_wait3A] : memref<8x128xi32, #tpu.memory_space<vmem>> -> memref<1x128xi32, #tpu.memory_space<vmem>>
            %dma_wait3A_102 = tpu.memref_squeeze %dma_wait3A_101 : memref<1x128xi32, #tpu.memory_space<vmem>> -> memref<128xi32, #tpu.memory_space<vmem>>
            %dma_wait3A_103 = arith.constant 0 : i32
            %dma_wait3A_104 = arith.constant 0 : i32
            %dma_wait3A_105 = tpu.memref_slice %arg8[%dma_wait3A_103, %dma_wait3A_104] : memref<10112x128xf32, #tpu.memory_space<vmem_shared>> -> memref<10112x128xf32, #tpu.memory_space<vmem_shared>>
            tpu.wait_indirect_dma semaphore(%run_scoped3A_95 : memref<!tpu.dma_semaphore, #tpu.memory_space<semaphore_mem>>) src(%arg6 : memref<128x128xf32, #tpu.memory_space<vmem>>) dst(%dma_wait3A_105 : memref<10112x128xf32, #tpu.memory_space<vmem_shared>>)
            tpu.yield
          }) : () -> ()
        } else {
        }
        %mul3A_57 = arith.constant 8 : i32
        %mul3A_58 = arith.muli %add3A_18, %mul3A_57 : i32
        %add3A_59 = arith.constant 4 : i32
        %add3A_60 = arith.addi %mul3A_58, %add3A_59 : i32
        %lt3A_61 = arith.constant 2500 : i32
        %lt3A_62 = arith.cmpi slt, %add3A_60, %lt3A_61 : i32
        %convert_element_type3A_63 = arith.extui %lt3A_62 : i1 to i32
        %cond3A_64 = arith.constant 0 : i32
        %cond3A_65 = arith.cmpi ne, %convert_element_type3A_63, %cond3A_64 : i32
        scf.if %cond3A_65 {
          %mul3A_93 = arith.constant 128 : i32
          %mul3A_94 = arith.muli %add3A_60, %mul3A_93 : i32
          "tpu.region"() ({
            %run_scoped3A_95 = tpu.sem_alloc : memref<!tpu.dma_semaphore, #tpu.memory_space<semaphore_mem>>
            %dma_start3A = arith.constant 0 : i32
            %dma_start3A_96 = tpu.memref_slice %arg2[%mul3A_94, %dma_start3A] : memref<320000x128xf32, #tpu.memory_space<hbm>> -> memref<128x128xf32, #tpu.memory_space<hbm>>
            %dma_start3A_97 = arith.constant 0 : i32
            %dma_start3A_98 = tpu.memref_slice %arg2[%mul3A_94, %dma_start3A_97] : memref<320000x128xf32, #tpu.memory_space<hbm>> -> memref<128x128xf32, #tpu.memory_space<hbm>>
            tpu.enqueue_dma source(%dma_start3A_98 : memref<128x128xf32, #tpu.memory_space<hbm>>) target(%arg6 : memref<128x128xf32, #tpu.memory_space<vmem>>) target_semaphore(%run_scoped3A_95 : memref<!tpu.dma_semaphore, #tpu.memory_space<semaphore_mem>>)
            %dma_wait3A = arith.constant 0 : i32
            %dma_wait3A_99 = tpu.memref_slice %arg2[%mul3A_94, %dma_wait3A] : memref<320000x128xf32, #tpu.memory_space<hbm>> -> memref<128x128xf32, #tpu.memory_space<hbm>>
            %dma_wait3A_100 = arith.constant 0 : i32
            %dma_wait3A_101 = tpu.memref_slice %arg2[%mul3A_94, %dma_wait3A_100] : memref<320000x128xf32, #tpu.memory_space<hbm>> -> memref<128x128xf32, #tpu.memory_space<hbm>>
            tpu.wait_dma2 semaphore(%run_scoped3A_95 : memref<!tpu.dma_semaphore, #tpu.memory_space<semaphore_mem>>) src(%dma_wait3A_101 : memref<128x128xf32, #tpu.memory_space<hbm>>) dst(%arg6 : memref<128x128xf32, #tpu.memory_space<vmem>>)
            tpu.yield
          }) : () -> ()
          %run_scoped3A = arith.constant 4 : i32
          "tpu.region"() ({
            %run_scoped3A_95 = tpu.sem_alloc : memref<!tpu.dma_semaphore, #tpu.memory_space<semaphore_mem>>
            %dma_start3A = arith.constant 0 : i32
            %dma_start3A_96 = tpu.memref_slice %arg7[%run_scoped3A, %dma_start3A] : memref<8x128xi32, #tpu.memory_space<vmem>> -> memref<1x128xi32, #tpu.memory_space<vmem>>
            %dma_start3A_97 = tpu.memref_squeeze %dma_start3A_96 : memref<1x128xi32, #tpu.memory_space<vmem>> -> memref<128xi32, #tpu.memory_space<vmem>>
            %dma_start3A_98 = arith.constant 0 : i32
            %dma_start3A_99 = arith.constant 0 : i32
            %dma_start3A_100 = tpu.memref_slice %arg8[%dma_start3A_98, %dma_start3A_99] : memref<10112x128xf32, #tpu.memory_space<vmem_shared>> -> memref<10112x128xf32, #tpu.memory_space<vmem_shared>>
            tpu.enqueue_indirect_dma source(%arg6 : memref<128x128xf32, #tpu.memory_space<vmem>>) target(%dma_start3A_100 : memref<10112x128xf32, #tpu.memory_space<vmem_shared>>) offsets(%dma_start3A_97 : memref<128xi32, #tpu.memory_space<vmem>>) semaphore(%run_scoped3A_95 : memref<!tpu.dma_semaphore, #tpu.memory_space<semaphore_mem>>) {add = true}
            %dma_wait3A = arith.constant 0 : i32
            %dma_wait3A_101 = tpu.memref_slice %arg7[%run_scoped3A, %dma_wait3A] : memref<8x128xi32, #tpu.memory_space<vmem>> -> memref<1x128xi32, #tpu.memory_space<vmem>>
            %dma_wait3A_102 = tpu.memref_squeeze %dma_wait3A_101 : memref<1x128xi32, #tpu.memory_space<vmem>> -> memref<128xi32, #tpu.memory_space<vmem>>
            %dma_wait3A_103 = arith.constant 0 : i32
            %dma_wait3A_104 = arith.constant 0 : i32
            %dma_wait3A_105 = tpu.memref_slice %arg8[%dma_wait3A_103, %dma_wait3A_104] : memref<10112x128xf32, #tpu.memory_space<vmem_shared>> -> memref<10112x128xf32, #tpu.memory_space<vmem_shared>>
            tpu.wait_indirect_dma semaphore(%run_scoped3A_95 : memref<!tpu.dma_semaphore, #tpu.memory_space<semaphore_mem>>) src(%arg6 : memref<128x128xf32, #tpu.memory_space<vmem>>) dst(%dma_wait3A_105 : memref<10112x128xf32, #tpu.memory_space<vmem_shared>>)
            tpu.yield
          }) : () -> ()
        } else {
        }
        %mul3A_66 = arith.constant 8 : i32
        %mul3A_67 = arith.muli %add3A_18, %mul3A_66 : i32
        %add3A_68 = arith.constant 5 : i32
        %add3A_69 = arith.addi %mul3A_67, %add3A_68 : i32
        %lt3A_70 = arith.constant 2500 : i32
        %lt3A_71 = arith.cmpi slt, %add3A_69, %lt3A_70 : i32
        %convert_element_type3A_72 = arith.extui %lt3A_71 : i1 to i32
        %cond3A_73 = arith.constant 0 : i32
        %cond3A_74 = arith.cmpi ne, %convert_element_type3A_72, %cond3A_73 : i32
        scf.if %cond3A_74 {
          %mul3A_93 = arith.constant 128 : i32
          %mul3A_94 = arith.muli %add3A_69, %mul3A_93 : i32
          "tpu.region"() ({
            %run_scoped3A_95 = tpu.sem_alloc : memref<!tpu.dma_semaphore, #tpu.memory_space<semaphore_mem>>
            %dma_start3A = arith.constant 0 : i32
            %dma_start3A_96 = tpu.memref_slice %arg2[%mul3A_94, %dma_start3A] : memref<320000x128xf32, #tpu.memory_space<hbm>> -> memref<128x128xf32, #tpu.memory_space<hbm>>
            %dma_start3A_97 = arith.constant 0 : i32
            %dma_start3A_98 = tpu.memref_slice %arg2[%mul3A_94, %dma_start3A_97] : memref<320000x128xf32, #tpu.memory_space<hbm>> -> memref<128x128xf32, #tpu.memory_space<hbm>>
            tpu.enqueue_dma source(%dma_start3A_98 : memref<128x128xf32, #tpu.memory_space<hbm>>) target(%arg6 : memref<128x128xf32, #tpu.memory_space<vmem>>) target_semaphore(%run_scoped3A_95 : memref<!tpu.dma_semaphore, #tpu.memory_space<semaphore_mem>>)
            %dma_wait3A = arith.constant 0 : i32
            %dma_wait3A_99 = tpu.memref_slice %arg2[%mul3A_94, %dma_wait3A] : memref<320000x128xf32, #tpu.memory_space<hbm>> -> memref<128x128xf32, #tpu.memory_space<hbm>>
            %dma_wait3A_100 = arith.constant 0 : i32
            %dma_wait3A_101 = tpu.memref_slice %arg2[%mul3A_94, %dma_wait3A_100] : memref<320000x128xf32, #tpu.memory_space<hbm>> -> memref<128x128xf32, #tpu.memory_space<hbm>>
            tpu.wait_dma2 semaphore(%run_scoped3A_95 : memref<!tpu.dma_semaphore, #tpu.memory_space<semaphore_mem>>) src(%dma_wait3A_101 : memref<128x128xf32, #tpu.memory_space<hbm>>) dst(%arg6 : memref<128x128xf32, #tpu.memory_space<vmem>>)
            tpu.yield
          }) : () -> ()
          %run_scoped3A = arith.constant 5 : i32
          "tpu.region"() ({
            %run_scoped3A_95 = tpu.sem_alloc : memref<!tpu.dma_semaphore, #tpu.memory_space<semaphore_mem>>
            %dma_start3A = arith.constant 0 : i32
            %dma_start3A_96 = tpu.memref_slice %arg7[%run_scoped3A, %dma_start3A] : memref<8x128xi32, #tpu.memory_space<vmem>> -> memref<1x128xi32, #tpu.memory_space<vmem>>
            %dma_start3A_97 = tpu.memref_squeeze %dma_start3A_96 : memref<1x128xi32, #tpu.memory_space<vmem>> -> memref<128xi32, #tpu.memory_space<vmem>>
            %dma_start3A_98 = arith.constant 0 : i32
            %dma_start3A_99 = arith.constant 0 : i32
            %dma_start3A_100 = tpu.memref_slice %arg8[%dma_start3A_98, %dma_start3A_99] : memref<10112x128xf32, #tpu.memory_space<vmem_shared>> -> memref<10112x128xf32, #tpu.memory_space<vmem_shared>>
            tpu.enqueue_indirect_dma source(%arg6 : memref<128x128xf32, #tpu.memory_space<vmem>>) target(%dma_start3A_100 : memref<10112x128xf32, #tpu.memory_space<vmem_shared>>) offsets(%dma_start3A_97 : memref<128xi32, #tpu.memory_space<vmem>>) semaphore(%run_scoped3A_95 : memref<!tpu.dma_semaphore, #tpu.memory_space<semaphore_mem>>) {add = true}
            %dma_wait3A = arith.constant 0 : i32
            %dma_wait3A_101 = tpu.memref_slice %arg7[%run_scoped3A, %dma_wait3A] : memref<8x128xi32, #tpu.memory_space<vmem>> -> memref<1x128xi32, #tpu.memory_space<vmem>>
            %dma_wait3A_102 = tpu.memref_squeeze %dma_wait3A_101 : memref<1x128xi32, #tpu.memory_space<vmem>> -> memref<128xi32, #tpu.memory_space<vmem>>
            %dma_wait3A_103 = arith.constant 0 : i32
            %dma_wait3A_104 = arith.constant 0 : i32
            %dma_wait3A_105 = tpu.memref_slice %arg8[%dma_wait3A_103, %dma_wait3A_104] : memref<10112x128xf32, #tpu.memory_space<vmem_shared>> -> memref<10112x128xf32, #tpu.memory_space<vmem_shared>>
            tpu.wait_indirect_dma semaphore(%run_scoped3A_95 : memref<!tpu.dma_semaphore, #tpu.memory_space<semaphore_mem>>) src(%arg6 : memref<128x128xf32, #tpu.memory_space<vmem>>) dst(%dma_wait3A_105 : memref<10112x128xf32, #tpu.memory_space<vmem_shared>>)
            tpu.yield
          }) : () -> ()
        } else {
        }
        %mul3A_75 = arith.constant 8 : i32
        %mul3A_76 = arith.muli %add3A_18, %mul3A_75 : i32
        %add3A_77 = arith.constant 6 : i32
        %add3A_78 = arith.addi %mul3A_76, %add3A_77 : i32
        %lt3A_79 = arith.constant 2500 : i32
        %lt3A_80 = arith.cmpi slt, %add3A_78, %lt3A_79 : i32
        %convert_element_type3A_81 = arith.extui %lt3A_80 : i1 to i32
        %cond3A_82 = arith.constant 0 : i32
        %cond3A_83 = arith.cmpi ne, %convert_element_type3A_81, %cond3A_82 : i32
        scf.if %cond3A_83 {
          %mul3A_93 = arith.constant 128 : i32
          %mul3A_94 = arith.muli %add3A_78, %mul3A_93 : i32
          "tpu.region"() ({
            %run_scoped3A_95 = tpu.sem_alloc : memref<!tpu.dma_semaphore, #tpu.memory_space<semaphore_mem>>
            %dma_start3A = arith.constant 0 : i32
            %dma_start3A_96 = tpu.memref_slice %arg2[%mul3A_94, %dma_start3A] : memref<320000x128xf32, #tpu.memory_space<hbm>> -> memref<128x128xf32, #tpu.memory_space<hbm>>
            %dma_start3A_97 = arith.constant 0 : i32
            %dma_start3A_98 = tpu.memref_slice %arg2[%mul3A_94, %dma_start3A_97] : memref<320000x128xf32, #tpu.memory_space<hbm>> -> memref<128x128xf32, #tpu.memory_space<hbm>>
            tpu.enqueue_dma source(%dma_start3A_98 : memref<128x128xf32, #tpu.memory_space<hbm>>) target(%arg6 : memref<128x128xf32, #tpu.memory_space<vmem>>) target_semaphore(%run_scoped3A_95 : memref<!tpu.dma_semaphore, #tpu.memory_space<semaphore_mem>>)
            %dma_wait3A = arith.constant 0 : i32
            %dma_wait3A_99 = tpu.memref_slice %arg2[%mul3A_94, %dma_wait3A] : memref<320000x128xf32, #tpu.memory_space<hbm>> -> memref<128x128xf32, #tpu.memory_space<hbm>>
            %dma_wait3A_100 = arith.constant 0 : i32
            %dma_wait3A_101 = tpu.memref_slice %arg2[%mul3A_94, %dma_wait3A_100] : memref<320000x128xf32, #tpu.memory_space<hbm>> -> memref<128x128xf32, #tpu.memory_space<hbm>>
            tpu.wait_dma2 semaphore(%run_scoped3A_95 : memref<!tpu.dma_semaphore, #tpu.memory_space<semaphore_mem>>) src(%dma_wait3A_101 : memref<128x128xf32, #tpu.memory_space<hbm>>) dst(%arg6 : memref<128x128xf32, #tpu.memory_space<vmem>>)
            tpu.yield
          }) : () -> ()
          %run_scoped3A = arith.constant 6 : i32
          "tpu.region"() ({
            %run_scoped3A_95 = tpu.sem_alloc : memref<!tpu.dma_semaphore, #tpu.memory_space<semaphore_mem>>
            %dma_start3A = arith.constant 0 : i32
            %dma_start3A_96 = tpu.memref_slice %arg7[%run_scoped3A, %dma_start3A] : memref<8x128xi32, #tpu.memory_space<vmem>> -> memref<1x128xi32, #tpu.memory_space<vmem>>
            %dma_start3A_97 = tpu.memref_squeeze %dma_start3A_96 : memref<1x128xi32, #tpu.memory_space<vmem>> -> memref<128xi32, #tpu.memory_space<vmem>>
            %dma_start3A_98 = arith.constant 0 : i32
            %dma_start3A_99 = arith.constant 0 : i32
            %dma_start3A_100 = tpu.memref_slice %arg8[%dma_start3A_98, %dma_start3A_99] : memref<10112x128xf32, #tpu.memory_space<vmem_shared>> -> memref<10112x128xf32, #tpu.memory_space<vmem_shared>>
            tpu.enqueue_indirect_dma source(%arg6 : memref<128x128xf32, #tpu.memory_space<vmem>>) target(%dma_start3A_100 : memref<10112x128xf32, #tpu.memory_space<vmem_shared>>) offsets(%dma_start3A_97 : memref<128xi32, #tpu.memory_space<vmem>>) semaphore(%run_scoped3A_95 : memref<!tpu.dma_semaphore, #tpu.memory_space<semaphore_mem>>) {add = true}
            %dma_wait3A = arith.constant 0 : i32
            %dma_wait3A_101 = tpu.memref_slice %arg7[%run_scoped3A, %dma_wait3A] : memref<8x128xi32, #tpu.memory_space<vmem>> -> memref<1x128xi32, #tpu.memory_space<vmem>>
            %dma_wait3A_102 = tpu.memref_squeeze %dma_wait3A_101 : memref<1x128xi32, #tpu.memory_space<vmem>> -> memref<128xi32, #tpu.memory_space<vmem>>
            %dma_wait3A_103 = arith.constant 0 : i32
            %dma_wait3A_104 = arith.constant 0 : i32
            %dma_wait3A_105 = tpu.memref_slice %arg8[%dma_wait3A_103, %dma_wait3A_104] : memref<10112x128xf32, #tpu.memory_space<vmem_shared>> -> memref<10112x128xf32, #tpu.memory_space<vmem_shared>>
            tpu.wait_indirect_dma semaphore(%run_scoped3A_95 : memref<!tpu.dma_semaphore, #tpu.memory_space<semaphore_mem>>) src(%arg6 : memref<128x128xf32, #tpu.memory_space<vmem>>) dst(%dma_wait3A_105 : memref<10112x128xf32, #tpu.memory_space<vmem_shared>>)
            tpu.yield
          }) : () -> ()
        } else {
        }
        %mul3A_84 = arith.constant 8 : i32
        %mul3A_85 = arith.muli %add3A_18, %mul3A_84 : i32
        %add3A_86 = arith.constant 7 : i32
        %add3A_87 = arith.addi %mul3A_85, %add3A_86 : i32
        %lt3A_88 = arith.constant 2500 : i32
        %lt3A_89 = arith.cmpi slt, %add3A_87, %lt3A_88 : i32
        %convert_element_type3A_90 = arith.extui %lt3A_89 : i1 to i32
        %cond3A_91 = arith.constant 0 : i32
        %cond3A_92 = arith.cmpi ne, %convert_element_type3A_90, %cond3A_91 : i32
        scf.if %cond3A_92 {
          %mul3A_93 = arith.constant 128 : i32
          %mul3A_94 = arith.muli %add3A_87, %mul3A_93 : i32
          "tpu.region"() ({
            %run_scoped3A_95 = tpu.sem_alloc : memref<!tpu.dma_semaphore, #tpu.memory_space<semaphore_mem>>
            %dma_start3A = arith.constant 0 : i32
            %dma_start3A_96 = tpu.memref_slice %arg2[%mul3A_94, %dma_start3A] : memref<320000x128xf32, #tpu.memory_space<hbm>> -> memref<128x128xf32, #tpu.memory_space<hbm>>
            %dma_start3A_97 = arith.constant 0 : i32
            %dma_start3A_98 = tpu.memref_slice %arg2[%mul3A_94, %dma_start3A_97] : memref<320000x128xf32, #tpu.memory_space<hbm>> -> memref<128x128xf32, #tpu.memory_space<hbm>>
            tpu.enqueue_dma source(%dma_start3A_98 : memref<128x128xf32, #tpu.memory_space<hbm>>) target(%arg6 : memref<128x128xf32, #tpu.memory_space<vmem>>) target_semaphore(%run_scoped3A_95 : memref<!tpu.dma_semaphore, #tpu.memory_space<semaphore_mem>>)
            %dma_wait3A = arith.constant 0 : i32
            %dma_wait3A_99 = tpu.memref_slice %arg2[%mul3A_94, %dma_wait3A] : memref<320000x128xf32, #tpu.memory_space<hbm>> -> memref<128x128xf32, #tpu.memory_space<hbm>>
            %dma_wait3A_100 = arith.constant 0 : i32
            %dma_wait3A_101 = tpu.memref_slice %arg2[%mul3A_94, %dma_wait3A_100] : memref<320000x128xf32, #tpu.memory_space<hbm>> -> memref<128x128xf32, #tpu.memory_space<hbm>>
            tpu.wait_dma2 semaphore(%run_scoped3A_95 : memref<!tpu.dma_semaphore, #tpu.memory_space<semaphore_mem>>) src(%dma_wait3A_101 : memref<128x128xf32, #tpu.memory_space<hbm>>) dst(%arg6 : memref<128x128xf32, #tpu.memory_space<vmem>>)
            tpu.yield
          }) : () -> ()
          %run_scoped3A = arith.constant 7 : i32
          "tpu.region"() ({
            %run_scoped3A_95 = tpu.sem_alloc : memref<!tpu.dma_semaphore, #tpu.memory_space<semaphore_mem>>
            %dma_start3A = arith.constant 0 : i32
            %dma_start3A_96 = tpu.memref_slice %arg7[%run_scoped3A, %dma_start3A] : memref<8x128xi32, #tpu.memory_space<vmem>> -> memref<1x128xi32, #tpu.memory_space<vmem>>
            %dma_start3A_97 = tpu.memref_squeeze %dma_start3A_96 : memref<1x128xi32, #tpu.memory_space<vmem>> -> memref<128xi32, #tpu.memory_space<vmem>>
            %dma_start3A_98 = arith.constant 0 : i32
            %dma_start3A_99 = arith.constant 0 : i32
            %dma_start3A_100 = tpu.memref_slice %arg8[%dma_start3A_98, %dma_start3A_99] : memref<10112x128xf32, #tpu.memory_space<vmem_shared>> -> memref<10112x128xf32, #tpu.memory_space<vmem_shared>>
            tpu.enqueue_indirect_dma source(%arg6 : memref<128x128xf32, #tpu.memory_space<vmem>>) target(%dma_start3A_100 : memref<10112x128xf32, #tpu.memory_space<vmem_shared>>) offsets(%dma_start3A_97 : memref<128xi32, #tpu.memory_space<vmem>>) semaphore(%run_scoped3A_95 : memref<!tpu.dma_semaphore, #tpu.memory_space<semaphore_mem>>) {add = true}
            %dma_wait3A = arith.constant 0 : i32
            %dma_wait3A_101 = tpu.memref_slice %arg7[%run_scoped3A, %dma_wait3A] : memref<8x128xi32, #tpu.memory_space<vmem>> -> memref<1x128xi32, #tpu.memory_space<vmem>>
            %dma_wait3A_102 = tpu.memref_squeeze %dma_wait3A_101 : memref<1x128xi32, #tpu.memory_space<vmem>> -> memref<128xi32, #tpu.memory_space<vmem>>
            %dma_wait3A_103 = arith.constant 0 : i32
            %dma_wait3A_104 = arith.constant 0 : i32
            %dma_wait3A_105 = tpu.memref_slice %arg8[%dma_wait3A_103, %dma_wait3A_104] : memref<10112x128xf32, #tpu.memory_space<vmem_shared>> -> memref<10112x128xf32, #tpu.memory_space<vmem_shared>>
            tpu.wait_indirect_dma semaphore(%run_scoped3A_95 : memref<!tpu.dma_semaphore, #tpu.memory_space<semaphore_mem>>) src(%arg6 : memref<128x128xf32, #tpu.memory_space<vmem>>) dst(%dma_wait3A_105 : memref<10112x128xf32, #tpu.memory_space<vmem_shared>>)
            tpu.yield
          }) : () -> ()
        } else {
        }
      } else {
      }
    }
    %scan3A_9 = arith.constant 10 : i32
    %barrier3A_10 = arith.constant 0 : index
    tpu.barrier barrier_id(%barrier3A_10)
    %mul3A_11 = arith.constant 632 : i32
    %mul3A_12 = arith.muli %arg1, %mul3A_11 : i32
    %mul3A_13 = arith.constant 632 : i32
    %mul3A_14 = arith.muli %arg1, %mul3A_13 : i32
    "tpu.region"() ({
      %run_scoped3A = tpu.sem_alloc : memref<!tpu.dma_semaphore, #tpu.memory_space<semaphore_mem>>
      %dma_start3A = arith.constant 0 : i32
      %dma_start3A_15 = tpu.memref_slice %arg5[%arg0, %mul3A_14, %dma_start3A] : memref<2x10112x128xf32, #tpu.memory_space<hbm>> -> memref<1x632x128xf32, #tpu.memory_space<hbm>>
      %dma_start3A_16 = tpu.memref_squeeze %dma_start3A_15 : memref<1x632x128xf32, #tpu.memory_space<hbm>> -> memref<632x128xf32, #tpu.memory_space<hbm>>
      %dma_start3A_17 = arith.constant 0 : i32
      %dma_start3A_18 = tpu.memref_slice %arg8[%mul3A_12, %dma_start3A_17] : memref<10112x128xf32, #tpu.memory_space<vmem_shared>> -> memref<632x128xf32, #tpu.memory_space<vmem_shared>>
      tpu.enqueue_dma source(%dma_start3A_18 : memref<632x128xf32, #tpu.memory_space<vmem_shared>>) target(%dma_start3A_16 : memref<632x128xf32, #tpu.memory_space<hbm>>) target_semaphore(%run_scoped3A : memref<!tpu.dma_semaphore, #tpu.memory_space<semaphore_mem>>)
      %dma_wait3A = arith.constant 0 : i32
      %dma_wait3A_19 = tpu.memref_slice %arg5[%arg0, %mul3A_14, %dma_wait3A] : memref<2x10112x128xf32, #tpu.memory_space<hbm>> -> memref<1x632x128xf32, #tpu.memory_space<hbm>>
      %dma_wait3A_20 = tpu.memref_squeeze %dma_wait3A_19 : memref<1x632x128xf32, #tpu.memory_space<hbm>> -> memref<632x128xf32, #tpu.memory_space<hbm>>
      %dma_wait3A_21 = arith.constant 0 : i32
      %dma_wait3A_22 = tpu.memref_slice %arg8[%mul3A_12, %dma_wait3A_21] : memref<10112x128xf32, #tpu.memory_space<vmem_shared>> -> memref<632x128xf32, #tpu.memory_space<vmem_shared>>
      tpu.wait_dma2 semaphore(%run_scoped3A : memref<!tpu.dma_semaphore, #tpu.memory_space<semaphore_mem>>) src(%dma_wait3A_22 : memref<632x128xf32, #tpu.memory_space<vmem_shared>>) dst(%dma_wait3A_20 : memref<632x128xf32, #tpu.memory_space<hbm>>)
      tpu.yield
    }) : () -> ()
    return
  }
}

module attributes {stable_mosaic.version = 14 : i64} {
  func.func @_bond_in_body(%arg0: i32, %arg1: memref<2560x144xf32, #tpu.memory_space<vmem>>, %arg2: memref<144x64xf32, #tpu.memory_space<vmem>>, %arg3: memref<1x64xf32, #tpu.memory_space<vmem>>, %arg4: memref<2560x64xf32, #tpu.memory_space<vmem>>, %arg5: memref<2560x128xf32, #tpu.memory_space<vmem>>) attributes {dimension_semantics = [#tpu.dimension_semantics<arbitrary>], iteration_bounds = array<i64: 125>, scalar_prefetch = 0 : i64, scratch_operands = 0 : i64, tpu.core_type = #tpu.core_type<tc>, window_params = [{transform_indices = @transform_0, window_bounds = array<i64: 2560, 144>}, {pipeline_mode = #tpu.pipeline_mode<synchronous>, transform_indices = @transform_1, window_bounds = array<i64: 144, 64>}, {pipeline_mode = #tpu.pipeline_mode<synchronous>, transform_indices = @transform_2, window_bounds = array<i64: 1, 64>}, {transform_indices = @transform_3, window_bounds = array<i64: 2560, 64>}, {transform_indices = @transform_4, window_bounds = array<i64: 2560, 128>}]} {
    %get3A = arith.constant 0 : index
    %get3A_0 = arith.constant 0 : index
    %get3A_1 = vector.load %arg1[%get3A, %get3A_0] : memref<2560x144xf32, #tpu.memory_space<vmem>>, vector<2560x144xf32>
    %get3A_2 = arith.constant 0 : index
    %get3A_3 = arith.constant 0 : index
    %get3A_4 = vector.load %arg2[%get3A_2, %get3A_3] : memref<144x64xf32, #tpu.memory_space<vmem>>, vector<144x64xf32>
    %dot_general3A = arith.constant dense<0.000000e+00> : vector<2560x64xf32>
    %dot_general3A_5 = tpu.matmul %get3A_1, %get3A_4, %dot_general3A {dimension_numbers = #tpu.dot_dimension_numbers<[1], [0], [0], [1], [0, 0, 1, 1], [], []>, transpose_lhs_hint = false} : vector<2560x144xf32>, vector<144x64xf32>, vector<2560x64xf32> -> vector<2560x64xf32>
    %get3A_6 = arith.constant 0 : index
    %get3A_7 = arith.constant 0 : index
    %get3A_8 = vector.load %arg3[%get3A_6, %get3A_7] : memref<1x64xf32, #tpu.memory_space<vmem>>, vector<1x64xf32>
    %add3A = vector.broadcast %get3A_8 : vector<1x64xf32> to vector<2560x64xf32>
    %add3A_9 = arith.addf %dot_general3A_5, %add3A : vector<2560x64xf32>
    %swap3A = arith.constant 0 : index
    %swap3A_10 = arith.constant 0 : index
    %swap3A_11 = vector.load %arg4[%swap3A, %swap3A_10] : memref<2560x64xf32, #tpu.memory_space<vmem>>, vector<2560x64xf32>
    tpu.vector_store %arg4[%swap3A, %swap3A_10], %add3A_9 {strides = array<i32>} : memref<2560x64xf32, #tpu.memory_space<vmem>>, vector<2560x64xf32>,
    %max3A = arith.constant 0.000000e+00 : f32
    %max3A_12 = vector.broadcast %max3A : f32 to vector<2560x64xf32>
    %max3A_13 = arith.maximumf %add3A_9, %max3A_12 : vector<2560x64xf32>
    %broadcast_in_dim3A = arith.constant 0.000000e+00 : f32
    %broadcast_in_dim3A_14 = vector.broadcast %broadcast_in_dim3A : f32 to vector<2560x64xf32>
    %concatenate3A = tpu.concatenate %max3A_13, %broadcast_in_dim3A_14 in 1 : vector<2560x64xf32>, vector<2560x64xf32> -> vector<2560x128xf32>
    %swap3A_15 = arith.constant 0 : index
    %swap3A_16 = arith.constant 0 : index
    %swap3A_17 = vector.load %arg5[%swap3A_15, %swap3A_16] : memref<2560x128xf32, #tpu.memory_space<vmem>>, vector<2560x128xf32>
    tpu.vector_store %arg5[%swap3A_15, %swap3A_16], %concatenate3A {strides = array<i32>} : memref<2560x128xf32, #tpu.memory_space<vmem>>, vector<2560x128xf32>,
    return
  }
  func.func @transform_0(%arg0: i32) -> (i32, i32) {
    %c0_i32 = arith.constant 0 : i32
    %c0_i32_0 = arith.constant 0 : i32
    return %arg0, %c0_i32 : i32, i32
  }
  func.func @transform_1(%arg0: i32) -> (i32, i32) {
    %c0_i32 = arith.constant 0 : i32
    %c0_i32_0 = arith.constant 0 : i32
    %c0_i32_1 = arith.constant 0 : i32
    return %c0_i32, %c0_i32_0 : i32, i32
  }
  func.func @transform_2(%arg0: i32) -> (i32, i32) {
    %c0_i32 = arith.constant 0 : i32
    %c0_i32_0 = arith.constant 0 : i32
    %c0_i32_1 = arith.constant 0 : i32
    return %c0_i32, %c0_i32_0 : i32, i32
  }
  func.func @transform_3(%arg0: i32) -> (i32, i32) {
    %c0_i32 = arith.constant 0 : i32
    %c0_i32_0 = arith.constant 0 : i32
    return %arg0, %c0_i32 : i32, i32
  }
  func.func @transform_4(%arg0: i32) -> (i32, i32) {
    %c0_i32 = arith.constant 0 : i32
    %c0_i32_0 = arith.constant 0 : i32
    return %arg0, %c0_i32 : i32, i32
  }
}

module attributes {stable_mosaic.version = 14 : i64} {
  func.func @_comb_body(%arg0: i32, %arg1: memref<2x10112x128xf32, #tpu.memory_space<vmem>>, %arg2: memref<10112x128xf32, #tpu.memory_space<vmem>>) attributes {dimension_semantics = [#tpu.dimension_semantics<arbitrary>], iteration_bounds = array<i64: 1>, scalar_prefetch = 0 : i64, scratch_operands = 0 : i64, tpu.core_type = #tpu.core_type<tc>, window_params = [{pipeline_mode = #tpu.pipeline_mode<synchronous>, transform_indices = @transform_0, window_bounds = array<i64: 2, 10112, 128>}, {pipeline_mode = #tpu.pipeline_mode<synchronous>, transform_indices = @transform_1, window_bounds = array<i64: 10112, 128>}]} {
    %get3A = arith.constant 0 : index
    %get3A_0 = arith.constant 0 : index
    %get3A_1 = arith.constant 0 : index
    %get3A_2 = vector.load %arg1[%get3A, %get3A_0, %get3A_1] : memref<2x10112x128xf32, #tpu.memory_space<vmem>>, vector<1x10112x128xf32>
    %get3A_3 = vector.shape_cast %get3A_2 : vector<1x10112x128xf32> to vector<10112x128xf32>
    %get3A_4 = arith.constant 1 : index
    %get3A_5 = arith.constant 0 : index
    %get3A_6 = arith.constant 0 : index
    %get3A_7 = vector.load %arg1[%get3A_4, %get3A_5, %get3A_6] : memref<2x10112x128xf32, #tpu.memory_space<vmem>>, vector<1x10112x128xf32>
    %get3A_8 = vector.shape_cast %get3A_7 : vector<1x10112x128xf32> to vector<10112x128xf32>
    %add3A = arith.addf %get3A_3, %get3A_8 : vector<10112x128xf32>
    %swap3A = arith.constant 0 : index
    %swap3A_9 = arith.constant 0 : index
    %swap3A_10 = vector.load %arg2[%swap3A, %swap3A_9] : memref<10112x128xf32, #tpu.memory_space<vmem>>, vector<10112x128xf32>
    tpu.vector_store %arg2[%swap3A, %swap3A_9], %add3A {strides = array<i32>} : memref<10112x128xf32, #tpu.memory_space<vmem>>, vector<10112x128xf32>,
    return
  }
  func.func @transform_0(%arg0: i32) -> (i32, i32, i32) {
    %c0_i32 = arith.constant 0 : i32
    %c0_i32_0 = arith.constant 0 : i32
    %c0_i32_1 = arith.constant 0 : i32
    %c0_i32_2 = arith.constant 0 : i32
    return %c0_i32, %c0_i32_0, %c0_i32_1 : i32, i32, i32
  }
  func.func @transform_1(%arg0: i32) -> (i32, i32) {
    %c0_i32 = arith.constant 0 : i32
    %c0_i32_0 = arith.constant 0 : i32
    %c0_i32_1 = arith.constant 0 : i32
    return %c0_i32, %c0_i32_0 : i32, i32
  }
}

module attributes {stable_mosaic.version = 14 : i64} {
  func.func @_iter_body(%arg0: i32, %arg1: memref<2560x64xf32, #tpu.memory_space<vmem>>, %arg2: memref<2560x128xf32, #tpu.memory_space<vmem>>, %arg3: memref<2560x128xf32, #tpu.memory_space<vmem>>, %arg4: memref<64x64xf32, #tpu.memory_space<vmem>>, %arg5: memref<1x64xf32, #tpu.memory_space<vmem>>, %arg6: memref<2560x128xf32, #tpu.memory_space<vmem>>) attributes {dimension_semantics = [#tpu.dimension_semantics<arbitrary>], iteration_bounds = array<i64: 125>, scalar_prefetch = 0 : i64, scratch_operands = 0 : i64, tpu.core_type = #tpu.core_type<tc>, window_params = [{transform_indices = @transform_0, window_bounds = array<i64: 2560, 64>}, {transform_indices = @transform_1, window_bounds = array<i64: 2560, 128>}, {transform_indices = @transform_2, window_bounds = array<i64: 2560, 128>}, {pipeline_mode = #tpu.pipeline_mode<synchronous>, transform_indices = @transform_3, window_bounds = array<i64: 64, 64>}, {pipeline_mode = #tpu.pipeline_mode<synchronous>, transform_indices = @transform_4, window_bounds = array<i64: 1, 64>}, {transform_indices = @transform_5, window_bounds = array<i64: 2560, 128>}]} {
    %get3A = arith.constant 0 : index
    %get3A_0 = arith.constant 0 : index
    %get3A_1 = vector.load %arg2[%get3A, %get3A_0] : memref<2560x128xf32, #tpu.memory_space<vmem>>, vector<2560x64xf32>
    %get3A_2 = arith.constant 0 : index
    %get3A_3 = arith.constant 0 : index
    %get3A_4 = vector.load %arg3[%get3A_2, %get3A_3] : memref<2560x128xf32, #tpu.memory_space<vmem>>, vector<2560x64xf32>
    %roll3A = arith.constant 2559 : i32
    %roll3A_5 = tpu.dynamic_rotate %get3A_4 by %roll3A dim 0 : vector<2560x64xf32>, i32 -> vector<2560x64xf32>
    %roll3A_6 = arith.constant 1 : i32
    %roll3A_7 = tpu.dynamic_rotate %get3A_4 by %roll3A_6 dim 0 : vector<2560x64xf32>, i32 -> vector<2560x64xf32>
    %iota3A = tpu.iota {dimensions = array<i32: 0>} : vector<2560x64xi32>
    %jit3A = arith.constant 2 : i32
    %eq3A = arith.constant 0 : i32
    %eq3A_8 = arith.cmpi eq, %jit3A, %eq3A : i32
    %jit3A_9 = arith.constant 1 : i32
    %select_n3A = arith.select %eq3A_8, %jit3A_9, %jit3A : i32
    %rem3A = vector.broadcast %select_n3A : i32 to vector<2560x64xi32>
    %rem3A_10 = arith.remsi %iota3A, %rem3A : vector<2560x64xi32>
    %ne3A = arith.constant 0 : i32
    %ne3A_11 = vector.broadcast %ne3A : i32 to vector<2560x64xi32>
    %ne3A_12 = arith.cmpi ne, %rem3A_10, %ne3A_11 : vector<2560x64xi32>
    %lt3A = arith.constant 0 : i32
    %lt3A_13 = vector.broadcast %lt3A : i32 to vector<2560x64xi32>
    %lt3A_14 = arith.cmpi slt, %rem3A_10, %lt3A_13 : vector<2560x64xi32>
    %lt3A_15 = arith.constant 0 : i32
    %lt3A_16 = arith.cmpi slt, %select_n3A, %lt3A_15 : i32
    %ne3A_17 = vector.broadcast %lt3A_16 : i1 to vector<2560x64xi1>
    %ne3A_18 = vector.broadcast %ne3A_17 : vector<2560x64xi1> to vector<2560x64xi1>
    %ne3A_19 = arith.xori %lt3A_14, %ne3A_18 : vector<2560x64xi1>
    %and3A = arith.andi %ne3A_19, %ne3A_12 : vector<2560x64xi1>
    %add3A = vector.broadcast %select_n3A : i32 to vector<2560x64xi32>
    %add3A_20 = arith.addi %rem3A_10, %add3A : vector<2560x64xi32>
    %select_n3A_21 = arith.select %and3A, %add3A_20, %rem3A_10 : vector<2560x64xi1>, vector<2560x64xi32>
    %eq3A_22 = arith.constant 0 : i32
    %eq3A_23 = vector.broadcast %eq3A_22 : i32 to vector<2560x64xi32>
    %eq3A_24 = arith.cmpi eq, %select_n3A_21, %eq3A_23 : vector<2560x64xi32>
    %select_n3A_25 = arith.select %eq3A_24, %roll3A_5, %roll3A_7 : vector<2560x64xi1>, vector<2560x64xf32>
    %sub3A = arith.subf %get3A_1, %select_n3A_25 : vector<2560x64xf32>
    %get3A_26 = arith.constant 0 : index
    %get3A_27 = arith.constant 0 : index
    %get3A_28 = vector.load %arg4[%get3A_26, %get3A_27] : memref<64x64xf32, #tpu.memory_space<vmem>>, vector<64x64xf32>
    %dot_general3A = arith.constant dense<0.000000e+00> : vector<2560x64xf32>
    %dot_general3A_29 = tpu.matmul %sub3A, %get3A_28, %dot_general3A {dimension_numbers = #tpu.dot_dimension_numbers<[1], [0], [0], [1], [0, 0, 1, 1], [], []>, transpose_lhs_hint = false} : vector<2560x64xf32>, vector<64x64xf32>, vector<2560x64xf32> -> vector<2560x64xf32>
    %get3A_30 = arith.constant 0 : index
    %get3A_31 = arith.constant 0 : index
    %get3A_32 = vector.load %arg1[%get3A_30, %get3A_31] : memref<2560x64xf32, #tpu.memory_space<vmem>>, vector<2560x64xf32>
    %add3A_33 = arith.addf %get3A_32, %dot_general3A_29 : vector<2560x64xf32>
    %get3A_34 = arith.constant 0 : index
    %get3A_35 = arith.constant 0 : index
    %get3A_36 = vector.load %arg5[%get3A_34, %get3A_35] : memref<1x64xf32, #tpu.memory_space<vmem>>, vector<1x64xf32>
    %add3A_37 = vector.broadcast %get3A_36 : vector<1x64xf32> to vector<2560x64xf32>
    %add3A_38 = arith.addf %add3A_33, %add3A_37 : vector<2560x64xf32>
    %max3A = arith.constant 0.000000e+00 : f32
    %max3A_39 = vector.broadcast %max3A : f32 to vector<2560x64xf32>
    %max3A_40 = arith.maximumf %add3A_38, %max3A_39 : vector<2560x64xf32>
    %broadcast_in_dim3A = arith.constant 0.000000e+00 : f32
    %broadcast_in_dim3A_41 = vector.broadcast %broadcast_in_dim3A : f32 to vector<2560x64xf32>
    %concatenate3A = tpu.concatenate %max3A_40, %broadcast_in_dim3A_41 in 1 : vector<2560x64xf32>, vector<2560x64xf32> -> vector<2560x128xf32>
    %swap3A = arith.constant 0 : index
    %swap3A_42 = arith.constant 0 : index
    %swap3A_43 = vector.load %arg6[%swap3A, %swap3A_42] : memref<2560x128xf32, #tpu.memory_space<vmem>>, vector<2560x128xf32>
    tpu.vector_store %arg6[%swap3A, %swap3A_42], %concatenate3A {strides = array<i32>} : memref<2560x128xf32, #tpu.memory_space<vmem>>, vector<2560x128xf32>,
    return
  }
  func.func @transform_0(%arg0: i32) -> (i32, i32) {
    %c0_i32 = arith.constant 0 : i32
    %c0_i32_0 = arith.constant 0 : i32
    return %arg0, %c0_i32 : i32, i32
  }
  func.func @transform_1(%arg0: i32) -> (i32, i32) {
    %c0_i32 = arith.constant 0 : i32
    %c0_i32_0 = arith.constant 0 : i32
    return %arg0, %c0_i32 : i32, i32
  }
  func.func @transform_2(%arg0: i32) -> (i32, i32) {
    %c0_i32 = arith.constant 0 : i32
    %c0_i32_0 = arith.constant 0 : i32
    return %arg0, %c0_i32 : i32, i32
  }
  func.func @transform_3(%arg0: i32) -> (i32, i32) {
    %c0_i32 = arith.constant 0 : i32
    %c0_i32_0 = arith.constant 0 : i32
    %c0_i32_1 = arith.constant 0 : i32
    return %c0_i32, %c0_i32_0 : i32, i32
  }
  func.func @transform_4(%arg0: i32) -> (i32, i32) {
    %c0_i32 = arith.constant 0 : i32
    %c0_i32_0 = arith.constant 0 : i32
    %c0_i32_1 = arith.constant 0 : i32
    return %c0_i32, %c0_i32_0 : i32, i32
  }
  func.func @transform_5(%arg0: i32) -> (i32, i32) {
    %c0_i32 = arith.constant 0 : i32
    %c0_i32_0 = arith.constant 0 : i32
    return %arg0, %c0_i32 : i32, i32
  }
}

module attributes {stable_mosaic.version = 14 : i64} {
  func.func @_readout_body(%arg0: i32, %arg1: memref<10000x128xf32, #tpu.memory_space<vmem>>, %arg2: memref<2x10112x128xf32, #tpu.memory_space<vmem>>, %arg3: memref<1x10000xi32, #tpu.memory_space<vmem>>, %arg4: memref<128x64xf32, #tpu.memory_space<vmem>>, %arg5: memref<64x64xf32, #tpu.memory_space<vmem>>, %arg6: memref<1x64xf32, #tpu.memory_space<vmem>>, %arg7: memref<64x1xf32, #tpu.memory_space<vmem>>, %arg8: memref<1x1xf32, #tpu.memory_space<vmem>>, %arg9: memref<512x1xf32, #tpu.memory_space<vmem>>) attributes {dimension_semantics = [#tpu.dimension_semantics<arbitrary>], iteration_bounds = array<i64: 1>, scalar_prefetch = 0 : i64, scratch_operands = 0 : i64, tpu.core_type = #tpu.core_type<tc>, window_params = [{pipeline_mode = #tpu.pipeline_mode<synchronous>, transform_indices = @transform_0, window_bounds = array<i64: 10000, 128>}, {pipeline_mode = #tpu.pipeline_mode<synchronous>, transform_indices = @transform_1, window_bounds = array<i64: 2, 10112, 128>}, {pipeline_mode = #tpu.pipeline_mode<synchronous>, transform_indices = @transform_2, window_bounds = array<i64: 1, 10000>}, {pipeline_mode = #tpu.pipeline_mode<synchronous>, transform_indices = @transform_3, window_bounds = array<i64: 128, 64>}, {pipeline_mode = #tpu.pipeline_mode<synchronous>, transform_indices = @transform_4, window_bounds = array<i64: 64, 64>}, {pipeline_mode = #tpu.pipeline_mode<synchronous>, transform_indices = @transform_5, window_bounds = array<i64: 1, 64>}, {pipeline_mode = #tpu.pipeline_mode<synchronous>, transform_indices = @transform_6, window_bounds = array<i64: 64, 1>}, {pipeline_mode = #tpu.pipeline_mode<synchronous>, transform_indices = @transform_7, window_bounds = array<i64: 1, 1>}, {pipeline_mode = #tpu.pipeline_mode<synchronous>, transform_indices = @transform_8, window_bounds = array<i64: 512, 1>}]} {
    %get3A = arith.constant 0 : index
    %get3A_0 = arith.constant 0 : index
    %get3A_1 = arith.constant 0 : index
    %get3A_2 = vector.load %arg2[%get3A, %get3A_0, %get3A_1] : memref<2x10112x128xf32, #tpu.memory_space<vmem>>, vector<1x10112x128xf32>
    %get3A_3 = vector.shape_cast %get3A_2 : vector<1x10112x128xf32> to vector<10112x128xf32>
    %slice3A = vector.extract_strided_slice %get3A_3 {offsets = [0, 0], sizes = [10000, 64], strides = [1, 1]} : vector<10112x128xf32> to vector<10000x64xf32>
    %get3A_4 = arith.constant 1 : index
    %get3A_5 = arith.constant 0 : index
    %get3A_6 = arith.constant 0 : index
    %get3A_7 = vector.load %arg2[%get3A_4, %get3A_5, %get3A_6] : memref<2x10112x128xf32, #tpu.memory_space<vmem>>, vector<1x10112x128xf32>
    %get3A_8 = vector.shape_cast %get3A_7 : vector<1x10112x128xf32> to vector<10112x128xf32>
    %slice3A_9 = vector.extract_strided_slice %get3A_8 {offsets = [0, 0], sizes = [10000, 64], strides = [1, 1]} : vector<10112x128xf32> to vector<10000x64xf32>
    %add3A = arith.addf %slice3A, %slice3A_9 : vector<10000x64xf32>
    %get3A_10 = arith.constant 0 : index
    %get3A_11 = arith.constant 0 : index
    %get3A_12 = vector.load %arg1[%get3A_10, %get3A_11] : memref<10000x128xf32, #tpu.memory_space<vmem>>, vector<10000x128xf32>
    %get3A_13 = arith.constant 0 : index
    %get3A_14 = arith.constant 0 : index
    %get3A_15 = vector.load %arg4[%get3A_13, %get3A_14] : memref<128x64xf32, #tpu.memory_space<vmem>>, vector<128x64xf32>
    %dot_general3A = arith.constant dense<0.000000e+00> : vector<10000x64xf32>
    %dot_general3A_16 = tpu.matmul %get3A_12, %get3A_15, %dot_general3A {dimension_numbers = #tpu.dot_dimension_numbers<[1], [0], [0], [1], [0, 0, 1, 1], [], []>, transpose_lhs_hint = false} : vector<10000x128xf32>, vector<128x64xf32>, vector<10000x64xf32> -> vector<10000x64xf32>
    %get3A_17 = arith.constant 0 : index
    %get3A_18 = arith.constant 0 : index
    %get3A_19 = vector.load %arg5[%get3A_17, %get3A_18] : memref<64x64xf32, #tpu.memory_space<vmem>>, vector<64x64xf32>
    %dot_general3A_20 = arith.constant dense<0.000000e+00> : vector<10000x64xf32>
    %dot_general3A_21 = tpu.matmul %add3A, %get3A_19, %dot_general3A_20 {dimension_numbers = #tpu.dot_dimension_numbers<[1], [0], [0], [1], [0, 0, 1, 1], [], []>, transpose_lhs_hint = false} : vector<10000x64xf32>, vector<64x64xf32>, vector<10000x64xf32> -> vector<10000x64xf32>
    %add3A_22 = arith.addf %dot_general3A_16, %dot_general3A_21 : vector<10000x64xf32>
    %get3A_23 = arith.constant 0 : index
    %get3A_24 = arith.constant 0 : index
    %get3A_25 = vector.load %arg6[%get3A_23, %get3A_24] : memref<1x64xf32, #tpu.memory_space<vmem>>, vector<1x64xf32>
    %add3A_26 = vector.broadcast %get3A_25 : vector<1x64xf32> to vector<10000x64xf32>
    %add3A_27 = arith.addf %add3A_22, %add3A_26 : vector<10000x64xf32>
    %max3A = arith.constant 0.000000e+00 : f32
    %max3A_28 = vector.broadcast %max3A : f32 to vector<10000x64xf32>
    %max3A_29 = arith.maximumf %add3A_27, %max3A_28 : vector<10000x64xf32>
    %iota3A = tpu.iota {dimensions = array<i32: 0>} : vector<512x10000xi32>
    %get3A_30 = arith.constant 0 : index
    %get3A_31 = arith.constant 0 : index
    %get3A_32 = vector.load %arg3[%get3A_30, %get3A_31] : memref<1x10000xi32, #tpu.memory_space<vmem>>, vector<1x10000xi32>
    %eq3A = vector.broadcast %get3A_32 : vector<1x10000xi32> to vector<512x10000xi32>
    %eq3A_33 = arith.cmpi eq, %iota3A, %eq3A : vector<512x10000xi32>
    %convert_element_type3A = arith.extui %eq3A_33 : vector<512x10000xi1> to vector<512x10000xi32>
    %convert_element_type3A_34 = arith.sitofp %convert_element_type3A : vector<512x10000xi32> to vector<512x10000xf32>
    %dot_general3A_35 = arith.constant dense<0.000000e+00> : vector<512x64xf32>
    %dot_general3A_36 = tpu.matmul %convert_element_type3A_34, %max3A_29, %dot_general3A_35 {dimension_numbers = #tpu.dot_dimension_numbers<[1], [0], [0], [1], [0, 0, 1, 1], [], []>, transpose_lhs_hint = false} : vector<512x10000xf32>, vector<10000x64xf32>, vector<512x64xf32> -> vector<512x64xf32>
    %reduce_sum3A = arith.constant dense<0.000000e+00> : vector<512xf32>
    %reduce_sum3A_37 = vector.multi_reduction <add>, %convert_element_type3A_34, %reduce_sum3A [1] : vector<512x10000xf32> to vector<512xf32>
    %broadcast_in_dim3A = vector.shape_cast %reduce_sum3A_37 : vector<512xf32> to vector<512x1xf32>
    %max3A_38 = arith.constant 1.000000e+00 : f32
    %max3A_39 = vector.broadcast %max3A_38 : f32 to vector<512x1xf32>
    %max3A_40 = arith.maximumf %broadcast_in_dim3A, %max3A_39 : vector<512x1xf32>
    %div3A = vector.broadcast %max3A_40 : vector<512x1xf32> to vector<512x64xf32>
    %div3A_41 = arith.divf %dot_general3A_36, %div3A : vector<512x64xf32>
    %get3A_42 = arith.constant 0 : index
    %get3A_43 = arith.constant 0 : index
    %get3A_44 = vector.load %arg7[%get3A_42, %get3A_43] : memref<64x1xf32, #tpu.memory_space<vmem>>, vector<64x1xf32>
    %dot_general3A_45 = arith.constant dense<0.000000e+00> : vector<512x1xf32>
    %dot_general3A_46 = tpu.matmul %div3A_41, %get3A_44, %dot_general3A_45 {dimension_numbers = #tpu.dot_dimension_numbers<[1], [0], [0], [1], [0, 0, 1, 1], [], []>, transpose_lhs_hint = false} : vector<512x64xf32>, vector<64x1xf32>, vector<512x1xf32> -> vector<512x1xf32>
    %get3A_47 = arith.constant 0 : index
    %get3A_48 = arith.constant 0 : index
    %get3A_49 = vector.load %arg8[%get3A_47, %get3A_48] : memref<1x1xf32, #tpu.memory_space<vmem>>, vector<1x1xf32>
    %add3A_50 = vector.broadcast %get3A_49 : vector<1x1xf32> to vector<512x1xf32>
    %add3A_51 = arith.addf %dot_general3A_46, %add3A_50 : vector<512x1xf32>
    %swap3A = arith.constant 0 : index
    %swap3A_52 = arith.constant 0 : index
    %swap3A_53 = vector.load %arg9[%swap3A, %swap3A_52] : memref<512x1xf32, #tpu.memory_space<vmem>>, vector<512x1xf32>
    tpu.vector_store %arg9[%swap3A, %swap3A_52], %add3A_51 {strides = array<i32>} : memref<512x1xf32, #tpu.memory_space<vmem>>, vector<512x1xf32>,
    return
  }
  func.func @transform_0(%arg0: i32) -> (i32, i32) {
    %c0_i32 = arith.constant 0 : i32
    %c0_i32_0 = arith.constant 0 : i32
    %c0_i32_1 = arith.constant 0 : i32
    return %c0_i32, %c0_i32_0 : i32, i32
  }
  func.func @transform_1(%arg0: i32) -> (i32, i32, i32) {
    %c0_i32 = arith.constant 0 : i32
    %c0_i32_0 = arith.constant 0 : i32
    %c0_i32_1 = arith.constant 0 : i32
    %c0_i32_2 = arith.constant 0 : i32
    return %c0_i32, %c0_i32_0, %c0_i32_1 : i32, i32, i32
  }
  func.func @transform_2(%arg0: i32) -> (i32, i32) {
    %c0_i32 = arith.constant 0 : i32
    %c0_i32_0 = arith.constant 0 : i32
    %c0_i32_1 = arith.constant 0 : i32
    return %c0_i32, %c0_i32_0 : i32, i32
  }
  func.func @transform_3(%arg0: i32) -> (i32, i32) {
    %c0_i32 = arith.constant 0 : i32
    %c0_i32_0 = arith.constant 0 : i32
    %c0_i32_1 = arith.constant 0 : i32
    return %c0_i32, %c0_i32_0 : i32, i32
  }
  func.func @transform_4(%arg0: i32) -> (i32, i32) {
    %c0_i32 = arith.constant 0 : i32
    %c0_i32_0 = arith.constant 0 : i32
    %c0_i32_1 = arith.constant 0 : i32
    return %c0_i32, %c0_i32_0 : i32, i32
  }
  func.func @transform_5(%arg0: i32) -> (i32, i32) {
    %c0_i32 = arith.constant 0 : i32
    %c0_i32_0 = arith.constant 0 : i32
    %c0_i32_1 = arith.constant 0 : i32
    return %c0_i32, %c0_i32_0 : i32, i32
  }
  func.func @transform_6(%arg0: i32) -> (i32, i32) {
    %c0_i32 = arith.constant 0 : i32
    %c0_i32_0 = arith.constant 0 : i32
    %c0_i32_1 = arith.constant 0 : i32
    return %c0_i32, %c0_i32_0 : i32, i32
  }
  func.func @transform_7(%arg0: i32) -> (i32, i32) {
    %c0_i32 = arith.constant 0 : i32
    %c0_i32_0 = arith.constant 0 : i32
    %c0_i32_1 = arith.constant 0 : i32
    return %c0_i32, %c0_i32_0 : i32, i32
  }
  func.func @transform_8(%arg0: i32) -> (i32, i32) {
    %c0_i32 = arith.constant 0 : i32
    %c0_i32_0 = arith.constant 0 : i32
    %c0_i32_1 = arith.constant 0 : i32
    return %c0_i32, %c0_i32_0 : i32, i32
  }
}

</mosaic_0001>

<sc_bundles>
// kernel: kernel.13.cloned.1.call-start
scs
__scs_entry_jumppad:
0x0: {  	(pc) =	sbr.rel $0x88, $3  }
0x1: {  	(tag) =	ssettag $0x0;
	lr =	simm.s32 $0x1  }
0x2: {  	[smem:$0x3F94] =	sst lr;
	_ =	strace $0xD0000000  }
0x3: {  	_ = 	snop  }
0x4: {  	_ = 	snop  }
0x5: {  	_ = 	snop  }
0x6: {  	_ = 	snop  }
0x7: {  	_ = 	snop  }
__scs_overlays_trampoline_lowered:
0x8: {  	[smem:$0x3FA3] =	sst s0  }
0x9: {  	[smem:$0x3FA4] =	sst s1  }
0xa: {  	[smem:$0x3FA5] =	sst s2  }
0xb: {  	[smem:$0x3FA6] =	sst s3  }
0xc: {  	[smem:$0x3FA7] =	sst s4  }
0xd: {  	[smem:$0x3FA8] =	sst s5  }
0xe: {  	[smem:$0x3FA9] =	sst s6  }
0xf: {  	[smem:$0x3FAA] =	sst s7  }
0x10: {  	[smem:$0x3FAB] =	sst s8  }
0x11: {  	[smem:$0x3FAC] =	sst s9;
	s0 =	simm.s32 @!p0 $0x0  }
0x12: {  	s1 =	sld [smem:$0x3F92];
	s0 =	simm.s32 @p0 $0x1  }
0x13: {  	[smem:$0x3FAD] =	sst s0;
	s0 =	simm.s32 @!p1 $0x0  }
0x14: {  	s2 =	sld [smem:$0x3F91];
	s0 =	simm.s32 @p1 $0x1  }
0x15: {  	[smem:$0x3FAE] =	sst s0;
	s0 =	simm.s32 @!p2 $0x0  }
0x16: {  	s3 =	sld [smem:$0x3FDB];
	s0 =	simm.s32 @p2 $0x1  }
0x17: {  	s4 =	simm.s32 $0x1BF5;
	[smem:$0x3FB0] =	sst s0  }
0x18: {  	s0 =	sld [smem:$0x3F93];
	_ =	swait.ge [sflag:s4], $0x0  }
0x19: {  	s7 =	sld [smem:$0x3F94]  }
0x1a: {  	s8 =	sadd.s32 $0xFFFFE003, lr  }
0x1b: {  	s9 =	sadd.s32 $0xFFFFFEF7, lr;
	s5 =	simm.s32 $0xFFFFFFFF;
	p2 =	slt.u32 s8, $0xFFFFF086  }
0x1c: {  	p1 =	slt.u32 s9, $0xF7A;
	s5 =	simm.s32 @!p2 $0x0  }
0x1d: {  	s5 =	simm.s32 @p1 $0x1;
	p0 =	seq.s32 s7, s2  }
0x1e: {  	s7 =	smul.u32 @!p0 $0xF7A, s2;
	p2 =	seq.s32 @!p0 s5, $0x0  }
0x1f: {  	s9 =	smul.u32 $0xF7A, s1;
	s8 =	simm.s32 @!p0 $0x1BF5;
	p2 =	por !p2, p0  }
0x20: {  	[sflag:s8] =	ssyncset.s32 @!p0 $0xFFFFF086;
	s6 =	sadd.s32 @!p0 s3, s7;
	s7 =	simm.s32 @!p0 $0x108  }
0x21: {  	s3 =	sadd.s32 s3, s9;
	s6 =	sadd.s32 @!p0 $0x88, s6;
	s7 =	simm.s32 @p2 $0x1082  }
0x22: {  	[simem:s7], [sflag:s8] =	dma.local @!p0 [hbm:s6], $0xF7A  }
0x23: {  	s9 =	sor.u32 $0xD0000000, s2;
	s6 =	simm.s32 $0x108;
	_ =	swait.ge @!p0 [sflag:s8], $0x0  }
0x24: {  	s3 =	sadd.s32 $0x88, s3;
	s6 =	simm.s32 @!p1 $0x1082;
	[sflag:s4] =	ssyncset.s32 $0xFFFFF086  }
0x25: {  	[simem:s6], [sflag:s4] =	dma.local [hbm:s3], $0xF7A  }
0x26: {  	[smem:$0x3F94] =	sst s1;
	(tag) =	ssettag s2;
	_ =	strace s9  }
0x27: {  	s1 =	sld [smem:$0x3FA4]  }
0x28: {  	s2 =	sld [smem:$0x3FA5]  }
0x29: {  	s4 =	sld [smem:$0x3FA7]  }
0x2a: {  	p0 =	seq.s32 s5, $0x0;
	s5 =	sld [smem:$0x3FA8]  }
0x2b: {  	s6 =	sld [smem:$0x3FA9]  }
0x2c: {  	s7 =	sld [smem:$0x3FAA]  }
0x2d: {  	s3 =	simm.s32 $0x108;
	s8 =	sld [smem:$0x3FAB]  }
0x2e: {  	s3 =	simm.s32 @!p0 $0x1082;
	s9 =	sld [smem:$0x3FAC]  }
0x2f: {  	lr =	sadd.s32 s0, s3;
	s0 =	sld [smem:$0x3FA3]  }
0x30: {  	s3 =	sld [smem:$0x3FA6]  }
0x31: {  	[smem:$0x3FAF] =	sst s10  }
0x32: {  	s10 =	sld [smem:$0x3FAD];
	_ =	sdelay $0x3  }
0x33: {  	p0 =	seq.s32 s10, $0x1;
	s10 =	sld [smem:$0x3FAF];
	_ =	sdelay $0x3  }
0x34: {  	[smem:$0x3FAF] =	sst s10  }
0x35: {  	s10 =	sld [smem:$0x3FAE];
	_ =	sdelay $0x3  }
0x36: {  	p1 =	seq.s32 s10, $0x1;
	s10 =	sld [smem:$0x3FAF];
	_ =	sdelay $0x3  }
0x37: {  	[smem:$0x3FAF] =	sst s10  }
0x38: {  	s10 =	sld [smem:$0x3FB0]  }
0x39: {  	_ = 	snop;
	(pc) =	sbr.ind lr, $3  }
0x3a: {  	_ = 	snop  }
0x3b: {  	_ = 	snop  }
0x3c: {  	p2 =	seq.s32 s10, $0x1;
	s10 =	sld [smem:$0x3FAF]  }
0x3d: {  	_ =	shalt  }
0x3e: {  	_ =	shalt  }
0x3f: {  	_ =	shalt  }
0x40: {  	_ =	shalt  }
0x41: {  	_ =	shalt  }
0x42: {  	_ =	shalt  }
0x43: {  	_ =	shalt  }
0x44: {  	_ =	shalt  }
0x45: {  	_ =	shalt  }
0x46: {  	_ =	shalt  }
0x47: {  	_ =	shalt  }
0x48: {  	_ =	shalt  }
0x49: {  	_ =	shalt  }
0x4a: {  	_ =	shalt  }
0x4b: {  	_ =	shalt  }
0x4c: {  	_ =	shalt  }
0x4d: {  	_ =	shalt  }
0x4e: {  	_ =	shalt  }
0x4f: {  	_ =	shalt  }
0x50: {  	_ =	shalt  }
0x51: {  	_ =	shalt  }
0x52: {  	_ =	shalt  }
0x53: {  	_ =	shalt  }
0x54: {  	_ =	shalt  }
0x55: {  	_ =	shalt  }
0x56: {  	_ =	shalt  }
0x57: {  	_ =	shalt  }
0x58: {  	_ =	shalt  }
0x59: {  	_ =	shalt  }
0x5a: {  	_ =	shalt  }
0x5b: {  	_ =	shalt  }
0x5c: {  	_ =	shalt  }
0x5d: {  	_ =	shalt  }
0x5e: {  	_ =	shalt  }
0x5f: {  	_ =	shalt  }
0x60: {  	_ =	shalt  }
0x61: {  	_ =	shalt  }
0x62: {  	_ =	shalt  }
0x63: {  	_ =	shalt  }
0x64: {  	_ =	shalt  }
0x65: {  	_ =	shalt  }
0x66: {  	_ =	shalt  }
0x67: {  	_ =	shalt  }
0x68: {  	_ =	shalt  }
0x69: {  	_ =	shalt  }
0x6a: {  	_ =	shalt  }
0x6b: {  	_ =	shalt  }
0x6c: {  	_ =	shalt  }
0x6d: {  	_ =	shalt  }
0x6e: {  	_ =	shalt  }
0x6f: {  	_ =	shalt  }
0x70: {  	_ =	shalt  }
0x71: {  	_ =	shalt  }
0x72: {  	_ =	shalt  }
0x73: {  	_ =	shalt  }
0x74: {  	_ =	shalt  }
0x75: {  	_ =	shalt  }
0x76: {  	_ =	shalt  }
0x77: {  	_ =	shalt  }
0x78: {  	_ =	shalt  }
0x79: {  	_ =	shalt  }
0x7a: {  	_ =	shalt  }
0x7b: {  	_ =	shalt  }
0x7c: {  	_ =	shalt  }
0x7d: {  	_ =	shalt  }
0x7e: {  	_ =	shalt  }
0x7f: {  	_ =	shalt  }
0x80: {  	_ =	shalt  }
0x81: {  	_ =	shalt  }
0x82: {  	_ =	shalt  }
0x83: {  	_ =	shalt  }
0x84: {  	_ =	shalt  }
0x85: {  	_ =	shalt  }
0x86: {  	_ =	shalt  }
0x87: {  	_ =	shalt  }
.Lfunc_end0:
.L_simem_size_0:
called_computation_lowered:
.L_overlay_start_0:
0x88: {  	s2 =	sld [smem:$0x3FD9]  }
0x89: {  	s3 =	sld [smem:$0x3FFE];
	_ =	sdelay $0x1  }
0x8a: {  	s1 =	srdreg.scid  }
0x8b: {  	s0 =	sand.u32 $0x1, s1  }
0x8c: {  	s16 =	sshll.u32 s0, $0xA;
	s2 =	sadd.s32 s3, s2  }
0x8d: {  	s2 =	sadd.s32 s2, s16  }
0x8e: {  	[smem:$0x3FBB] =	sst s2  }
0x8f: {  	_ = 	snop  }
0x90: {  	(tm) =	ssettm $0x1  }
0x91: {  	s17 =	sld [smem:$0x3FFB];
	_ =	sdelay $0x3  }
0x92: {  	_ =	strace s17  }
0x93: {  	s2 =	sld [smem:$0x3FFC];
	_ =	sdelay $0x3  }
0x94: {  	_ =	strace s2  }
0x95: {  	s2 =	sld [smem:$0x3FFD];
	_ =	sdelay $0x3  }
0x96: {  	_ =	strace s2  }
0x97: {  	_ =	strace $0x8FFFFFFF  }
0x98: {  	s18 =	sld [smem:$0x3FDB];
	_ =	sdelay $0x1  }
0x99: {  	s19 =	simm.s32 $_scs_section_size  }
0x9a: {  	s4 =	simm.s32 $_size__tile_overlayer_lowered;
	s5 =	simm.s32 $_tile_overlayer_lowered  }
0x9b: {  	s22 =	simm.s32 $0x1BFF;
	s21 =	sshll.u32 s5, $0x1;
	s2 =	sadd.s32 s19, s18  }
0x9c: {  	s6 =	simm.s32 $0x0;
	s20 =	sshll.u32 s4, $0x1;
	s4 =	sadd.s32 s21, s2  }
0x9d: {  	[timem:s6], [sflag:s22] =	dma.local [hbm:s4], s20  }
0x9e: {  	_ =	swait.ge [sflag:s22], s20  }
0x9f: {  	s3 =	ssub.s32 $0x0, s20;
	[sflag:s22] =	ssyncset.done $0x0  }
0xa0: {  	[sflag:s22] =	ssyncadd.s32 s3;
	_ =	sdelay $0x1  }
0xa1: {  	s23 =	simm.s32 $0x1B8B  }
0xa2: {  	_ =	swait.ge [sflag:s23], $0x1  }
0xa3: {  	[sflag:s23] =	ssyncset.done $0x0  }
0xa4: {  	s25 =	simm.s32 $0x1B8E;
	s24 =	sld [smem:$0x3FFE];
	[sflag:s23] =	ssyncadd.s32 $0xFFFFFFFF  }
0xa5: {  	s26 =	simm.s32 $execute0_lowered;
	[smem:$0x3FD2] =	sst s25  }
0xa6: {  	s4 =	sshll.u32 s26, $0x1;
	_ =	strace $0x80000046;
	[dreg:$0x1] =	wrdreg $0xFFFFFFFF  }
0xa7: {  	s28 =	simm.s32 $_size_execute0_lowered;
	s2 =	sadd.s32 s2, s4;
	[dreg:$0x0] =	wrdreg $0x0  }
0xa8: {  	s4 =	sshll.u32 s28, $0x1;
	[dreg:$0x2] =	wrdreg s2  }
0xa9: {  	[dreg:$0x3] =	wrdreg s4  }
0xaa: {  	[dreg:$0x4] =	wrdreg $0xC0  }
0xab: {  	_ =	task [dreg:s6], $0x5FFFF  }
0xac: {  	[dreg:$0x1] =	wrdreg $0xFFFFFFFF  }
0xad: {  	[dreg:$0x0] =	wrdreg $0x60  }
0xae: {  	[dreg:$0x2] =	wrdreg s24  }
0xaf: {  	[dreg:$0x3] =	wrdreg $0x44000  }
0xb0: {  	[dreg:$0x4] =	wrdreg $0x9  }
0xb1: {  	_ =	task.clear_ibuf [dreg:s6], $0x5FFFF;
	_ =	strace $0x90000046  }
0xb2: {  	s29 =	simm.s32 $0x9;
	_ =	strace $0x80000048  }
0xb3: {  	_ =	swait.ge [sflag:s29], $0x1  }
0xb4: {  	[sflag:s29] =	ssyncadd.s32 $0xFFFFFFFF  }
0xb5: {  	_ =	strace $0x90000048  }
0xb6: {  	_ =	sfence  }
0xb7: {  	s30 =	sld [smem:$0x0];
	_ =	sdelay $0x2  }
0xb8: {  	s31 =	sshll.u32 s1, $0xD;
	s1 =	sshrl.u32 s1, $0x2  }
0xb9: {  	s3 =	sand.u32 $0x4000, s31;
	s1 =	sadd.s32 s1, s30  }
0xba: {  	s0 =	sor.u32 s3, s0;
	s1 =	sshll.u32 s1, $0x11  }
0xbb: {  	s0 =	sor.u32 s1, s0  }
0xbc: {  	s0 =	sadd.s32 $0x8F2B, s0  }
0xbd: {  	[sflag:s0] =	ssyncadd.remote.s32 $0x1  }
0xbe: {  	_ =	sfence.sel $0xFFFF  }
0xbf: {  	[dreg:$0x0] =	wrdreg $0xFFFFFFFF;
	(pc) =	sbr.abs _section_cstart, $3  }
0xc0: {  	[dreg:$0x1] =	wrdreg $0xFFFFFFFF  }
0xc1: {  	_ =	task.clear_ibuf [dreg:s6], $0x2FFFF;
	_ =	strace $0x9FFFFFFF  }
0xc2: {  	(tm) =	ssettm $0x7FFFFFFF  }
0xc3: {  	_ =	shalt  }
tec
execute0_lowered:
.L_overlay_start_1:
0x0: {  	(tag) =	ssettag $0x1  }
0x1: {  	s4 =	rddreg [dreg:$0x0]  }
0x2: {  	s1 =	rddreg [dreg:$0x1]  }
0x3: {  	s0 =	rddreg [dreg:$0x2];
	s3 =	simm.s32 $0x0;
	s5 =	srdreg.scid  }
0x4: {  	s2 =	stileid.u32;
	s16 =	simm.s32 $0x80;
	s17 =	simm.s32 $0x4080  }
0x5: {  	s18 =	simm.s32 $0x4100;
	[smem:$0x7FF] =	sst s3;
	s19 =	smul.u32 $0x13C00, s2  }
0x6: {  	s8 =	sand.u32 $0x1, s5;
	s22 =	smul.u32 $0x4F000, s2;
	s25 =	sshll.u32 s2, $0x6  }
0x7: {  	s26 =	sshll.u32 s2, $0x7;
	s28 =	sshll.u32 s2, $0xE;
	s15 =	sshll.u32 s2, $0x3  }
0x8: {  	_ =	strace $0x80000047;
	s6 =	sshll.u32 s8, $0x12;
	s7 =	sshll.u32 s8, $0xB  }
0x9: {  	s9 =	smul.u32 $0x13C000, s8;
	s21 =	ssub.s32 $0x2, s8;
	s24 =	sshll.u32 s8, $0x4  }
0xa: {  	s29 =	sshll.u32 s8, $0x7;
	s10 =	sadd.s32 s6, s4;
	s11 =	sadd.s32 s7, s4  }
0xb: {  	s20 =	sshrl.u32 s19, $0x3;
	s12 =	sshrl.u32 s21, $0x1;
	s23 =	sshrl.u32 s22, $0x2  }
0xc: {  	s31 =	sor.u32 s15, s29;
	s15 =	simm.s32 $0x2;
	s5 =	sadd.s32 s19, s9  }
0xd: {  	s6 =	sadd.s32 s20, s4;
	s7 =	ssub.s32 s21, s12;
	s14 =	sadd.s32 s23, s1  }
0xe: {  	s9 =	sadd.s32 s26, s11;
	s30 =	sadd.s32 s28, s10;
	s10 =	sor.u32 $0x4, s31  }
.Ltmp0:
0xf: {  	s11 =	sor.u32 s24, s2;
	s19 =	simm.s32 $0x4180;
	(pc) =	sbr.rel .LBB2_1-.Ltmp0, $4  }
0x10: {  	s20 =	simm.s32 $0x0;
	s5 =	sshrl.u32 s5, $0x3;
	s7 =	smax.u32 s7, $0x1  }
0x11: {  	s8 =	sadd.s32 $0x9C8000, s9;
	s9 =	sadd.s32 $0x9D1E00, s30;
	s12 =	sshrl.u32 s14, $0x3  }
0x12: {  	s14 =	simm.s32 $0x4000;
	s13 =	sadd.s32 s5, s4;
	s4 =	sadd.s32 $0x4000, s6  }
0x13: {  	s5 =	sor.u32 $0x1C01, s25;
	s6 =	sadd.s32 $0x2B800, s13;
	s13 =	simm.s32 $0x1  }
.LBB2_5:
0x14: {  	s20 =	sadd.s32 $0x1, s20  }
0x15: {  	p0 =	sne.s32 s20, s7  }
.Ltmp1:
0x16: {  	[bflag:$0x0] =	sbarrier.arrive $0xFFFF;
	(pc) =	sbr.rel @!p0 .LBB2_6-.Ltmp1, $4  }
0x17: {  	[hbm:s6], [sflag:s5] =	dma.local [spmem:s12], $0x2780  }
0x18: {  	_ =	swait.ge [sflag:s13], $0x2780  }
0x19: {  	[sflag:s13] =	ssyncset.done $0x0  }
0x1a: {  	[sflag:s13] =	ssyncadd.s32 $0xFFFFD880  }
.LBB2_1:
0x1b: {  	[spmem:s12], [sflag:s5] =	dma.local [hbm:s4], $0x2780  }
.Ltmp2:
0x1c: {  	_ =	swait.ge [sflag:s13], $0x2780;
	(pc) =	sbr.rel .LBB2_2-.Ltmp2, $4  }
0x1d: {  	[sflag:s13] =	ssyncset.done $0x0  }
0x1e: {  	[sflag:s13] =	ssyncadd.s32 $0xFFFFD880  }
0x1f: {  	s21 =	smov.u32 s11;
	[bflag:$0x0] =	sbarrier.arrive $0xFFFF  }
0x20: {  	s22 =	smov.u32 s10;
	s23 =	smov.u32 s8;
	s24 =	simm.s32 $0x0  }
.LBB2_4:
0x21: {  	s24 =	sadd.s32 $0x80000, s24  }
0x22: {  	p0 =	sne.s32 s24, $0x500000  }
.Ltmp3:
0x23: {  	_ = 	snop;
	(pc) =	sbr.rel @!p0 .LBB2_5-.Ltmp3, $2  }
0x24: {  	_ =	sdelay $0x2  }
0x25: {  	s23 =	sadd.s32 $0x1000, s23;
	s22 =	sadd.s32 $0x100, s22;
	s21 =	sadd.s32 $0x20, s21  }
.LBB2_2:
0x26: {  	p0 =	sgt.u32 s21, $0x138  }
.Ltmp4:
0x27: {  	_ = 	snop;
	(pc) =	sbr.rel @p0 .LBB2_4-.Ltmp4, $1  }
0x28: {  	_ =	sdelay $0x3  }
0x29: {  	[tilespmem:s14], [sflag:$0x2] =	stream.linear.gather [hbm4b:s23+s3], $0x400, $0x38;
	[tilespmem:$0x18000] =	vst v63  }
0x2a: {  	_ =	swait.ge [sflag:s15], $0x400  }
0x2b: {  	[sflag:s15] =	ssyncset.done $0x0  }
0x2c: {  	s25 =	sadd.s32 s24, s9;
	[sflag:s15] =	ssyncadd.s32 $0xFFFFFC00  }
0x2d: {  	[tilespmem:s3], [sflag:$0x2] =	stream.linear.gather [hbm4b:s25+s3], $0x4000, $0x38;
	[tilespmem:$0x18000] =	vst v63  }
0x2e: {  	_ =	swait.ge [sflag:s15], $0x4000  }
0x2f: {  	[sflag:s15] =	ssyncset.done $0x0  }
0x30: {  	[sflag:s15] =	ssyncadd.s32 $0xFFFFC000  }
0x31: {  	[spmem:s1] =	stream.indirect.scatter.add.f32 [tilespmem:s3], [sflag:$0x2], $0x80, s14, s16, $0xb8;
	[tilespmem:$0x18000] =	vst v63  }
0x32: {  	_ =	swait.ge [sflag:s15], $0x4000  }
0x33: {  	[sflag:s15] =	ssyncset.done $0x0  }
0x34: {  	s26 =	sadd.s32 $0x800, s25;
	[sflag:s15] =	ssyncadd.s32 $0xFFFFC000  }
0x35: {  	[tilespmem:s3], [sflag:$0x2] =	stream.linear.gather [hbm4b:s26+s3], $0x4000, $0x38;
	[tilespmem:$0x18000] =	vst v63  }
0x36: {  	_ =	swait.ge [sflag:s15], $0x4000  }
0x37: {  	[sflag:s15] =	ssyncset.done $0x0  }
0x38: {  	[sflag:s15] =	ssyncadd.s32 $0xFFFFC000  }
0x39: {  	[spmem:s1] =	stream.indirect.scatter.add.f32 [tilespmem:s3], [sflag:$0x2], $0x80, s17, s16, $0xb8;
	[tilespmem:$0x18000] =	vst v63  }
0x3a: {  	_ =	swait.ge [sflag:s15], $0x4000  }
0x3b: {  	[sflag:s15] =	ssyncset.done $0x0  }
0x3c: {  	s31 =	sadd.s32 $0x1000, s25;
	[sflag:s15] =	ssyncadd.s32 $0xFFFFC000  }
0x3d: {  	[tilespmem:s3], [sflag:$0x2] =	stream.linear.gather [hbm4b:s31+s3], $0x4000, $0x38;
	[tilespmem:$0x18000] =	vst v63  }
0x3e: {  	_ =	swait.ge [sflag:s15], $0x4000  }
0x3f: {  	[sflag:s15] =	ssyncset.done $0x0  }
0x40: {  	[sflag:s15] =	ssyncadd.s32 $0xFFFFC000  }
0x41: {  	[spmem:s1] =	stream.indirect.scatter.add.f32 [tilespmem:s3], [sflag:$0x2], $0x80, s18, s16, $0xb8;
	[tilespmem:$0x18000] =	vst v63  }
0x42: {  	_ =	swait.ge [sflag:s15], $0x4000  }
0x43: {  	[sflag:s15] =	ssyncset.done $0x0  }
0x44: {  	s25 =	sadd.s32 $0x1800, s25;
	[sflag:s15] =	ssyncadd.s32 $0xFFFFC000  }
0x45: {  	[tilespmem:s3], [sflag:$0x2] =	stream.linear.gather [hbm4b:s25+s3], $0x4000, $0x38;
	[tilespmem:$0x18000] =	vst v63  }
0x46: {  	_ =	swait.ge [sflag:s15], $0x4000  }
0x47: {  	[sflag:s15] =	ssyncset.done $0x0  }
0x48: {  	[sflag:s15] =	ssyncadd.s32 $0xFFFFC000  }
0x49: {  	[spmem:s1] =	stream.indirect.scatter.add.f32 [tilespmem:s3], [sflag:$0x2], $0x80, s19, s16, $0xb8;
	[tilespmem:$0x18000] =	vst v63  }
0x4a: {  	p0 =	sgt.u32 s22, $0x9C3;
	_ =	swait.ge [sflag:s15], $0x4000  }
0x4b: {  	s25 =	sadd.s32 @!p0 s24, s9;
	[sflag:s15] =	ssyncset.done $0x0  }
0x4c: {  	s28 =	simm.s32 @!p0 $0x0;
	s26 =	sadd.s32 @!p0 $0x2000, s25;
	[sflag:s15] =	ssyncadd.s32 $0xFFFFC000  }
0x4d: {  	[tilespmem:s28], [sflag:$0x2] =	stream.linear.gather @!p0 [hbm4b:s26+s28], $0x4000, $0x38;
	[tilespmem:$0x18000] =	vst v63  }
0x4e: {  	s26 =	simm.s32 @!p0 $0x2  }
0x4f: {  	_ =	swait.ge @!p0 [sflag:s26], $0x4000  }
0x50: {  	[sflag:s26] =	ssyncset.done @!p0 $0x0  }
0x51: {  	s29 =	simm.s32 @!p0 $0x80;
	s30 =	simm.s32 @!p0 $0x4200;
	[sflag:s26] =	ssyncadd.s32 @!p0 $0xFFFFC000  }
0x52: {  	[spmem:s1] =	stream.indirect.scatter.add.f32 @!p0 [tilespmem:s28], [sflag:$0x2], $0x80, s30, s29, $0xb8;
	[tilespmem:$0x18000] =	vst v63  }
0x53: {  	_ =	swait.ge @!p0 [sflag:s26], $0x4000  }
0x54: {  	[sflag:s26] =	ssyncset.done @!p0 $0x0  }
0x55: {  	s30 =	sadd.s32 @!p0 $0x2800, s25;
	[sflag:s26] =	ssyncadd.s32 @!p0 $0xFFFFC000  }
0x56: {  	[tilespmem:s28], [sflag:$0x2] =	stream.linear.gather @!p0 [hbm4b:s30+s28], $0x4000, $0x38;
	[tilespmem:$0x18000] =	vst v63  }
0x57: {  	_ =	swait.ge @!p0 [sflag:s26], $0x4000  }
0x58: {  	[sflag:s26] =	ssyncset.done @!p0 $0x0  }
0x59: {  	s30 =	simm.s32 @!p0 $0x4280;
	[sflag:s26] =	ssyncadd.s32 @!p0 $0xFFFFC000  }
0x5a: {  	[spmem:s1] =	stream.indirect.scatter.add.f32 @!p0 [tilespmem:s28], [sflag:$0x2], $0x80, s30, s29, $0xb8;
	[tilespmem:$0x18000] =	vst v63  }
0x5b: {  	_ =	swait.ge @!p0 [sflag:s26], $0x4000  }
0x5c: {  	[sflag:s26] =	ssyncset.done @!p0 $0x0  }
0x5d: {  	s30 =	sadd.s32 @!p0 $0x3000, s25;
	[sflag:s26] =	ssyncadd.s32 @!p0 $0xFFFFC000  }
0x5e: {  	[tilespmem:s28], [sflag:$0x2] =	stream.linear.gather @!p0 [hbm4b:s30+s28], $0x4000, $0x38;
	[tilespmem:$0x18000] =	vst v63  }
0x5f: {  	_ =	swait.ge @!p0 [sflag:s26], $0x4000  }
0x60: {  	[sflag:s26] =	ssyncset.done @!p0 $0x0  }
0x61: {  	s30 =	simm.s32 @!p0 $0x4300;
	[sflag:s26] =	ssyncadd.s32 @!p0 $0xFFFFC000  }
0x62: {  	[spmem:s1] =	stream.indirect.scatter.add.f32 @!p0 [tilespmem:s28], [sflag:$0x2], $0x80, s30, s29, $0xb8;
	[tilespmem:$0x18000] =	vst v63  }
0x63: {  	_ =	swait.ge @!p0 [sflag:s26], $0x4000  }
0x64: {  	[sflag:s26] =	ssyncset.done @!p0 $0x0  }
0x65: {  	s25 =	sadd.s32 @!p0 $0x3800, s25;
	[sflag:s26] =	ssyncadd.s32 @!p0 $0xFFFFC000  }
0x66: {  	[tilespmem:s28], [sflag:$0x2] =	stream.linear.gather @!p0 [hbm4b:s25+s28], $0x4000, $0x38;
	[tilespmem:$0x18000] =	vst v63  }
0x67: {  	_ =	swait.ge @!p0 [sflag:s26], $0x4000  }
0x68: {  	[sflag:s26] =	ssyncset.done @!p0 $0x0  }
0x69: {  	s25 =	simm.s32 @!p0 $0x4380;
	[sflag:s26] =	ssyncadd.s32 @!p0 $0xFFFFC000  }
0x6a: {  	[spmem:s1] =	stream.indirect.scatter.add.f32 @!p0 [tilespmem:s28], [sflag:$0x1], $0x80, s25, s29, $0xb8;
	[tilespmem:$0x18000] =	vst v63  }
.Ltmp5:
0x6b: {  	_ = 	snop;
	(pc) =	sbr.rel .LBB2_4-.Ltmp5, $4  }
0x6c: {  	s25 =	simm.s32 @!p0 $0x1  }
0x6d: {  	_ =	swait.ge @!p0 [sflag:s25], $0x4000  }
0x6e: {  	[sflag:s25] =	ssyncset.done @!p0 $0x0  }
0x6f: {  	[sflag:s25] =	ssyncadd.s32 @!p0 $0xFFFFC000  }
.LBB2_6:
0x70: {  	_ =	sfence.sel $0x180000  }
0x71: {  	[bflag:$0x0] =	sbarrier.arrive $0xFFFF  }
0x72: {  	p0 =	sne.s32 s2, $0x0;
	_ =	strace $0x90000047  }
0x73: {  	s0 =	sadd.s32 @!p0 $0x100000, s0;
	[bflag:$0x2] =	sbarrier.arrive $0xFFFF  }
0x74: {  	[sflag:s0] =	ssyncadd.tile.s32 @!p0 $0x1;
	_ =	shalt  }
.Lfunc_end2:
_tile_overlayer_lowered:
.L_overlay_start_2:
0x75: {  	(tag) =	ssettag $0x2  }
0x76: {  	s0 =	rddreg [dreg:$0x0];
	s2 =	stileid.u32  }
0x77: {  	s1 =	rddreg [dreg:$0x1];
	p0 =	sne.s32 s2, $0x0  }
0x78: {  	s3 =	rddreg [dreg:$0x2];
	[bflag:$0x3] =	sbarrier.arrive $0xFFFF;
	s2 =	simm.s32 @!p0 $0x1C01  }
0x79: {  	[timem:s3], [sflag:s2] =	dma.local @!p0 [hbm:s0], s1  }
0x7a: {  	s0 =	simm.s32 @!p0 $0x1  }
0x7b: {  	_ =	swait.ge @!p0 [sflag:s0], s1  }
0x7c: {  	s1 =	ssub.s32 @!p0 $0x0, s1;
	[sflag:s0] =	ssyncset.done @!p0 $0x0  }
0x7d: {  	[sflag:s0] =	ssyncadd.s32 @!p0 s1  }
0x7e: {  	[bflag:$0x3] =	sbarrier.arrive $0xFFFF  }
0x7f: {  	_ =	shalt  }

// kernel: kernel.16.cloned.1.call-start
scs
__scs_entry_jumppad:
0x0: {  	(pc) =	sbr.rel $0x88, $3  }
0x1: {  	(tag) =	ssettag $0x0;
	lr =	simm.s32 $0x1  }
0x2: {  	[smem:$0x3F94] =	sst lr;
	_ =	strace $0xD0000000  }
0x3: {  	_ = 	snop  }
0x4: {  	_ = 	snop  }
0x5: {  	_ = 	snop  }
0x6: {  	_ = 	snop  }
0x7: {  	_ = 	snop  }
__scs_overlays_trampoline_lowered:
0x8: {  	[smem:$0x3FA3] =	sst s0  }
0x9: {  	[smem:$0x3FA4] =	sst s1  }
0xa: {  	[smem:$0x3FA5] =	sst s2  }
0xb: {  	[smem:$0x3FA6] =	sst s3  }
0xc: {  	[smem:$0x3FA7] =	sst s4  }
0xd: {  	[smem:$0x3FA8] =	sst s5  }
0xe: {  	[smem:$0x3FA9] =	sst s6  }
0xf: {  	[smem:$0x3FAA] =	sst s7  }
0x10: {  	[smem:$0x3FAB] =	sst s8  }
0x11: {  	[smem:$0x3FAC] =	sst s9;
	s0 =	simm.s32 @!p0 $0x0  }
0x12: {  	s1 =	sld [smem:$0x3F92];
	s0 =	simm.s32 @p0 $0x1  }
0x13: {  	[smem:$0x3FAD] =	sst s0;
	s0 =	simm.s32 @!p1 $0x0  }
0x14: {  	s2 =	sld [smem:$0x3F91];
	s0 =	simm.s32 @p1 $0x1  }
0x15: {  	[smem:$0x3FAE] =	sst s0;
	s0 =	simm.s32 @!p2 $0x0  }
0x16: {  	s3 =	sld [smem:$0x3FDB];
	s0 =	simm.s32 @p2 $0x1  }
0x17: {  	s4 =	simm.s32 $0x1BF5;
	[smem:$0x3FB0] =	sst s0  }
0x18: {  	s0 =	sld [smem:$0x3F93];
	_ =	swait.ge [sflag:s4], $0x0  }
0x19: {  	s7 =	sld [smem:$0x3F94]  }
0x1a: {  	s8 =	sadd.s32 $0xFFFFE003, lr  }
0x1b: {  	s9 =	sadd.s32 $0xFFFFFEF7, lr;
	s5 =	simm.s32 $0xFFFFFFFF;
	p2 =	slt.u32 s8, $0xFFFFF086  }
0x1c: {  	p1 =	slt.u32 s9, $0xF7A;
	s5 =	simm.s32 @!p2 $0x0  }
0x1d: {  	s5 =	simm.s32 @p1 $0x1;
	p0 =	seq.s32 s7, s2  }
0x1e: {  	s7 =	smul.u32 @!p0 $0xF7A, s2;
	p2 =	seq.s32 @!p0 s5, $0x0  }
0x1f: {  	s9 =	smul.u32 $0xF7A, s1;
	s8 =	simm.s32 @!p0 $0x1BF5;
	p2 =	por !p2, p0  }
0x20: {  	[sflag:s8] =	ssyncset.s32 @!p0 $0xFFFFF086;
	s6 =	sadd.s32 @!p0 s3, s7;
	s7 =	simm.s32 @!p0 $0x108  }
0x21: {  	s3 =	sadd.s32 s3, s9;
	s6 =	sadd.s32 @!p0 $0x88, s6;
	s7 =	simm.s32 @p2 $0x1082  }
0x22: {  	[simem:s7], [sflag:s8] =	dma.local @!p0 [hbm:s6], $0xF7A  }
0x23: {  	s9 =	sor.u32 $0xD0000000, s2;
	s6 =	simm.s32 $0x108;
	_ =	swait.ge @!p0 [sflag:s8], $0x0  }
0x24: {  	s3 =	sadd.s32 $0x88, s3;
	s6 =	simm.s32 @!p1 $0x1082;
	[sflag:s4] =	ssyncset.s32 $0xFFFFF086  }
0x25: {  	[simem:s6], [sflag:s4] =	dma.local [hbm:s3], $0xF7A  }
0x26: {  	[smem:$0x3F94] =	sst s1;
	(tag) =	ssettag s2;
	_ =	strace s9  }
0x27: {  	s1 =	sld [smem:$0x3FA4]  }
0x28: {  	s2 =	sld [smem:$0x3FA5]  }
0x29: {  	s4 =	sld [smem:$0x3FA7]  }
0x2a: {  	p0 =	seq.s32 s5, $0x0;
	s5 =	sld [smem:$0x3FA8]  }
0x2b: {  	s6 =	sld [smem:$0x3FA9]  }
0x2c: {  	s7 =	sld [smem:$0x3FAA]  }
0x2d: {  	s3 =	simm.s32 $0x108;
	s8 =	sld [smem:$0x3FAB]  }
0x2e: {  	s3 =	simm.s32 @!p0 $0x1082;
	s9 =	sld [smem:$0x3FAC]  }
0x2f: {  	lr =	sadd.s32 s0, s3;
	s0 =	sld [smem:$0x3FA3]  }
0x30: {  	s3 =	sld [smem:$0x3FA6]  }
0x31: {  	[smem:$0x3FAF] =	sst s10  }
0x32: {  	s10 =	sld [smem:$0x3FAD];
	_ =	sdelay $0x3  }
0x33: {  	p0 =	seq.s32 s10, $0x1;
	s10 =	sld [smem:$0x3FAF];
	_ =	sdelay $0x3  }
0x34: {  	[smem:$0x3FAF] =	sst s10  }
0x35: {  	s10 =	sld [smem:$0x3FAE];
	_ =	sdelay $0x3  }
0x36: {  	p1 =	seq.s32 s10, $0x1;
	s10 =	sld [smem:$0x3FAF];
	_ =	sdelay $0x3  }
0x37: {  	[smem:$0x3FAF] =	sst s10  }
0x38: {  	s10 =	sld [smem:$0x3FB0]  }
0x39: {  	_ = 	snop;
	(pc) =	sbr.ind lr, $3  }
0x3a: {  	_ = 	snop  }
0x3b: {  	_ = 	snop  }
0x3c: {  	p2 =	seq.s32 s10, $0x1;
	s10 =	sld [smem:$0x3FAF]  }
0x3d: {  	_ =	shalt  }
0x3e: {  	_ =	shalt  }
0x3f: {  	_ =	shalt  }
0x40: {  	_ =	shalt  }
0x41: {  	_ =	shalt  }
0x42: {  	_ =	shalt  }
0x43: {  	_ =	shalt  }
0x44: {  	_ =	shalt  }
0x45: {  	_ =	shalt  }
0x46: {  	_ =	shalt  }
0x47: {  	_ =	shalt  }
0x48: {  	_ =	shalt  }
0x49: {  	_ =	shalt  }
0x4a: {  	_ =	shalt  }
0x4b: {  	_ =	shalt  }
0x4c: {  	_ =	shalt  }
0x4d: {  	_ =	shalt  }
0x4e: {  	_ =	shalt  }
0x4f: {  	_ =	shalt  }
0x50: {  	_ =	shalt  }
0x51: {  	_ =	shalt  }
0x52: {  	_ =	shalt  }
0x53: {  	_ =	shalt  }
0x54: {  	_ =	shalt  }
0x55: {  	_ =	shalt  }
0x56: {  	_ =	shalt  }
0x57: {  	_ =	shalt  }
0x58: {  	_ =	shalt  }
0x59: {  	_ =	shalt  }
0x5a: {  	_ =	shalt  }
0x5b: {  	_ =	shalt  }
0x5c: {  	_ =	shalt  }
0x5d: {  	_ =	shalt  }
0x5e: {  	_ =	shalt  }
0x5f: {  	_ =	shalt  }
0x60: {  	_ =	shalt  }
0x61: {  	_ =	shalt  }
0x62: {  	_ =	shalt  }
0x63: {  	_ =	shalt  }
0x64: {  	_ =	shalt  }
0x65: {  	_ =	shalt  }
0x66: {  	_ =	shalt  }
0x67: {  	_ =	shalt  }
0x68: {  	_ =	shalt  }
0x69: {  	_ =	shalt  }
0x6a: {  	_ =	shalt  }
0x6b: {  	_ =	shalt  }
0x6c: {  	_ =	shalt  }
0x6d: {  	_ =	shalt  }
0x6e: {  	_ =	shalt  }
0x6f: {  	_ =	shalt  }
0x70: {  	_ =	shalt  }
0x71: {  	_ =	shalt  }
0x72: {  	_ =	shalt  }
0x73: {  	_ =	shalt  }
0x74: {  	_ =	shalt  }
0x75: {  	_ =	shalt  }
0x76: {  	_ =	shalt  }
0x77: {  	_ =	shalt  }
0x78: {  	_ =	shalt  }
0x79: {  	_ =	shalt  }
0x7a: {  	_ =	shalt  }
0x7b: {  	_ =	shalt  }
0x7c: {  	_ =	shalt  }
0x7d: {  	_ =	shalt  }
0x7e: {  	_ =	shalt  }
0x7f: {  	_ =	shalt  }
0x80: {  	_ =	shalt  }
0x81: {  	_ =	shalt  }
0x82: {  	_ =	shalt  }
0x83: {  	_ =	shalt  }
0x84: {  	_ =	shalt  }
0x85: {  	_ =	shalt  }
0x86: {  	_ =	shalt  }
0x87: {  	_ =	shalt  }
.Lfunc_end0:
.L_simem_size_0:
called_computation.1_lowered:
.L_overlay_start_0:
0x88: {  	s2 =	sld [smem:$0x3FD9]  }
0x89: {  	s3 =	sld [smem:$0x3FFE];
	_ =	sdelay $0x1  }
0x8a: {  	s1 =	srdreg.scid  }
0x8b: {  	s0 =	sand.u32 $0x1, s1  }
0x8c: {  	s16 =	sshll.u32 s0, $0xA;
	s2 =	sadd.s32 s3, s2  }
0x8d: {  	s2 =	sadd.s32 s2, s16  }
0x8e: {  	[smem:$0x3FBB] =	sst s2  }
0x8f: {  	_ = 	snop  }
0x90: {  	(tm) =	ssettm $0x1  }
0x91: {  	s17 =	sld [smem:$0x3FFB];
	_ =	sdelay $0x3  }
0x92: {  	_ =	strace s17  }
0x93: {  	s2 =	sld [smem:$0x3FFC];
	_ =	sdelay $0x3  }
0x94: {  	_ =	strace s2  }
0x95: {  	s2 =	sld [smem:$0x3FFD];
	_ =	sdelay $0x3  }
0x96: {  	_ =	strace s2  }
0x97: {  	_ =	strace $0x8FFFFFFF  }
0x98: {  	s18 =	sld [smem:$0x3FDB];
	_ =	sdelay $0x1  }
0x99: {  	s19 =	simm.s32 $_scs_section_size  }
0x9a: {  	s4 =	simm.s32 $_size__tile_overlayer_lowered;
	s5 =	simm.s32 $_tile_overlayer_lowered  }
0x9b: {  	s22 =	simm.s32 $0x1BFF;
	s21 =	sshll.u32 s5, $0x1;
	s2 =	sadd.s32 s19, s18  }
0x9c: {  	s6 =	simm.s32 $0x0;
	s20 =	sshll.u32 s4, $0x1;
	s4 =	sadd.s32 s21, s2  }
0x9d: {  	[timem:s6], [sflag:s22] =	dma.local [hbm:s4], s20  }
0x9e: {  	_ =	swait.ge [sflag:s22], s20  }
0x9f: {  	s3 =	ssub.s32 $0x0, s20;
	[sflag:s22] =	ssyncset.done $0x0  }
0xa0: {  	[sflag:s22] =	ssyncadd.s32 s3;
	_ =	sdelay $0x1  }
0xa1: {  	s23 =	simm.s32 $0x1B8B  }
0xa2: {  	_ =	swait.ge [sflag:s23], $0x1  }
0xa3: {  	[sflag:s23] =	ssyncset.done $0x0  }
0xa4: {  	s25 =	simm.s32 $0x1B8E;
	s24 =	sld [smem:$0x3FFE];
	[sflag:s23] =	ssyncadd.s32 $0xFFFFFFFF  }
0xa5: {  	s26 =	simm.s32 $execute0_lowered;
	[smem:$0x3FD2] =	sst s25  }
0xa6: {  	s4 =	sshll.u32 s26, $0x1;
	_ =	strace $0x80000049;
	[dreg:$0x1] =	wrdreg $0xFFFFFFFF  }
0xa7: {  	s28 =	simm.s32 $_size_execute0_lowered;
	s2 =	sadd.s32 s2, s4;
	[dreg:$0x0] =	wrdreg $0x0  }
0xa8: {  	s4 =	sshll.u32 s28, $0x1;
	[dreg:$0x2] =	wrdreg s2  }
0xa9: {  	[dreg:$0x3] =	wrdreg s4  }
0xaa: {  	[dreg:$0x4] =	wrdreg $0xC0  }
0xab: {  	_ =	task [dreg:s6], $0x5FFFF  }
0xac: {  	[dreg:$0x1] =	wrdreg $0xFFFFFFFF  }
0xad: {  	[dreg:$0x0] =	wrdreg $0x60  }
0xae: {  	[dreg:$0x2] =	wrdreg s24  }
0xaf: {  	[dreg:$0x3] =	wrdreg $0x9  }
0xb0: {  	_ =	task.clear_ibuf [dreg:s6], $0x4FFFF;
	_ =	strace $0x90000049  }
0xb1: {  	s29 =	simm.s32 $0x9;
	_ =	strace $0x8000004B  }
0xb2: {  	_ =	swait.ge [sflag:s29], $0x1  }
0xb3: {  	[sflag:s29] =	ssyncadd.s32 $0xFFFFFFFF  }
0xb4: {  	_ =	strace $0x9000004B  }
0xb5: {  	_ =	sfence  }
0xb6: {  	s30 =	sld [smem:$0x0];
	_ =	sdelay $0x2  }
0xb7: {  	s31 =	sshll.u32 s1, $0xD;
	s1 =	sshrl.u32 s1, $0x2  }
0xb8: {  	s3 =	sand.u32 $0x4000, s31;
	s1 =	sadd.s32 s1, s30  }
0xb9: {  	s0 =	sor.u32 s3, s0;
	s1 =	sshll.u32 s1, $0x11  }
0xba: {  	s0 =	sor.u32 s1, s0  }
0xbb: {  	s0 =	sadd.s32 $0x8F2B, s0  }
0xbc: {  	[sflag:s0] =	ssyncadd.remote.s32 $0x1  }
0xbd: {  	_ =	sfence.sel $0xFFFF  }
0xbe: {  	[dreg:$0x0] =	wrdreg $0xFFFFFFFF;
	(pc) =	sbr.abs _section_cstart, $3  }
0xbf: {  	[dreg:$0x1] =	wrdreg $0xFFFFFFFF  }
0xc0: {  	_ =	task.clear_ibuf [dreg:s6], $0x2FFFF;
	_ =	strace $0x9FFFFFFF  }
0xc1: {  	(tm) =	ssettm $0x7FFFFFFF  }
tec
execute0_lowered:
.L_overlay_start_1:
0x0: {  	(tag) =	ssettag $0x1  }
0x1: {  	s3 =	rddreg [dreg:$0x0]  }
0x2: {  	s0 =	rddreg [dreg:$0x1]  }
0x3: {  	s1 =	simm.s32 $0x0;
	s2 =	srdreg.scid;
	s12 =	simm.s32 $0x1  }
0x4: {  	s13 =	simm.s32 $0x4080;
	s14 =	simm.s32 $0x4100;
	s15 =	simm.s32 $0x4180  }
0x5: {  	s16 =	simm.s32 $0x0;
	[smem:$0x7FF] =	sst s1;
	s5 =	sand.u32 $0x1, s2  }
0x6: {  	s2 =	sadd.s32 $0x2B800, s3;
	_ =	strace $0x8000004A;
	s4 =	sshll.u32 s5, $0xB  }
0x7: {  	s6 =	ssub.s32 $0x2, s5;
	s25 =	sshll.u32 s5, $0x12;
	s28 =	sshll.u32 s5, $0x4  }
0x8: {  	s5 =	sshll.u32 s5, $0x7;
	s7 =	sadd.s32 s4, s3;
	s8 =	sshrl.u32 s6, $0x1  }
0x9: {  	s9 =	sadd.s32 s25, s3;
	s3 =	stileid.u32;
	s26 =	ssub.s32 s6, s8  }
.Ltmp0:
0xa: {  	s29 =	sshll.u32 s3, $0x7;
	s10 =	sshll.u32 s3, $0xE;
	(pc) =	sbr.rel .LBB2_1-.Ltmp0, $4  }
0xb: {  	s11 =	sshll.u32 s3, $0x3;
	s8 =	sor.u32 s28, s3;
	s4 =	smax.u32 s26, $0x1  }
0xc: {  	s6 =	sadd.s32 s29, s7;
	s30 =	sadd.s32 s10, s9;
	s31 =	sor.u32 s11, s5  }
0xd: {  	s9 =	simm.s32 $0x4000;
	s10 =	simm.s32 $0x3;
	s11 =	simm.s32 $0x80  }
0xe: {  	s5 =	sadd.s32 $0x7A800, s6;
	s6 =	sadd.s32 $0x84600, s30;
	s7 =	sor.u32 $0x4, s31  }
.LBB2_5:
0xf: {  	s16 =	sadd.s32 $0x1, s16  }
0x10: {  	p0 =	sne.s32 s16, s4  }
.Ltmp1:
0x11: {  	_ = 	snop;
	(pc) =	sbr.rel @!p0 .LBB2_6-.Ltmp1, $1  }
0x12: {  	_ =	sdelay $0x3  }
.LBB2_1:
.Ltmp2:
0x13: {  	(pc) =	sbr.rel .LBB2_2-.Ltmp2, $3  }
0x14: {  	_ =	sdelay $0x1  }
0x15: {  	s17 =	smov.u32 s8  }
0x16: {  	s18 =	smov.u32 s7;
	s19 =	smov.u32 s5;
	s20 =	simm.s32 $0x0  }
.LBB2_4:
0x17: {  	s20 =	sadd.s32 $0x80000, s20  }
0x18: {  	p0 =	sne.s32 s20, $0x500000  }
.Ltmp3:
0x19: {  	_ = 	snop;
	(pc) =	sbr.rel @!p0 .LBB2_5-.Ltmp3, $2  }
0x1a: {  	_ =	sdelay $0x2  }
0x1b: {  	s19 =	sadd.s32 $0x1000, s19;
	s18 =	sadd.s32 $0x100, s18;
	s17 =	sadd.s32 $0x20, s17  }
.LBB2_2:
0x1c: {  	p0 =	sgt.u32 s17, $0x138  }
.Ltmp4:
0x1d: {  	_ = 	snop;
	(pc) =	sbr.rel @p0 .LBB2_4-.Ltmp4, $1  }
0x1e: {  	_ =	sdelay $0x3  }
0x1f: {  	[tilespmem:s9], [sflag:$0x3] =	stream.linear.gather [hbm4b:s19+s1], $0x400, $0x38;
	[tilespmem:$0x4400] =	vst v63  }
0x20: {  	_ =	swait.ge [sflag:s10], $0x400  }
0x21: {  	[sflag:s10] =	ssyncset.done $0x0  }
0x22: {  	[sflag:s10] =	ssyncadd.s32 $0xFFFFFC00  }
0x23: {  	[tilespmem:s1], [sflag:$0x1] =	stream.indirect.gather [hbm4b:s2+s11], $0x80, s9, s11, $0xb8;
	[tilespmem:$0x4400] =	vst v63  }
0x24: {  	_ =	swait.ge [sflag:s12], $0x4000  }
0x25: {  	[sflag:s12] =	ssyncset.done $0x0  }
0x26: {  	s21 =	sadd.s32 s20, s6;
	[sflag:s12] =	ssyncadd.s32 $0xFFFFC000  }
0x27: {  	[hbm4b:s21+s1] =	stream.linear.scatter [tilespmem:s1], [sflag:$0x3], $0x4000, $0x38;
	[tilespmem:$0x4400] =	vst v63  }
0x28: {  	_ =	swait.ge [sflag:s10], $0x4000  }
0x29: {  	[sflag:s10] =	ssyncset.done $0x0  }
0x2a: {  	[sflag:s10] =	ssyncadd.s32 $0xFFFFC000  }
0x2b: {  	[tilespmem:s1], [sflag:$0x1] =	stream.indirect.gather [hbm4b:s2+s11], $0x80, s13, s11, $0xb8;
	[tilespmem:$0x4400] =	vst v63  }
0x2c: {  	_ =	swait.ge [sflag:s12], $0x4000  }
0x2d: {  	[sflag:s12] =	ssyncset.done $0x0  }
0x2e: {  	s22 =	sadd.s32 $0x800, s21;
	[sflag:s12] =	ssyncadd.s32 $0xFFFFC000  }
0x2f: {  	[hbm4b:s22+s1] =	stream.linear.scatter [tilespmem:s1], [sflag:$0x3], $0x4000, $0x38;
	[tilespmem:$0x4400] =	vst v63  }
0x30: {  	_ =	swait.ge [sflag:s10], $0x4000  }
0x31: {  	[sflag:s10] =	ssyncset.done $0x0  }
0x32: {  	[sflag:s10] =	ssyncadd.s32 $0xFFFFC000  }
0x33: {  	[tilespmem:s1], [sflag:$0x1] =	stream.indirect.gather [hbm4b:s2+s11], $0x80, s14, s11, $0xb8;
	[tilespmem:$0x4400] =	vst v63  }
0x34: {  	_ =	swait.ge [sflag:s12], $0x4000  }
0x35: {  	[sflag:s12] =	ssyncset.done $0x0  }
0x36: {  	s31 =	sadd.s32 $0x1000, s21;
	[sflag:s12] =	ssyncadd.s32 $0xFFFFC000  }
0x37: {  	[hbm4b:s31+s1] =	stream.linear.scatter [tilespmem:s1], [sflag:$0x3], $0x4000, $0x38;
	[tilespmem:$0x4400] =	vst v63  }
0x38: {  	_ =	swait.ge [sflag:s10], $0x4000  }
0x39: {  	[sflag:s10] =	ssyncset.done $0x0  }
0x3a: {  	[sflag:s10] =	ssyncadd.s32 $0xFFFFC000  }
0x3b: {  	[tilespmem:s1], [sflag:$0x1] =	stream.indirect.gather [hbm4b:s2+s11], $0x80, s15, s11, $0xb8;
	[tilespmem:$0x4400] =	vst v63  }
0x3c: {  	_ =	swait.ge [sflag:s12], $0x4000  }
0x3d: {  	[sflag:s12] =	ssyncset.done $0x0  }
0x3e: {  	s21 =	sadd.s32 $0x1800, s21;
	[sflag:s12] =	ssyncadd.s32 $0xFFFFC000  }
0x3f: {  	[hbm4b:s21+s1] =	stream.linear.scatter [tilespmem:s1], [sflag:$0x3], $0x4000, $0x38;
	[tilespmem:$0x4400] =	vst v63  }
0x40: {  	p0 =	sgt.u32 s18, $0x9C3;
	_ =	swait.ge [sflag:s10], $0x4000  }
0x41: {  	s23 =	simm.s32 @!p0 $0x0;
	[sflag:s10] =	ssyncset.done $0x0  }
0x42: {  	s22 =	simm.s32 @!p0 $0x4200;
	s21 =	simm.s32 @!p0 $0x80;
	[sflag:s10] =	ssyncadd.s32 $0xFFFFC000  }
0x43: {  	[tilespmem:s23], [sflag:$0x1] =	stream.indirect.gather @!p0 [hbm4b:s2+s21], $0x80, s22, s21, $0xb8;
	[tilespmem:$0x4400] =	vst v63  }
0x44: {  	s22 =	simm.s32 @!p0 $0x1  }
0x45: {  	_ =	swait.ge @!p0 [sflag:s22], $0x4000  }
0x46: {  	s24 =	sadd.s32 @!p0 s20, s6;
	[sflag:s22] =	ssyncset.done @!p0 $0x0  }
0x47: {  	s25 =	sadd.s32 @!p0 $0x2000, s24;
	[sflag:s22] =	ssyncadd.s32 @!p0 $0xFFFFC000  }
0x48: {  	[hbm4b:s25+s23] =	stream.linear.scatter @!p0 [tilespmem:s23], [sflag:$0x3], $0x4000, $0x38;
	[tilespmem:$0x4400] =	vst v63  }
0x49: {  	s25 =	simm.s32 @!p0 $0x3  }
0x4a: {  	_ =	swait.ge @!p0 [sflag:s25], $0x4000  }
0x4b: {  	[sflag:s25] =	ssyncset.done @!p0 $0x0  }
0x4c: {  	s26 =	simm.s32 @!p0 $0x4280;
	[sflag:s25] =	ssyncadd.s32 @!p0 $0xFFFFC000  }
0x4d: {  	[tilespmem:s23], [sflag:$0x1] =	stream.indirect.gather @!p0 [hbm4b:s2+s21], $0x80, s26, s21, $0xb8;
	[tilespmem:$0x4400] =	vst v63  }
0x4e: {  	_ =	swait.ge @!p0 [sflag:s22], $0x4000  }
0x4f: {  	[sflag:s22] =	ssyncset.done @!p0 $0x0  }
0x50: {  	s26 =	sadd.s32 @!p0 $0x2800, s24;
	[sflag:s22] =	ssyncadd.s32 @!p0 $0xFFFFC000  }
0x51: {  	[hbm4b:s26+s23] =	stream.linear.scatter @!p0 [tilespmem:s23], [sflag:$0x3], $0x4000, $0x38;
	[tilespmem:$0x4400] =	vst v63  }
0x52: {  	_ =	swait.ge @!p0 [sflag:s25], $0x4000  }
0x53: {  	[sflag:s25] =	ssyncset.done @!p0 $0x0  }
0x54: {  	s26 =	simm.s32 @!p0 $0x4300;
	[sflag:s25] =	ssyncadd.s32 @!p0 $0xFFFFC000  }
0x55: {  	[tilespmem:s23], [sflag:$0x1] =	stream.indirect.gather @!p0 [hbm4b:s2+s21], $0x80, s26, s21, $0xb8;
	[tilespmem:$0x4400] =	vst v63  }
0x56: {  	_ =	swait.ge @!p0 [sflag:s22], $0x4000  }
0x57: {  	[sflag:s22] =	ssyncset.done @!p0 $0x0  }
0x58: {  	s26 =	sadd.s32 @!p0 $0x3000, s24;
	[sflag:s22] =	ssyncadd.s32 @!p0 $0xFFFFC000  }
0x59: {  	[hbm4b:s26+s23] =	stream.linear.scatter @!p0 [tilespmem:s23], [sflag:$0x3], $0x4000, $0x38;
	[tilespmem:$0x4400] =	vst v63  }
0x5a: {  	_ =	swait.ge @!p0 [sflag:s25], $0x4000  }
0x5b: {  	[sflag:s25] =	ssyncset.done @!p0 $0x0  }
0x5c: {  	[sflag:s25] =	ssyncadd.s32 @!p0 $0xFFFFC000;
	s25 =	simm.s32 @!p0 $0x4380  }
0x5d: {  	[tilespmem:s23], [sflag:$0x1] =	stream.indirect.gather @!p0 [hbm4b:s2+s21], $0x80, s25, s21, $0xb8;
	[tilespmem:$0x4400] =	vst v63  }
0x5e: {  	_ =	swait.ge @!p0 [sflag:s22], $0x4000  }
0x5f: {  	[sflag:s22] =	ssyncset.done @!p0 $0x0  }
0x60: {  	s21 =	sadd.s32 @!p0 $0x3800, s24;
	[sflag:s22] =	ssyncadd.s32 @!p0 $0xFFFFC000  }
0x61: {  	[hbm4b:s21+s23] =	stream.linear.scatter @!p0 [tilespmem:s23], [sflag:$0x2], $0x4000, $0x38;
	[tilespmem:$0x4400] =	vst v63  }
.Ltmp5:
0x62: {  	_ = 	snop;
	(pc) =	sbr.rel .LBB2_4-.Ltmp5, $4  }
0x63: {  	s21 =	simm.s32 @!p0 $0x2  }
0x64: {  	_ =	swait.ge @!p0 [sflag:s21], $0x4000  }
0x65: {  	[sflag:s21] =	ssyncset.done @!p0 $0x0  }
0x66: {  	[sflag:s21] =	ssyncadd.s32 @!p0 $0xFFFFC000  }
.LBB2_6:
0x67: {  	_ =	sfence.sel $0x180000  }
0x68: {  	[bflag:$0x0] =	sbarrier.arrive $0xFFFF  }
0x69: {  	p0 =	sne.s32 s3, $0x0;
	_ =	strace $0x9000004A  }
0x6a: {  	s0 =	sadd.s32 @!p0 $0x100000, s0;
	[bflag:$0x2] =	sbarrier.arrive $0xFFFF  }
0x6b: {  	[sflag:s0] =	ssyncadd.tile.s32 @!p0 $0x1;
	_ =	shalt  }
.Lfunc_end2:
_tile_overlayer_lowered:
.L_overlay_start_2:
0x6c: {  	(tag) =	ssettag $0x2  }
0x6d: {  	s0 =	rddreg [dreg:$0x0];
	s2 =	stileid.u32  }
0x6e: {  	s1 =	rddreg [dreg:$0x1];
	p0 =	sne.s32 s2, $0x0  }
0x6f: {  	s3 =	rddreg [dreg:$0x2];
	[bflag:$0x3] =	sbarrier.arrive $0xFFFF;
	s2 =	simm.s32 @!p0 $0x1C02  }
0x70: {  	[timem:s3], [sflag:s2] =	dma.local @!p0 [hbm:s0], s1  }
0x71: {  	s0 =	simm.s32 @!p0 $0x2  }
0x72: {  	_ =	swait.ge @!p0 [sflag:s0], s1  }
0x73: {  	s1 =	ssub.s32 @!p0 $0x0, s1;
	[sflag:s0] =	ssyncset.done @!p0 $0x0  }
0x74: {  	[sflag:s0] =	ssyncadd.s32 @!p0 s1  }
0x75: {  	[bflag:$0x3] =	sbarrier.arrive $0xFFFF  }
0x76: {  	_ =	shalt  }

// kernel: kernel.19.cloned.1.call-start
scs
__scs_entry_jumppad:
0x0: {  	(pc) =	sbr.rel $0x88, $3  }
0x1: {  	(tag) =	ssettag $0x0;
	lr =	simm.s32 $0x1  }
0x2: {  	[smem:$0x3F94] =	sst lr;
	_ =	strace $0xD0000000  }
0x3: {  	_ = 	snop  }
0x4: {  	_ = 	snop  }
0x5: {  	_ = 	snop  }
0x6: {  	_ = 	snop  }
0x7: {  	_ = 	snop  }
__scs_overlays_trampoline_lowered:
0x8: {  	[smem:$0x3FA3] =	sst s0  }
0x9: {  	[smem:$0x3FA4] =	sst s1  }
0xa: {  	[smem:$0x3FA5] =	sst s2  }
0xb: {  	[smem:$0x3FA6] =	sst s3  }
0xc: {  	[smem:$0x3FA7] =	sst s4  }
0xd: {  	[smem:$0x3FA8] =	sst s5  }
0xe: {  	[smem:$0x3FA9] =	sst s6  }
0xf: {  	[smem:$0x3FAA] =	sst s7  }
0x10: {  	[smem:$0x3FAB] =	sst s8  }
0x11: {  	[smem:$0x3FAC] =	sst s9;
	s0 =	simm.s32 @!p0 $0x0  }
0x12: {  	s1 =	sld [smem:$0x3F92];
	s0 =	simm.s32 @p0 $0x1  }
0x13: {  	[smem:$0x3FAD] =	sst s0;
	s0 =	simm.s32 @!p1 $0x0  }
0x14: {  	s2 =	sld [smem:$0x3F91];
	s0 =	simm.s32 @p1 $0x1  }
0x15: {  	[smem:$0x3FAE] =	sst s0;
	s0 =	simm.s32 @!p2 $0x0  }
0x16: {  	s3 =	sld [smem:$0x3FDB];
	s0 =	simm.s32 @p2 $0x1  }
0x17: {  	s4 =	simm.s32 $0x1BF5;
	[smem:$0x3FB0] =	sst s0  }
0x18: {  	s0 =	sld [smem:$0x3F93];
	_ =	swait.ge [sflag:s4], $0x0  }
0x19: {  	s7 =	sld [smem:$0x3F94]  }
0x1a: {  	s8 =	sadd.s32 $0xFFFFE003, lr  }
0x1b: {  	s9 =	sadd.s32 $0xFFFFFEF7, lr;
	s5 =	simm.s32 $0xFFFFFFFF;
	p2 =	slt.u32 s8, $0xFFFFF086  }
0x1c: {  	p1 =	slt.u32 s9, $0xF7A;
	s5 =	simm.s32 @!p2 $0x0  }
0x1d: {  	s5 =	simm.s32 @p1 $0x1;
	p0 =	seq.s32 s7, s2  }
0x1e: {  	s7 =	smul.u32 @!p0 $0xF7A, s2;
	p2 =	seq.s32 @!p0 s5, $0x0  }
0x1f: {  	s9 =	smul.u32 $0xF7A, s1;
	s8 =	simm.s32 @!p0 $0x1BF5;
	p2 =	por !p2, p0  }
0x20: {  	[sflag:s8] =	ssyncset.s32 @!p0 $0xFFFFF086;
	s6 =	sadd.s32 @!p0 s3, s7;
	s7 =	simm.s32 @!p0 $0x108  }
0x21: {  	s3 =	sadd.s32 s3, s9;
	s6 =	sadd.s32 @!p0 $0x88, s6;
	s7 =	simm.s32 @p2 $0x1082  }
0x22: {  	[simem:s7], [sflag:s8] =	dma.local @!p0 [hbm:s6], $0xF7A  }
0x23: {  	s9 =	sor.u32 $0xD0000000, s2;
	s6 =	simm.s32 $0x108;
	_ =	swait.ge @!p0 [sflag:s8], $0x0  }
0x24: {  	s3 =	sadd.s32 $0x88, s3;
	s6 =	simm.s32 @!p1 $0x1082;
	[sflag:s4] =	ssyncset.s32 $0xFFFFF086  }
0x25: {  	[simem:s6], [sflag:s4] =	dma.local [hbm:s3], $0xF7A  }
0x26: {  	[smem:$0x3F94] =	sst s1;
	(tag) =	ssettag s2;
	_ =	strace s9  }
0x27: {  	s1 =	sld [smem:$0x3FA4]  }
0x28: {  	s2 =	sld [smem:$0x3FA5]  }
0x29: {  	s4 =	sld [smem:$0x3FA7]  }
0x2a: {  	p0 =	seq.s32 s5, $0x0;
	s5 =	sld [smem:$0x3FA8]  }
0x2b: {  	s6 =	sld [smem:$0x3FA9]  }
0x2c: {  	s7 =	sld [smem:$0x3FAA]  }
0x2d: {  	s3 =	simm.s32 $0x108;
	s8 =	sld [smem:$0x3FAB]  }
0x2e: {  	s3 =	simm.s32 @!p0 $0x1082;
	s9 =	sld [smem:$0x3FAC]  }
0x2f: {  	lr =	sadd.s32 s0, s3;
	s0 =	sld [smem:$0x3FA3]  }
0x30: {  	s3 =	sld [smem:$0x3FA6]  }
0x31: {  	[smem:$0x3FAF] =	sst s10  }
0x32: {  	s10 =	sld [smem:$0x3FAD];
	_ =	sdelay $0x3  }
0x33: {  	p0 =	seq.s32 s10, $0x1;
	s10 =	sld [smem:$0x3FAF];
	_ =	sdelay $0x3  }
0x34: {  	[smem:$0x3FAF] =	sst s10  }
0x35: {  	s10 =	sld [smem:$0x3FAE];
	_ =	sdelay $0x3  }
0x36: {  	p1 =	seq.s32 s10, $0x1;
	s10 =	sld [smem:$0x3FAF];
	_ =	sdelay $0x3  }
0x37: {  	[smem:$0x3FAF] =	sst s10  }
0x38: {  	s10 =	sld [smem:$0x3FB0]  }
0x39: {  	_ = 	snop;
	(pc) =	sbr.ind lr, $3  }
0x3a: {  	_ = 	snop  }
0x3b: {  	_ = 	snop  }
0x3c: {  	p2 =	seq.s32 s10, $0x1;
	s10 =	sld [smem:$0x3FAF]  }
0x3d: {  	_ =	shalt  }
0x3e: {  	_ =	shalt  }
0x3f: {  	_ =	shalt  }
0x40: {  	_ =	shalt  }
0x41: {  	_ =	shalt  }
0x42: {  	_ =	shalt  }
0x43: {  	_ =	shalt  }
0x44: {  	_ =	shalt  }
0x45: {  	_ =	shalt  }
0x46: {  	_ =	shalt  }
0x47: {  	_ =	shalt  }
0x48: {  	_ =	shalt  }
0x49: {  	_ =	shalt  }
0x4a: {  	_ =	shalt  }
0x4b: {  	_ =	shalt  }
0x4c: {  	_ =	shalt  }
0x4d: {  	_ =	shalt  }
0x4e: {  	_ =	shalt  }
0x4f: {  	_ =	shalt  }
0x50: {  	_ =	shalt  }
0x51: {  	_ =	shalt  }
0x52: {  	_ =	shalt  }
0x53: {  	_ =	shalt  }
0x54: {  	_ =	shalt  }
0x55: {  	_ =	shalt  }
0x56: {  	_ =	shalt  }
0x57: {  	_ =	shalt  }
0x58: {  	_ =	shalt  }
0x59: {  	_ =	shalt  }
0x5a: {  	_ =	shalt  }
0x5b: {  	_ =	shalt  }
0x5c: {  	_ =	shalt  }
0x5d: {  	_ =	shalt  }
0x5e: {  	_ =	shalt  }
0x5f: {  	_ =	shalt  }
0x60: {  	_ =	shalt  }
0x61: {  	_ =	shalt  }
0x62: {  	_ =	shalt  }
0x63: {  	_ =	shalt  }
0x64: {  	_ =	shalt  }
0x65: {  	_ =	shalt  }
0x66: {  	_ =	shalt  }
0x67: {  	_ =	shalt  }
0x68: {  	_ =	shalt  }
0x69: {  	_ =	shalt  }
0x6a: {  	_ =	shalt  }
0x6b: {  	_ =	shalt  }
0x6c: {  	_ =	shalt  }
0x6d: {  	_ =	shalt  }
0x6e: {  	_ =	shalt  }
0x6f: {  	_ =	shalt  }
0x70: {  	_ =	shalt  }
0x71: {  	_ =	shalt  }
0x72: {  	_ =	shalt  }
0x73: {  	_ =	shalt  }
0x74: {  	_ =	shalt  }
0x75: {  	_ =	shalt  }
0x76: {  	_ =	shalt  }
0x77: {  	_ =	shalt  }
0x78: {  	_ =	shalt  }
0x79: {  	_ =	shalt  }
0x7a: {  	_ =	shalt  }
0x7b: {  	_ =	shalt  }
0x7c: {  	_ =	shalt  }
0x7d: {  	_ =	shalt  }
0x7e: {  	_ =	shalt  }
0x7f: {  	_ =	shalt  }
0x80: {  	_ =	shalt  }
0x81: {  	_ =	shalt  }
0x82: {  	_ =	shalt  }
0x83: {  	_ =	shalt  }
0x84: {  	_ =	shalt  }
0x85: {  	_ =	shalt  }
0x86: {  	_ =	shalt  }
0x87: {  	_ =	shalt  }
.Lfunc_end0:
.L_simem_size_0:
called_computation.2_lowered:
.L_overlay_start_0:
0x88: {  	s2 =	sld [smem:$0x3FD9]  }
0x89: {  	s3 =	sld [smem:$0x3FFE];
	_ =	sdelay $0x1  }
0x8a: {  	s1 =	srdreg.scid  }
0x8b: {  	s0 =	sand.u32 $0x1, s1  }
0x8c: {  	s16 =	sshll.u32 s0, $0xA;
	s2 =	sadd.s32 s3, s2  }
0x8d: {  	s2 =	sadd.s32 s2, s16  }
0x8e: {  	[smem:$0x3FBB] =	sst s2  }
0x8f: {  	_ = 	snop  }
0x90: {  	(tm) =	ssettm $0x1  }
0x91: {  	s17 =	sld [smem:$0x3FFB];
	_ =	sdelay $0x3  }
0x92: {  	_ =	strace s17  }
0x93: {  	s2 =	sld [smem:$0x3FFC];
	_ =	sdelay $0x3  }
0x94: {  	_ =	strace s2  }
0x95: {  	s2 =	sld [smem:$0x3FFD];
	_ =	sdelay $0x3  }
0x96: {  	_ =	strace s2  }
0x97: {  	_ =	strace $0x8FFFFFFF  }
0x98: {  	s18 =	sld [smem:$0x3FDB];
	_ =	sdelay $0x1  }
0x99: {  	s19 =	simm.s32 $_scs_section_size  }
0x9a: {  	s4 =	simm.s32 $_size__tile_overlayer_lowered;
	s5 =	simm.s32 $_tile_overlayer_lowered  }
0x9b: {  	s22 =	simm.s32 $0x1BFF;
	s21 =	sshll.u32 s5, $0x1;
	s2 =	sadd.s32 s19, s18  }
0x9c: {  	s6 =	simm.s32 $0x0;
	s20 =	sshll.u32 s4, $0x1;
	s4 =	sadd.s32 s21, s2  }
0x9d: {  	[timem:s6], [sflag:s22] =	dma.local [hbm:s4], s20  }
0x9e: {  	_ =	swait.ge [sflag:s22], s20  }
0x9f: {  	s3 =	ssub.s32 $0x0, s20;
	[sflag:s22] =	ssyncset.done $0x0  }
0xa0: {  	[sflag:s22] =	ssyncadd.s32 s3;
	_ =	sdelay $0x1  }
0xa1: {  	s23 =	simm.s32 $0x1B8B  }
0xa2: {  	_ =	swait.ge [sflag:s23], $0x1  }
0xa3: {  	[sflag:s23] =	ssyncset.done $0x0  }
0xa4: {  	s25 =	simm.s32 $0x1B8E;
	s24 =	sld [smem:$0x3FFE];
	[sflag:s23] =	ssyncadd.s32 $0xFFFFFFFF  }
0xa5: {  	s26 =	simm.s32 $execute0_lowered;
	[smem:$0x3FD2] =	sst s25  }
0xa6: {  	s4 =	sshll.u32 s26, $0x1;
	_ =	strace $0x8000004C;
	[dreg:$0x1] =	wrdreg $0xFFFFFFFF  }
0xa7: {  	s28 =	simm.s32 $_size_execute0_lowered;
	s2 =	sadd.s32 s2, s4;
	[dreg:$0x0] =	wrdreg $0x0  }
0xa8: {  	s4 =	sshll.u32 s28, $0x1;
	[dreg:$0x2] =	wrdreg s2  }
0xa9: {  	[dreg:$0x3] =	wrdreg s4  }
0xaa: {  	[dreg:$0x4] =	wrdreg $0xC0  }
0xab: {  	_ =	task [dreg:s6], $0x5FFFF  }
0xac: {  	[dreg:$0x1] =	wrdreg $0xFFFFFFFF  }
0xad: {  	[dreg:$0x0] =	wrdreg $0x60  }
0xae: {  	[dreg:$0x2] =	wrdreg s24  }
0xaf: {  	[dreg:$0x3] =	wrdreg $0x44000  }
0xb0: {  	[dreg:$0x4] =	wrdreg $0x9  }
0xb1: {  	_ =	task.clear_ibuf [dreg:s6], $0x5FFFF;
	_ =	strace $0x9000004C  }
0xb2: {  	s29 =	simm.s32 $0x9;
	_ =	strace $0x8000004E  }
0xb3: {  	_ =	swait.ge [sflag:s29], $0x1  }
0xb4: {  	[sflag:s29] =	ssyncadd.s32 $0xFFFFFFFF  }
0xb5: {  	_ =	strace $0x9000004E  }
0xb6: {  	_ =	sfence  }
0xb7: {  	s30 =	sld [smem:$0x0];
	_ =	sdelay $0x2  }
0xb8: {  	s31 =	sshll.u32 s1, $0xD;
	s1 =	sshrl.u32 s1, $0x2  }
0xb9: {  	s3 =	sand.u32 $0x4000, s31;
	s1 =	sadd.s32 s1, s30  }
0xba: {  	s0 =	sor.u32 s3, s0;
	s1 =	sshll.u32 s1, $0x11  }
0xbb: {  	s0 =	sor.u32 s1, s0  }
0xbc: {  	s0 =	sadd.s32 $0x8F2B, s0  }
0xbd: {  	[sflag:s0] =	ssyncadd.remote.s32 $0x1  }
0xbe: {  	_ =	sfence.sel $0xFFFF  }
0xbf: {  	[dreg:$0x0] =	wrdreg $0xFFFFFFFF;
	(pc) =	sbr.abs _section_cstart, $3  }
0xc0: {  	[dreg:$0x1] =	wrdreg $0xFFFFFFFF  }
0xc1: {  	_ =	task.clear_ibuf [dreg:s6], $0x2FFFF;
	_ =	strace $0x9FFFFFFF  }
0xc2: {  	(tm) =	ssettm $0x7FFFFFFF  }
0xc3: {  	_ =	shalt  }
tec
execute0_lowered:
.L_overlay_start_1:
0x0: {  	(tag) =	ssettag $0x1  }
0x1: {  	s4 =	rddreg [dreg:$0x0]  }
0x2: {  	s1 =	rddreg [dreg:$0x1]  }
0x3: {  	s0 =	rddreg [dreg:$0x2];
	s3 =	simm.s32 $0x0;
	s5 =	srdreg.scid  }
0x4: {  	s2 =	stileid.u32;
	s16 =	simm.s32 $0x80;
	s17 =	simm.s32 $0x4080  }
0x5: {  	s18 =	simm.s32 $0x4100;
	[smem:$0x7FF] =	sst s3;
	s19 =	smul.u32 $0x13C00, s2  }
0x6: {  	s8 =	sand.u32 $0x1, s5;
	s22 =	smul.u32 $0x4F000, s2;
	s25 =	sshll.u32 s2, $0x6  }
0x7: {  	s26 =	sshll.u32 s2, $0x7;
	s28 =	sshll.u32 s2, $0xE;
	s15 =	sshll.u32 s2, $0x3  }
0x8: {  	_ =	strace $0x8000004D;
	s6 =	sshll.u32 s8, $0x12;
	s7 =	sshll.u32 s8, $0xB  }
0x9: {  	s9 =	smul.u32 $0x13C000, s8;
	s21 =	ssub.s32 $0x2, s8;
	s24 =	sshll.u32 s8, $0x4  }
0xa: {  	s29 =	sshll.u32 s8, $0x7;
	s10 =	sadd.s32 s6, s4;
	s11 =	sadd.s32 s7, s4  }
0xb: {  	s20 =	sshrl.u32 s19, $0x3;
	s12 =	sshrl.u32 s21, $0x1;
	s23 =	sshrl.u32 s22, $0x2  }
0xc: {  	s31 =	sor.u32 s15, s29;
	s15 =	simm.s32 $0x2;
	s5 =	sadd.s32 s19, s9  }
0xd: {  	s6 =	sadd.s32 s20, s4;
	s7 =	ssub.s32 s21, s12;
	s14 =	sadd.s32 s23, s1  }
0xe: {  	s9 =	sadd.s32 s26, s11;
	s30 =	sadd.s32 s28, s10;
	s10 =	sor.u32 $0x4, s31  }
.Ltmp0:
0xf: {  	s11 =	sor.u32 s24, s2;
	s19 =	simm.s32 $0x4180;
	(pc) =	sbr.rel .LBB2_1-.Ltmp0, $4  }
0x10: {  	s20 =	simm.s32 $0x0;
	s5 =	sshrl.u32 s5, $0x3;
	s7 =	smax.u32 s7, $0x1  }
0x11: {  	s8 =	sadd.s32 $0x9C8000, s9;
	s9 =	sadd.s32 $0x1395E00, s30;
	s12 =	sshrl.u32 s14, $0x3  }
0x12: {  	s14 =	simm.s32 $0x4000;
	s13 =	sadd.s32 s5, s4;
	s4 =	sadd.s32 $0x4000, s6  }
0x13: {  	s5 =	sor.u32 $0x1C01, s25;
	s6 =	sadd.s32 $0x2B800, s13;
	s13 =	simm.s32 $0x1  }
.LBB2_5:
0x14: {  	s20 =	sadd.s32 $0x1, s20  }
0x15: {  	p0 =	sne.s32 s20, s7  }
.Ltmp1:
0x16: {  	[bflag:$0x0] =	sbarrier.arrive $0xFFFF;
	(pc) =	sbr.rel @!p0 .LBB2_6-.Ltmp1, $4  }
0x17: {  	[hbm:s6], [sflag:s5] =	dma.local [spmem:s12], $0x2780  }
0x18: {  	_ =	swait.ge [sflag:s13], $0x2780  }
0x19: {  	[sflag:s13] =	ssyncset.done $0x0  }
0x1a: {  	[sflag:s13] =	ssyncadd.s32 $0xFFFFD880  }
.LBB2_1:
0x1b: {  	[spmem:s12], [sflag:s5] =	dma.local [hbm:s4], $0x2780  }
.Ltmp2:
0x1c: {  	_ =	swait.ge [sflag:s13], $0x2780;
	(pc) =	sbr.rel .LBB2_2-.Ltmp2, $4  }
0x1d: {  	[sflag:s13] =	ssyncset.done $0x0  }
0x1e: {  	[sflag:s13] =	ssyncadd.s32 $0xFFFFD880  }
0x1f: {  	s21 =	smov.u32 s11;
	[bflag:$0x0] =	sbarrier.arrive $0xFFFF  }
0x20: {  	s22 =	smov.u32 s10;
	s23 =	smov.u32 s8;
	s24 =	simm.s32 $0x0  }
.LBB2_4:
0x21: {  	s24 =	sadd.s32 $0x80000, s24  }
0x22: {  	p0 =	sne.s32 s24, $0x500000  }
.Ltmp3:
0x23: {  	_ = 	snop;
	(pc) =	sbr.rel @!p0 .LBB2_5-.Ltmp3, $2  }
0x24: {  	_ =	sdelay $0x2  }
0x25: {  	s23 =	sadd.s32 $0x1000, s23;
	s22 =	sadd.s32 $0x100, s22;
	s21 =	sadd.s32 $0x20, s21  }
.LBB2_2:
0x26: {  	p0 =	sgt.u32 s21, $0x138  }
.Ltmp4:
0x27: {  	_ = 	snop;
	(pc) =	sbr.rel @p0 .LBB2_4-.Ltmp4, $1  }
0x28: {  	_ =	sdelay $0x3  }
0x29: {  	[tilespmem:s14], [sflag:$0x2] =	stream.linear.gather [hbm4b:s23+s3], $0x400, $0x38;
	[tilespmem:$0x18000] =	vst v63  }
0x2a: {  	_ =	swait.ge [sflag:s15], $0x400  }
0x2b: {  	[sflag:s15] =	ssyncset.done $0x0  }
0x2c: {  	s25 =	sadd.s32 s24, s9;
	[sflag:s15] =	ssyncadd.s32 $0xFFFFFC00  }
0x2d: {  	[tilespmem:s3], [sflag:$0x2] =	stream.linear.gather [hbm4b:s25+s3], $0x4000, $0x38;
	[tilespmem:$0x18000] =	vst v63  }
0x2e: {  	_ =	swait.ge [sflag:s15], $0x4000  }
0x2f: {  	[sflag:s15] =	ssyncset.done $0x0  }
0x30: {  	[sflag:s15] =	ssyncadd.s32 $0xFFFFC000  }
0x31: {  	[spmem:s1] =	stream.indirect.scatter.add.f32 [tilespmem:s3], [sflag:$0x2], $0x80, s14, s16, $0xb8;
	[tilespmem:$0x18000] =	vst v63  }
0x32: {  	_ =	swait.ge [sflag:s15], $0x4000  }
0x33: {  	[sflag:s15] =	ssyncset.done $0x0  }
0x34: {  	s26 =	sadd.s32 $0x800, s25;
	[sflag:s15] =	ssyncadd.s32 $0xFFFFC000  }
0x35: {  	[tilespmem:s3], [sflag:$0x2] =	stream.linear.gather [hbm4b:s26+s3], $0x4000, $0x38;
	[tilespmem:$0x18000] =	vst v63  }
0x36: {  	_ =	swait.ge [sflag:s15], $0x4000  }
0x37: {  	[sflag:s15] =	ssyncset.done $0x0  }
0x38: {  	[sflag:s15] =	ssyncadd.s32 $0xFFFFC000  }
0x39: {  	[spmem:s1] =	stream.indirect.scatter.add.f32 [tilespmem:s3], [sflag:$0x2], $0x80, s17, s16, $0xb8;
	[tilespmem:$0x18000] =	vst v63  }
0x3a: {  	_ =	swait.ge [sflag:s15], $0x4000  }
0x3b: {  	[sflag:s15] =	ssyncset.done $0x0  }
0x3c: {  	s31 =	sadd.s32 $0x1000, s25;
	[sflag:s15] =	ssyncadd.s32 $0xFFFFC000  }
0x3d: {  	[tilespmem:s3], [sflag:$0x2] =	stream.linear.gather [hbm4b:s31+s3], $0x4000, $0x38;
	[tilespmem:$0x18000] =	vst v63  }
0x3e: {  	_ =	swait.ge [sflag:s15], $0x4000  }
0x3f: {  	[sflag:s15] =	ssyncset.done $0x0  }
0x40: {  	[sflag:s15] =	ssyncadd.s32 $0xFFFFC000  }
0x41: {  	[spmem:s1] =	stream.indirect.scatter.add.f32 [tilespmem:s3], [sflag:$0x2], $0x80, s18, s16, $0xb8;
	[tilespmem:$0x18000] =	vst v63  }
0x42: {  	_ =	swait.ge [sflag:s15], $0x4000  }
0x43: {  	[sflag:s15] =	ssyncset.done $0x0  }
0x44: {  	s25 =	sadd.s32 $0x1800, s25;
	[sflag:s15] =	ssyncadd.s32 $0xFFFFC000  }
0x45: {  	[tilespmem:s3], [sflag:$0x2] =	stream.linear.gather [hbm4b:s25+s3], $0x4000, $0x38;
	[tilespmem:$0x18000] =	vst v63  }
0x46: {  	_ =	swait.ge [sflag:s15], $0x4000  }
0x47: {  	[sflag:s15] =	ssyncset.done $0x0  }
0x48: {  	[sflag:s15] =	ssyncadd.s32 $0xFFFFC000  }
0x49: {  	[spmem:s1] =	stream.indirect.scatter.add.f32 [tilespmem:s3], [sflag:$0x2], $0x80, s19, s16, $0xb8;
	[tilespmem:$0x18000] =	vst v63  }
0x4a: {  	p0 =	sgt.u32 s22, $0x9C3;
	_ =	swait.ge [sflag:s15], $0x4000  }
0x4b: {  	s25 =	sadd.s32 @!p0 s24, s9;
	[sflag:s15] =	ssyncset.done $0x0  }
0x4c: {  	s28 =	simm.s32 @!p0 $0x0;
	s26 =	sadd.s32 @!p0 $0x2000, s25;
	[sflag:s15] =	ssyncadd.s32 $0xFFFFC000  }
0x4d: {  	[tilespmem:s28], [sflag:$0x2] =	stream.linear.gather @!p0 [hbm4b:s26+s28], $0x4000, $0x38;
	[tilespmem:$0x18000] =	vst v63  }
0x4e: {  	s26 =	simm.s32 @!p0 $0x2  }
0x4f: {  	_ =	swait.ge @!p0 [sflag:s26], $0x4000  }
0x50: {  	[sflag:s26] =	ssyncset.done @!p0 $0x0  }
0x51: {  	s29 =	simm.s32 @!p0 $0x80;
	s30 =	simm.s32 @!p0 $0x4200;
	[sflag:s26] =	ssyncadd.s32 @!p0 $0xFFFFC000  }
0x52: {  	[spmem:s1] =	stream.indirect.scatter.add.f32 @!p0 [tilespmem:s28], [sflag:$0x2], $0x80, s30, s29, $0xb8;
	[tilespmem:$0x18000] =	vst v63  }
0x53: {  	_ =	swait.ge @!p0 [sflag:s26], $0x4000  }
0x54: {  	[sflag:s26] =	ssyncset.done @!p0 $0x0  }
0x55: {  	s30 =	sadd.s32 @!p0 $0x2800, s25;
	[sflag:s26] =	ssyncadd.s32 @!p0 $0xFFFFC000  }
0x56: {  	[tilespmem:s28], [sflag:$0x2] =	stream.linear.gather @!p0 [hbm4b:s30+s28], $0x4000, $0x38;
	[tilespmem:$0x18000] =	vst v63  }
0x57: {  	_ =	swait.ge @!p0 [sflag:s26], $0x4000  }
0x58: {  	[sflag:s26] =	ssyncset.done @!p0 $0x0  }
0x59: {  	s30 =	simm.s32 @!p0 $0x4280;
	[sflag:s26] =	ssyncadd.s32 @!p0 $0xFFFFC000  }
0x5a: {  	[spmem:s1] =	stream.indirect.scatter.add.f32 @!p0 [tilespmem:s28], [sflag:$0x2], $0x80, s30, s29, $0xb8;
	[tilespmem:$0x18000] =	vst v63  }
0x5b: {  	_ =	swait.ge @!p0 [sflag:s26], $0x4000  }
0x5c: {  	[sflag:s26] =	ssyncset.done @!p0 $0x0  }
0x5d: {  	s30 =	sadd.s32 @!p0 $0x3000, s25;
	[sflag:s26] =	ssyncadd.s32 @!p0 $0xFFFFC000  }
0x5e: {  	[tilespmem:s28], [sflag:$0x2] =	stream.linear.gather @!p0 [hbm4b:s30+s28], $0x4000, $0x38;
	[tilespmem:$0x18000] =	vst v63  }
0x5f: {  	_ =	swait.ge @!p0 [sflag:s26], $0x4000  }
0x60: {  	[sflag:s26] =	ssyncset.done @!p0 $0x0  }
0x61: {  	s30 =	simm.s32 @!p0 $0x4300;
	[sflag:s26] =	ssyncadd.s32 @!p0 $0xFFFFC000  }
0x62: {  	[spmem:s1] =	stream.indirect.scatter.add.f32 @!p0 [tilespmem:s28], [sflag:$0x2], $0x80, s30, s29, $0xb8;
	[tilespmem:$0x18000] =	vst v63  }
0x63: {  	_ =	swait.ge @!p0 [sflag:s26], $0x4000  }
0x64: {  	[sflag:s26] =	ssyncset.done @!p0 $0x0  }
0x65: {  	s25 =	sadd.s32 @!p0 $0x3800, s25;
	[sflag:s26] =	ssyncadd.s32 @!p0 $0xFFFFC000  }
0x66: {  	[tilespmem:s28], [sflag:$0x2] =	stream.linear.gather @!p0 [hbm4b:s25+s28], $0x4000, $0x38;
	[tilespmem:$0x18000] =	vst v63  }
0x67: {  	_ =	swait.ge @!p0 [sflag:s26], $0x4000  }
0x68: {  	[sflag:s26] =	ssyncset.done @!p0 $0x0  }
0x69: {  	s25 =	simm.s32 @!p0 $0x4380;
	[sflag:s26] =	ssyncadd.s32 @!p0 $0xFFFFC000  }
0x6a: {  	[spmem:s1] =	stream.indirect.scatter.add.f32 @!p0 [tilespmem:s28], [sflag:$0x1], $0x80, s25, s29, $0xb8;
	[tilespmem:$0x18000] =	vst v63  }
.Ltmp5:
0x6b: {  	_ = 	snop;
	(pc) =	sbr.rel .LBB2_4-.Ltmp5, $4  }
0x6c: {  	s25 =	simm.s32 @!p0 $0x1  }
0x6d: {  	_ =	swait.ge @!p0 [sflag:s25], $0x4000  }
0x6e: {  	[sflag:s25] =	ssyncset.done @!p0 $0x0  }
0x6f: {  	[sflag:s25] =	ssyncadd.s32 @!p0 $0xFFFFC000  }
.LBB2_6:
0x70: {  	_ =	sfence.sel $0x180000  }
0x71: {  	[bflag:$0x0] =	sbarrier.arrive $0xFFFF  }
0x72: {  	p0 =	sne.s32 s2, $0x0;
	_ =	strace $0x9000004D  }
0x73: {  	s0 =	sadd.s32 @!p0 $0x100000, s0;
	[bflag:$0x2] =	sbarrier.arrive $0xFFFF  }
0x74: {  	[sflag:s0] =	ssyncadd.tile.s32 @!p0 $0x1;
	_ =	shalt  }
.Lfunc_end2:
_tile_overlayer_lowered:
.L_overlay_start_2:
0x75: {  	(tag) =	ssettag $0x2  }
0x76: {  	s0 =	rddreg [dreg:$0x0];
	s2 =	stileid.u32  }
0x77: {  	s1 =	rddreg [dreg:$0x1];
	p0 =	sne.s32 s2, $0x0  }
0x78: {  	s3 =	rddreg [dreg:$0x2];
	[bflag:$0x3] =	sbarrier.arrive $0xFFFF;
	s2 =	simm.s32 @!p0 $0x1C01  }
0x79: {  	[timem:s3], [sflag:s2] =	dma.local @!p0 [hbm:s0], s1  }
0x7a: {  	s0 =	simm.s32 @!p0 $0x1  }
0x7b: {  	_ =	swait.ge @!p0 [sflag:s0], s1  }
0x7c: {  	s1 =	ssub.s32 @!p0 $0x0, s1;
	[sflag:s0] =	ssyncset.done @!p0 $0x0  }
0x7d: {  	[sflag:s0] =	ssyncadd.s32 @!p0 s1  }
0x7e: {  	[bflag:$0x3] =	sbarrier.arrive $0xFFFF  }
0x7f: {  	_ =	shalt  }

// kernel: kernel.22.cloned.1.call-start
scs
__scs_entry_jumppad:
0x0: {  	(pc) =	sbr.rel $0x88, $3  }
0x1: {  	(tag) =	ssettag $0x0;
	lr =	simm.s32 $0x1  }
0x2: {  	[smem:$0x3F94] =	sst lr;
	_ =	strace $0xD0000000  }
0x3: {  	_ = 	snop  }
0x4: {  	_ = 	snop  }
0x5: {  	_ = 	snop  }
0x6: {  	_ = 	snop  }
0x7: {  	_ = 	snop  }
__scs_overlays_trampoline_lowered:
0x8: {  	[smem:$0x3FA3] =	sst s0  }
0x9: {  	[smem:$0x3FA4] =	sst s1  }
0xa: {  	[smem:$0x3FA5] =	sst s2  }
0xb: {  	[smem:$0x3FA6] =	sst s3  }
0xc: {  	[smem:$0x3FA7] =	sst s4  }
0xd: {  	[smem:$0x3FA8] =	sst s5  }
0xe: {  	[smem:$0x3FA9] =	sst s6  }
0xf: {  	[smem:$0x3FAA] =	sst s7  }
0x10: {  	[smem:$0x3FAB] =	sst s8  }
0x11: {  	[smem:$0x3FAC] =	sst s9;
	s0 =	simm.s32 @!p0 $0x0  }
0x12: {  	s1 =	sld [smem:$0x3F92];
	s0 =	simm.s32 @p0 $0x1  }
0x13: {  	[smem:$0x3FAD] =	sst s0;
	s0 =	simm.s32 @!p1 $0x0  }
0x14: {  	s2 =	sld [smem:$0x3F91];
	s0 =	simm.s32 @p1 $0x1  }
0x15: {  	[smem:$0x3FAE] =	sst s0;
	s0 =	simm.s32 @!p2 $0x0  }
0x16: {  	s3 =	sld [smem:$0x3FDB];
	s0 =	simm.s32 @p2 $0x1  }
0x17: {  	s4 =	simm.s32 $0x1BF5;
	[smem:$0x3FB0] =	sst s0  }
0x18: {  	s0 =	sld [smem:$0x3F93];
	_ =	swait.ge [sflag:s4], $0x0  }
0x19: {  	s7 =	sld [smem:$0x3F94]  }
0x1a: {  	s8 =	sadd.s32 $0xFFFFE003, lr  }
0x1b: {  	s9 =	sadd.s32 $0xFFFFFEF7, lr;
	s5 =	simm.s32 $0xFFFFFFFF;
	p2 =	slt.u32 s8, $0xFFFFF086  }
0x1c: {  	p1 =	slt.u32 s9, $0xF7A;
	s5 =	simm.s32 @!p2 $0x0  }
0x1d: {  	s5 =	simm.s32 @p1 $0x1;
	p0 =	seq.s32 s7, s2  }
0x1e: {  	s7 =	smul.u32 @!p0 $0xF7A, s2;
	p2 =	seq.s32 @!p0 s5, $0x0  }
0x1f: {  	s9 =	smul.u32 $0xF7A, s1;
	s8 =	simm.s32 @!p0 $0x1BF5;
	p2 =	por !p2, p0  }
0x20: {  	[sflag:s8] =	ssyncset.s32 @!p0 $0xFFFFF086;
	s6 =	sadd.s32 @!p0 s3, s7;
	s7 =	simm.s32 @!p0 $0x108  }
0x21: {  	s3 =	sadd.s32 s3, s9;
	s6 =	sadd.s32 @!p0 $0x88, s6;
	s7 =	simm.s32 @p2 $0x1082  }
0x22: {  	[simem:s7], [sflag:s8] =	dma.local @!p0 [hbm:s6], $0xF7A  }
0x23: {  	s9 =	sor.u32 $0xD0000000, s2;
	s6 =	simm.s32 $0x108;
	_ =	swait.ge @!p0 [sflag:s8], $0x0  }
0x24: {  	s3 =	sadd.s32 $0x88, s3;
	s6 =	simm.s32 @!p1 $0x1082;
	[sflag:s4] =	ssyncset.s32 $0xFFFFF086  }
0x25: {  	[simem:s6], [sflag:s4] =	dma.local [hbm:s3], $0xF7A  }
0x26: {  	[smem:$0x3F94] =	sst s1;
	(tag) =	ssettag s2;
	_ =	strace s9  }
0x27: {  	s1 =	sld [smem:$0x3FA4]  }
0x28: {  	s2 =	sld [smem:$0x3FA5]  }
0x29: {  	s4 =	sld [smem:$0x3FA7]  }
0x2a: {  	p0 =	seq.s32 s5, $0x0;
	s5 =	sld [smem:$0x3FA8]  }
0x2b: {  	s6 =	sld [smem:$0x3FA9]  }
0x2c: {  	s7 =	sld [smem:$0x3FAA]  }
0x2d: {  	s3 =	simm.s32 $0x108;
	s8 =	sld [smem:$0x3FAB]  }
0x2e: {  	s3 =	simm.s32 @!p0 $0x1082;
	s9 =	sld [smem:$0x3FAC]  }
0x2f: {  	lr =	sadd.s32 s0, s3;
	s0 =	sld [smem:$0x3FA3]  }
0x30: {  	s3 =	sld [smem:$0x3FA6]  }
0x31: {  	[smem:$0x3FAF] =	sst s10  }
0x32: {  	s10 =	sld [smem:$0x3FAD];
	_ =	sdelay $0x3  }
0x33: {  	p0 =	seq.s32 s10, $0x1;
	s10 =	sld [smem:$0x3FAF];
	_ =	sdelay $0x3  }
0x34: {  	[smem:$0x3FAF] =	sst s10  }
0x35: {  	s10 =	sld [smem:$0x3FAE];
	_ =	sdelay $0x3  }
0x36: {  	p1 =	seq.s32 s10, $0x1;
	s10 =	sld [smem:$0x3FAF];
	_ =	sdelay $0x3  }
0x37: {  	[smem:$0x3FAF] =	sst s10  }
0x38: {  	s10 =	sld [smem:$0x3FB0]  }
0x39: {  	_ = 	snop;
	(pc) =	sbr.ind lr, $3  }
0x3a: {  	_ = 	snop  }
0x3b: {  	_ = 	snop  }
0x3c: {  	p2 =	seq.s32 s10, $0x1;
	s10 =	sld [smem:$0x3FAF]  }
0x3d: {  	_ =	shalt  }
0x3e: {  	_ =	shalt  }
0x3f: {  	_ =	shalt  }
0x40: {  	_ =	shalt  }
0x41: {  	_ =	shalt  }
0x42: {  	_ =	shalt  }
0x43: {  	_ =	shalt  }
0x44: {  	_ =	shalt  }
0x45: {  	_ =	shalt  }
0x46: {  	_ =	shalt  }
0x47: {  	_ =	shalt  }
0x48: {  	_ =	shalt  }
0x49: {  	_ =	shalt  }
0x4a: {  	_ =	shalt  }
0x4b: {  	_ =	shalt  }
0x4c: {  	_ =	shalt  }
0x4d: {  	_ =	shalt  }
0x4e: {  	_ =	shalt  }
0x4f: {  	_ =	shalt  }
0x50: {  	_ =	shalt  }
0x51: {  	_ =	shalt  }
0x52: {  	_ =	shalt  }
0x53: {  	_ =	shalt  }
0x54: {  	_ =	shalt  }
0x55: {  	_ =	shalt  }
0x56: {  	_ =	shalt  }
0x57: {  	_ =	shalt  }
0x58: {  	_ =	shalt  }
0x59: {  	_ =	shalt  }
0x5a: {  	_ =	shalt  }
0x5b: {  	_ =	shalt  }
0x5c: {  	_ =	shalt  }
0x5d: {  	_ =	shalt  }
0x5e: {  	_ =	shalt  }
0x5f: {  	_ =	shalt  }
0x60: {  	_ =	shalt  }
0x61: {  	_ =	shalt  }
0x62: {  	_ =	shalt  }
0x63: {  	_ =	shalt  }
0x64: {  	_ =	shalt  }
0x65: {  	_ =	shalt  }
0x66: {  	_ =	shalt  }
0x67: {  	_ =	shalt  }
0x68: {  	_ =	shalt  }
0x69: {  	_ =	shalt  }
0x6a: {  	_ =	shalt  }
0x6b: {  	_ =	shalt  }
0x6c: {  	_ =	shalt  }
0x6d: {  	_ =	shalt  }
0x6e: {  	_ =	shalt  }
0x6f: {  	_ =	shalt  }
0x70: {  	_ =	shalt  }
0x71: {  	_ =	shalt  }
0x72: {  	_ =	shalt  }
0x73: {  	_ =	shalt  }
0x74: {  	_ =	shalt  }
0x75: {  	_ =	shalt  }
0x76: {  	_ =	shalt  }
0x77: {  	_ =	shalt  }
0x78: {  	_ =	shalt  }
0x79: {  	_ =	shalt  }
0x7a: {  	_ =	shalt  }
0x7b: {  	_ =	shalt  }
0x7c: {  	_ =	shalt  }
0x7d: {  	_ =	shalt  }
0x7e: {  	_ =	shalt  }
0x7f: {  	_ =	shalt  }
0x80: {  	_ =	shalt  }
0x81: {  	_ =	shalt  }
0x82: {  	_ =	shalt  }
0x83: {  	_ =	shalt  }
0x84: {  	_ =	shalt  }
0x85: {  	_ =	shalt  }
0x86: {  	_ =	shalt  }
0x87: {  	_ =	shalt  }
.Lfunc_end0:
.L_simem_size_0:
called_computation.3_lowered:
.L_overlay_start_0:
0x88: {  	s2 =	sld [smem:$0x3FD9]  }
0x89: {  	s3 =	sld [smem:$0x3FFE];
	_ =	sdelay $0x1  }
0x8a: {  	s1 =	srdreg.scid  }
0x8b: {  	s0 =	sand.u32 $0x1, s1  }
0x8c: {  	s16 =	sshll.u32 s0, $0xA;
	s2 =	sadd.s32 s3, s2  }
0x8d: {  	s2 =	sadd.s32 s2, s16  }
0x8e: {  	[smem:$0x3FBB] =	sst s2  }
0x8f: {  	_ = 	snop  }
0x90: {  	(tm) =	ssettm $0x1  }
0x91: {  	s17 =	sld [smem:$0x3FFB];
	_ =	sdelay $0x3  }
0x92: {  	_ =	strace s17  }
0x93: {  	s2 =	sld [smem:$0x3FFC];
	_ =	sdelay $0x3  }
0x94: {  	_ =	strace s2  }
0x95: {  	s2 =	sld [smem:$0x3FFD];
	_ =	sdelay $0x3  }
0x96: {  	_ =	strace s2  }
0x97: {  	_ =	strace $0x8FFFFFFF  }
0x98: {  	s18 =	sld [smem:$0x3FDB];
	_ =	sdelay $0x1  }
0x99: {  	s19 =	simm.s32 $_scs_section_size  }
0x9a: {  	s4 =	simm.s32 $_size__tile_overlayer_lowered;
	s5 =	simm.s32 $_tile_overlayer_lowered  }
0x9b: {  	s22 =	simm.s32 $0x1BFF;
	s21 =	sshll.u32 s5, $0x1;
	s2 =	sadd.s32 s19, s18  }
0x9c: {  	s6 =	simm.s32 $0x0;
	s20 =	sshll.u32 s4, $0x1;
	s4 =	sadd.s32 s21, s2  }
0x9d: {  	[timem:s6], [sflag:s22] =	dma.local [hbm:s4], s20  }
0x9e: {  	_ =	swait.ge [sflag:s22], s20  }
0x9f: {  	s3 =	ssub.s32 $0x0, s20;
	[sflag:s22] =	ssyncset.done $0x0  }
0xa0: {  	[sflag:s22] =	ssyncadd.s32 s3;
	_ =	sdelay $0x1  }
0xa1: {  	s23 =	simm.s32 $0x1B8B  }
0xa2: {  	_ =	swait.ge [sflag:s23], $0x1  }
0xa3: {  	[sflag:s23] =	ssyncset.done $0x0  }
0xa4: {  	s25 =	simm.s32 $0x1B8E;
	s24 =	sld [smem:$0x3FFE];
	[sflag:s23] =	ssyncadd.s32 $0xFFFFFFFF  }
0xa5: {  	s26 =	simm.s32 $execute0_lowered;
	[smem:$0x3FD2] =	sst s25  }
0xa6: {  	s4 =	sshll.u32 s26, $0x1;
	_ =	strace $0x8000004F;
	[dreg:$0x1] =	wrdreg $0xFFFFFFFF  }
0xa7: {  	s28 =	simm.s32 $_size_execute0_lowered;
	s2 =	sadd.s32 s2, s4;
	[dreg:$0x0] =	wrdreg $0x0  }
0xa8: {  	s4 =	sshll.u32 s28, $0x1;
	[dreg:$0x2] =	wrdreg s2  }
0xa9: {  	[dreg:$0x3] =	wrdreg s4  }
0xaa: {  	[dreg:$0x4] =	wrdreg $0xC0  }
0xab: {  	_ =	task [dreg:s6], $0x5FFFF  }
0xac: {  	[dreg:$0x1] =	wrdreg $0xFFFFFFFF  }
0xad: {  	[dreg:$0x0] =	wrdreg $0x60  }
0xae: {  	[dreg:$0x2] =	wrdreg s24  }
0xaf: {  	[dreg:$0x3] =	wrdreg $0x9  }
0xb0: {  	_ =	task.clear_ibuf [dreg:s6], $0x4FFFF;
	_ =	strace $0x9000004F  }
0xb1: {  	s29 =	simm.s32 $0x9;
	_ =	strace $0x80000051  }
0xb2: {  	_ =	swait.ge [sflag:s29], $0x1  }
0xb3: {  	[sflag:s29] =	ssyncadd.s32 $0xFFFFFFFF  }
0xb4: {  	_ =	strace $0x90000051  }
0xb5: {  	_ =	sfence  }
0xb6: {  	s30 =	sld [smem:$0x0];
	_ =	sdelay $0x2  }
0xb7: {  	s31 =	sshll.u32 s1, $0xD;
	s1 =	sshrl.u32 s1, $0x2  }
0xb8: {  	s3 =	sand.u32 $0x4000, s31;
	s1 =	sadd.s32 s1, s30  }
0xb9: {  	s0 =	sor.u32 s3, s0;
	s1 =	sshll.u32 s1, $0x11  }
0xba: {  	s0 =	sor.u32 s1, s0  }
0xbb: {  	s0 =	sadd.s32 $0x8F2B, s0  }
0xbc: {  	[sflag:s0] =	ssyncadd.remote.s32 $0x1  }
0xbd: {  	_ =	sfence.sel $0xFFFF  }
0xbe: {  	[dreg:$0x0] =	wrdreg $0xFFFFFFFF;
	(pc) =	sbr.abs _section_cstart, $3  }
0xbf: {  	[dreg:$0x1] =	wrdreg $0xFFFFFFFF  }
0xc0: {  	_ =	task.clear_ibuf [dreg:s6], $0x2FFFF;
	_ =	strace $0x9FFFFFFF  }
0xc1: {  	(tm) =	ssettm $0x7FFFFFFF  }
tec
execute0_lowered:
.L_overlay_start_1:
0x0: {  	(tag) =	ssettag $0x1  }
0x1: {  	s3 =	rddreg [dreg:$0x0]  }
0x2: {  	s0 =	rddreg [dreg:$0x1]  }
0x3: {  	s1 =	simm.s32 $0x0;
	s2 =	srdreg.scid;
	s12 =	simm.s32 $0x1  }
0x4: {  	s13 =	simm.s32 $0x4080;
	s14 =	simm.s32 $0x4100;
	s15 =	simm.s32 $0x4180  }
0x5: {  	s16 =	simm.s32 $0x0;
	[smem:$0x7FF] =	sst s1;
	s5 =	sand.u32 $0x1, s2  }
0x6: {  	s2 =	sadd.s32 $0x2B800, s3;
	_ =	strace $0x80000050;
	s4 =	sshll.u32 s5, $0xB  }
0x7: {  	s6 =	ssub.s32 $0x2, s5;
	s25 =	sshll.u32 s5, $0x12;
	s28 =	sshll.u32 s5, $0x4  }
0x8: {  	s5 =	sshll.u32 s5, $0x7;
	s7 =	sadd.s32 s4, s3;
	s8 =	sshrl.u32 s6, $0x1  }
0x9: {  	s9 =	sadd.s32 s25, s3;
	s3 =	stileid.u32;
	s26 =	ssub.s32 s6, s8  }
.Ltmp0:
0xa: {  	s29 =	sshll.u32 s3, $0x7;
	s10 =	sshll.u32 s3, $0xE;
	(pc) =	sbr.rel .LBB2_1-.Ltmp0, $4  }
0xb: {  	s11 =	sshll.u32 s3, $0x3;
	s8 =	sor.u32 s28, s3;
	s4 =	smax.u32 s26, $0x1  }
0xc: {  	s6 =	sadd.s32 s29, s7;
	s30 =	sadd.s32 s10, s9;
	s31 =	sor.u32 s11, s5  }
0xd: {  	s9 =	simm.s32 $0x4000;
	s10 =	simm.s32 $0x3;
	s11 =	simm.s32 $0x80  }
0xe: {  	s5 =	sadd.s32 $0x7A800, s6;
	s6 =	sadd.s32 $0x9D1E00, s30;
	s7 =	sor.u32 $0x4, s31  }
.LBB2_5:
0xf: {  	s16 =	sadd.s32 $0x1, s16  }
0x10: {  	p0 =	sne.s32 s16, s4  }
.Ltmp1:
0x11: {  	_ = 	snop;
	(pc) =	sbr.rel @!p0 .LBB2_6-.Ltmp1, $1  }
0x12: {  	_ =	sdelay $0x3  }
.LBB2_1:
.Ltmp2:
0x13: {  	(pc) =	sbr.rel .LBB2_2-.Ltmp2, $3  }
0x14: {  	_ =	sdelay $0x1  }
0x15: {  	s17 =	smov.u32 s8  }
0x16: {  	s18 =	smov.u32 s7;
	s19 =	smov.u32 s5;
	s20 =	simm.s32 $0x0  }
.LBB2_4:
0x17: {  	s20 =	sadd.s32 $0x80000, s20  }
0x18: {  	p0 =	sne.s32 s20, $0x500000  }
.Ltmp3:
0x19: {  	_ = 	snop;
	(pc) =	sbr.rel @!p0 .LBB2_5-.Ltmp3, $2  }
0x1a: {  	_ =	sdelay $0x2  }
0x1b: {  	s19 =	sadd.s32 $0x1000, s19;
	s18 =	sadd.s32 $0x100, s18;
	s17 =	sadd.s32 $0x20, s17  }
.LBB2_2:
0x1c: {  	p0 =	sgt.u32 s17, $0x138  }
.Ltmp4:
0x1d: {  	_ = 	snop;
	(pc) =	sbr.rel @p0 .LBB2_4-.Ltmp4, $1  }
0x1e: {  	_ =	sdelay $0x3  }
0x1f: {  	[tilespmem:s9], [sflag:$0x3] =	stream.linear.gather [hbm4b:s19+s1], $0x400, $0x38;
	[tilespmem:$0x4400] =	vst v63  }
0x20: {  	_ =	swait.ge [sflag:s10], $0x400  }
0x21: {  	[sflag:s10] =	ssyncset.done $0x0  }
0x22: {  	[sflag:s10] =	ssyncadd.s32 $0xFFFFFC00  }
0x23: {  	[tilespmem:s1], [sflag:$0x1] =	stream.indirect.gather [hbm4b:s2+s11], $0x80, s9, s11, $0xb8;
	[tilespmem:$0x4400] =	vst v63  }
0x24: {  	_ =	swait.ge [sflag:s12], $0x4000  }
0x25: {  	[sflag:s12] =	ssyncset.done $0x0  }
0x26: {  	s21 =	sadd.s32 s20, s6;
	[sflag:s12] =	ssyncadd.s32 $0xFFFFC000  }
0x27: {  	[hbm4b:s21+s1] =	stream.linear.scatter [tilespmem:s1], [sflag:$0x3], $0x4000, $0x38;
	[tilespmem:$0x4400] =	vst v63  }
0x28: {  	_ =	swait.ge [sflag:s10], $0x4000  }
0x29: {  	[sflag:s10] =	ssyncset.done $0x0  }
0x2a: {  	[sflag:s10] =	ssyncadd.s32 $0xFFFFC000  }
0x2b: {  	[tilespmem:s1], [sflag:$0x1] =	stream.indirect.gather [hbm4b:s2+s11], $0x80, s13, s11, $0xb8;
	[tilespmem:$0x4400] =	vst v63  }
0x2c: {  	_ =	swait.ge [sflag:s12], $0x4000  }
0x2d: {  	[sflag:s12] =	ssyncset.done $0x0  }
0x2e: {  	s22 =	sadd.s32 $0x800, s21;
	[sflag:s12] =	ssyncadd.s32 $0xFFFFC000  }
0x2f: {  	[hbm4b:s22+s1] =	stream.linear.scatter [tilespmem:s1], [sflag:$0x3], $0x4000, $0x38;
	[tilespmem:$0x4400] =	vst v63  }
0x30: {  	_ =	swait.ge [sflag:s10], $0x4000  }
0x31: {  	[sflag:s10] =	ssyncset.done $0x0  }
0x32: {  	[sflag:s10] =	ssyncadd.s32 $0xFFFFC000  }
0x33: {  	[tilespmem:s1], [sflag:$0x1] =	stream.indirect.gather [hbm4b:s2+s11], $0x80, s14, s11, $0xb8;
	[tilespmem:$0x4400] =	vst v63  }
0x34: {  	_ =	swait.ge [sflag:s12], $0x4000  }
0x35: {  	[sflag:s12] =	ssyncset.done $0x0  }
0x36: {  	s31 =	sadd.s32 $0x1000, s21;
	[sflag:s12] =	ssyncadd.s32 $0xFFFFC000  }
0x37: {  	[hbm4b:s31+s1] =	stream.linear.scatter [tilespmem:s1], [sflag:$0x3], $0x4000, $0x38;
	[tilespmem:$0x4400] =	vst v63  }
0x38: {  	_ =	swait.ge [sflag:s10], $0x4000  }
0x39: {  	[sflag:s10] =	ssyncset.done $0x0  }
0x3a: {  	[sflag:s10] =	ssyncadd.s32 $0xFFFFC000  }
0x3b: {  	[tilespmem:s1], [sflag:$0x1] =	stream.indirect.gather [hbm4b:s2+s11], $0x80, s15, s11, $0xb8;
	[tilespmem:$0x4400] =	vst v63  }
0x3c: {  	_ =	swait.ge [sflag:s12], $0x4000  }
0x3d: {  	[sflag:s12] =	ssyncset.done $0x0  }
0x3e: {  	s21 =	sadd.s32 $0x1800, s21;
	[sflag:s12] =	ssyncadd.s32 $0xFFFFC000  }
0x3f: {  	[hbm4b:s21+s1] =	stream.linear.scatter [tilespmem:s1], [sflag:$0x3], $0x4000, $0x38;
	[tilespmem:$0x4400] =	vst v63  }
0x40: {  	p0 =	sgt.u32 s18, $0x9C3;
	_ =	swait.ge [sflag:s10], $0x4000  }
0x41: {  	s23 =	simm.s32 @!p0 $0x0;
	[sflag:s10] =	ssyncset.done $0x0  }
0x42: {  	s22 =	simm.s32 @!p0 $0x4200;
	s21 =	simm.s32 @!p0 $0x80;
	[sflag:s10] =	ssyncadd.s32 $0xFFFFC000  }
0x43: {  	[tilespmem:s23], [sflag:$0x1] =	stream.indirect.gather @!p0 [hbm4b:s2+s21], $0x80, s22, s21, $0xb8;
	[tilespmem:$0x4400] =	vst v63  }
0x44: {  	s22 =	simm.s32 @!p0 $0x1  }
0x45: {  	_ =	swait.ge @!p0 [sflag:s22], $0x4000  }
0x46: {  	s24 =	sadd.s32 @!p0 s20, s6;
	[sflag:s22] =	ssyncset.done @!p0 $0x0  }
0x47: {  	s25 =	sadd.s32 @!p0 $0x2000, s24;
	[sflag:s22] =	ssyncadd.s32 @!p0 $0xFFFFC000  }
0x48: {  	[hbm4b:s25+s23] =	stream.linear.scatter @!p0 [tilespmem:s23], [sflag:$0x3], $0x4000, $0x38;
	[tilespmem:$0x4400] =	vst v63  }
0x49: {  	s25 =	simm.s32 @!p0 $0x3  }
0x4a: {  	_ =	swait.ge @!p0 [sflag:s25], $0x4000  }
0x4b: {  	[sflag:s25] =	ssyncset.done @!p0 $0x0  }
0x4c: {  	s26 =	simm.s32 @!p0 $0x4280;
	[sflag:s25] =	ssyncadd.s32 @!p0 $0xFFFFC000  }
0x4d: {  	[tilespmem:s23], [sflag:$0x1] =	stream.indirect.gather @!p0 [hbm4b:s2+s21], $0x80, s26, s21, $0xb8;
	[tilespmem:$0x4400] =	vst v63  }
0x4e: {  	_ =	swait.ge @!p0 [sflag:s22], $0x4000  }
0x4f: {  	[sflag:s22] =	ssyncset.done @!p0 $0x0  }
0x50: {  	s26 =	sadd.s32 @!p0 $0x2800, s24;
	[sflag:s22] =	ssyncadd.s32 @!p0 $0xFFFFC000  }
0x51: {  	[hbm4b:s26+s23] =	stream.linear.scatter @!p0 [tilespmem:s23], [sflag:$0x3], $0x4000, $0x38;
	[tilespmem:$0x4400] =	vst v63  }
0x52: {  	_ =	swait.ge @!p0 [sflag:s25], $0x4000  }
0x53: {  	[sflag:s25] =	ssyncset.done @!p0 $0x0  }
0x54: {  	s26 =	simm.s32 @!p0 $0x4300;
	[sflag:s25] =	ssyncadd.s32 @!p0 $0xFFFFC000  }
0x55: {  	[tilespmem:s23], [sflag:$0x1] =	stream.indirect.gather @!p0 [hbm4b:s2+s21], $0x80, s26, s21, $0xb8;
	[tilespmem:$0x4400] =	vst v63  }
0x56: {  	_ =	swait.ge @!p0 [sflag:s22], $0x4000  }
0x57: {  	[sflag:s22] =	ssyncset.done @!p0 $0x0  }
0x58: {  	s26 =	sadd.s32 @!p0 $0x3000, s24;
	[sflag:s22] =	ssyncadd.s32 @!p0 $0xFFFFC000  }
0x59: {  	[hbm4b:s26+s23] =	stream.linear.scatter @!p0 [tilespmem:s23], [sflag:$0x3], $0x4000, $0x38;
	[tilespmem:$0x4400] =	vst v63  }
0x5a: {  	_ =	swait.ge @!p0 [sflag:s25], $0x4000  }
0x5b: {  	[sflag:s25] =	ssyncset.done @!p0 $0x0  }
0x5c: {  	[sflag:s25] =	ssyncadd.s32 @!p0 $0xFFFFC000;
	s25 =	simm.s32 @!p0 $0x4380  }
0x5d: {  	[tilespmem:s23], [sflag:$0x1] =	stream.indirect.gather @!p0 [hbm4b:s2+s21], $0x80, s25, s21, $0xb8;
	[tilespmem:$0x4400] =	vst v63  }
0x5e: {  	_ =	swait.ge @!p0 [sflag:s22], $0x4000  }
0x5f: {  	[sflag:s22] =	ssyncset.done @!p0 $0x0  }
0x60: {  	s21 =	sadd.s32 @!p0 $0x3800, s24;
	[sflag:s22] =	ssyncadd.s32 @!p0 $0xFFFFC000  }
0x61: {  	[hbm4b:s21+s23] =	stream.linear.scatter @!p0 [tilespmem:s23], [sflag:$0x2], $0x4000, $0x38;
	[tilespmem:$0x4400] =	vst v63  }
.Ltmp5:
0x62: {  	_ = 	snop;
	(pc) =	sbr.rel .LBB2_4-.Ltmp5, $4  }
0x63: {  	s21 =	simm.s32 @!p0 $0x2  }
0x64: {  	_ =	swait.ge @!p0 [sflag:s21], $0x4000  }
0x65: {  	[sflag:s21] =	ssyncset.done @!p0 $0x0  }
0x66: {  	[sflag:s21] =	ssyncadd.s32 @!p0 $0xFFFFC000  }
.LBB2_6:
0x67: {  	_ =	sfence.sel $0x180000  }
0x68: {  	[bflag:$0x0] =	sbarrier.arrive $0xFFFF  }
0x69: {  	p0 =	sne.s32 s3, $0x0;
	_ =	strace $0x90000050  }
0x6a: {  	s0 =	sadd.s32 @!p0 $0x100000, s0;
	[bflag:$0x2] =	sbarrier.arrive $0xFFFF  }
0x6b: {  	[sflag:s0] =	ssyncadd.tile.s32 @!p0 $0x1;
	_ =	shalt  }
.Lfunc_end2:
_tile_overlayer_lowered:
.L_overlay_start_2:
0x6c: {  	(tag) =	ssettag $0x2  }
0x6d: {  	s0 =	rddreg [dreg:$0x0];
	s2 =	stileid.u32  }
0x6e: {  	s1 =	rddreg [dreg:$0x1];
	p0 =	sne.s32 s2, $0x0  }
0x6f: {  	s3 =	rddreg [dreg:$0x2];
	[bflag:$0x3] =	sbarrier.arrive $0xFFFF;
	s2 =	simm.s32 @!p0 $0x1C02  }
0x70: {  	[timem:s3], [sflag:s2] =	dma.local @!p0 [hbm:s0], s1  }
0x71: {  	s0 =	simm.s32 @!p0 $0x2  }
0x72: {  	_ =	swait.ge @!p0 [sflag:s0], s1  }
0x73: {  	s1 =	ssub.s32 @!p0 $0x0, s1;
	[sflag:s0] =	ssyncset.done @!p0 $0x0  }
0x74: {  	[sflag:s0] =	ssyncadd.s32 @!p0 s1  }
0x75: {  	[bflag:$0x3] =	sbarrier.arrive $0xFFFF  }
0x76: {  	_ =	shalt  }

// kernel: kernel.25.cloned.1.call-start
scs
__scs_entry_jumppad:
0x0: {  	(pc) =	sbr.rel $0x88, $3  }
0x1: {  	(tag) =	ssettag $0x0;
	lr =	simm.s32 $0x1  }
0x2: {  	[smem:$0x3F94] =	sst lr;
	_ =	strace $0xD0000000  }
0x3: {  	_ = 	snop  }
0x4: {  	_ = 	snop  }
0x5: {  	_ = 	snop  }
0x6: {  	_ = 	snop  }
0x7: {  	_ = 	snop  }
__scs_overlays_trampoline_lowered:
0x8: {  	[smem:$0x3FA3] =	sst s0  }
0x9: {  	[smem:$0x3FA4] =	sst s1  }
0xa: {  	[smem:$0x3FA5] =	sst s2  }
0xb: {  	[smem:$0x3FA6] =	sst s3  }
0xc: {  	[smem:$0x3FA7] =	sst s4  }
0xd: {  	[smem:$0x3FA8] =	sst s5  }
0xe: {  	[smem:$0x3FA9] =	sst s6  }
0xf: {  	[smem:$0x3FAA] =	sst s7  }
0x10: {  	[smem:$0x3FAB] =	sst s8  }
0x11: {  	[smem:$0x3FAC] =	sst s9;
	s0 =	simm.s32 @!p0 $0x0  }
0x12: {  	s1 =	sld [smem:$0x3F92];
	s0 =	simm.s32 @p0 $0x1  }
0x13: {  	[smem:$0x3FAD] =	sst s0;
	s0 =	simm.s32 @!p1 $0x0  }
0x14: {  	s2 =	sld [smem:$0x3F91];
	s0 =	simm.s32 @p1 $0x1  }
0x15: {  	[smem:$0x3FAE] =	sst s0;
	s0 =	simm.s32 @!p2 $0x0  }
0x16: {  	s3 =	sld [smem:$0x3FDB];
	s0 =	simm.s32 @p2 $0x1  }
0x17: {  	s4 =	simm.s32 $0x1BF5;
	[smem:$0x3FB0] =	sst s0  }
0x18: {  	s0 =	sld [smem:$0x3F93];
	_ =	swait.ge [sflag:s4], $0x0  }
0x19: {  	s7 =	sld [smem:$0x3F94]  }
0x1a: {  	s8 =	sadd.s32 $0xFFFFE003, lr  }
0x1b: {  	s9 =	sadd.s32 $0xFFFFFEF7, lr;
	s5 =	simm.s32 $0xFFFFFFFF;
	p2 =	slt.u32 s8, $0xFFFFF086  }
0x1c: {  	p1 =	slt.u32 s9, $0xF7A;
	s5 =	simm.s32 @!p2 $0x0  }
0x1d: {  	s5 =	simm.s32 @p1 $0x1;
	p0 =	seq.s32 s7, s2  }
0x1e: {  	s7 =	smul.u32 @!p0 $0xF7A, s2;
	p2 =	seq.s32 @!p0 s5, $0x0  }
0x1f: {  	s9 =	smul.u32 $0xF7A, s1;
	s8 =	simm.s32 @!p0 $0x1BF5;
	p2 =	por !p2, p0  }
0x20: {  	[sflag:s8] =	ssyncset.s32 @!p0 $0xFFFFF086;
	s6 =	sadd.s32 @!p0 s3, s7;
	s7 =	simm.s32 @!p0 $0x108  }
0x21: {  	s3 =	sadd.s32 s3, s9;
	s6 =	sadd.s32 @!p0 $0x88, s6;
	s7 =	simm.s32 @p2 $0x1082  }
0x22: {  	[simem:s7], [sflag:s8] =	dma.local @!p0 [hbm:s6], $0xF7A  }
0x23: {  	s9 =	sor.u32 $0xD0000000, s2;
	s6 =	simm.s32 $0x108;
	_ =	swait.ge @!p0 [sflag:s8], $0x0  }
0x24: {  	s3 =	sadd.s32 $0x88, s3;
	s6 =	simm.s32 @!p1 $0x1082;
	[sflag:s4] =	ssyncset.s32 $0xFFFFF086  }
0x25: {  	[simem:s6], [sflag:s4] =	dma.local [hbm:s3], $0xF7A  }
0x26: {  	[smem:$0x3F94] =	sst s1;
	(tag) =	ssettag s2;
	_ =	strace s9  }
0x27: {  	s1 =	sld [smem:$0x3FA4]  }
0x28: {  	s2 =	sld [smem:$0x3FA5]  }
0x29: {  	s4 =	sld [smem:$0x3FA7]  }
0x2a: {  	p0 =	seq.s32 s5, $0x0;
	s5 =	sld [smem:$0x3FA8]  }
0x2b: {  	s6 =	sld [smem:$0x3FA9]  }
0x2c: {  	s7 =	sld [smem:$0x3FAA]  }
0x2d: {  	s3 =	simm.s32 $0x108;
	s8 =	sld [smem:$0x3FAB]  }
0x2e: {  	s3 =	simm.s32 @!p0 $0x1082;
	s9 =	sld [smem:$0x3FAC]  }
0x2f: {  	lr =	sadd.s32 s0, s3;
	s0 =	sld [smem:$0x3FA3]  }
0x30: {  	s3 =	sld [smem:$0x3FA6]  }
0x31: {  	[smem:$0x3FAF] =	sst s10  }
0x32: {  	s10 =	sld [smem:$0x3FAD];
	_ =	sdelay $0x3  }
0x33: {  	p0 =	seq.s32 s10, $0x1;
	s10 =	sld [smem:$0x3FAF];
	_ =	sdelay $0x3  }
0x34: {  	[smem:$0x3FAF] =	sst s10  }
0x35: {  	s10 =	sld [smem:$0x3FAE];
	_ =	sdelay $0x3  }
0x36: {  	p1 =	seq.s32 s10, $0x1;
	s10 =	sld [smem:$0x3FAF];
	_ =	sdelay $0x3  }
0x37: {  	[smem:$0x3FAF] =	sst s10  }
0x38: {  	s10 =	sld [smem:$0x3FB0]  }
0x39: {  	_ = 	snop;
	(pc) =	sbr.ind lr, $3  }
0x3a: {  	_ = 	snop  }
0x3b: {  	_ = 	snop  }
0x3c: {  	p2 =	seq.s32 s10, $0x1;
	s10 =	sld [smem:$0x3FAF]  }
0x3d: {  	_ =	shalt  }
0x3e: {  	_ =	shalt  }
0x3f: {  	_ =	shalt  }
0x40: {  	_ =	shalt  }
0x41: {  	_ =	shalt  }
0x42: {  	_ =	shalt  }
0x43: {  	_ =	shalt  }
0x44: {  	_ =	shalt  }
0x45: {  	_ =	shalt  }
0x46: {  	_ =	shalt  }
0x47: {  	_ =	shalt  }
0x48: {  	_ =	shalt  }
0x49: {  	_ =	shalt  }
0x4a: {  	_ =	shalt  }
0x4b: {  	_ =	shalt  }
0x4c: {  	_ =	shalt  }
0x4d: {  	_ =	shalt  }
0x4e: {  	_ =	shalt  }
0x4f: {  	_ =	shalt  }
0x50: {  	_ =	shalt  }
0x51: {  	_ =	shalt  }
0x52: {  	_ =	shalt  }
0x53: {  	_ =	shalt  }
0x54: {  	_ =	shalt  }
0x55: {  	_ =	shalt  }
0x56: {  	_ =	shalt  }
0x57: {  	_ =	shalt  }
0x58: {  	_ =	shalt  }
0x59: {  	_ =	shalt  }
0x5a: {  	_ =	shalt  }
0x5b: {  	_ =	shalt  }
0x5c: {  	_ =	shalt  }
0x5d: {  	_ =	shalt  }
0x5e: {  	_ =	shalt  }
0x5f: {  	_ =	shalt  }
0x60: {  	_ =	shalt  }
0x61: {  	_ =	shalt  }
0x62: {  	_ =	shalt  }
0x63: {  	_ =	shalt  }
0x64: {  	_ =	shalt  }
0x65: {  	_ =	shalt  }
0x66: {  	_ =	shalt  }
0x67: {  	_ =	shalt  }
0x68: {  	_ =	shalt  }
0x69: {  	_ =	shalt  }
0x6a: {  	_ =	shalt  }
0x6b: {  	_ =	shalt  }
0x6c: {  	_ =	shalt  }
0x6d: {  	_ =	shalt  }
0x6e: {  	_ =	shalt  }
0x6f: {  	_ =	shalt  }
0x70: {  	_ =	shalt  }
0x71: {  	_ =	shalt  }
0x72: {  	_ =	shalt  }
0x73: {  	_ =	shalt  }
0x74: {  	_ =	shalt  }
0x75: {  	_ =	shalt  }
0x76: {  	_ =	shalt  }
0x77: {  	_ =	shalt  }
0x78: {  	_ =	shalt  }
0x79: {  	_ =	shalt  }
0x7a: {  	_ =	shalt  }
0x7b: {  	_ =	shalt  }
0x7c: {  	_ =	shalt  }
0x7d: {  	_ =	shalt  }
0x7e: {  	_ =	shalt  }
0x7f: {  	_ =	shalt  }
0x80: {  	_ =	shalt  }
0x81: {  	_ =	shalt  }
0x82: {  	_ =	shalt  }
0x83: {  	_ =	shalt  }
0x84: {  	_ =	shalt  }
0x85: {  	_ =	shalt  }
0x86: {  	_ =	shalt  }
0x87: {  	_ =	shalt  }
.Lfunc_end0:
.L_simem_size_0:
called_computation.4_lowered:
.L_overlay_start_0:
0x88: {  	s2 =	sld [smem:$0x3FD9]  }
0x89: {  	s3 =	sld [smem:$0x3FFE];
	_ =	sdelay $0x1  }
0x8a: {  	s1 =	srdreg.scid  }
0x8b: {  	s0 =	sand.u32 $0x1, s1  }
0x8c: {  	s16 =	sshll.u32 s0, $0xA;
	s2 =	sadd.s32 s3, s2  }
0x8d: {  	s2 =	sadd.s32 s2, s16  }
0x8e: {  	[smem:$0x3FBB] =	sst s2  }
0x8f: {  	_ = 	snop  }
0x90: {  	(tm) =	ssettm $0x1  }
0x91: {  	s17 =	sld [smem:$0x3FFB];
	_ =	sdelay $0x3  }
0x92: {  	_ =	strace s17  }
0x93: {  	s2 =	sld [smem:$0x3FFC];
	_ =	sdelay $0x3  }
0x94: {  	_ =	strace s2  }
0x95: {  	s2 =	sld [smem:$0x3FFD];
	_ =	sdelay $0x3  }
0x96: {  	_ =	strace s2  }
0x97: {  	_ =	strace $0x8FFFFFFF  }
0x98: {  	s18 =	sld [smem:$0x3FDB];
	_ =	sdelay $0x1  }
0x99: {  	s19 =	simm.s32 $_scs_section_size  }
0x9a: {  	s4 =	simm.s32 $_size__tile_overlayer_lowered;
	s5 =	simm.s32 $_tile_overlayer_lowered  }
0x9b: {  	s22 =	simm.s32 $0x1BFF;
	s21 =	sshll.u32 s5, $0x1;
	s2 =	sadd.s32 s19, s18  }
0x9c: {  	s6 =	simm.s32 $0x0;
	s20 =	sshll.u32 s4, $0x1;
	s4 =	sadd.s32 s21, s2  }
0x9d: {  	[timem:s6], [sflag:s22] =	dma.local [hbm:s4], s20  }
0x9e: {  	_ =	swait.ge [sflag:s22], s20  }
0x9f: {  	s3 =	ssub.s32 $0x0, s20;
	[sflag:s22] =	ssyncset.done $0x0  }
0xa0: {  	[sflag:s22] =	ssyncadd.s32 s3;
	_ =	sdelay $0x1  }
0xa1: {  	s23 =	simm.s32 $0x1B8B  }
0xa2: {  	_ =	swait.ge [sflag:s23], $0x1  }
0xa3: {  	[sflag:s23] =	ssyncset.done $0x0  }
0xa4: {  	s25 =	simm.s32 $0x1B8E;
	s24 =	sld [smem:$0x3FFE];
	[sflag:s23] =	ssyncadd.s32 $0xFFFFFFFF  }
0xa5: {  	s26 =	simm.s32 $execute0_lowered;
	[smem:$0x3FD2] =	sst s25  }
0xa6: {  	s4 =	sshll.u32 s26, $0x1;
	_ =	strace $0x80000052;
	[dreg:$0x1] =	wrdreg $0xFFFFFFFF  }
0xa7: {  	s28 =	simm.s32 $_size_execute0_lowered;
	s2 =	sadd.s32 s2, s4;
	[dreg:$0x0] =	wrdreg $0x0  }
0xa8: {  	s4 =	sshll.u32 s28, $0x1;
	[dreg:$0x2] =	wrdreg s2  }
0xa9: {  	[dreg:$0x3] =	wrdreg s4  }
0xaa: {  	[dreg:$0x4] =	wrdreg $0xC0  }
0xab: {  	_ =	task [dreg:s6], $0x5FFFF  }
0xac: {  	[dreg:$0x1] =	wrdreg $0xFFFFFFFF  }
0xad: {  	[dreg:$0x0] =	wrdreg $0x60  }
0xae: {  	[dreg:$0x2] =	wrdreg s24  }
0xaf: {  	[dreg:$0x3] =	wrdreg $0x44000  }
0xb0: {  	[dreg:$0x4] =	wrdreg $0x9  }
0xb1: {  	_ =	task.clear_ibuf [dreg:s6], $0x5FFFF;
	_ =	strace $0x90000052  }
0xb2: {  	s29 =	simm.s32 $0x9;
	_ =	strace $0x80000054  }
0xb3: {  	_ =	swait.ge [sflag:s29], $0x1  }
0xb4: {  	[sflag:s29] =	ssyncadd.s32 $0xFFFFFFFF  }
0xb5: {  	_ =	strace $0x90000054  }
0xb6: {  	_ =	sfence  }
0xb7: {  	s30 =	sld [smem:$0x0];
	_ =	sdelay $0x2  }
0xb8: {  	s31 =	sshll.u32 s1, $0xD;
	s1 =	sshrl.u32 s1, $0x2  }
0xb9: {  	s3 =	sand.u32 $0x4000, s31;
	s1 =	sadd.s32 s1, s30  }
0xba: {  	s0 =	sor.u32 s3, s0;
	s1 =	sshll.u32 s1, $0x11  }
0xbb: {  	s0 =	sor.u32 s1, s0  }
0xbc: {  	s0 =	sadd.s32 $0x8F2B, s0  }
0xbd: {  	[sflag:s0] =	ssyncadd.remote.s32 $0x1  }
0xbe: {  	_ =	sfence.sel $0xFFFF  }
0xbf: {  	[dreg:$0x0] =	wrdreg $0xFFFFFFFF;
	(pc) =	sbr.abs _section_cstart, $3  }
0xc0: {  	[dreg:$0x1] =	wrdreg $0xFFFFFFFF  }
0xc1: {  	_ =	task.clear_ibuf [dreg:s6], $0x2FFFF;
	_ =	strace $0x9FFFFFFF  }
0xc2: {  	(tm) =	ssettm $0x7FFFFFFF  }
0xc3: {  	_ =	shalt  }
tec
execute0_lowered:
.L_overlay_start_1:
0x0: {  	(tag) =	ssettag $0x1  }
0x1: {  	s4 =	rddreg [dreg:$0x0]  }
0x2: {  	s1 =	rddreg [dreg:$0x1]  }
0x3: {  	s0 =	rddreg [dreg:$0x2];
	s3 =	simm.s32 $0x0;
	s5 =	srdreg.scid  }
0x4: {  	s2 =	stileid.u32;
	s16 =	simm.s32 $0x80;
	s17 =	simm.s32 $0x4080  }
0x5: {  	s18 =	simm.s32 $0x4100;
	[smem:$0x7FF] =	sst s3;
	s19 =	smul.u32 $0x13C00, s2  }
0x6: {  	s8 =	sand.u32 $0x1, s5;
	s22 =	smul.u32 $0x4F000, s2;
	s25 =	sshll.u32 s2, $0x6  }
0x7: {  	s26 =	sshll.u32 s2, $0x7;
	s28 =	sshll.u32 s2, $0xE;
	s15 =	sshll.u32 s2, $0x3  }
0x8: {  	_ =	strace $0x80000053;
	s6 =	sshll.u32 s8, $0x12;
	s7 =	sshll.u32 s8, $0xB  }
0x9: {  	s9 =	smul.u32 $0x13C000, s8;
	s21 =	ssub.s32 $0x2, s8;
	s24 =	sshll.u32 s8, $0x4  }
0xa: {  	s29 =	sshll.u32 s8, $0x7;
	s10 =	sadd.s32 s6, s4;
	s11 =	sadd.s32 s7, s4  }
0xb: {  	s20 =	sshrl.u32 s19, $0x3;
	s12 =	sshrl.u32 s21, $0x1;
	s23 =	sshrl.u32 s22, $0x2  }
0xc: {  	s31 =	sor.u32 s15, s29;
	s15 =	simm.s32 $0x2;
	s5 =	sadd.s32 s19, s9  }
0xd: {  	s6 =	sadd.s32 s20, s4;
	s7 =	ssub.s32 s21, s12;
	s14 =	sadd.s32 s23, s1  }
0xe: {  	s9 =	sadd.s32 s26, s11;
	s30 =	sadd.s32 s28, s10;
	s10 =	sor.u32 $0x4, s31  }
.Ltmp0:
0xf: {  	s11 =	sor.u32 s24, s2;
	s19 =	simm.s32 $0x4180;
	(pc) =	sbr.rel .LBB2_1-.Ltmp0, $4  }
0x10: {  	s20 =	simm.s32 $0x0;
	s5 =	sshrl.u32 s5, $0x3;
	s7 =	smax.u32 s7, $0x1  }
0x11: {  	s8 =	sadd.s32 $0x9C8000, s9;
	s9 =	sadd.s32 $0x2B800, s30;
	s12 =	sshrl.u32 s14, $0x3  }
0x12: {  	s14 =	simm.s32 $0x4000;
	s13 =	sadd.s32 s5, s4;
	s4 =	sadd.s32 $0x4000, s6  }
0x13: {  	s5 =	sor.u32 $0x1C01, s25;
	s6 =	sadd.s32 $0x50D800, s13;
	s13 =	simm.s32 $0x1  }
.LBB2_5:
0x14: {  	s20 =	sadd.s32 $0x1, s20  }
0x15: {  	p0 =	sne.s32 s20, s7  }
.Ltmp1:
0x16: {  	[bflag:$0x0] =	sbarrier.arrive $0xFFFF;
	(pc) =	sbr.rel @!p0 .LBB2_6-.Ltmp1, $4  }
0x17: {  	[hbm:s6], [sflag:s5] =	dma.local [spmem:s12], $0x2780  }
0x18: {  	_ =	swait.ge [sflag:s13], $0x2780  }
0x19: {  	[sflag:s13] =	ssyncset.done $0x0  }
0x1a: {  	[sflag:s13] =	ssyncadd.s32 $0xFFFFD880  }
.LBB2_1:
0x1b: {  	[spmem:s12], [sflag:s5] =	dma.local [hbm:s4], $0x2780  }
.Ltmp2:
0x1c: {  	_ =	swait.ge [sflag:s13], $0x2780;
	(pc) =	sbr.rel .LBB2_2-.Ltmp2, $4  }
0x1d: {  	[sflag:s13] =	ssyncset.done $0x0  }
0x1e: {  	[sflag:s13] =	ssyncadd.s32 $0xFFFFD880  }
0x1f: {  	s21 =	smov.u32 s11;
	[bflag:$0x0] =	sbarrier.arrive $0xFFFF  }
0x20: {  	s22 =	smov.u32 s10;
	s23 =	smov.u32 s8;
	s24 =	simm.s32 $0x0  }
.LBB2_4:
0x21: {  	s24 =	sadd.s32 $0x80000, s24  }
0x22: {  	p0 =	sne.s32 s24, $0x500000  }
.Ltmp3:
0x23: {  	_ = 	snop;
	(pc) =	sbr.rel @!p0 .LBB2_5-.Ltmp3, $2  }
0x24: {  	_ =	sdelay $0x2  }
0x25: {  	s23 =	sadd.s32 $0x1000, s23;
	s22 =	sadd.s32 $0x100, s22;
	s21 =	sadd.s32 $0x20, s21  }
.LBB2_2:
0x26: {  	p0 =	sgt.u32 s21, $0x138  }
.Ltmp4:
0x27: {  	_ = 	snop;
	(pc) =	sbr.rel @p0 .LBB2_4-.Ltmp4, $1  }
0x28: {  	_ =	sdelay $0x3  }
0x29: {  	[tilespmem:s14], [sflag:$0x2] =	stream.linear.gather [hbm4b:s23+s3], $0x400, $0x38;
	[tilespmem:$0x18000] =	vst v63  }
0x2a: {  	_ =	swait.ge [sflag:s15], $0x400  }
0x2b: {  	[sflag:s15] =	ssyncset.done $0x0  }
0x2c: {  	s25 =	sadd.s32 s24, s9;
	[sflag:s15] =	ssyncadd.s32 $0xFFFFFC00  }
0x2d: {  	[tilespmem:s3], [sflag:$0x2] =	stream.linear.gather [hbm4b:s25+s3], $0x4000, $0x38;
	[tilespmem:$0x18000] =	vst v63  }
0x2e: {  	_ =	swait.ge [sflag:s15], $0x4000  }
0x2f: {  	[sflag:s15] =	ssyncset.done $0x0  }
0x30: {  	[sflag:s15] =	ssyncadd.s32 $0xFFFFC000  }
0x31: {  	[spmem:s1] =	stream.indirect.scatter.add.f32 [tilespmem:s3], [sflag:$0x2], $0x80, s14, s16, $0xb8;
	[tilespmem:$0x18000] =	vst v63  }
0x32: {  	_ =	swait.ge [sflag:s15], $0x4000  }
0x33: {  	[sflag:s15] =	ssyncset.done $0x0  }
0x34: {  	s26 =	sadd.s32 $0x800, s25;
	[sflag:s15] =	ssyncadd.s32 $0xFFFFC000  }
0x35: {  	[tilespmem:s3], [sflag:$0x2] =	stream.linear.gather [hbm4b:s26+s3], $0x4000, $0x38;
	[tilespmem:$0x18000] =	vst v63  }
0x36: {  	_ =	swait.ge [sflag:s15], $0x4000  }
0x37: {  	[sflag:s15] =	ssyncset.done $0x0  }
0x38: {  	[sflag:s15] =	ssyncadd.s32 $0xFFFFC000  }
0x39: {  	[spmem:s1] =	stream.indirect.scatter.add.f32 [tilespmem:s3], [sflag:$0x2], $0x80, s17, s16, $0xb8;
	[tilespmem:$0x18000] =	vst v63  }
0x3a: {  	_ =	swait.ge [sflag:s15], $0x4000  }
0x3b: {  	[sflag:s15] =	ssyncset.done $0x0  }
0x3c: {  	s31 =	sadd.s32 $0x1000, s25;
	[sflag:s15] =	ssyncadd.s32 $0xFFFFC000  }
0x3d: {  	[tilespmem:s3], [sflag:$0x2] =	stream.linear.gather [hbm4b:s31+s3], $0x4000, $0x38;
	[tilespmem:$0x18000] =	vst v63  }
0x3e: {  	_ =	swait.ge [sflag:s15], $0x4000  }
0x3f: {  	[sflag:s15] =	ssyncset.done $0x0  }
0x40: {  	[sflag:s15] =	ssyncadd.s32 $0xFFFFC000  }
0x41: {  	[spmem:s1] =	stream.indirect.scatter.add.f32 [tilespmem:s3], [sflag:$0x2], $0x80, s18, s16, $0xb8;
	[tilespmem:$0x18000] =	vst v63  }
0x42: {  	_ =	swait.ge [sflag:s15], $0x4000  }
0x43: {  	[sflag:s15] =	ssyncset.done $0x0  }
0x44: {  	s25 =	sadd.s32 $0x1800, s25;
	[sflag:s15] =	ssyncadd.s32 $0xFFFFC000  }
0x45: {  	[tilespmem:s3], [sflag:$0x2] =	stream.linear.gather [hbm4b:s25+s3], $0x4000, $0x38;
	[tilespmem:$0x18000] =	vst v63  }
0x46: {  	_ =	swait.ge [sflag:s15], $0x4000  }
0x47: {  	[sflag:s15] =	ssyncset.done $0x0  }
0x48: {  	[sflag:s15] =	ssyncadd.s32 $0xFFFFC000  }
0x49: {  	[spmem:s1] =	stream.indirect.scatter.add.f32 [tilespmem:s3], [sflag:$0x2], $0x80, s19, s16, $0xb8;
	[tilespmem:$0x18000] =	vst v63  }
0x4a: {  	p0 =	sgt.u32 s22, $0x9C3;
	_ =	swait.ge [sflag:s15], $0x4000  }
0x4b: {  	s25 =	sadd.s32 @!p0 s24, s9;
	[sflag:s15] =	ssyncset.done $0x0  }
0x4c: {  	s28 =	simm.s32 @!p0 $0x0;
	s26 =	sadd.s32 @!p0 $0x2000, s25;
	[sflag:s15] =	ssyncadd.s32 $0xFFFFC000  }
0x4d: {  	[tilespmem:s28], [sflag:$0x2] =	stream.linear.gather @!p0 [hbm4b:s26+s28], $0x4000, $0x38;
	[tilespmem:$0x18000] =	vst v63  }
0x4e: {  	s26 =	simm.s32 @!p0 $0x2  }
0x4f: {  	_ =	swait.ge @!p0 [sflag:s26], $0x4000  }
0x50: {  	[sflag:s26] =	ssyncset.done @!p0 $0x0  }
0x51: {  	s29 =	simm.s32 @!p0 $0x80;
	s30 =	simm.s32 @!p0 $0x4200;
	[sflag:s26] =	ssyncadd.s32 @!p0 $0xFFFFC000  }
0x52: {  	[spmem:s1] =	stream.indirect.scatter.add.f32 @!p0 [tilespmem:s28], [sflag:$0x2], $0x80, s30, s29, $0xb8;
	[tilespmem:$0x18000] =	vst v63  }
0x53: {  	_ =	swait.ge @!p0 [sflag:s26], $0x4000  }
0x54: {  	[sflag:s26] =	ssyncset.done @!p0 $0x0  }
0x55: {  	s30 =	sadd.s32 @!p0 $0x2800, s25;
	[sflag:s26] =	ssyncadd.s32 @!p0 $0xFFFFC000  }
0x56: {  	[tilespmem:s28], [sflag:$0x2] =	stream.linear.gather @!p0 [hbm4b:s30+s28], $0x4000, $0x38;
	[tilespmem:$0x18000] =	vst v63  }
0x57: {  	_ =	swait.ge @!p0 [sflag:s26], $0x4000  }
0x58: {  	[sflag:s26] =	ssyncset.done @!p0 $0x0  }
0x59: {  	s30 =	simm.s32 @!p0 $0x4280;
	[sflag:s26] =	ssyncadd.s32 @!p0 $0xFFFFC000  }
0x5a: {  	[spmem:s1] =	stream.indirect.scatter.add.f32 @!p0 [tilespmem:s28], [sflag:$0x2], $0x80, s30, s29, $0xb8;
	[tilespmem:$0x18000] =	vst v63  }
0x5b: {  	_ =	swait.ge @!p0 [sflag:s26], $0x4000  }
0x5c: {  	[sflag:s26] =	ssyncset.done @!p0 $0x0  }
0x5d: {  	s30 =	sadd.s32 @!p0 $0x3000, s25;
	[sflag:s26] =	ssyncadd.s32 @!p0 $0xFFFFC000  }
0x5e: {  	[tilespmem:s28], [sflag:$0x2] =	stream.linear.gather @!p0 [hbm4b:s30+s28], $0x4000, $0x38;
	[tilespmem:$0x18000] =	vst v63  }
0x5f: {  	_ =	swait.ge @!p0 [sflag:s26], $0x4000  }
0x60: {  	[sflag:s26] =	ssyncset.done @!p0 $0x0  }
0x61: {  	s30 =	simm.s32 @!p0 $0x4300;
	[sflag:s26] =	ssyncadd.s32 @!p0 $0xFFFFC000  }
0x62: {  	[spmem:s1] =	stream.indirect.scatter.add.f32 @!p0 [tilespmem:s28], [sflag:$0x2], $0x80, s30, s29, $0xb8;
	[tilespmem:$0x18000] =	vst v63  }
0x63: {  	_ =	swait.ge @!p0 [sflag:s26], $0x4000  }
0x64: {  	[sflag:s26] =	ssyncset.done @!p0 $0x0  }
0x65: {  	s25 =	sadd.s32 @!p0 $0x3800, s25;
	[sflag:s26] =	ssyncadd.s32 @!p0 $0xFFFFC000  }
0x66: {  	[tilespmem:s28], [sflag:$0x2] =	stream.linear.gather @!p0 [hbm4b:s25+s28], $0x4000, $0x38;
	[tilespmem:$0x18000] =	vst v63  }
0x67: {  	_ =	swait.ge @!p0 [sflag:s26], $0x4000  }
0x68: {  	[sflag:s26] =	ssyncset.done @!p0 $0x0  }
0x69: {  	s25 =	simm.s32 @!p0 $0x4380;
	[sflag:s26] =	ssyncadd.s32 @!p0 $0xFFFFC000  }
0x6a: {  	[spmem:s1] =	stream.indirect.scatter.add.f32 @!p0 [tilespmem:s28], [sflag:$0x1], $0x80, s25, s29, $0xb8;
	[tilespmem:$0x18000] =	vst v63  }
.Ltmp5:
0x6b: {  	_ = 	snop;
	(pc) =	sbr.rel .LBB2_4-.Ltmp5, $4  }
0x6c: {  	s25 =	simm.s32 @!p0 $0x1  }
0x6d: {  	_ =	swait.ge @!p0 [sflag:s25], $0x4000  }
0x6e: {  	[sflag:s25] =	ssyncset.done @!p0 $0x0  }
0x6f: {  	[sflag:s25] =	ssyncadd.s32 @!p0 $0xFFFFC000  }
.LBB2_6:
0x70: {  	_ =	sfence.sel $0x180000  }
0x71: {  	[bflag:$0x0] =	sbarrier.arrive $0xFFFF  }
0x72: {  	p0 =	sne.s32 s2, $0x0;
	_ =	strace $0x90000053  }
0x73: {  	s0 =	sadd.s32 @!p0 $0x100000, s0;
	[bflag:$0x2] =	sbarrier.arrive $0xFFFF  }
0x74: {  	[sflag:s0] =	ssyncadd.tile.s32 @!p0 $0x1;
	_ =	shalt  }
.Lfunc_end2:
_tile_overlayer_lowered:
.L_overlay_start_2:
0x75: {  	(tag) =	ssettag $0x2  }
0x76: {  	s0 =	rddreg [dreg:$0x0];
	s2 =	stileid.u32  }
0x77: {  	s1 =	rddreg [dreg:$0x1];
	p0 =	sne.s32 s2, $0x0  }
0x78: {  	s3 =	rddreg [dreg:$0x2];
	[bflag:$0x3] =	sbarrier.arrive $0xFFFF;
	s2 =	simm.s32 @!p0 $0x1C01  }
0x79: {  	[timem:s3], [sflag:s2] =	dma.local @!p0 [hbm:s0], s1  }
0x7a: {  	s0 =	simm.s32 @!p0 $0x1  }
0x7b: {  	_ =	swait.ge @!p0 [sflag:s0], s1  }
0x7c: {  	s1 =	ssub.s32 @!p0 $0x0, s1;
	[sflag:s0] =	ssyncset.done @!p0 $0x0  }
0x7d: {  	[sflag:s0] =	ssyncadd.s32 @!p0 s1  }
0x7e: {  	[bflag:$0x3] =	sbarrier.arrive $0xFFFF  }
0x7f: {  	_ =	shalt  }

</sc_bundles>
